<compile_context>
chip_gen: v7x
topology: tpu7x:2x2x1
jax: 0.10.2.dev20260603
libtpu: 0.0.44.dev20260713+nightly
codegen_flags: <defaults>
</compile_context>

<pallas_src>
import functools

import jax
import jax.numpy as jnp
from jax import lax
from jax.experimental import pallas as pl
from jax.experimental.pallas import tpu as pltpu
from jax.experimental.pallas import tpu_sc as plsc

N = 10000
E = 320000
D = 128
B = 256
V = 100000
SCALE = 12.0

NC = 2
NS = 16
NW = NC * NS

N_PAD = 10240
GCHUNK = 80

_MESH = dict(core_axis_name="c", subcore_axis_name="s", num_cores=NC,
             num_subcores=NS)
_SC_PARAMS = pltpu.CompilerParams(needs_layout_passes=False)
_SC_PARAMS_NT = pltpu.CompilerParams(needs_layout_passes=False,
                                     use_tc_tiling_on_sc=False)


def _feat_gather(iid, emb):
    per_w = N_PAD // NW
    nch = per_w // GCHUNK

    @functools.partial(
        pl.kernel,
        out_type=jax.ShapeDtypeStruct((N, D), jnp.float32),
        mesh=plsc.VectorSubcoreMesh(**_MESH),
        compiler_params=_SC_PARAMS,
        scratch_types=[
            pltpu.VMEM((GCHUNK,), jnp.int32),
            pltpu.VMEM((GCHUNK, D), jnp.float32),
            pltpu.SemaphoreType.DMA,
        ],
    )
    def k(iid_hbm, emb_hbm, feat_hbm, idx_v, rows_v, sem):
        wid = lax.axis_index("s") * NC + lax.axis_index("c")
        base_w = jnp.minimum(wid * per_w, N - per_w)

        def body(j, carry):
            base = base_w + j * GCHUNK
            pltpu.sync_copy(iid_hbm.at[pl.ds(base, GCHUNK)], idx_v)
            pltpu.async_copy(emb_hbm.at[idx_v], rows_v, sem).wait()
            pltpu.sync_copy(rows_v, feat_hbm.at[pl.ds(base, GCHUNK)])
            return carry

        lax.fori_loop(0, nch, body, 0)

    return k(iid, emb)


def _edge_agg(feat, eidx_flat, edge_weight):
    L = 16
    NH = N_PAD // 2
    CG = D // L
    K = 640
    SUP = 2 * K
    NCH = E // K
    GSUB = 128

    featg = feat.reshape(N, CG, L).transpose(1, 0, 2).reshape(CG * N, L)
    zacc = jnp.zeros((NH, L), jnp.float32)
    zden = jnp.zeros((N_PAD // D, D), jnp.float32)

    @functools.partial(
        pl.kernel,
        out_type=(jax.ShapeDtypeStruct((NC, NS, NH, L), jnp.float32),
                  jax.ShapeDtypeStruct((NC, N_PAD // D, D), jnp.float32)),
        mesh=plsc.VectorSubcoreMesh(**_MESH),
        compiler_params=_SC_PARAMS_NT,
        scratch_types=[
            pltpu.VMEM((SUP,), jnp.int32),
            pltpu.VMEM((SUP,), jnp.int32),
            pltpu.VMEM((SUP,), jnp.float32),
            pltpu.VMEM((SUP,), jnp.int32),
            pltpu.VMEM((SUP,), jnp.int32),
            pltpu.VMEM((SUP,), jnp.float32),
            pltpu.VMEM((K, L), jnp.float32),
            pltpu.VMEM((K, L), jnp.float32),
            pltpu.VMEM((NH, L), jnp.float32),
            pltpu.VMEM((N_PAD // D, D), jnp.float32),
            pltpu.SemaphoreType.DMA,
            pltpu.SemaphoreType.DMA,
            pltpu.SemaphoreType.DMA,
        ],
    )
    def k(featg_hbm, eidx_hbm, ew_hbm, zacc_hbm, zden_hbm, num_hbm, den_hbm,
          src_a, dst_a, w_a, src_b, dst_b, w_b, rows_a, rows_b,
          acc_v, den_v, sem_a, sem_b, sem_e):
        c = lax.axis_index("c")
        s = lax.axis_index("s")
        g = s // 2
        h = s % 2
        lo = h * NH
        gN = g * N
        iota16 = lax.iota(jnp.int32, 16)

        diags = [(iota16 + d) & (L - 1) for d in range(L)]

        pltpu.sync_copy(zacc_hbm, acc_v)
        pltpu.sync_copy(zden_hbm, den_v)

        def stream_issue(sup, src_v, dst_v, w_v):
            base = sup * SUP
            pltpu.async_copy(eidx_hbm.at[pl.ds(c * E + base, SUP)], src_v,
                             sem_e)
            pltpu.async_copy(eidx_hbm.at[pl.ds((1 - c) * E + base, SUP)],
                             dst_v, sem_e)
            pltpu.async_copy(ew_hbm.at[pl.ds(base, SUP)], w_v, sem_e)

        def stream_wait(sup, src_v, dst_v, w_v):
            base = sup * SUP
            pltpu.make_async_copy(eidx_hbm.at[pl.ds(c * E + base, SUP)],
                                  src_v, sem_e).wait()
            pltpu.make_async_copy(eidx_hbm.at[pl.ds((1 - c) * E + base, SUP)],
                                  dst_v, sem_e).wait()
            pltpu.make_async_copy(ew_hbm.at[pl.ds(base, SUP)], w_v,
                                  sem_e).wait()

            def off(j, carry):
                sl = pl.ds(j * L, L)
                src_v[sl] = src_v[sl] + gN
                return carry

            lax.fori_loop(0, SUP // L, off, 0)

        def issue(chunk, src_v, rows, sem):
            o = (chunk % 2) * K
            for j in range(K // GSUB):
                pltpu.async_copy(
                    featg_hbm.at[src_v.at[pl.ds(o + j * GSUB, GSUB)]],
                    rows.at[pl.ds(j * GSUB, GSUB)], sem)

        def drain(src_v, rows, sem):
            for j in range(K // GSUB):
                pltpu.make_async_copy(
                    featg_hbm.at[src_v.at[pl.ds(j * GSUB, GSUB)]],
                    rows.at[pl.ds(j * GSUB, GSUB)], sem).wait()

        def process(chunk, dst_v, w_v, rows):
            o = (chunk % 2) * K

            def grp(g2, carry):
                off = o + g2 * L
                d16 = dst_v[pl.ds(off, L)]
                w16 = w_v[pl.ds(off, L)]
                dstl = d16 - lo
                msk = (d16 >= lo) & (dstl < NH)
                erow = iota16 + g2 * L
                for diag in diags:
                    val = plsc.load_gather(rows, [erow, diag])
                    plsc.addupdate_scatter(acc_v, [dstl, diag], val * w16,
                                           mask=msk)

                @pl.when(s == 0)
                def _():
                    plsc.addupdate_scatter(
                        den_v, [d16 >> 7, d16 & (D - 1)], w16)

                return carry

            lax.fori_loop(0, K // L, grp, 0)

        SA = (src_a, dst_a, w_a)
        SB = (src_b, dst_b, w_b)

        def phase(chunk, cur_set, nxt_set, rows_c, sem_c, rows_n, sem_n,
                  wait_next_super, prefetch_set):
            nxt = chunk + 1

            if prefetch_set is not None:
                psup = (chunk + 2) // 2

                @pl.when(psup * SUP < E)
                def _():
                    stream_issue(psup, *prefetch_set)

            @pl.when(nxt < NCH)
            def _():
                if wait_next_super:
                    stream_wait(nxt // 2, *nxt_set)
                issue(nxt, nxt_set[0], rows_n, sem_n)

            drain(cur_set[0], rows_c, sem_c)
            process(chunk, cur_set[1], cur_set[2], rows_c)

        stream_issue(0, *SA)
        stream_wait(0, *SA)
        issue(0, src_a, rows_a, sem_a)

        def quad(i, carry):
            n0 = 4 * i
            phase(n0, SA, SA, rows_a, sem_a, rows_b, sem_b, False, SB)
            phase(n0 + 1, SA, SB, rows_b, sem_b, rows_a, sem_a, True, None)
            phase(n0 + 2, SB, SB, rows_a, sem_a, rows_b, sem_b, False, SA)
            phase(n0 + 3, SB, SA, rows_b, sem_b, rows_a, sem_a, True, None)
            return carry

        lax.fori_loop(0, NCH // 4, quad, 0)

        pltpu.sync_copy(acc_v, num_hbm.at[c, s])

        @pl.when(s == 0)
        def _():
            pltpu.sync_copy(den_v, den_hbm.at[c])

    num5, den2 = k(featg, eidx_flat, edge_weight, zacc, zden)
    num = (num5.reshape(NC, CG, 2, NH, L).transpose(0, 2, 3, 1, 4)
           .reshape(NC, N_PAD, D))
    return num, den2.reshape(NC, N_PAD)


def _gru(num1, den1, num2, den2, feat, W1, W2, w_ih, w_hh, b_ih, b_hh):
    nb = 2000
    cdim = (((1,), (1,)), ((), ()))

    def body(n1_ref, d1_ref, n2_ref, d2_ref, f_ref, W1_ref, W2_ref,
             wih_ref, whh_ref, bih_ref, bhh_ref, o_ref):
        d1 = d1_ref[...]
        d2 = d2_ref[...]
        h1 = jnp.where(d1 > 0, n1_ref[...] / jnp.maximum(d1, 1e-12), 0.0)
        h2 = jnp.where(d2 > 0, n2_ref[...] / jnp.maximum(d2, 1e-12), 0.0)
        neigh1 = lax.dot_general(h1, W1_ref[...], cdim,
                                 preferred_element_type=jnp.float32)
        neigh2 = lax.dot_general(h2, W2_ref[...], cdim,
                                 preferred_element_type=jnp.float32)
        wih = wih_ref[...]
        gi = (lax.dot_general(neigh1, wih[:, :D], cdim,
                              preferred_element_type=jnp.float32)
              + lax.dot_general(neigh2, wih[:, D:], cdim,
                                preferred_element_type=jnp.float32)
              + bih_ref[...])
        f = f_ref[...]
        gh = lax.dot_general(f, whh_ref[...], cdim,
                             preferred_element_type=jnp.float32) + bhh_ref[...]
        r = jax.nn.sigmoid(gi[:, :D] + gh[:, :D])
        z = jax.nn.sigmoid(gi[:, D:2 * D] + gh[:, D:2 * D])
        ng = jnp.tanh(gi[:, 2 * D:] + r * gh[:, 2 * D:])
        o_ref[...] = (1.0 - z) * ng + z * f

    full = lambda shape: pl.BlockSpec(shape, lambda i: (0, 0))
    blk = lambda shape: pl.BlockSpec(shape, lambda i: (i, 0))
    return pl.pallas_call(
        body,
        grid=(N // nb,),
        in_specs=[blk((nb, D)), blk((nb, 1)), blk((nb, D)), blk((nb, 1)),
                  blk((nb, D)), full((D, D)), full((D, D)),
                  full((3 * D, 2 * D)), full((3 * D, D)),
                  full((1, 3 * D)), full((1, 3 * D))],
        out_specs=blk((nb, D)),
        out_shape=jax.ShapeDtypeStruct((N, D), jnp.float32),
    )(num1, den1, num2, den2, feat, W1, W2, w_ih, w_hh, b_ih, b_hh)


def _readout(feat, seg2d, last2d, fc_u_W, fc_v_W, fc_v_b, fc_e_W, fc_sr_W):
    ct11 = (((1,), (1,)), ((), ()))
    ct00 = (((0,), (0,)), ((), ()))
    ct10 = (((1,), (0,)), ((), ()))

    def body(f_ref, seg_ref, last_ref, u_ref, v_ref, vb_ref, e_ref, sr_ref,
             o_ref):
        f = f_ref[...]
        S = (seg_ref[...] == lax.broadcasted_iota(jnp.int32, (N, B), 1)
             ).astype(jnp.float32)
        L = (last_ref[...] == lax.broadcasted_iota(jnp.int32, (B, N), 1)
             ).astype(jnp.float32)
        sr_l = lax.dot_general(L, f, ct10,
                               preferred_element_type=jnp.float32)
        feat_u = lax.dot_general(f, u_ref[...], ct11,
                                 preferred_element_type=jnp.float32)
        feat_v = lax.dot_general(sr_l, v_ref[...], ct11,
                                 preferred_element_type=jnp.float32) + vb_ref[...]
        x = jax.nn.sigmoid(
            feat_u + lax.dot_general(S, feat_v, ct10,
                                     preferred_element_type=jnp.float32))
        e = lax.dot_general(x, e_ref[...], ct11,
                            preferred_element_type=jnp.float32)
        masked = jnp.where(S > 0, e, -3.0e38)
        emax = jnp.max(masked, axis=0, keepdims=True)
        emax = jnp.where(emax > -1.0e30, emax, 0.0)
        emax_n = lax.dot_general(S, emax, ct11,
                                 preferred_element_type=jnp.float32)
        ex = jnp.exp(e - emax_n)
        denom = lax.dot_general(S, ex, ct00,
                                preferred_element_type=jnp.float32)
        rden = 1.0 / jnp.maximum(denom, 1e-12)
        alpha = ex * lax.dot_general(S, rden, ct10,
                                     preferred_element_type=jnp.float32)
        sr_g = lax.dot_general(S, f * alpha, ct00,
                               preferred_element_type=jnp.float32)
        srw = sr_ref[...]
        sr = (lax.dot_general(sr_g, srw[:, :D], ct11,
                              preferred_element_type=jnp.float32)
              + lax.dot_general(sr_l, srw[:, D:], ct11,
                                preferred_element_type=jnp.float32))
        nrm = jnp.sqrt(jnp.sum(sr * sr, axis=1, keepdims=True))
        o_ref[...] = SCALE * sr / jnp.maximum(nrm, 1e-12)

    return pl.pallas_call(
        body,
        out_shape=jax.ShapeDtypeStruct((B, D), jnp.float32),
    )(feat, seg2d, last2d, fc_u_W, fc_v_W, fc_v_b, fc_e_W, fc_sr_W)


def _score(sr_s, emb):
    vb = 2048
    ct11 = (((1,), (1,)), ((), ()))

    def body(sr_ref, emb_ref, o_ref):
        eb = emb_ref[...]
        inv = 1.0 / jnp.maximum(
            jnp.sqrt(jnp.sum(eb * eb, axis=1, keepdims=True)), 1e-12)
        o_ref[...] = lax.dot_general(sr_ref[...], eb * inv, ct11,
                                     preferred_element_type=jnp.float32)

    return pl.pallas_call(
        body,
        grid=((V + vb - 1) // vb,),
        in_specs=[pl.BlockSpec((B, D), lambda k: (0, 0)),
                  pl.BlockSpec((vb, D), lambda k: (k, 0))],
        out_specs=pl.BlockSpec((B, vb), lambda k: (0, k)),
        out_shape=jax.ShapeDtypeStruct((B, V), jnp.float32),
    )(sr_s, emb)


def kernel(iid, edge_index, edge_weight, segment_ids, last_nodes, emb, W1, W2,
           gru_w_ih, gru_w_hh, gru_b_ih, gru_b_hh, fc_u_W, fc_v_W, fc_v_b,
           fc_e_W, fc_sr_W):
    iid = iid.astype(jnp.int32)
    edge_index = edge_index.astype(jnp.int32)
    feat = _feat_gather(iid, emb)
    num, den = _edge_agg(feat, edge_index.reshape(-1), edge_weight)
    feat_new = _gru(num[0, :N], den[0, :N, None], num[1, :N], den[1, :N, None],
                    feat, W1, W2, gru_w_ih, gru_w_hh,
                    gru_b_ih[None, :], gru_b_hh[None, :])
    sr_s = _readout(feat_new, segment_ids.astype(jnp.int32)[:, None],
                    last_nodes.astype(jnp.int32)[:, None],
                    fc_u_W, fc_v_W, fc_v_b[None, :], fc_e_W, fc_sr_W)
    return _score(sr_s, emb)

# --- scband reference (transcript-rebuilt; emitter-appended) ---
"""Pipeline reference for scband-gng-ode-7172595384550 (READ-ONLY COPY).

The authoritative reference and input builder live on the scoring server;
editing this copy changes nothing except your own understanding.
"""

import jax, jax.numpy as jnp
import numpy as np

N = 10000
E = 320000
D = 128
B = 256
V = 100000
SCALE = 12.0


def setup_inputs(seed: int = 0) -> dict:
    key = jax.random.key(seed)
    ks = jax.random.split(key, 20)
    s = 1.0 / np.sqrt(D)
    inp = {}
    inp["iid"] = jax.random.randint(ks[0], (N,), 0, V)
    inp["edge_index"] = jax.random.randint(ks[1], (2, E), 0, N)
    inp["edge_weight"] = jax.random.uniform(ks[2], (E,), dtype=jnp.float32)
    inp["segment_ids"] = jnp.sort(jax.random.randint(ks[3], (N,), 0, B))
    inp["last_nodes"] = jax.random.randint(ks[4], (B,), 0, N)
    inp["emb"] = jax.random.uniform(ks[5], (V, D), minval=-s, maxval=s, dtype=jnp.float32)
    inp["W1"] = jax.random.uniform(ks[6], (D, D), minval=-s, maxval=s, dtype=jnp.float32)
    inp["W2"] = jax.random.uniform(ks[7], (D, D), minval=-s, maxval=s, dtype=jnp.float32)
    inp["gru_w_ih"] = jax.random.uniform(ks[8], (3 * D, 2 * D), minval=-s, maxval=s, dtype=jnp.float32)
    inp["gru_w_hh"] = jax.random.uniform(ks[9], (3 * D, D), minval=-s, maxval=s, dtype=jnp.float32)
    inp["gru_b_ih"] = jax.random.uniform(ks[10], (3 * D,), minval=-s, maxval=s, dtype=jnp.float32)
    inp["gru_b_hh"] = jax.random.uniform(ks[11], (3 * D,), minval=-s, maxval=s, dtype=jnp.float32)
    inp["fc_u_W"] = jax.random.uniform(ks[12], (D, D), minval=-s, maxval=s, dtype=jnp.float32)
    inp["fc_v_W"] = jax.random.uniform(ks[13], (D, D), minval=-s, maxval=s, dtype=jnp.float32)
    inp["fc_v_b"] = jax.random.uniform(ks[14], (D,), minval=-s, maxval=s, dtype=jnp.float32)
    inp["fc_e_W"] = jax.random.uniform(ks[15], (1, D), minval=-s, maxval=s, dtype=jnp.float32)
    inp["fc_sr_W"] = jax.random.uniform(ks[16], (D, 2 * D), minval=-s, maxval=s, dtype=jnp.float32)
    return inp


def reference(iid, edge_index, edge_weight, segment_ids, last_nodes, emb, W1, W2, gru_w_ih, gru_w_hh, gru_b_ih, gru_b_hh, fc_u_W, fc_v_W, fc_v_b, fc_e_W, fc_sr_W):
    feat = emb[iid]
    src = edge_index[0]
    dst = edge_index[1]

    def agg(f, s_, d_):
        m = f[s_] * edge_weight[:, None]
        num = jax.ops.segment_sum(m, d_, num_segments=N)
        den = jax.ops.segment_sum(edge_weight, d_, num_segments=N)
        return jnp.where(den[:, None] > 0, num / jnp.maximum(den, 1e-12)[:, None], 0.0)

    # GGNNLayer: weighted-mean message passing in both directions + GRUCell update
    neigh1 = agg(feat, src, dst) @ W1.T
    neigh2 = agg(feat, dst, src) @ W2.T
    hn = jnp.concatenate([neigh1, neigh2], axis=1)
    gi = hn @ gru_w_ih.T + gru_b_ih
    gh = feat @ gru_w_hh.T + gru_b_hh
    i_r, i_z, i_n = jnp.split(gi, 3, axis=1)
    h_r, h_z, h_n = jnp.split(gh, 3, axis=1)
    r = jax.nn.sigmoid(i_r + h_r)
    z = jax.nn.sigmoid(i_z + h_z)
    ng = jnp.tanh(i_n + r * h_n)
    feat = (1.0 - z) * ng + z * feat

    # AttnReadout: segment softmax attention pooling per session
    feat_u = feat @ fc_u_W.T
    feat_v = feat[last_nodes] @ fc_v_W.T + fc_v_b
    e = (jax.nn.sigmoid(feat_u + feat_v[segment_ids]) @ fc_e_W.T)[:, 0]
    emax = jax.ops.segment_max(e, segment_ids, num_segments=B)
    emax = jnp.where(jnp.isfinite(emax), emax, 0.0)
    ex = jnp.exp(e - emax[segment_ids])
    denom = jax.ops.segment_sum(ex, segment_ids, num_segments=B)
    alpha = ex / jnp.maximum(denom, 1e-12)[segment_ids]
    sr_g = jax.ops.segment_sum(feat * alpha[:, None], segment_ids, num_segments=B)
    sr_l = feat[last_nodes]
    sr = jnp.concatenate([sr_g, sr_l], axis=1) @ fc_sr_W.T

    # norm=True scoring against the item embedding table, scaled
    sr = sr / jnp.maximum(jnp.linalg.norm(sr, axis=1, keepdims=True), 1e-12)
    emb_n = emb / jnp.maximum(jnp.linalg.norm(emb, axis=1, keepdims=True), 1e-12)
    logits = SCALE * (sr @ emb_n.T)
    return logits

if __name__ == "__main__":
    import jax
    _d = setup_inputs()
    print(jax.jit(kernel)(*tuple(_d.values())))

</pallas_src>

<mosaic_0001>
#map = affine_map<(d0, d1) -> (0)>
#map1 = affine_map<(d0, d1) -> (0, 0)>
module attributes {stable_mosaic.version = 14 : i64} {
  func.func @k(%arg0: i32, %arg1: i32, %arg2: memref<10000xi32, #tpu.memory_space<hbm>>, %arg3: memref<100000x128xf32, #tpu.memory_space<hbm>>, %arg4: memref<10000x128xf32, #tpu.memory_space<hbm>>, %arg5: memref<80xi32, #tpu.memory_space<vmem>>, %arg6: memref<80x128xf32, #tpu.memory_space<vmem>>, %arg7: memref<!tpu.dma_semaphore, #tpu.memory_space<semaphore_mem>>) attributes {dimension_semantics = [#tpu.dimension_semantics<core_parallel>, #tpu.dimension_semantics<subcore_parallel>], iteration_bounds = array<i64: 2, 16>, scalar_prefetch = 0 : i64, scratch_operands = 3 : i64, tpu.core_type = #tpu.core_type<sc_vector_subcore>, window_params = [{transform_indices = #map}, {transform_indices = #map1}, {transform_indices = #map1}]} {
    %mul3A = arith.constant 2 : i32
    %mul3A_0 = arith.muli %arg1, %mul3A : i32
    %add3A = arith.addi %mul3A_0, %arg0 : i32
    %mul3A_1 = arith.constant 320 : i32
    %mul3A_2 = arith.muli %add3A, %mul3A_1 : i32
    %min3A = arith.constant 9680 : i32
    %min3A_3 = arith.minsi %mul3A_2, %min3A : i32
    %scan3A = arith.constant 0 : i32
    %scan3A_4 = arith.constant 0 : i32
    %scan3A_5 = arith.constant 4 : i32
    %scan3A_6 = arith.addi %scan3A_4, %scan3A_5 : i32
    %scan3A_7 = arith.constant 1 : i32
    scf.for %scan3A_9 = %scan3A_4 to %scan3A_6 step %scan3A_7  : i32 {
      %mul3A_10 = arith.constant 80 : i32
      %mul3A_11 = arith.muli %scan3A_9, %mul3A_10 : i32
      %add3A_12 = arith.addi %min3A_3, %mul3A_11 : i32
      "tpu.region"() ({
        %run_scoped3A = tpu.sem_alloc : memref<!tpu.dma_semaphore, #tpu.memory_space<semaphore_mem>>
        %dma_start3A_17 = tpu.memref_slice %arg2[%add3A_12] : memref<10000xi32, #tpu.memory_space<hbm>> -> memref<80xi32, #tpu.memory_space<hbm>>
        %dma_start3A_18 = tpu.memref_slice %arg2[%add3A_12] : memref<10000xi32, #tpu.memory_space<hbm>> -> memref<80xi32, #tpu.memory_space<hbm>>
        tpu.enqueue_dma source(%dma_start3A_18 : memref<80xi32, #tpu.memory_space<hbm>>) target(%arg5 : memref<80xi32, #tpu.memory_space<vmem>>) target_semaphore(%run_scoped3A : memref<!tpu.dma_semaphore, #tpu.memory_space<semaphore_mem>>)
        %dma_wait3A_19 = tpu.memref_slice %arg2[%add3A_12] : memref<10000xi32, #tpu.memory_space<hbm>> -> memref<80xi32, #tpu.memory_space<hbm>>
        %dma_wait3A_20 = tpu.memref_slice %arg2[%add3A_12] : memref<10000xi32, #tpu.memory_space<hbm>> -> memref<80xi32, #tpu.memory_space<hbm>>
        tpu.wait_dma2 semaphore(%run_scoped3A : memref<!tpu.dma_semaphore, #tpu.memory_space<semaphore_mem>>) src(%dma_wait3A_20 : memref<80xi32, #tpu.memory_space<hbm>>) dst(%arg5 : memref<80xi32, #tpu.memory_space<vmem>>)
        tpu.yield
      }) : () -> ()
      %dma_start3A = arith.constant 0 : i32
      %dma_start3A_13 = arith.constant 0 : i32
      %dma_start3A_14 = tpu.memref_slice %arg3[%dma_start3A, %dma_start3A_13] : memref<100000x128xf32, #tpu.memory_space<hbm>> -> memref<100000x128xf32, #tpu.memory_space<hbm>>
      tpu.enqueue_indirect_dma source(%dma_start3A_14 : memref<100000x128xf32, #tpu.memory_space<hbm>>) target(%arg6 : memref<80x128xf32, #tpu.memory_space<vmem>>) offsets(%arg5 : memref<80xi32, #tpu.memory_space<vmem>>) semaphore(%arg7 : memref<!tpu.dma_semaphore, #tpu.memory_space<semaphore_mem>>)
      %dma_wait3A = arith.constant 0 : i32
      %dma_wait3A_15 = arith.constant 0 : i32
      %dma_wait3A_16 = tpu.memref_slice %arg3[%dma_wait3A, %dma_wait3A_15] : memref<100000x128xf32, #tpu.memory_space<hbm>> -> memref<100000x128xf32, #tpu.memory_space<hbm>>
      tpu.wait_indirect_dma semaphore(%arg7 : memref<!tpu.dma_semaphore, #tpu.memory_space<semaphore_mem>>) src(%dma_wait3A_16 : memref<100000x128xf32, #tpu.memory_space<hbm>>) dst(%arg6 : memref<80x128xf32, #tpu.memory_space<vmem>>)
      "tpu.region"() ({
        %run_scoped3A = tpu.sem_alloc : memref<!tpu.dma_semaphore, #tpu.memory_space<semaphore_mem>>
        %dma_start3A_17 = arith.constant 0 : i32
        %dma_start3A_18 = tpu.memref_slice %arg4[%add3A_12, %dma_start3A_17] : memref<10000x128xf32, #tpu.memory_space<hbm>> -> memref<80x128xf32, #tpu.memory_space<hbm>>
        %dma_start3A_19 = arith.constant 0 : i32
        %dma_start3A_20 = tpu.memref_slice %arg4[%add3A_12, %dma_start3A_19] : memref<10000x128xf32, #tpu.memory_space<hbm>> -> memref<80x128xf32, #tpu.memory_space<hbm>>
        tpu.enqueue_dma source(%arg6 : memref<80x128xf32, #tpu.memory_space<vmem>>) target(%dma_start3A_20 : memref<80x128xf32, #tpu.memory_space<hbm>>) target_semaphore(%run_scoped3A : memref<!tpu.dma_semaphore, #tpu.memory_space<semaphore_mem>>)
        %dma_wait3A_21 = arith.constant 0 : i32
        %dma_wait3A_22 = tpu.memref_slice %arg4[%add3A_12, %dma_wait3A_21] : memref<10000x128xf32, #tpu.memory_space<hbm>> -> memref<80x128xf32, #tpu.memory_space<hbm>>
        %dma_wait3A_23 = arith.constant 0 : i32
        %dma_wait3A_24 = tpu.memref_slice %arg4[%add3A_12, %dma_wait3A_23] : memref<10000x128xf32, #tpu.memory_space<hbm>> -> memref<80x128xf32, #tpu.memory_space<hbm>>
        tpu.wait_dma2 semaphore(%run_scoped3A : memref<!tpu.dma_semaphore, #tpu.memory_space<semaphore_mem>>) src(%arg6 : memref<80x128xf32, #tpu.memory_space<vmem>>) dst(%dma_wait3A_24 : memref<80x128xf32, #tpu.memory_space<hbm>>)
        tpu.yield
      }) : () -> ()
    }
    %scan3A_8 = arith.constant 4 : i32
    return
  }
}

#map = affine_map<(d0, d1) -> (0, 0)>
#map1 = affine_map<(d0, d1) -> (0)>
#map2 = affine_map<(d0, d1) -> (0, 0, 0, 0)>
#map3 = affine_map<(d0, d1) -> (0, 0, 0)>
module attributes {stable_mosaic.version = 14 : i64} {
  func.func @k(%arg0: i32, %arg1: i32, %arg2: memref<80000x16xf32, #tpu.memory_space<hbm>>, %arg3: memref<640000xi32, #tpu.memory_space<hbm>>, %arg4: memref<320000xf32, #tpu.memory_space<hbm>>, %arg5: memref<5120x16xf32, #tpu.memory_space<hbm>>, %arg6: memref<80x128xf32, #tpu.memory_space<hbm>>, %arg7: memref<2x16x5120x16xf32, #tpu.memory_space<hbm>>, %arg8: memref<2x80x128xf32, #tpu.memory_space<hbm>>, %arg9: memref<1280xi32, #tpu.memory_space<vmem>>, %arg10: memref<1280xi32, #tpu.memory_space<vmem>>, %arg11: memref<1280xf32, #tpu.memory_space<vmem>>, %arg12: memref<1280xi32, #tpu.memory_space<vmem>>, %arg13: memref<1280xi32, #tpu.memory_space<vmem>>, %arg14: memref<1280xf32, #tpu.memory_space<vmem>>, %arg15: memref<640x16xf32, #tpu.memory_space<vmem>>, %arg16: memref<640x16xf32, #tpu.memory_space<vmem>>, %arg17: memref<5120x16xf32, #tpu.memory_space<vmem>>, %arg18: memref<80x128xf32, #tpu.memory_space<vmem>>, %arg19: memref<!tpu.dma_semaphore, #tpu.memory_space<semaphore_mem>>, %arg20: memref<!tpu.dma_semaphore, #tpu.memory_space<semaphore_mem>>, %arg21: memref<!tpu.dma_semaphore, #tpu.memory_space<semaphore_mem>>) attributes {dimension_semantics = [#tpu.dimension_semantics<core_parallel>, #tpu.dimension_semantics<subcore_parallel>], iteration_bounds = array<i64: 2, 16>, scalar_prefetch = 0 : i64, scratch_operands = 13 : i64, tpu.core_type = #tpu.core_type<sc_vector_subcore>, window_params = [{transform_indices = #map}, {transform_indices = #map1}, {transform_indices = #map1}, {transform_indices = #map}, {transform_indices = #map}, {transform_indices = #map2}, {transform_indices = #map3}]} {
    %jit3A = arith.constant 2 : i32
    %div3A = arith.divsi %arg1, %jit3A : i32
    %sign3A = arith.constant 0 : i32
    %sign3A_0 = arith.cmpi sgt, %arg1, %sign3A : i32
    %sign3A_1 = arith.extui %sign3A_0 : i1 to i32
    %sign3A_2 = arith.constant 0 : i32
    %sign3A_3 = arith.cmpi slt, %arg1, %sign3A_2 : i32
    %sign3A_4 = arith.extui %sign3A_3 : i1 to i32
    %sign3A_5 = arith.subi %sign3A_1, %sign3A_4 : i32
    %sign3A_6 = arith.constant 0 : i32
    %sign3A_7 = arith.cmpi sgt, %jit3A, %sign3A_6 : i32
    %sign3A_8 = arith.extui %sign3A_7 : i1 to i32
    %sign3A_9 = arith.constant 0 : i32
    %sign3A_10 = arith.cmpi slt, %jit3A, %sign3A_9 : i32
    %sign3A_11 = arith.extui %sign3A_10 : i1 to i32
    %sign3A_12 = arith.subi %sign3A_8, %sign3A_11 : i32
    %ne3A = arith.cmpi ne, %sign3A_5, %sign3A_12 : i32
    %rem3A = arith.remsi %arg1, %jit3A : i32
    %ne3A_13 = arith.constant 0 : i32
    %ne3A_14 = arith.cmpi ne, %rem3A, %ne3A_13 : i32
    %and3A = arith.andi %ne3A, %ne3A_14 : i1
    %sub3A = arith.constant 1 : i32
    %sub3A_15 = arith.subi %div3A, %sub3A : i32
    %select_n3A = arith.select %and3A, %sub3A_15, %div3A : i32
    %jit3A_16 = arith.constant 2 : i32
    %eq3A = arith.constant 0 : i32
    %eq3A_17 = arith.cmpi eq, %jit3A_16, %eq3A : i32
    %jit3A_18 = arith.constant 1 : i32
    %select_n3A_19 = arith.select %eq3A_17, %jit3A_18, %jit3A_16 : i32
    %rem3A_20 = arith.remsi %arg1, %select_n3A_19 : i32
    %ne3A_21 = arith.constant 0 : i32
    %ne3A_22 = arith.cmpi ne, %rem3A_20, %ne3A_21 : i32
    %lt3A = arith.constant 0 : i32
    %lt3A_23 = arith.cmpi slt, %rem3A_20, %lt3A : i32
    %lt3A_24 = arith.constant 0 : i32
    %lt3A_25 = arith.cmpi slt, %select_n3A_19, %lt3A_24 : i32
    %ne3A_26 = arith.xori %lt3A_23, %lt3A_25 : i1
    %and3A_27 = arith.andi %ne3A_26, %ne3A_22 : i1
    %add3A = arith.addi %rem3A_20, %select_n3A_19 : i32
    %select_n3A_28 = arith.select %and3A_27, %add3A, %rem3A_20 : i32
    %mul3A = arith.constant 5120 : i32
    %mul3A_29 = arith.muli %select_n3A_28, %mul3A : i32
    %mul3A_30 = arith.constant 10000 : i32
    %mul3A_31 = arith.muli %select_n3A, %mul3A_30 : i32
    %iota3A = tpu.iota {dimensions = array<i32: 0>} : vector<16xi32>
    %add3A_32 = arith.constant 0 : i32
    %add3A_33 = vector.broadcast %add3A_32 : i32 to vector<16xi32>
    %add3A_34 = arith.addi %iota3A, %add3A_33 : vector<16xi32>
    %and3A_35 = arith.constant 15 : i32
    %and3A_36 = vector.broadcast %and3A_35 : i32 to vector<16xi32>
    %and3A_37 = arith.andi %add3A_34, %and3A_36 : vector<16xi32>
    %add3A_38 = arith.constant 1 : i32
    %add3A_39 = vector.broadcast %add3A_38 : i32 to vector<16xi32>
    %add3A_40 = arith.addi %iota3A, %add3A_39 : vector<16xi32>
    %and3A_41 = arith.constant 15 : i32
    %and3A_42 = vector.broadcast %and3A_41 : i32 to vector<16xi32>
    %and3A_43 = arith.andi %add3A_40, %and3A_42 : vector<16xi32>
    %add3A_44 = arith.constant 2 : i32
    %add3A_45 = vector.broadcast %add3A_44 : i32 to vector<16xi32>
    %add3A_46 = arith.addi %iota3A, %add3A_45 : vector<16xi32>
    %and3A_47 = arith.constant 15 : i32
    %and3A_48 = vector.broadcast %and3A_47 : i32 to vector<16xi32>
    %and3A_49 = arith.andi %add3A_46, %and3A_48 : vector<16xi32>
    %add3A_50 = arith.constant 3 : i32
    %add3A_51 = vector.broadcast %add3A_50 : i32 to vector<16xi32>
    %add3A_52 = arith.addi %iota3A, %add3A_51 : vector<16xi32>
    %and3A_53 = arith.constant 15 : i32
    %and3A_54 = vector.broadcast %and3A_53 : i32 to vector<16xi32>
    %and3A_55 = arith.andi %add3A_52, %and3A_54 : vector<16xi32>
    %add3A_56 = arith.constant 4 : i32
    %add3A_57 = vector.broadcast %add3A_56 : i32 to vector<16xi32>
    %add3A_58 = arith.addi %iota3A, %add3A_57 : vector<16xi32>
    %and3A_59 = arith.constant 15 : i32
    %and3A_60 = vector.broadcast %and3A_59 : i32 to vector<16xi32>
    %and3A_61 = arith.andi %add3A_58, %and3A_60 : vector<16xi32>
    %add3A_62 = arith.constant 5 : i32
    %add3A_63 = vector.broadcast %add3A_62 : i32 to vector<16xi32>
    %add3A_64 = arith.addi %iota3A, %add3A_63 : vector<16xi32>
    %and3A_65 = arith.constant 15 : i32
    %and3A_66 = vector.broadcast %and3A_65 : i32 to vector<16xi32>
    %and3A_67 = arith.andi %add3A_64, %and3A_66 : vector<16xi32>
    %add3A_68 = arith.constant 6 : i32
    %add3A_69 = vector.broadcast %add3A_68 : i32 to vector<16xi32>
    %add3A_70 = arith.addi %iota3A, %add3A_69 : vector<16xi32>
    %and3A_71 = arith.constant 15 : i32
    %and3A_72 = vector.broadcast %and3A_71 : i32 to vector<16xi32>
    %and3A_73 = arith.andi %add3A_70, %and3A_72 : vector<16xi32>
    %add3A_74 = arith.constant 7 : i32
    %add3A_75 = vector.broadcast %add3A_74 : i32 to vector<16xi32>
    %add3A_76 = arith.addi %iota3A, %add3A_75 : vector<16xi32>
    %and3A_77 = arith.constant 15 : i32
    %and3A_78 = vector.broadcast %and3A_77 : i32 to vector<16xi32>
    %and3A_79 = arith.andi %add3A_76, %and3A_78 : vector<16xi32>
    %add3A_80 = arith.constant 8 : i32
    %add3A_81 = vector.broadcast %add3A_80 : i32 to vector<16xi32>
    %add3A_82 = arith.addi %iota3A, %add3A_81 : vector<16xi32>
    %and3A_83 = arith.constant 15 : i32
    %and3A_84 = vector.broadcast %and3A_83 : i32 to vector<16xi32>
    %and3A_85 = arith.andi %add3A_82, %and3A_84 : vector<16xi32>
    %add3A_86 = arith.constant 9 : i32
    %add3A_87 = vector.broadcast %add3A_86 : i32 to vector<16xi32>
    %add3A_88 = arith.addi %iota3A, %add3A_87 : vector<16xi32>
    %and3A_89 = arith.constant 15 : i32
    %and3A_90 = vector.broadcast %and3A_89 : i32 to vector<16xi32>
    %and3A_91 = arith.andi %add3A_88, %and3A_90 : vector<16xi32>
    %add3A_92 = arith.constant 10 : i32
    %add3A_93 = vector.broadcast %add3A_92 : i32 to vector<16xi32>
    %add3A_94 = arith.addi %iota3A, %add3A_93 : vector<16xi32>
    %and3A_95 = arith.constant 15 : i32
    %and3A_96 = vector.broadcast %and3A_95 : i32 to vector<16xi32>
    %and3A_97 = arith.andi %add3A_94, %and3A_96 : vector<16xi32>
    %add3A_98 = arith.constant 11 : i32
    %add3A_99 = vector.broadcast %add3A_98 : i32 to vector<16xi32>
    %add3A_100 = arith.addi %iota3A, %add3A_99 : vector<16xi32>
    %and3A_101 = arith.constant 15 : i32
    %and3A_102 = vector.broadcast %and3A_101 : i32 to vector<16xi32>
    %and3A_103 = arith.andi %add3A_100, %and3A_102 : vector<16xi32>
    %add3A_104 = arith.constant 12 : i32
    %add3A_105 = vector.broadcast %add3A_104 : i32 to vector<16xi32>
    %add3A_106 = arith.addi %iota3A, %add3A_105 : vector<16xi32>
    %and3A_107 = arith.constant 15 : i32
    %and3A_108 = vector.broadcast %and3A_107 : i32 to vector<16xi32>
    %and3A_109 = arith.andi %add3A_106, %and3A_108 : vector<16xi32>
    %add3A_110 = arith.constant 13 : i32
    %add3A_111 = vector.broadcast %add3A_110 : i32 to vector<16xi32>
    %add3A_112 = arith.addi %iota3A, %add3A_111 : vector<16xi32>
    %and3A_113 = arith.constant 15 : i32
    %and3A_114 = vector.broadcast %and3A_113 : i32 to vector<16xi32>
    %and3A_115 = arith.andi %add3A_112, %and3A_114 : vector<16xi32>
    %add3A_116 = arith.constant 14 : i32
    %add3A_117 = vector.broadcast %add3A_116 : i32 to vector<16xi32>
    %add3A_118 = arith.addi %iota3A, %add3A_117 : vector<16xi32>
    %and3A_119 = arith.constant 15 : i32
    %and3A_120 = vector.broadcast %and3A_119 : i32 to vector<16xi32>
    %and3A_121 = arith.andi %add3A_118, %and3A_120 : vector<16xi32>
    %add3A_122 = arith.constant 15 : i32
    %add3A_123 = vector.broadcast %add3A_122 : i32 to vector<16xi32>
    %add3A_124 = arith.addi %iota3A, %add3A_123 : vector<16xi32>
    %and3A_125 = arith.constant 15 : i32
    %and3A_126 = vector.broadcast %and3A_125 : i32 to vector<16xi32>
    %and3A_127 = arith.andi %add3A_124, %and3A_126 : vector<16xi32>
    "tpu.region"() ({
      %run_scoped3A = tpu.sem_alloc : memref<!tpu.dma_semaphore, #tpu.memory_space<semaphore_mem>>
      tpu.enqueue_dma source(%arg5 : memref<5120x16xf32, #tpu.memory_space<hbm>>) target(%arg17 : memref<5120x16xf32, #tpu.memory_space<vmem>>) target_semaphore(%run_scoped3A : memref<!tpu.dma_semaphore, #tpu.memory_space<semaphore_mem>>)
      tpu.wait_dma2 semaphore(%run_scoped3A : memref<!tpu.dma_semaphore, #tpu.memory_space<semaphore_mem>>) src(%arg5 : memref<5120x16xf32, #tpu.memory_space<hbm>>) dst(%arg17 : memref<5120x16xf32, #tpu.memory_space<vmem>>)
      tpu.yield
    }) : () -> ()
    "tpu.region"() ({
      %run_scoped3A = tpu.sem_alloc : memref<!tpu.dma_semaphore, #tpu.memory_space<semaphore_mem>>
      tpu.enqueue_dma source(%arg6 : memref<80x128xf32, #tpu.memory_space<hbm>>) target(%arg18 : memref<80x128xf32, #tpu.memory_space<vmem>>) target_semaphore(%run_scoped3A : memref<!tpu.dma_semaphore, #tpu.memory_space<semaphore_mem>>)
      tpu.wait_dma2 semaphore(%run_scoped3A : memref<!tpu.dma_semaphore, #tpu.memory_space<semaphore_mem>>) src(%arg6 : memref<80x128xf32, #tpu.memory_space<hbm>>) dst(%arg18 : memref<80x128xf32, #tpu.memory_space<vmem>>)
      tpu.yield
    }) : () -> ()
    %mul3A_128 = arith.constant 320000 : i32
    %mul3A_129 = arith.muli %arg0, %mul3A_128 : i32
    %add3A_130 = arith.constant 0 : i32
    %add3A_131 = arith.addi %mul3A_129, %add3A_130 : i32
    %dma_start3A = tpu.memref_slice %arg3[%add3A_131] : memref<640000xi32, #tpu.memory_space<hbm>> -> memref<1280xi32, #tpu.memory_space<hbm>>
    %dma_start3A_132 = tpu.memref_slice %arg3[%add3A_131] : memref<640000xi32, #tpu.memory_space<hbm>> -> memref<1280xi32, #tpu.memory_space<hbm>>
    tpu.enqueue_dma source(%dma_start3A_132 : memref<1280xi32, #tpu.memory_space<hbm>>) target(%arg9 : memref<1280xi32, #tpu.memory_space<vmem>>) target_semaphore(%arg21 : memref<!tpu.dma_semaphore, #tpu.memory_space<semaphore_mem>>)
    %sub3A_133 = arith.constant 1 : i32
    %sub3A_134 = arith.subi %sub3A_133, %arg0 : i32
    %mul3A_135 = arith.constant 320000 : i32
    %mul3A_136 = arith.muli %sub3A_134, %mul3A_135 : i32
    %add3A_137 = arith.constant 0 : i32
    %add3A_138 = arith.addi %mul3A_136, %add3A_137 : i32
    %dma_start3A_139 = tpu.memref_slice %arg3[%add3A_138] : memref<640000xi32, #tpu.memory_space<hbm>> -> memref<1280xi32, #tpu.memory_space<hbm>>
    %dma_start3A_140 = tpu.memref_slice %arg3[%add3A_138] : memref<640000xi32, #tpu.memory_space<hbm>> -> memref<1280xi32, #tpu.memory_space<hbm>>
    tpu.enqueue_dma source(%dma_start3A_140 : memref<1280xi32, #tpu.memory_space<hbm>>) target(%arg10 : memref<1280xi32, #tpu.memory_space<vmem>>) target_semaphore(%arg21 : memref<!tpu.dma_semaphore, #tpu.memory_space<semaphore_mem>>)
    %dma_start3A_141 = arith.constant 0 : i32
    %dma_start3A_142 = tpu.memref_slice %arg4[%dma_start3A_141] : memref<320000xf32, #tpu.memory_space<hbm>> -> memref<1280xf32, #tpu.memory_space<hbm>>
    %dma_start3A_143 = arith.constant 0 : i32
    %dma_start3A_144 = tpu.memref_slice %arg4[%dma_start3A_143] : memref<320000xf32, #tpu.memory_space<hbm>> -> memref<1280xf32, #tpu.memory_space<hbm>>
    tpu.enqueue_dma source(%dma_start3A_144 : memref<1280xf32, #tpu.memory_space<hbm>>) target(%arg11 : memref<1280xf32, #tpu.memory_space<vmem>>) target_semaphore(%arg21 : memref<!tpu.dma_semaphore, #tpu.memory_space<semaphore_mem>>)
    %mul3A_145 = arith.constant 320000 : i32
    %mul3A_146 = arith.muli %arg0, %mul3A_145 : i32
    %add3A_147 = arith.constant 0 : i32
    %add3A_148 = arith.addi %mul3A_146, %add3A_147 : i32
    %dma_wait3A = tpu.memref_slice %arg3[%add3A_148] : memref<640000xi32, #tpu.memory_space<hbm>> -> memref<1280xi32, #tpu.memory_space<hbm>>
    %dma_wait3A_149 = tpu.memref_slice %arg3[%add3A_148] : memref<640000xi32, #tpu.memory_space<hbm>> -> memref<1280xi32, #tpu.memory_space<hbm>>
    tpu.wait_dma2 semaphore(%arg21 : memref<!tpu.dma_semaphore, #tpu.memory_space<semaphore_mem>>) src(%dma_wait3A_149 : memref<1280xi32, #tpu.memory_space<hbm>>) dst(%arg9 : memref<1280xi32, #tpu.memory_space<vmem>>)
    %sub3A_150 = arith.constant 1 : i32
    %sub3A_151 = arith.subi %sub3A_150, %arg0 : i32
    %mul3A_152 = arith.constant 320000 : i32
    %mul3A_153 = arith.muli %sub3A_151, %mul3A_152 : i32
    %add3A_154 = arith.constant 0 : i32
    %add3A_155 = arith.addi %mul3A_153, %add3A_154 : i32
    %dma_wait3A_156 = tpu.memref_slice %arg3[%add3A_155] : memref<640000xi32, #tpu.memory_space<hbm>> -> memref<1280xi32, #tpu.memory_space<hbm>>
    %dma_wait3A_157 = tpu.memref_slice %arg3[%add3A_155] : memref<640000xi32, #tpu.memory_space<hbm>> -> memref<1280xi32, #tpu.memory_space<hbm>>
    tpu.wait_dma2 semaphore(%arg21 : memref<!tpu.dma_semaphore, #tpu.memory_space<semaphore_mem>>) src(%dma_wait3A_157 : memref<1280xi32, #tpu.memory_space<hbm>>) dst(%arg10 : memref<1280xi32, #tpu.memory_space<vmem>>)
    %dma_wait3A_158 = arith.constant 0 : i32
    %dma_wait3A_159 = tpu.memref_slice %arg4[%dma_wait3A_158] : memref<320000xf32, #tpu.memory_space<hbm>> -> memref<1280xf32, #tpu.memory_space<hbm>>
    %dma_wait3A_160 = arith.constant 0 : i32
    %dma_wait3A_161 = tpu.memref_slice %arg4[%dma_wait3A_160] : memref<320000xf32, #tpu.memory_space<hbm>> -> memref<1280xf32, #tpu.memory_space<hbm>>
    tpu.wait_dma2 semaphore(%arg21 : memref<!tpu.dma_semaphore, #tpu.memory_space<semaphore_mem>>) src(%dma_wait3A_161 : memref<1280xf32, #tpu.memory_space<hbm>>) dst(%arg11 : memref<1280xf32, #tpu.memory_space<vmem>>)
    %scan3A = arith.constant 0 : i32
    %scan3A_162 = arith.constant 0 : i32
    %scan3A_163 = arith.constant 80 : i32
    %scan3A_164 = arith.addi %scan3A_162, %scan3A_163 : i32
    %scan3A_165 = arith.constant 1 : i32
    scf.for %scan3A_216 = %scan3A_162 to %scan3A_164 step %scan3A_165  : i32 {
      %mul3A_217 = arith.constant 16 : i32
      %mul3A_218 = arith.muli %scan3A_216, %mul3A_217 : i32
      %get3A = arith.index_cast %mul3A_218 : i32 to index
      %get3A_219 = tpu.vector_load %arg9[%get3A] {strides = array<i32>} : memref<1280xi32, #tpu.memory_space<vmem>>, vector<16xi32>,
      %add3A_220 = vector.broadcast %mul3A_31 : i32 to vector<16xi32>
      %add3A_221 = arith.addi %get3A_219, %add3A_220 : vector<16xi32>
      %swap3A = arith.index_cast %mul3A_218 : i32 to index
      %swap3A_222 = tpu.vector_load %arg9[%swap3A] {strides = array<i32>} : memref<1280xi32, #tpu.memory_space<vmem>>, vector<16xi32>,
      tpu.vector_store %arg9[%swap3A], %add3A_221 {strides = array<i32>} : memref<1280xi32, #tpu.memory_space<vmem>>, vector<16xi32>,
    }
    %scan3A_166 = arith.constant 80 : i32
    %dma_start3A_167 = arith.constant 0 : i32
    %dma_start3A_168 = arith.constant 0 : i32
    %dma_start3A_169 = tpu.memref_slice %arg15[%dma_start3A_167, %dma_start3A_168] : memref<640x16xf32, #tpu.memory_space<vmem>> -> memref<128x16xf32, #tpu.memory_space<vmem>>
    %dma_start3A_170 = arith.constant 0 : i32
    %dma_start3A_171 = tpu.memref_slice %arg9[%dma_start3A_170] : memref<1280xi32, #tpu.memory_space<vmem>> -> memref<128xi32, #tpu.memory_space<vmem>>
    %dma_start3A_172 = arith.constant 0 : i32
    %dma_start3A_173 = arith.constant 0 : i32
    %dma_start3A_174 = tpu.memref_slice %arg2[%dma_start3A_172, %dma_start3A_173] : memref<80000x16xf32, #tpu.memory_space<hbm>> -> memref<80000x16xf32, #tpu.memory_space<hbm>>
    tpu.enqueue_indirect_dma source(%dma_start3A_174 : memref<80000x16xf32, #tpu.memory_space<hbm>>) target(%dma_start3A_169 : memref<128x16xf32, #tpu.memory_space<vmem>>) offsets(%dma_start3A_171 : memref<128xi32, #tpu.memory_space<vmem>>) semaphore(%arg19 : memref<!tpu.dma_semaphore, #tpu.memory_space<semaphore_mem>>)
    %dma_start3A_175 = arith.constant 128 : i32
    %dma_start3A_176 = arith.constant 0 : i32
    %dma_start3A_177 = tpu.memref_slice %arg15[%dma_start3A_175, %dma_start3A_176] : memref<640x16xf32, #tpu.memory_space<vmem>> -> memref<128x16xf32, #tpu.memory_space<vmem>>
    %dma_start3A_178 = arith.constant 128 : i32
    %dma_start3A_179 = tpu.memref_slice %arg9[%dma_start3A_178] : memref<1280xi32, #tpu.memory_space<vmem>> -> memref<128xi32, #tpu.memory_space<vmem>>
    %dma_start3A_180 = arith.constant 0 : i32
    %dma_start3A_181 = arith.constant 0 : i32
    %dma_start3A_182 = tpu.memref_slice %arg2[%dma_start3A_180, %dma_start3A_181] : memref<80000x16xf32, #tpu.memory_space<hbm>> -> memref<80000x16xf32, #tpu.memory_space<hbm>>
    tpu.enqueue_indirect_dma source(%dma_start3A_182 : memref<80000x16xf32, #tpu.memory_space<hbm>>) target(%dma_start3A_177 : memref<128x16xf32, #tpu.memory_space<vmem>>) offsets(%dma_start3A_179 : memref<128xi32, #tpu.memory_space<vmem>>) semaphore(%arg19 : memref<!tpu.dma_semaphore, #tpu.memory_space<semaphore_mem>>)
    %dma_start3A_183 = arith.constant 256 : i32
    %dma_start3A_184 = arith.constant 0 : i32
    %dma_start3A_185 = tpu.memref_slice %arg15[%dma_start3A_183, %dma_start3A_184] : memref<640x16xf32, #tpu.memory_space<vmem>> -> memref<128x16xf32, #tpu.memory_space<vmem>>
    %dma_start3A_186 = arith.constant 256 : i32
    %dma_start3A_187 = tpu.memref_slice %arg9[%dma_start3A_186] : memref<1280xi32, #tpu.memory_space<vmem>> -> memref<128xi32, #tpu.memory_space<vmem>>
    %dma_start3A_188 = arith.constant 0 : i32
    %dma_start3A_189 = arith.constant 0 : i32
    %dma_start3A_190 = tpu.memref_slice %arg2[%dma_start3A_188, %dma_start3A_189] : memref<80000x16xf32, #tpu.memory_space<hbm>> -> memref<80000x16xf32, #tpu.memory_space<hbm>>
    tpu.enqueue_indirect_dma source(%dma_start3A_190 : memref<80000x16xf32, #tpu.memory_space<hbm>>) target(%dma_start3A_185 : memref<128x16xf32, #tpu.memory_space<vmem>>) offsets(%dma_start3A_187 : memref<128xi32, #tpu.memory_space<vmem>>) semaphore(%arg19 : memref<!tpu.dma_semaphore, #tpu.memory_space<semaphore_mem>>)
    %dma_start3A_191 = arith.constant 384 : i32
    %dma_start3A_192 = arith.constant 0 : i32
    %dma_start3A_193 = tpu.memref_slice %arg15[%dma_start3A_191, %dma_start3A_192] : memref<640x16xf32, #tpu.memory_space<vmem>> -> memref<128x16xf32, #tpu.memory_space<vmem>>
    %dma_start3A_194 = arith.constant 384 : i32
    %dma_start3A_195 = tpu.memref_slice %arg9[%dma_start3A_194] : memref<1280xi32, #tpu.memory_space<vmem>> -> memref<128xi32, #tpu.memory_space<vmem>>
    %dma_start3A_196 = arith.constant 0 : i32
    %dma_start3A_197 = arith.constant 0 : i32
    %dma_start3A_198 = tpu.memref_slice %arg2[%dma_start3A_196, %dma_start3A_197] : memref<80000x16xf32, #tpu.memory_space<hbm>> -> memref<80000x16xf32, #tpu.memory_space<hbm>>
    tpu.enqueue_indirect_dma source(%dma_start3A_198 : memref<80000x16xf32, #tpu.memory_space<hbm>>) target(%dma_start3A_193 : memref<128x16xf32, #tpu.memory_space<vmem>>) offsets(%dma_start3A_195 : memref<128xi32, #tpu.memory_space<vmem>>) semaphore(%arg19 : memref<!tpu.dma_semaphore, #tpu.memory_space<semaphore_mem>>)
    %dma_start3A_199 = arith.constant 512 : i32
    %dma_start3A_200 = arith.constant 0 : i32
    %dma_start3A_201 = tpu.memref_slice %arg15[%dma_start3A_199, %dma_start3A_200] : memref<640x16xf32, #tpu.memory_space<vmem>> -> memref<128x16xf32, #tpu.memory_space<vmem>>
    %dma_start3A_202 = arith.constant 512 : i32
    %dma_start3A_203 = tpu.memref_slice %arg9[%dma_start3A_202] : memref<1280xi32, #tpu.memory_space<vmem>> -> memref<128xi32, #tpu.memory_space<vmem>>
    %dma_start3A_204 = arith.constant 0 : i32
    %dma_start3A_205 = arith.constant 0 : i32
    %dma_start3A_206 = tpu.memref_slice %arg2[%dma_start3A_204, %dma_start3A_205] : memref<80000x16xf32, #tpu.memory_space<hbm>> -> memref<80000x16xf32, #tpu.memory_space<hbm>>
    tpu.enqueue_indirect_dma source(%dma_start3A_206 : memref<80000x16xf32, #tpu.memory_space<hbm>>) target(%dma_start3A_201 : memref<128x16xf32, #tpu.memory_space<vmem>>) offsets(%dma_start3A_203 : memref<128xi32, #tpu.memory_space<vmem>>) semaphore(%arg19 : memref<!tpu.dma_semaphore, #tpu.memory_space<semaphore_mem>>)
    %scan3A_207 = arith.constant 0 : i32
    %scan3A_208 = arith.constant 0 : i32
    %scan3A_209 = arith.constant 125 : i32
    %scan3A_210 = arith.addi %scan3A_208, %scan3A_209 : i32
    %scan3A_211 = arith.constant 1 : i32
    scf.for %scan3A_216 = %scan3A_208 to %scan3A_210 step %scan3A_211  : i32 {
      %mul3A_217 = arith.constant 4 : i32
      %mul3A_218 = arith.muli %mul3A_217, %scan3A_216 : i32
      %add3A_219 = arith.constant 1 : i32
      %add3A_220 = arith.addi %mul3A_218, %add3A_219 : i32
      %add3A_221 = arith.constant 2 : i32
      %add3A_222 = arith.addi %mul3A_218, %add3A_221 : i32
      %jit3A_223 = arith.constant 2 : i32
      %div3A_224 = arith.divsi %add3A_222, %jit3A_223 : i32
      %sign3A_225 = arith.constant 0 : i32
      %sign3A_226 = arith.cmpi sgt, %add3A_222, %sign3A_225 : i32
      %sign3A_227 = arith.extui %sign3A_226 : i1 to i32
      %sign3A_228 = arith.constant 0 : i32
      %sign3A_229 = arith.cmpi slt, %add3A_222, %sign3A_228 : i32
      %sign3A_230 = arith.extui %sign3A_229 : i1 to i32
      %sign3A_231 = arith.subi %sign3A_227, %sign3A_230 : i32
      %sign3A_232 = arith.constant 0 : i32
      %sign3A_233 = arith.cmpi sgt, %jit3A_223, %sign3A_232 : i32
      %sign3A_234 = arith.extui %sign3A_233 : i1 to i32
      %sign3A_235 = arith.constant 0 : i32
      %sign3A_236 = arith.cmpi slt, %jit3A_223, %sign3A_235 : i32
      %sign3A_237 = arith.extui %sign3A_236 : i1 to i32
      %sign3A_238 = arith.subi %sign3A_234, %sign3A_237 : i32
      %ne3A_239 = arith.cmpi ne, %sign3A_231, %sign3A_238 : i32
      %rem3A_240 = arith.remsi %add3A_222, %jit3A_223 : i32
      %ne3A_241 = arith.constant 0 : i32
      %ne3A_242 = arith.cmpi ne, %rem3A_240, %ne3A_241 : i32
      %and3A_243 = arith.andi %ne3A_239, %ne3A_242 : i1
      %sub3A_244 = arith.constant 1 : i32
      %sub3A_245 = arith.subi %div3A_224, %sub3A_244 : i32
      %select_n3A_246 = arith.select %and3A_243, %sub3A_245, %div3A_224 : i32
      %mul3A_247 = arith.constant 1280 : i32
      %mul3A_248 = arith.muli %select_n3A_246, %mul3A_247 : i32
      %lt3A_249 = arith.constant 320000 : i32
      %lt3A_250 = arith.cmpi slt, %mul3A_248, %lt3A_249 : i32
      %convert_element_type3A_251 = arith.extui %lt3A_250 : i1 to i32
      %cond3A_252 = arith.constant 0 : i32
      %cond3A_253 = arith.cmpi ne, %convert_element_type3A_251, %cond3A_252 : i32
      scf.if %cond3A_253 {
        %mul3A_575 = arith.constant 1280 : i32
        %mul3A_576 = arith.muli %select_n3A_246, %mul3A_575 : i32
        %mul3A_577 = arith.constant 320000 : i32
        %mul3A_578 = arith.muli %arg0, %mul3A_577 : i32
        %add3A_579 = arith.addi %mul3A_578, %mul3A_576 : i32
        %dma_start3A_580 = tpu.memref_slice %arg3[%add3A_579] : memref<640000xi32, #tpu.memory_space<hbm>> -> memref<1280xi32, #tpu.memory_space<hbm>>
        %dma_start3A_581 = tpu.memref_slice %arg3[%add3A_579] : memref<640000xi32, #tpu.memory_space<hbm>> -> memref<1280xi32, #tpu.memory_space<hbm>>
        tpu.enqueue_dma source(%dma_start3A_581 : memref<1280xi32, #tpu.memory_space<hbm>>) target(%arg12 : memref<1280xi32, #tpu.memory_space<vmem>>) target_semaphore(%arg21 : memref<!tpu.dma_semaphore, #tpu.memory_space<semaphore_mem>>)
        %sub3A_582 = arith.constant 1 : i32
        %sub3A_583 = arith.subi %sub3A_582, %arg0 : i32
        %mul3A_584 = arith.constant 320000 : i32
        %mul3A_585 = arith.muli %sub3A_583, %mul3A_584 : i32
        %add3A_586 = arith.addi %mul3A_585, %mul3A_576 : i32
        %dma_start3A_587 = tpu.memref_slice %arg3[%add3A_586] : memref<640000xi32, #tpu.memory_space<hbm>> -> memref<1280xi32, #tpu.memory_space<hbm>>
        %dma_start3A_588 = tpu.memref_slice %arg3[%add3A_586] : memref<640000xi32, #tpu.memory_space<hbm>> -> memref<1280xi32, #tpu.memory_space<hbm>>
        tpu.enqueue_dma source(%dma_start3A_588 : memref<1280xi32, #tpu.memory_space<hbm>>) target(%arg13 : memref<1280xi32, #tpu.memory_space<vmem>>) target_semaphore(%arg21 : memref<!tpu.dma_semaphore, #tpu.memory_space<semaphore_mem>>)
        %dma_start3A_589 = tpu.memref_slice %arg4[%mul3A_576] : memref<320000xf32, #tpu.memory_space<hbm>> -> memref<1280xf32, #tpu.memory_space<hbm>>
        %dma_start3A_590 = tpu.memref_slice %arg4[%mul3A_576] : memref<320000xf32, #tpu.memory_space<hbm>> -> memref<1280xf32, #tpu.memory_space<hbm>>
        tpu.enqueue_dma source(%dma_start3A_590 : memref<1280xf32, #tpu.memory_space<hbm>>) target(%arg14 : memref<1280xf32, #tpu.memory_space<vmem>>) target_semaphore(%arg21 : memref<!tpu.dma_semaphore, #tpu.memory_space<semaphore_mem>>)
      } else {
      }
      %lt3A_254 = arith.constant 500 : i32
      %lt3A_255 = arith.cmpi slt, %add3A_220, %lt3A_254 : i32
      %convert_element_type3A_256 = arith.extui %lt3A_255 : i1 to i32
      %cond3A_257 = arith.constant 0 : i32
      %cond3A_258 = arith.cmpi ne, %convert_element_type3A_256, %cond3A_257 : i32
      scf.if %cond3A_258 {
        %jit3A_575 = arith.constant 2 : i32
        %eq3A_576 = arith.constant 0 : i32
        %eq3A_577 = arith.cmpi eq, %jit3A_575, %eq3A_576 : i32
        %jit3A_578 = arith.constant 1 : i32
        %select_n3A_579 = arith.select %eq3A_577, %jit3A_578, %jit3A_575 : i32
        %rem3A_580 = arith.remsi %add3A_220, %select_n3A_579 : i32
        %ne3A_581 = arith.constant 0 : i32
        %ne3A_582 = arith.cmpi ne, %rem3A_580, %ne3A_581 : i32
        %lt3A_583 = arith.constant 0 : i32
        %lt3A_584 = arith.cmpi slt, %rem3A_580, %lt3A_583 : i32
        %lt3A_585 = arith.constant 0 : i32
        %lt3A_586 = arith.cmpi slt, %select_n3A_579, %lt3A_585 : i32
        %ne3A_587 = arith.xori %lt3A_584, %lt3A_586 : i1
        %and3A_588 = arith.andi %ne3A_587, %ne3A_582 : i1
        %add3A_589 = arith.addi %rem3A_580, %select_n3A_579 : i32
        %select_n3A_590 = arith.select %and3A_588, %add3A_589, %rem3A_580 : i32
        %mul3A_591 = arith.constant 640 : i32
        %mul3A_592 = arith.muli %select_n3A_590, %mul3A_591 : i32
        %add3A_593 = arith.constant 0 : i32
        %add3A_594 = arith.addi %mul3A_592, %add3A_593 : i32
        %dma_start3A_595 = arith.constant 0 : i32
        %dma_start3A_596 = arith.constant 0 : i32
        %dma_start3A_597 = tpu.memref_slice %arg16[%dma_start3A_595, %dma_start3A_596] : memref<640x16xf32, #tpu.memory_space<vmem>> -> memref<128x16xf32, #tpu.memory_space<vmem>>
        %dma_start3A_598 = tpu.memref_slice %arg9[%add3A_594] : memref<1280xi32, #tpu.memory_space<vmem>> -> memref<128xi32, #tpu.memory_space<vmem>>
        %dma_start3A_599 = arith.constant 0 : i32
        %dma_start3A_600 = arith.constant 0 : i32
        %dma_start3A_601 = tpu.memref_slice %arg2[%dma_start3A_599, %dma_start3A_600] : memref<80000x16xf32, #tpu.memory_space<hbm>> -> memref<80000x16xf32, #tpu.memory_space<hbm>>
        tpu.enqueue_indirect_dma source(%dma_start3A_601 : memref<80000x16xf32, #tpu.memory_space<hbm>>) target(%dma_start3A_597 : memref<128x16xf32, #tpu.memory_space<vmem>>) offsets(%dma_start3A_598 : memref<128xi32, #tpu.memory_space<vmem>>) semaphore(%arg20 : memref<!tpu.dma_semaphore, #tpu.memory_space<semaphore_mem>>)
        %add3A_602 = arith.constant 128 : i32
        %add3A_603 = arith.addi %mul3A_592, %add3A_602 : i32
        %dma_start3A_604 = arith.constant 128 : i32
        %dma_start3A_605 = arith.constant 0 : i32
        %dma_start3A_606 = tpu.memref_slice %arg16[%dma_start3A_604, %dma_start3A_605] : memref<640x16xf32, #tpu.memory_space<vmem>> -> memref<128x16xf32, #tpu.memory_space<vmem>>
        %dma_start3A_607 = tpu.memref_slice %arg9[%add3A_603] : memref<1280xi32, #tpu.memory_space<vmem>> -> memref<128xi32, #tpu.memory_space<vmem>>
        %dma_start3A_608 = arith.constant 0 : i32
        %dma_start3A_609 = arith.constant 0 : i32
        %dma_start3A_610 = tpu.memref_slice %arg2[%dma_start3A_608, %dma_start3A_609] : memref<80000x16xf32, #tpu.memory_space<hbm>> -> memref<80000x16xf32, #tpu.memory_space<hbm>>
        tpu.enqueue_indirect_dma source(%dma_start3A_610 : memref<80000x16xf32, #tpu.memory_space<hbm>>) target(%dma_start3A_606 : memref<128x16xf32, #tpu.memory_space<vmem>>) offsets(%dma_start3A_607 : memref<128xi32, #tpu.memory_space<vmem>>) semaphore(%arg20 : memref<!tpu.dma_semaphore, #tpu.memory_space<semaphore_mem>>)
        %add3A_611 = arith.constant 256 : i32
        %add3A_612 = arith.addi %mul3A_592, %add3A_611 : i32
        %dma_start3A_613 = arith.constant 256 : i32
        %dma_start3A_614 = arith.constant 0 : i32
        %dma_start3A_615 = tpu.memref_slice %arg16[%dma_start3A_613, %dma_start3A_614] : memref<640x16xf32, #tpu.memory_space<vmem>> -> memref<128x16xf32, #tpu.memory_space<vmem>>
        %dma_start3A_616 = tpu.memref_slice %arg9[%add3A_612] : memref<1280xi32, #tpu.memory_space<vmem>> -> memref<128xi32, #tpu.memory_space<vmem>>
        %dma_start3A_617 = arith.constant 0 : i32
        %dma_start3A_618 = arith.constant 0 : i32
        %dma_start3A_619 = tpu.memref_slice %arg2[%dma_start3A_617, %dma_start3A_618] : memref<80000x16xf32, #tpu.memory_space<hbm>> -> memref<80000x16xf32, #tpu.memory_space<hbm>>
        tpu.enqueue_indirect_dma source(%dma_start3A_619 : memref<80000x16xf32, #tpu.memory_space<hbm>>) target(%dma_start3A_615 : memref<128x16xf32, #tpu.memory_space<vmem>>) offsets(%dma_start3A_616 : memref<128xi32, #tpu.memory_space<vmem>>) semaphore(%arg20 : memref<!tpu.dma_semaphore, #tpu.memory_space<semaphore_mem>>)
        %add3A_620 = arith.constant 384 : i32
        %add3A_621 = arith.addi %mul3A_592, %add3A_620 : i32
        %dma_start3A_622 = arith.constant 384 : i32
        %dma_start3A_623 = arith.constant 0 : i32
        %dma_start3A_624 = tpu.memref_slice %arg16[%dma_start3A_622, %dma_start3A_623] : memref<640x16xf32, #tpu.memory_space<vmem>> -> memref<128x16xf32, #tpu.memory_space<vmem>>
        %dma_start3A_625 = tpu.memref_slice %arg9[%add3A_621] : memref<1280xi32, #tpu.memory_space<vmem>> -> memref<128xi32, #tpu.memory_space<vmem>>
        %dma_start3A_626 = arith.constant 0 : i32
        %dma_start3A_627 = arith.constant 0 : i32
        %dma_start3A_628 = tpu.memref_slice %arg2[%dma_start3A_626, %dma_start3A_627] : memref<80000x16xf32, #tpu.memory_space<hbm>> -> memref<80000x16xf32, #tpu.memory_space<hbm>>
        tpu.enqueue_indirect_dma source(%dma_start3A_628 : memref<80000x16xf32, #tpu.memory_space<hbm>>) target(%dma_start3A_624 : memref<128x16xf32, #tpu.memory_space<vmem>>) offsets(%dma_start3A_625 : memref<128xi32, #tpu.memory_space<vmem>>) semaphore(%arg20 : memref<!tpu.dma_semaphore, #tpu.memory_space<semaphore_mem>>)
        %add3A_629 = arith.constant 512 : i32
        %add3A_630 = arith.addi %mul3A_592, %add3A_629 : i32
        %dma_start3A_631 = arith.constant 512 : i32
        %dma_start3A_632 = arith.constant 0 : i32
        %dma_start3A_633 = tpu.memref_slice %arg16[%dma_start3A_631, %dma_start3A_632] : memref<640x16xf32, #tpu.memory_space<vmem>> -> memref<128x16xf32, #tpu.memory_space<vmem>>
        %dma_start3A_634 = tpu.memref_slice %arg9[%add3A_630] : memref<1280xi32, #tpu.memory_space<vmem>> -> memref<128xi32, #tpu.memory_space<vmem>>
        %dma_start3A_635 = arith.constant 0 : i32
        %dma_start3A_636 = arith.constant 0 : i32
        %dma_start3A_637 = tpu.memref_slice %arg2[%dma_start3A_635, %dma_start3A_636] : memref<80000x16xf32, #tpu.memory_space<hbm>> -> memref<80000x16xf32, #tpu.memory_space<hbm>>
        tpu.enqueue_indirect_dma source(%dma_start3A_637 : memref<80000x16xf32, #tpu.memory_space<hbm>>) target(%dma_start3A_633 : memref<128x16xf32, #tpu.memory_space<vmem>>) offsets(%dma_start3A_634 : memref<128xi32, #tpu.memory_space<vmem>>) semaphore(%arg20 : memref<!tpu.dma_semaphore, #tpu.memory_space<semaphore_mem>>)
      } else {
      }
      %dma_wait3A_259 = arith.constant 0 : i32
      %dma_wait3A_260 = arith.constant 0 : i32
      %dma_wait3A_261 = tpu.memref_slice %arg15[%dma_wait3A_259, %dma_wait3A_260] : memref<640x16xf32, #tpu.memory_space<vmem>> -> memref<128x16xf32, #tpu.memory_space<vmem>>
      %dma_wait3A_262 = arith.constant 0 : i32
      %dma_wait3A_263 = tpu.memref_slice %arg9[%dma_wait3A_262] : memref<1280xi32, #tpu.memory_space<vmem>> -> memref<128xi32, #tpu.memory_space<vmem>>
      %dma_wait3A_264 = arith.constant 0 : i32
      %dma_wait3A_265 = arith.constant 0 : i32
      %dma_wait3A_266 = tpu.memref_slice %arg2[%dma_wait3A_264, %dma_wait3A_265] : memref<80000x16xf32, #tpu.memory_space<hbm>> -> memref<80000x16xf32, #tpu.memory_space<hbm>>
      tpu.wait_indirect_dma semaphore(%arg19 : memref<!tpu.dma_semaphore, #tpu.memory_space<semaphore_mem>>) src(%dma_wait3A_266 : memref<80000x16xf32, #tpu.memory_space<hbm>>) dst(%dma_wait3A_261 : memref<128x16xf32, #tpu.memory_space<vmem>>)
      %dma_wait3A_267 = arith.constant 128 : i32
      %dma_wait3A_268 = arith.constant 0 : i32
      %dma_wait3A_269 = tpu.memref_slice %arg15[%dma_wait3A_267, %dma_wait3A_268] : memref<640x16xf32, #tpu.memory_space<vmem>> -> memref<128x16xf32, #tpu.memory_space<vmem>>
      %dma_wait3A_270 = arith.constant 128 : i32
      %dma_wait3A_271 = tpu.memref_slice %arg9[%dma_wait3A_270] : memref<1280xi32, #tpu.memory_space<vmem>> -> memref<128xi32, #tpu.memory_space<vmem>>
      %dma_wait3A_272 = arith.constant 0 : i32
      %dma_wait3A_273 = arith.constant 0 : i32
      %dma_wait3A_274 = tpu.memref_slice %arg2[%dma_wait3A_272, %dma_wait3A_273] : memref<80000x16xf32, #tpu.memory_space<hbm>> -> memref<80000x16xf32, #tpu.memory_space<hbm>>
      tpu.wait_indirect_dma semaphore(%arg19 : memref<!tpu.dma_semaphore, #tpu.memory_space<semaphore_mem>>) src(%dma_wait3A_274 : memref<80000x16xf32, #tpu.memory_space<hbm>>) dst(%dma_wait3A_269 : memref<128x16xf32, #tpu.memory_space<vmem>>)
      %dma_wait3A_275 = arith.constant 256 : i32
      %dma_wait3A_276 = arith.constant 0 : i32
      %dma_wait3A_277 = tpu.memref_slice %arg15[%dma_wait3A_275, %dma_wait3A_276] : memref<640x16xf32, #tpu.memory_space<vmem>> -> memref<128x16xf32, #tpu.memory_space<vmem>>
      %dma_wait3A_278 = arith.constant 256 : i32
      %dma_wait3A_279 = tpu.memref_slice %arg9[%dma_wait3A_278] : memref<1280xi32, #tpu.memory_space<vmem>> -> memref<128xi32, #tpu.memory_space<vmem>>
      %dma_wait3A_280 = arith.constant 0 : i32
      %dma_wait3A_281 = arith.constant 0 : i32
      %dma_wait3A_282 = tpu.memref_slice %arg2[%dma_wait3A_280, %dma_wait3A_281] : memref<80000x16xf32, #tpu.memory_space<hbm>> -> memref<80000x16xf32, #tpu.memory_space<hbm>>
      tpu.wait_indirect_dma semaphore(%arg19 : memref<!tpu.dma_semaphore, #tpu.memory_space<semaphore_mem>>) src(%dma_wait3A_282 : memref<80000x16xf32, #tpu.memory_space<hbm>>) dst(%dma_wait3A_277 : memref<128x16xf32, #tpu.memory_space<vmem>>)
      %dma_wait3A_283 = arith.constant 384 : i32
      %dma_wait3A_284 = arith.constant 0 : i32
      %dma_wait3A_285 = tpu.memref_slice %arg15[%dma_wait3A_283, %dma_wait3A_284] : memref<640x16xf32, #tpu.memory_space<vmem>> -> memref<128x16xf32, #tpu.memory_space<vmem>>
      %dma_wait3A_286 = arith.constant 384 : i32
      %dma_wait3A_287 = tpu.memref_slice %arg9[%dma_wait3A_286] : memref<1280xi32, #tpu.memory_space<vmem>> -> memref<128xi32, #tpu.memory_space<vmem>>
      %dma_wait3A_288 = arith.constant 0 : i32
      %dma_wait3A_289 = arith.constant 0 : i32
      %dma_wait3A_290 = tpu.memref_slice %arg2[%dma_wait3A_288, %dma_wait3A_289] : memref<80000x16xf32, #tpu.memory_space<hbm>> -> memref<80000x16xf32, #tpu.memory_space<hbm>>
      tpu.wait_indirect_dma semaphore(%arg19 : memref<!tpu.dma_semaphore, #tpu.memory_space<semaphore_mem>>) src(%dma_wait3A_290 : memref<80000x16xf32, #tpu.memory_space<hbm>>) dst(%dma_wait3A_285 : memref<128x16xf32, #tpu.memory_space<vmem>>)
      %dma_wait3A_291 = arith.constant 512 : i32
      %dma_wait3A_292 = arith.constant 0 : i32
      %dma_wait3A_293 = tpu.memref_slice %arg15[%dma_wait3A_291, %dma_wait3A_292] : memref<640x16xf32, #tpu.memory_space<vmem>> -> memref<128x16xf32, #tpu.memory_space<vmem>>
      %dma_wait3A_294 = arith.constant 512 : i32
      %dma_wait3A_295 = tpu.memref_slice %arg9[%dma_wait3A_294] : memref<1280xi32, #tpu.memory_space<vmem>> -> memref<128xi32, #tpu.memory_space<vmem>>
      %dma_wait3A_296 = arith.constant 0 : i32
      %dma_wait3A_297 = arith.constant 0 : i32
      %dma_wait3A_298 = tpu.memref_slice %arg2[%dma_wait3A_296, %dma_wait3A_297] : memref<80000x16xf32, #tpu.memory_space<hbm>> -> memref<80000x16xf32, #tpu.memory_space<hbm>>
      tpu.wait_indirect_dma semaphore(%arg19 : memref<!tpu.dma_semaphore, #tpu.memory_space<semaphore_mem>>) src(%dma_wait3A_298 : memref<80000x16xf32, #tpu.memory_space<hbm>>) dst(%dma_wait3A_293 : memref<128x16xf32, #tpu.memory_space<vmem>>)
      %jit3A_299 = arith.constant 2 : i32
      %eq3A_300 = arith.constant 0 : i32
      %eq3A_301 = arith.cmpi eq, %jit3A_299, %eq3A_300 : i32
      %jit3A_302 = arith.constant 1 : i32
      %select_n3A_303 = arith.select %eq3A_301, %jit3A_302, %jit3A_299 : i32
      %rem3A_304 = arith.remsi %mul3A_218, %select_n3A_303 : i32
      %ne3A_305 = arith.constant 0 : i32
      %ne3A_306 = arith.cmpi ne, %rem3A_304, %ne3A_305 : i32
      %lt3A_307 = arith.constant 0 : i32
      %lt3A_308 = arith.cmpi slt, %rem3A_304, %lt3A_307 : i32
      %lt3A_309 = arith.constant 0 : i32
      %lt3A_310 = arith.cmpi slt, %select_n3A_303, %lt3A_309 : i32
      %ne3A_311 = arith.xori %lt3A_308, %lt3A_310 : i1
      %and3A_312 = arith.andi %ne3A_311, %ne3A_306 : i1
      %add3A_313 = arith.addi %rem3A_304, %select_n3A_303 : i32
      %select_n3A_314 = arith.select %and3A_312, %add3A_313, %rem3A_304 : i32
      %mul3A_315 = arith.constant 640 : i32
      %mul3A_316 = arith.muli %select_n3A_314, %mul3A_315 : i32
      %scan3A_317 = arith.constant 0 : i32
      %scan3A_318 = arith.constant 0 : i32
      %scan3A_319 = arith.constant 40 : i32
      %scan3A_320 = arith.addi %scan3A_318, %scan3A_319 : i32
      %scan3A_321 = arith.constant 1 : i32
      scf.for %scan3A_575 = %scan3A_318 to %scan3A_320 step %scan3A_321  : i32 {
        %mul3A_576 = arith.constant 16 : i32
        %mul3A_577 = arith.muli %scan3A_575, %mul3A_576 : i32
        %add3A_578 = arith.addi %mul3A_316, %mul3A_577 : i32
        %get3A = arith.index_cast %add3A_578 : i32 to index
        %get3A_579 = tpu.vector_load %arg10[%get3A] {strides = array<i32>} : memref<1280xi32, #tpu.memory_space<vmem>>, vector<16xi32>,
        %get3A_580 = arith.index_cast %add3A_578 : i32 to index
        %get3A_581 = tpu.vector_load %arg11[%get3A_580] {strides = array<i32>} : memref<1280xf32, #tpu.memory_space<vmem>>, vector<16xf32>,
        %sub3A_582 = vector.broadcast %mul3A_29 : i32 to vector<16xi32>
        %sub3A_583 = arith.subi %get3A_579, %sub3A_582 : vector<16xi32>
        %ge3A = vector.broadcast %mul3A_29 : i32 to vector<16xi32>
        %ge3A_584 = arith.cmpi sge, %get3A_579, %ge3A : vector<16xi32>
        %lt3A_585 = arith.constant 5120 : i32
        %lt3A_586 = vector.broadcast %lt3A_585 : i32 to vector<16xi32>
        %lt3A_587 = arith.cmpi slt, %sub3A_583, %lt3A_586 : vector<16xi32>
        %and3A_588 = arith.andi %ge3A_584, %lt3A_587 : vector<16xi1>
        %mul3A_589 = arith.constant 16 : i32
        %mul3A_590 = arith.muli %scan3A_575, %mul3A_589 : i32
        %add3A_591 = vector.broadcast %mul3A_590 : i32 to vector<16xi32>
        %add3A_592 = arith.addi %iota3A, %add3A_591 : vector<16xi32>
        %gather3A = tpu.vector_load_idx %arg15[%add3A_592, %and3A_37] : memref<640x16xf32, #tpu.memory_space<vmem>>[vector<16xi32>, vector<16xi32>], vector<16xf32>,
        %mul3A_593 = arith.mulf %gather3A, %get3A_581 : vector<16xf32>
        tpu.vector_store_idx %arg17[%sub3A_583, %and3A_37], %mul3A_593 masked %and3A_588 {add = true} : memref<5120x16xf32, #tpu.memory_space<vmem>>[vector<16xi32>, vector<16xi32>], vector<16xf32>, vector<16xi1>
        %gather3A_594 = tpu.vector_load_idx %arg15[%add3A_592, %and3A_43] : memref<640x16xf32, #tpu.memory_space<vmem>>[vector<16xi32>, vector<16xi32>], vector<16xf32>,
        %mul3A_595 = arith.mulf %gather3A_594, %get3A_581 : vector<16xf32>
        tpu.vector_store_idx %arg17[%sub3A_583, %and3A_43], %mul3A_595 masked %and3A_588 {add = true} : memref<5120x16xf32, #tpu.memory_space<vmem>>[vector<16xi32>, vector<16xi32>], vector<16xf32>, vector<16xi1>
        %gather3A_596 = tpu.vector_load_idx %arg15[%add3A_592, %and3A_49] : memref<640x16xf32, #tpu.memory_space<vmem>>[vector<16xi32>, vector<16xi32>], vector<16xf32>,
        %mul3A_597 = arith.mulf %gather3A_596, %get3A_581 : vector<16xf32>
        tpu.vector_store_idx %arg17[%sub3A_583, %and3A_49], %mul3A_597 masked %and3A_588 {add = true} : memref<5120x16xf32, #tpu.memory_space<vmem>>[vector<16xi32>, vector<16xi32>], vector<16xf32>, vector<16xi1>
        %gather3A_598 = tpu.vector_load_idx %arg15[%add3A_592, %and3A_55] : memref<640x16xf32, #tpu.memory_space<vmem>>[vector<16xi32>, vector<16xi32>], vector<16xf32>,
        %mul3A_599 = arith.mulf %gather3A_598, %get3A_581 : vector<16xf32>
        tpu.vector_store_idx %arg17[%sub3A_583, %and3A_55], %mul3A_599 masked %and3A_588 {add = true} : memref<5120x16xf32, #tpu.memory_space<vmem>>[vector<16xi32>, vector<16xi32>], vector<16xf32>, vector<16xi1>
        %gather3A_600 = tpu.vector_load_idx %arg15[%add3A_592, %and3A_61] : memref<640x16xf32, #tpu.memory_space<vmem>>[vector<16xi32>, vector<16xi32>], vector<16xf32>,
        %mul3A_601 = arith.mulf %gather3A_600, %get3A_581 : vector<16xf32>
        tpu.vector_store_idx %arg17[%sub3A_583, %and3A_61], %mul3A_601 masked %and3A_588 {add = true} : memref<5120x16xf32, #tpu.memory_space<vmem>>[vector<16xi32>, vector<16xi32>], vector<16xf32>, vector<16xi1>
        %gather3A_602 = tpu.vector_load_idx %arg15[%add3A_592, %and3A_67] : memref<640x16xf32, #tpu.memory_space<vmem>>[vector<16xi32>, vector<16xi32>], vector<16xf32>,
        %mul3A_603 = arith.mulf %gather3A_602, %get3A_581 : vector<16xf32>
        tpu.vector_store_idx %arg17[%sub3A_583, %and3A_67], %mul3A_603 masked %and3A_588 {add = true} : memref<5120x16xf32, #tpu.memory_space<vmem>>[vector<16xi32>, vector<16xi32>], vector<16xf32>, vector<16xi1>
        %gather3A_604 = tpu.vector_load_idx %arg15[%add3A_592, %and3A_73] : memref<640x16xf32, #tpu.memory_space<vmem>>[vector<16xi32>, vector<16xi32>], vector<16xf32>,
        %mul3A_605 = arith.mulf %gather3A_604, %get3A_581 : vector<16xf32>
        tpu.vector_store_idx %arg17[%sub3A_583, %and3A_73], %mul3A_605 masked %and3A_588 {add = true} : memref<5120x16xf32, #tpu.memory_space<vmem>>[vector<16xi32>, vector<16xi32>], vector<16xf32>, vector<16xi1>
        %gather3A_606 = tpu.vector_load_idx %arg15[%add3A_592, %and3A_79] : memref<640x16xf32, #tpu.memory_space<vmem>>[vector<16xi32>, vector<16xi32>], vector<16xf32>,
        %mul3A_607 = arith.mulf %gather3A_606, %get3A_581 : vector<16xf32>
        tpu.vector_store_idx %arg17[%sub3A_583, %and3A_79], %mul3A_607 masked %and3A_588 {add = true} : memref<5120x16xf32, #tpu.memory_space<vmem>>[vector<16xi32>, vector<16xi32>], vector<16xf32>, vector<16xi1>
        %gather3A_608 = tpu.vector_load_idx %arg15[%add3A_592, %and3A_85] : memref<640x16xf32, #tpu.memory_space<vmem>>[vector<16xi32>, vector<16xi32>], vector<16xf32>,
        %mul3A_609 = arith.mulf %gather3A_608, %get3A_581 : vector<16xf32>
        tpu.vector_store_idx %arg17[%sub3A_583, %and3A_85], %mul3A_609 masked %and3A_588 {add = true} : memref<5120x16xf32, #tpu.memory_space<vmem>>[vector<16xi32>, vector<16xi32>], vector<16xf32>, vector<16xi1>
        %gather3A_610 = tpu.vector_load_idx %arg15[%add3A_592, %and3A_91] : memref<640x16xf32, #tpu.memory_space<vmem>>[vector<16xi32>, vector<16xi32>], vector<16xf32>,
        %mul3A_611 = arith.mulf %gather3A_610, %get3A_581 : vector<16xf32>
        tpu.vector_store_idx %arg17[%sub3A_583, %and3A_91], %mul3A_611 masked %and3A_588 {add = true} : memref<5120x16xf32, #tpu.memory_space<vmem>>[vector<16xi32>, vector<16xi32>], vector<16xf32>, vector<16xi1>
        %gather3A_612 = tpu.vector_load_idx %arg15[%add3A_592, %and3A_97] : memref<640x16xf32, #tpu.memory_space<vmem>>[vector<16xi32>, vector<16xi32>], vector<16xf32>,
        %mul3A_613 = arith.mulf %gather3A_612, %get3A_581 : vector<16xf32>
        tpu.vector_store_idx %arg17[%sub3A_583, %and3A_97], %mul3A_613 masked %and3A_588 {add = true} : memref<5120x16xf32, #tpu.memory_space<vmem>>[vector<16xi32>, vector<16xi32>], vector<16xf32>, vector<16xi1>
        %gather3A_614 = tpu.vector_load_idx %arg15[%add3A_592, %and3A_103] : memref<640x16xf32, #tpu.memory_space<vmem>>[vector<16xi32>, vector<16xi32>], vector<16xf32>,
        %mul3A_615 = arith.mulf %gather3A_614, %get3A_581 : vector<16xf32>
        tpu.vector_store_idx %arg17[%sub3A_583, %and3A_103], %mul3A_615 masked %and3A_588 {add = true} : memref<5120x16xf32, #tpu.memory_space<vmem>>[vector<16xi32>, vector<16xi32>], vector<16xf32>, vector<16xi1>
        %gather3A_616 = tpu.vector_load_idx %arg15[%add3A_592, %and3A_109] : memref<640x16xf32, #tpu.memory_space<vmem>>[vector<16xi32>, vector<16xi32>], vector<16xf32>,
        %mul3A_617 = arith.mulf %gather3A_616, %get3A_581 : vector<16xf32>
        tpu.vector_store_idx %arg17[%sub3A_583, %and3A_109], %mul3A_617 masked %and3A_588 {add = true} : memref<5120x16xf32, #tpu.memory_space<vmem>>[vector<16xi32>, vector<16xi32>], vector<16xf32>, vector<16xi1>
        %gather3A_618 = tpu.vector_load_idx %arg15[%add3A_592, %and3A_115] : memref<640x16xf32, #tpu.memory_space<vmem>>[vector<16xi32>, vector<16xi32>], vector<16xf32>,
        %mul3A_619 = arith.mulf %gather3A_618, %get3A_581 : vector<16xf32>
        tpu.vector_store_idx %arg17[%sub3A_583, %and3A_115], %mul3A_619 masked %and3A_588 {add = true} : memref<5120x16xf32, #tpu.memory_space<vmem>>[vector<16xi32>, vector<16xi32>], vector<16xf32>, vector<16xi1>
        %gather3A_620 = tpu.vector_load_idx %arg15[%add3A_592, %and3A_121] : memref<640x16xf32, #tpu.memory_space<vmem>>[vector<16xi32>, vector<16xi32>], vector<16xf32>,
        %mul3A_621 = arith.mulf %gather3A_620, %get3A_581 : vector<16xf32>
        tpu.vector_store_idx %arg17[%sub3A_583, %and3A_121], %mul3A_621 masked %and3A_588 {add = true} : memref<5120x16xf32, #tpu.memory_space<vmem>>[vector<16xi32>, vector<16xi32>], vector<16xf32>, vector<16xi1>
        %gather3A_622 = tpu.vector_load_idx %arg15[%add3A_592, %and3A_127] : memref<640x16xf32, #tpu.memory_space<vmem>>[vector<16xi32>, vector<16xi32>], vector<16xf32>,
        %mul3A_623 = arith.mulf %gather3A_622, %get3A_581 : vector<16xf32>
        tpu.vector_store_idx %arg17[%sub3A_583, %and3A_127], %mul3A_623 masked %and3A_588 {add = true} : memref<5120x16xf32, #tpu.memory_space<vmem>>[vector<16xi32>, vector<16xi32>], vector<16xf32>, vector<16xi1>
        %eq3A_624 = arith.constant 0 : i32
        %eq3A_625 = arith.cmpi eq, %arg1, %eq3A_624 : i32
        %convert_element_type3A_626 = arith.extui %eq3A_625 : i1 to i32
        %cond3A_627 = arith.constant 0 : i32
        %cond3A_628 = arith.cmpi ne, %convert_element_type3A_626, %cond3A_627 : i32
        scf.if %cond3A_628 {
          %shift_right_arithmetic3A = arith.constant 7 : i32
          %shift_right_arithmetic3A_629 = vector.broadcast %shift_right_arithmetic3A : i32 to vector<16xi32>
          %shift_right_arithmetic3A_630 = arith.shrsi %get3A_579, %shift_right_arithmetic3A_629 : vector<16xi32>
          %and3A_631 = arith.constant 127 : i32
          %and3A_632 = vector.broadcast %and3A_631 : i32 to vector<16xi32>
          %and3A_633 = arith.andi %get3A_579, %and3A_632 : vector<16xi32>
          tpu.vector_store_idx %arg18[%shift_right_arithmetic3A_630, %and3A_633], %get3A_581 {add = true} : memref<80x128xf32, #tpu.memory_space<vmem>>[vector<16xi32>, vector<16xi32>], vector<16xf32>,
        } else {
        }
      }
      %scan3A_322 = arith.constant 40 : i32
      %add3A_323 = arith.constant 1 : i32
      %add3A_324 = arith.addi %mul3A_218, %add3A_323 : i32
      %add3A_325 = arith.constant 1 : i32
      %add3A_326 = arith.addi %add3A_324, %add3A_325 : i32
      %lt3A_327 = arith.constant 500 : i32
      %lt3A_328 = arith.cmpi slt, %add3A_326, %lt3A_327 : i32
      %convert_element_type3A_329 = arith.extui %lt3A_328 : i1 to i32
      %cond3A_330 = arith.constant 0 : i32
      %cond3A_331 = arith.cmpi ne, %convert_element_type3A_329, %cond3A_330 : i32
      scf.if %cond3A_331 {
        %jit3A_575 = arith.constant 2 : i32
        %div3A_576 = arith.divsi %add3A_326, %jit3A_575 : i32
        %sign3A_577 = arith.constant 0 : i32
        %sign3A_578 = arith.cmpi sgt, %add3A_326, %sign3A_577 : i32
        %sign3A_579 = arith.extui %sign3A_578 : i1 to i32
        %sign3A_580 = arith.constant 0 : i32
        %sign3A_581 = arith.cmpi slt, %add3A_326, %sign3A_580 : i32
        %sign3A_582 = arith.extui %sign3A_581 : i1 to i32
        %sign3A_583 = arith.subi %sign3A_579, %sign3A_582 : i32
        %sign3A_584 = arith.constant 0 : i32
        %sign3A_585 = arith.cmpi sgt, %jit3A_575, %sign3A_584 : i32
        %sign3A_586 = arith.extui %sign3A_585 : i1 to i32
        %sign3A_587 = arith.constant 0 : i32
        %sign3A_588 = arith.cmpi slt, %jit3A_575, %sign3A_587 : i32
        %sign3A_589 = arith.extui %sign3A_588 : i1 to i32
        %sign3A_590 = arith.subi %sign3A_586, %sign3A_589 : i32
        %ne3A_591 = arith.cmpi ne, %sign3A_583, %sign3A_590 : i32
        %rem3A_592 = arith.remsi %add3A_326, %jit3A_575 : i32
        %ne3A_593 = arith.constant 0 : i32
        %ne3A_594 = arith.cmpi ne, %rem3A_592, %ne3A_593 : i32
        %and3A_595 = arith.andi %ne3A_591, %ne3A_594 : i1
        %sub3A_596 = arith.constant 1 : i32
        %sub3A_597 = arith.subi %div3A_576, %sub3A_596 : i32
        %select_n3A_598 = arith.select %and3A_595, %sub3A_597, %div3A_576 : i32
        %mul3A_599 = arith.constant 1280 : i32
        %mul3A_600 = arith.muli %select_n3A_598, %mul3A_599 : i32
        %mul3A_601 = arith.constant 320000 : i32
        %mul3A_602 = arith.muli %arg0, %mul3A_601 : i32
        %add3A_603 = arith.addi %mul3A_602, %mul3A_600 : i32
        %dma_wait3A_604 = tpu.memref_slice %arg3[%add3A_603] : memref<640000xi32, #tpu.memory_space<hbm>> -> memref<1280xi32, #tpu.memory_space<hbm>>
        %dma_wait3A_605 = tpu.memref_slice %arg3[%add3A_603] : memref<640000xi32, #tpu.memory_space<hbm>> -> memref<1280xi32, #tpu.memory_space<hbm>>
        tpu.wait_dma2 semaphore(%arg21 : memref<!tpu.dma_semaphore, #tpu.memory_space<semaphore_mem>>) src(%dma_wait3A_605 : memref<1280xi32, #tpu.memory_space<hbm>>) dst(%arg12 : memref<1280xi32, #tpu.memory_space<vmem>>)
        %sub3A_606 = arith.constant 1 : i32
        %sub3A_607 = arith.subi %sub3A_606, %arg0 : i32
        %mul3A_608 = arith.constant 320000 : i32
        %mul3A_609 = arith.muli %sub3A_607, %mul3A_608 : i32
        %add3A_610 = arith.addi %mul3A_609, %mul3A_600 : i32
        %dma_wait3A_611 = tpu.memref_slice %arg3[%add3A_610] : memref<640000xi32, #tpu.memory_space<hbm>> -> memref<1280xi32, #tpu.memory_space<hbm>>
        %dma_wait3A_612 = tpu.memref_slice %arg3[%add3A_610] : memref<640000xi32, #tpu.memory_space<hbm>> -> memref<1280xi32, #tpu.memory_space<hbm>>
        tpu.wait_dma2 semaphore(%arg21 : memref<!tpu.dma_semaphore, #tpu.memory_space<semaphore_mem>>) src(%dma_wait3A_612 : memref<1280xi32, #tpu.memory_space<hbm>>) dst(%arg13 : memref<1280xi32, #tpu.memory_space<vmem>>)
        %dma_wait3A_613 = tpu.memref_slice %arg4[%mul3A_600] : memref<320000xf32, #tpu.memory_space<hbm>> -> memref<1280xf32, #tpu.memory_space<hbm>>
        %dma_wait3A_614 = tpu.memref_slice %arg4[%mul3A_600] : memref<320000xf32, #tpu.memory_space<hbm>> -> memref<1280xf32, #tpu.memory_space<hbm>>
        tpu.wait_dma2 semaphore(%arg21 : memref<!tpu.dma_semaphore, #tpu.memory_space<semaphore_mem>>) src(%dma_wait3A_614 : memref<1280xf32, #tpu.memory_space<hbm>>) dst(%arg14 : memref<1280xf32, #tpu.memory_space<vmem>>)
        %scan3A_615 = arith.constant 0 : i32
        %scan3A_616 = arith.constant 0 : i32
        %scan3A_617 = arith.constant 80 : i32
        %scan3A_618 = arith.addi %scan3A_616, %scan3A_617 : i32
        %scan3A_619 = arith.constant 1 : i32
        scf.for %scan3A_684 = %scan3A_616 to %scan3A_618 step %scan3A_619  : i32 {
          %mul3A_685 = arith.constant 16 : i32
          %mul3A_686 = arith.muli %scan3A_684, %mul3A_685 : i32
          %get3A = arith.index_cast %mul3A_686 : i32 to index
          %get3A_687 = tpu.vector_load %arg12[%get3A] {strides = array<i32>} : memref<1280xi32, #tpu.memory_space<vmem>>, vector<16xi32>,
          %add3A_688 = vector.broadcast %mul3A_31 : i32 to vector<16xi32>
          %add3A_689 = arith.addi %get3A_687, %add3A_688 : vector<16xi32>
          %swap3A = arith.index_cast %mul3A_686 : i32 to index
          %swap3A_690 = tpu.vector_load %arg12[%swap3A] {strides = array<i32>} : memref<1280xi32, #tpu.memory_space<vmem>>, vector<16xi32>,
          tpu.vector_store %arg12[%swap3A], %add3A_689 {strides = array<i32>} : memref<1280xi32, #tpu.memory_space<vmem>>, vector<16xi32>,
        }
        %scan3A_620 = arith.constant 80 : i32
        %jit3A_621 = arith.constant 2 : i32
        %eq3A_622 = arith.constant 0 : i32
        %eq3A_623 = arith.cmpi eq, %jit3A_621, %eq3A_622 : i32
        %jit3A_624 = arith.constant 1 : i32
        %select_n3A_625 = arith.select %eq3A_623, %jit3A_624, %jit3A_621 : i32
        %rem3A_626 = arith.remsi %add3A_326, %select_n3A_625 : i32
        %ne3A_627 = arith.constant 0 : i32
        %ne3A_628 = arith.cmpi ne, %rem3A_626, %ne3A_627 : i32
        %lt3A_629 = arith.constant 0 : i32
        %lt3A_630 = arith.cmpi slt, %rem3A_626, %lt3A_629 : i32
        %lt3A_631 = arith.constant 0 : i32
        %lt3A_632 = arith.cmpi slt, %select_n3A_625, %lt3A_631 : i32
        %ne3A_633 = arith.xori %lt3A_630, %lt3A_632 : i1
        %and3A_634 = arith.andi %ne3A_633, %ne3A_628 : i1
        %add3A_635 = arith.addi %rem3A_626, %select_n3A_625 : i32
        %select_n3A_636 = arith.select %and3A_634, %add3A_635, %rem3A_626 : i32
        %mul3A_637 = arith.constant 640 : i32
        %mul3A_638 = arith.muli %select_n3A_636, %mul3A_637 : i32
        %add3A_639 = arith.constant 0 : i32
        %add3A_640 = arith.addi %mul3A_638, %add3A_639 : i32
        %dma_start3A_641 = arith.constant 0 : i32
        %dma_start3A_642 = arith.constant 0 : i32
        %dma_start3A_643 = tpu.memref_slice %arg15[%dma_start3A_641, %dma_start3A_642] : memref<640x16xf32, #tpu.memory_space<vmem>> -> memref<128x16xf32, #tpu.memory_space<vmem>>
        %dma_start3A_644 = tpu.memref_slice %arg12[%add3A_640] : memref<1280xi32, #tpu.memory_space<vmem>> -> memref<128xi32, #tpu.memory_space<vmem>>
        %dma_start3A_645 = arith.constant 0 : i32
        %dma_start3A_646 = arith.constant 0 : i32
        %dma_start3A_647 = tpu.memref_slice %arg2[%dma_start3A_645, %dma_start3A_646] : memref<80000x16xf32, #tpu.memory_space<hbm>> -> memref<80000x16xf32, #tpu.memory_space<hbm>>
        tpu.enqueue_indirect_dma source(%dma_start3A_647 : memref<80000x16xf32, #tpu.memory_space<hbm>>) target(%dma_start3A_643 : memref<128x16xf32, #tpu.memory_space<vmem>>) offsets(%dma_start3A_644 : memref<128xi32, #tpu.memory_space<vmem>>) semaphore(%arg19 : memref<!tpu.dma_semaphore, #tpu.memory_space<semaphore_mem>>)
        %add3A_648 = arith.constant 128 : i32
        %add3A_649 = arith.addi %mul3A_638, %add3A_648 : i32
        %dma_start3A_650 = arith.constant 128 : i32
        %dma_start3A_651 = arith.constant 0 : i32
        %dma_start3A_652 = tpu.memref_slice %arg15[%dma_start3A_650, %dma_start3A_651] : memref<640x16xf32, #tpu.memory_space<vmem>> -> memref<128x16xf32, #tpu.memory_space<vmem>>
        %dma_start3A_653 = tpu.memref_slice %arg12[%add3A_649] : memref<1280xi32, #tpu.memory_space<vmem>> -> memref<128xi32, #tpu.memory_space<vmem>>
        %dma_start3A_654 = arith.constant 0 : i32
        %dma_start3A_655 = arith.constant 0 : i32
        %dma_start3A_656 = tpu.memref_slice %arg2[%dma_start3A_654, %dma_start3A_655] : memref<80000x16xf32, #tpu.memory_space<hbm>> -> memref<80000x16xf32, #tpu.memory_space<hbm>>
        tpu.enqueue_indirect_dma source(%dma_start3A_656 : memref<80000x16xf32, #tpu.memory_space<hbm>>) target(%dma_start3A_652 : memref<128x16xf32, #tpu.memory_space<vmem>>) offsets(%dma_start3A_653 : memref<128xi32, #tpu.memory_space<vmem>>) semaphore(%arg19 : memref<!tpu.dma_semaphore, #tpu.memory_space<semaphore_mem>>)
        %add3A_657 = arith.constant 256 : i32
        %add3A_658 = arith.addi %mul3A_638, %add3A_657 : i32
        %dma_start3A_659 = arith.constant 256 : i32
        %dma_start3A_660 = arith.constant 0 : i32
        %dma_start3A_661 = tpu.memref_slice %arg15[%dma_start3A_659, %dma_start3A_660] : memref<640x16xf32, #tpu.memory_space<vmem>> -> memref<128x16xf32, #tpu.memory_space<vmem>>
        %dma_start3A_662 = tpu.memref_slice %arg12[%add3A_658] : memref<1280xi32, #tpu.memory_space<vmem>> -> memref<128xi32, #tpu.memory_space<vmem>>
        %dma_start3A_663 = arith.constant 0 : i32
        %dma_start3A_664 = arith.constant 0 : i32
        %dma_start3A_665 = tpu.memref_slice %arg2[%dma_start3A_663, %dma_start3A_664] : memref<80000x16xf32, #tpu.memory_space<hbm>> -> memref<80000x16xf32, #tpu.memory_space<hbm>>
        tpu.enqueue_indirect_dma source(%dma_start3A_665 : memref<80000x16xf32, #tpu.memory_space<hbm>>) target(%dma_start3A_661 : memref<128x16xf32, #tpu.memory_space<vmem>>) offsets(%dma_start3A_662 : memref<128xi32, #tpu.memory_space<vmem>>) semaphore(%arg19 : memref<!tpu.dma_semaphore, #tpu.memory_space<semaphore_mem>>)
        %add3A_666 = arith.constant 384 : i32
        %add3A_667 = arith.addi %mul3A_638, %add3A_666 : i32
        %dma_start3A_668 = arith.constant 384 : i32
        %dma_start3A_669 = arith.constant 0 : i32
        %dma_start3A_670 = tpu.memref_slice %arg15[%dma_start3A_668, %dma_start3A_669] : memref<640x16xf32, #tpu.memory_space<vmem>> -> memref<128x16xf32, #tpu.memory_space<vmem>>
        %dma_start3A_671 = tpu.memref_slice %arg12[%add3A_667] : memref<1280xi32, #tpu.memory_space<vmem>> -> memref<128xi32, #tpu.memory_space<vmem>>
        %dma_start3A_672 = arith.constant 0 : i32
        %dma_start3A_673 = arith.constant 0 : i32
        %dma_start3A_674 = tpu.memref_slice %arg2[%dma_start3A_672, %dma_start3A_673] : memref<80000x16xf32, #tpu.memory_space<hbm>> -> memref<80000x16xf32, #tpu.memory_space<hbm>>
        tpu.enqueue_indirect_dma source(%dma_start3A_674 : memref<80000x16xf32, #tpu.memory_space<hbm>>) target(%dma_start3A_670 : memref<128x16xf32, #tpu.memory_space<vmem>>) offsets(%dma_start3A_671 : memref<128xi32, #tpu.memory_space<vmem>>) semaphore(%arg19 : memref<!tpu.dma_semaphore, #tpu.memory_space<semaphore_mem>>)
        %add3A_675 = arith.constant 512 : i32
        %add3A_676 = arith.addi %mul3A_638, %add3A_675 : i32
        %dma_start3A_677 = arith.constant 512 : i32
        %dma_start3A_678 = arith.constant 0 : i32
        %dma_start3A_679 = tpu.memref_slice %arg15[%dma_start3A_677, %dma_start3A_678] : memref<640x16xf32, #tpu.memory_space<vmem>> -> memref<128x16xf32, #tpu.memory_space<vmem>>
        %dma_start3A_680 = tpu.memref_slice %arg12[%add3A_676] : memref<1280xi32, #tpu.memory_space<vmem>> -> memref<128xi32, #tpu.memory_space<vmem>>
        %dma_start3A_681 = arith.constant 0 : i32
        %dma_start3A_682 = arith.constant 0 : i32
        %dma_start3A_683 = tpu.memref_slice %arg2[%dma_start3A_681, %dma_start3A_682] : memref<80000x16xf32, #tpu.memory_space<hbm>> -> memref<80000x16xf32, #tpu.memory_space<hbm>>
        tpu.enqueue_indirect_dma source(%dma_start3A_683 : memref<80000x16xf32, #tpu.memory_space<hbm>>) target(%dma_start3A_679 : memref<128x16xf32, #tpu.memory_space<vmem>>) offsets(%dma_start3A_680 : memref<128xi32, #tpu.memory_space<vmem>>) semaphore(%arg19 : memref<!tpu.dma_semaphore, #tpu.memory_space<semaphore_mem>>)
      } else {
      }
      %dma_wait3A_332 = arith.constant 0 : i32
      %dma_wait3A_333 = arith.constant 0 : i32
      %dma_wait3A_334 = tpu.memref_slice %arg16[%dma_wait3A_332, %dma_wait3A_333] : memref<640x16xf32, #tpu.memory_space<vmem>> -> memref<128x16xf32, #tpu.memory_space<vmem>>
      %dma_wait3A_335 = arith.constant 0 : i32
      %dma_wait3A_336 = tpu.memref_slice %arg9[%dma_wait3A_335] : memref<1280xi32, #tpu.memory_space<vmem>> -> memref<128xi32, #tpu.memory_space<vmem>>
      %dma_wait3A_337 = arith.constant 0 : i32
      %dma_wait3A_338 = arith.constant 0 : i32
      %dma_wait3A_339 = tpu.memref_slice %arg2[%dma_wait3A_337, %dma_wait3A_338] : memref<80000x16xf32, #tpu.memory_space<hbm>> -> memref<80000x16xf32, #tpu.memory_space<hbm>>
      tpu.wait_indirect_dma semaphore(%arg20 : memref<!tpu.dma_semaphore, #tpu.memory_space<semaphore_mem>>) src(%dma_wait3A_339 : memref<80000x16xf32, #tpu.memory_space<hbm>>) dst(%dma_wait3A_334 : memref<128x16xf32, #tpu.memory_space<vmem>>)
      %dma_wait3A_340 = arith.constant 128 : i32
      %dma_wait3A_341 = arith.constant 0 : i32
      %dma_wait3A_342 = tpu.memref_slice %arg16[%dma_wait3A_340, %dma_wait3A_341] : memref<640x16xf32, #tpu.memory_space<vmem>> -> memref<128x16xf32, #tpu.memory_space<vmem>>
      %dma_wait3A_343 = arith.constant 128 : i32
      %dma_wait3A_344 = tpu.memref_slice %arg9[%dma_wait3A_343] : memref<1280xi32, #tpu.memory_space<vmem>> -> memref<128xi32, #tpu.memory_space<vmem>>
      %dma_wait3A_345 = arith.constant 0 : i32
      %dma_wait3A_346 = arith.constant 0 : i32
      %dma_wait3A_347 = tpu.memref_slice %arg2[%dma_wait3A_345, %dma_wait3A_346] : memref<80000x16xf32, #tpu.memory_space<hbm>> -> memref<80000x16xf32, #tpu.memory_space<hbm>>
      tpu.wait_indirect_dma semaphore(%arg20 : memref<!tpu.dma_semaphore, #tpu.memory_space<semaphore_mem>>) src(%dma_wait3A_347 : memref<80000x16xf32, #tpu.memory_space<hbm>>) dst(%dma_wait3A_342 : memref<128x16xf32, #tpu.memory_space<vmem>>)
      %dma_wait3A_348 = arith.constant 256 : i32
      %dma_wait3A_349 = arith.constant 0 : i32
      %dma_wait3A_350 = tpu.memref_slice %arg16[%dma_wait3A_348, %dma_wait3A_349] : memref<640x16xf32, #tpu.memory_space<vmem>> -> memref<128x16xf32, #tpu.memory_space<vmem>>
      %dma_wait3A_351 = arith.constant 256 : i32
      %dma_wait3A_352 = tpu.memref_slice %arg9[%dma_wait3A_351] : memref<1280xi32, #tpu.memory_space<vmem>> -> memref<128xi32, #tpu.memory_space<vmem>>
      %dma_wait3A_353 = arith.constant 0 : i32
      %dma_wait3A_354 = arith.constant 0 : i32
      %dma_wait3A_355 = tpu.memref_slice %arg2[%dma_wait3A_353, %dma_wait3A_354] : memref<80000x16xf32, #tpu.memory_space<hbm>> -> memref<80000x16xf32, #tpu.memory_space<hbm>>
      tpu.wait_indirect_dma semaphore(%arg20 : memref<!tpu.dma_semaphore, #tpu.memory_space<semaphore_mem>>) src(%dma_wait3A_355 : memref<80000x16xf32, #tpu.memory_space<hbm>>) dst(%dma_wait3A_350 : memref<128x16xf32, #tpu.memory_space<vmem>>)
      %dma_wait3A_356 = arith.constant 384 : i32
      %dma_wait3A_357 = arith.constant 0 : i32
      %dma_wait3A_358 = tpu.memref_slice %arg16[%dma_wait3A_356, %dma_wait3A_357] : memref<640x16xf32, #tpu.memory_space<vmem>> -> memref<128x16xf32, #tpu.memory_space<vmem>>
      %dma_wait3A_359 = arith.constant 384 : i32
      %dma_wait3A_360 = tpu.memref_slice %arg9[%dma_wait3A_359] : memref<1280xi32, #tpu.memory_space<vmem>> -> memref<128xi32, #tpu.memory_space<vmem>>
      %dma_wait3A_361 = arith.constant 0 : i32
      %dma_wait3A_362 = arith.constant 0 : i32
      %dma_wait3A_363 = tpu.memref_slice %arg2[%dma_wait3A_361, %dma_wait3A_362] : memref<80000x16xf32, #tpu.memory_space<hbm>> -> memref<80000x16xf32, #tpu.memory_space<hbm>>
      tpu.wait_indirect_dma semaphore(%arg20 : memref<!tpu.dma_semaphore, #tpu.memory_space<semaphore_mem>>) src(%dma_wait3A_363 : memref<80000x16xf32, #tpu.memory_space<hbm>>) dst(%dma_wait3A_358 : memref<128x16xf32, #tpu.memory_space<vmem>>)
      %dma_wait3A_364 = arith.constant 512 : i32
      %dma_wait3A_365 = arith.constant 0 : i32
      %dma_wait3A_366 = tpu.memref_slice %arg16[%dma_wait3A_364, %dma_wait3A_365] : memref<640x16xf32, #tpu.memory_space<vmem>> -> memref<128x16xf32, #tpu.memory_space<vmem>>
      %dma_wait3A_367 = arith.constant 512 : i32
      %dma_wait3A_368 = tpu.memref_slice %arg9[%dma_wait3A_367] : memref<1280xi32, #tpu.memory_space<vmem>> -> memref<128xi32, #tpu.memory_space<vmem>>
      %dma_wait3A_369 = arith.constant 0 : i32
      %dma_wait3A_370 = arith.constant 0 : i32
      %dma_wait3A_371 = tpu.memref_slice %arg2[%dma_wait3A_369, %dma_wait3A_370] : memref<80000x16xf32, #tpu.memory_space<hbm>> -> memref<80000x16xf32, #tpu.memory_space<hbm>>
      tpu.wait_indirect_dma semaphore(%arg20 : memref<!tpu.dma_semaphore, #tpu.memory_space<semaphore_mem>>) src(%dma_wait3A_371 : memref<80000x16xf32, #tpu.memory_space<hbm>>) dst(%dma_wait3A_366 : memref<128x16xf32, #tpu.memory_space<vmem>>)
      %jit3A_372 = arith.constant 2 : i32
      %eq3A_373 = arith.constant 0 : i32
      %eq3A_374 = arith.cmpi eq, %jit3A_372, %eq3A_373 : i32
      %jit3A_375 = arith.constant 1 : i32
      %select_n3A_376 = arith.select %eq3A_374, %jit3A_375, %jit3A_372 : i32
      %rem3A_377 = arith.remsi %add3A_324, %select_n3A_376 : i32
      %ne3A_378 = arith.constant 0 : i32
      %ne3A_379 = arith.cmpi ne, %rem3A_377, %ne3A_378 : i32
      %lt3A_380 = arith.constant 0 : i32
      %lt3A_381 = arith.cmpi slt, %rem3A_377, %lt3A_380 : i32
      %lt3A_382 = arith.constant 0 : i32
      %lt3A_383 = arith.cmpi slt, %select_n3A_376, %lt3A_382 : i32
      %ne3A_384 = arith.xori %lt3A_381, %lt3A_383 : i1
      %and3A_385 = arith.andi %ne3A_384, %ne3A_379 : i1
      %add3A_386 = arith.addi %rem3A_377, %select_n3A_376 : i32
      %select_n3A_387 = arith.select %and3A_385, %add3A_386, %rem3A_377 : i32
      %mul3A_388 = arith.constant 640 : i32
      %mul3A_389 = arith.muli %select_n3A_387, %mul3A_388 : i32
      %scan3A_390 = arith.constant 0 : i32
      %scan3A_391 = arith.constant 0 : i32
      %scan3A_392 = arith.constant 40 : i32
      %scan3A_393 = arith.addi %scan3A_391, %scan3A_392 : i32
      %scan3A_394 = arith.constant 1 : i32
      scf.for %scan3A_575 = %scan3A_391 to %scan3A_393 step %scan3A_394  : i32 {
        %mul3A_576 = arith.constant 16 : i32
        %mul3A_577 = arith.muli %scan3A_575, %mul3A_576 : i32
        %add3A_578 = arith.addi %mul3A_389, %mul3A_577 : i32
        %get3A = arith.index_cast %add3A_578 : i32 to index
        %get3A_579 = tpu.vector_load %arg10[%get3A] {strides = array<i32>} : memref<1280xi32, #tpu.memory_space<vmem>>, vector<16xi32>,
        %get3A_580 = arith.index_cast %add3A_578 : i32 to index
        %get3A_581 = tpu.vector_load %arg11[%get3A_580] {strides = array<i32>} : memref<1280xf32, #tpu.memory_space<vmem>>, vector<16xf32>,
        %sub3A_582 = vector.broadcast %mul3A_29 : i32 to vector<16xi32>
        %sub3A_583 = arith.subi %get3A_579, %sub3A_582 : vector<16xi32>
        %ge3A = vector.broadcast %mul3A_29 : i32 to vector<16xi32>
        %ge3A_584 = arith.cmpi sge, %get3A_579, %ge3A : vector<16xi32>
        %lt3A_585 = arith.constant 5120 : i32
        %lt3A_586 = vector.broadcast %lt3A_585 : i32 to vector<16xi32>
        %lt3A_587 = arith.cmpi slt, %sub3A_583, %lt3A_586 : vector<16xi32>
        %and3A_588 = arith.andi %ge3A_584, %lt3A_587 : vector<16xi1>
        %mul3A_589 = arith.constant 16 : i32
        %mul3A_590 = arith.muli %scan3A_575, %mul3A_589 : i32
        %add3A_591 = vector.broadcast %mul3A_590 : i32 to vector<16xi32>
        %add3A_592 = arith.addi %iota3A, %add3A_591 : vector<16xi32>
        %gather3A = tpu.vector_load_idx %arg16[%add3A_592, %and3A_37] : memref<640x16xf32, #tpu.memory_space<vmem>>[vector<16xi32>, vector<16xi32>], vector<16xf32>,
        %mul3A_593 = arith.mulf %gather3A, %get3A_581 : vector<16xf32>
        tpu.vector_store_idx %arg17[%sub3A_583, %and3A_37], %mul3A_593 masked %and3A_588 {add = true} : memref<5120x16xf32, #tpu.memory_space<vmem>>[vector<16xi32>, vector<16xi32>], vector<16xf32>, vector<16xi1>
        %gather3A_594 = tpu.vector_load_idx %arg16[%add3A_592, %and3A_43] : memref<640x16xf32, #tpu.memory_space<vmem>>[vector<16xi32>, vector<16xi32>], vector<16xf32>,
        %mul3A_595 = arith.mulf %gather3A_594, %get3A_581 : vector<16xf32>
        tpu.vector_store_idx %arg17[%sub3A_583, %and3A_43], %mul3A_595 masked %and3A_588 {add = true} : memref<5120x16xf32, #tpu.memory_space<vmem>>[vector<16xi32>, vector<16xi32>], vector<16xf32>, vector<16xi1>
        %gather3A_596 = tpu.vector_load_idx %arg16[%add3A_592, %and3A_49] : memref<640x16xf32, #tpu.memory_space<vmem>>[vector<16xi32>, vector<16xi32>], vector<16xf32>,
        %mul3A_597 = arith.mulf %gather3A_596, %get3A_581 : vector<16xf32>
        tpu.vector_store_idx %arg17[%sub3A_583, %and3A_49], %mul3A_597 masked %and3A_588 {add = true} : memref<5120x16xf32, #tpu.memory_space<vmem>>[vector<16xi32>, vector<16xi32>], vector<16xf32>, vector<16xi1>
        %gather3A_598 = tpu.vector_load_idx %arg16[%add3A_592, %and3A_55] : memref<640x16xf32, #tpu.memory_space<vmem>>[vector<16xi32>, vector<16xi32>], vector<16xf32>,
        %mul3A_599 = arith.mulf %gather3A_598, %get3A_581 : vector<16xf32>
        tpu.vector_store_idx %arg17[%sub3A_583, %and3A_55], %mul3A_599 masked %and3A_588 {add = true} : memref<5120x16xf32, #tpu.memory_space<vmem>>[vector<16xi32>, vector<16xi32>], vector<16xf32>, vector<16xi1>
        %gather3A_600 = tpu.vector_load_idx %arg16[%add3A_592, %and3A_61] : memref<640x16xf32, #tpu.memory_space<vmem>>[vector<16xi32>, vector<16xi32>], vector<16xf32>,
        %mul3A_601 = arith.mulf %gather3A_600, %get3A_581 : vector<16xf32>
        tpu.vector_store_idx %arg17[%sub3A_583, %and3A_61], %mul3A_601 masked %and3A_588 {add = true} : memref<5120x16xf32, #tpu.memory_space<vmem>>[vector<16xi32>, vector<16xi32>], vector<16xf32>, vector<16xi1>
        %gather3A_602 = tpu.vector_load_idx %arg16[%add3A_592, %and3A_67] : memref<640x16xf32, #tpu.memory_space<vmem>>[vector<16xi32>, vector<16xi32>], vector<16xf32>,
        %mul3A_603 = arith.mulf %gather3A_602, %get3A_581 : vector<16xf32>
        tpu.vector_store_idx %arg17[%sub3A_583, %and3A_67], %mul3A_603 masked %and3A_588 {add = true} : memref<5120x16xf32, #tpu.memory_space<vmem>>[vector<16xi32>, vector<16xi32>], vector<16xf32>, vector<16xi1>
        %gather3A_604 = tpu.vector_load_idx %arg16[%add3A_592, %and3A_73] : memref<640x16xf32, #tpu.memory_space<vmem>>[vector<16xi32>, vector<16xi32>], vector<16xf32>,
        %mul3A_605 = arith.mulf %gather3A_604, %get3A_581 : vector<16xf32>
        tpu.vector_store_idx %arg17[%sub3A_583, %and3A_73], %mul3A_605 masked %and3A_588 {add = true} : memref<5120x16xf32, #tpu.memory_space<vmem>>[vector<16xi32>, vector<16xi32>], vector<16xf32>, vector<16xi1>
        %gather3A_606 = tpu.vector_load_idx %arg16[%add3A_592, %and3A_79] : memref<640x16xf32, #tpu.memory_space<vmem>>[vector<16xi32>, vector<16xi32>], vector<16xf32>,
        %mul3A_607 = arith.mulf %gather3A_606, %get3A_581 : vector<16xf32>
        tpu.vector_store_idx %arg17[%sub3A_583, %and3A_79], %mul3A_607 masked %and3A_588 {add = true} : memref<5120x16xf32, #tpu.memory_space<vmem>>[vector<16xi32>, vector<16xi32>], vector<16xf32>, vector<16xi1>
        %gather3A_608 = tpu.vector_load_idx %arg16[%add3A_592, %and3A_85] : memref<640x16xf32, #tpu.memory_space<vmem>>[vector<16xi32>, vector<16xi32>], vector<16xf32>,
        %mul3A_609 = arith.mulf %gather3A_608, %get3A_581 : vector<16xf32>
        tpu.vector_store_idx %arg17[%sub3A_583, %and3A_85], %mul3A_609 masked %and3A_588 {add = true} : memref<5120x16xf32, #tpu.memory_space<vmem>>[vector<16xi32>, vector<16xi32>], vector<16xf32>, vector<16xi1>
        %gather3A_610 = tpu.vector_load_idx %arg16[%add3A_592, %and3A_91] : memref<640x16xf32, #tpu.memory_space<vmem>>[vector<16xi32>, vector<16xi32>], vector<16xf32>,
        %mul3A_611 = arith.mulf %gather3A_610, %get3A_581 : vector<16xf32>
        tpu.vector_store_idx %arg17[%sub3A_583, %and3A_91], %mul3A_611 masked %and3A_588 {add = true} : memref<5120x16xf32, #tpu.memory_space<vmem>>[vector<16xi32>, vector<16xi32>], vector<16xf32>, vector<16xi1>
        %gather3A_612 = tpu.vector_load_idx %arg16[%add3A_592, %and3A_97] : memref<640x16xf32, #tpu.memory_space<vmem>>[vector<16xi32>, vector<16xi32>], vector<16xf32>,
        %mul3A_613 = arith.mulf %gather3A_612, %get3A_581 : vector<16xf32>
        tpu.vector_store_idx %arg17[%sub3A_583, %and3A_97], %mul3A_613 masked %and3A_588 {add = true} : memref<5120x16xf32, #tpu.memory_space<vmem>>[vector<16xi32>, vector<16xi32>], vector<16xf32>, vector<16xi1>
        %gather3A_614 = tpu.vector_load_idx %arg16[%add3A_592, %and3A_103] : memref<640x16xf32, #tpu.memory_space<vmem>>[vector<16xi32>, vector<16xi32>], vector<16xf32>,
        %mul3A_615 = arith.mulf %gather3A_614, %get3A_581 : vector<16xf32>
        tpu.vector_store_idx %arg17[%sub3A_583, %and3A_103], %mul3A_615 masked %and3A_588 {add = true} : memref<5120x16xf32, #tpu.memory_space<vmem>>[vector<16xi32>, vector<16xi32>], vector<16xf32>, vector<16xi1>
        %gather3A_616 = tpu.vector_load_idx %arg16[%add3A_592, %and3A_109] : memref<640x16xf32, #tpu.memory_space<vmem>>[vector<16xi32>, vector<16xi32>], vector<16xf32>,
        %mul3A_617 = arith.mulf %gather3A_616, %get3A_581 : vector<16xf32>
        tpu.vector_store_idx %arg17[%sub3A_583, %and3A_109], %mul3A_617 masked %and3A_588 {add = true} : memref<5120x16xf32, #tpu.memory_space<vmem>>[vector<16xi32>, vector<16xi32>], vector<16xf32>, vector<16xi1>
        %gather3A_618 = tpu.vector_load_idx %arg16[%add3A_592, %and3A_115] : memref<640x16xf32, #tpu.memory_space<vmem>>[vector<16xi32>, vector<16xi32>], vector<16xf32>,
        %mul3A_619 = arith.mulf %gather3A_618, %get3A_581 : vector<16xf32>
        tpu.vector_store_idx %arg17[%sub3A_583, %and3A_115], %mul3A_619 masked %and3A_588 {add = true} : memref<5120x16xf32, #tpu.memory_space<vmem>>[vector<16xi32>, vector<16xi32>], vector<16xf32>, vector<16xi1>
        %gather3A_620 = tpu.vector_load_idx %arg16[%add3A_592, %and3A_121] : memref<640x16xf32, #tpu.memory_space<vmem>>[vector<16xi32>, vector<16xi32>], vector<16xf32>,
        %mul3A_621 = arith.mulf %gather3A_620, %get3A_581 : vector<16xf32>
        tpu.vector_store_idx %arg17[%sub3A_583, %and3A_121], %mul3A_621 masked %and3A_588 {add = true} : memref<5120x16xf32, #tpu.memory_space<vmem>>[vector<16xi32>, vector<16xi32>], vector<16xf32>, vector<16xi1>
        %gather3A_622 = tpu.vector_load_idx %arg16[%add3A_592, %and3A_127] : memref<640x16xf32, #tpu.memory_space<vmem>>[vector<16xi32>, vector<16xi32>], vector<16xf32>,
        %mul3A_623 = arith.mulf %gather3A_622, %get3A_581 : vector<16xf32>
        tpu.vector_store_idx %arg17[%sub3A_583, %and3A_127], %mul3A_623 masked %and3A_588 {add = true} : memref<5120x16xf32, #tpu.memory_space<vmem>>[vector<16xi32>, vector<16xi32>], vector<16xf32>, vector<16xi1>
        %eq3A_624 = arith.constant 0 : i32
        %eq3A_625 = arith.cmpi eq, %arg1, %eq3A_624 : i32
        %convert_element_type3A_626 = arith.extui %eq3A_625 : i1 to i32
        %cond3A_627 = arith.constant 0 : i32
        %cond3A_628 = arith.cmpi ne, %convert_element_type3A_626, %cond3A_627 : i32
        scf.if %cond3A_628 {
          %shift_right_arithmetic3A = arith.constant 7 : i32
          %shift_right_arithmetic3A_629 = vector.broadcast %shift_right_arithmetic3A : i32 to vector<16xi32>
          %shift_right_arithmetic3A_630 = arith.shrsi %get3A_579, %shift_right_arithmetic3A_629 : vector<16xi32>
          %and3A_631 = arith.constant 127 : i32
          %and3A_632 = vector.broadcast %and3A_631 : i32 to vector<16xi32>
          %and3A_633 = arith.andi %get3A_579, %and3A_632 : vector<16xi32>
          tpu.vector_store_idx %arg18[%shift_right_arithmetic3A_630, %and3A_633], %get3A_581 {add = true} : memref<80x128xf32, #tpu.memory_space<vmem>>[vector<16xi32>, vector<16xi32>], vector<16xf32>,
        } else {
        }
      }
      %scan3A_395 = arith.constant 40 : i32
      %add3A_396 = arith.constant 2 : i32
      %add3A_397 = arith.addi %mul3A_218, %add3A_396 : i32
      %add3A_398 = arith.constant 1 : i32
      %add3A_399 = arith.addi %add3A_397, %add3A_398 : i32
      %add3A_400 = arith.constant 2 : i32
      %add3A_401 = arith.addi %add3A_397, %add3A_400 : i32
      %jit3A_402 = arith.constant 2 : i32
      %div3A_403 = arith.divsi %add3A_401, %jit3A_402 : i32
      %sign3A_404 = arith.constant 0 : i32
      %sign3A_405 = arith.cmpi sgt, %add3A_401, %sign3A_404 : i32
      %sign3A_406 = arith.extui %sign3A_405 : i1 to i32
      %sign3A_407 = arith.constant 0 : i32
      %sign3A_408 = arith.cmpi slt, %add3A_401, %sign3A_407 : i32
      %sign3A_409 = arith.extui %sign3A_408 : i1 to i32
      %sign3A_410 = arith.subi %sign3A_406, %sign3A_409 : i32
      %sign3A_411 = arith.constant 0 : i32
      %sign3A_412 = arith.cmpi sgt, %jit3A_402, %sign3A_411 : i32
      %sign3A_413 = arith.extui %sign3A_412 : i1 to i32
      %sign3A_414 = arith.constant 0 : i32
      %sign3A_415 = arith.cmpi slt, %jit3A_402, %sign3A_414 : i32
      %sign3A_416 = arith.extui %sign3A_415 : i1 to i32
      %sign3A_417 = arith.subi %sign3A_413, %sign3A_416 : i32
      %ne3A_418 = arith.cmpi ne, %sign3A_410, %sign3A_417 : i32
      %rem3A_419 = arith.remsi %add3A_401, %jit3A_402 : i32
      %ne3A_420 = arith.constant 0 : i32
      %ne3A_421 = arith.cmpi ne, %rem3A_419, %ne3A_420 : i32
      %and3A_422 = arith.andi %ne3A_418, %ne3A_421 : i1
      %sub3A_423 = arith.constant 1 : i32
      %sub3A_424 = arith.subi %div3A_403, %sub3A_423 : i32
      %select_n3A_425 = arith.select %and3A_422, %sub3A_424, %div3A_403 : i32
      %mul3A_426 = arith.constant 1280 : i32
      %mul3A_427 = arith.muli %select_n3A_425, %mul3A_426 : i32
      %lt3A_428 = arith.constant 320000 : i32
      %lt3A_429 = arith.cmpi slt, %mul3A_427, %lt3A_428 : i32
      %convert_element_type3A_430 = arith.extui %lt3A_429 : i1 to i32
      %cond3A_431 = arith.constant 0 : i32
      %cond3A_432 = arith.cmpi ne, %convert_element_type3A_430, %cond3A_431 : i32
      scf.if %cond3A_432 {
        %mul3A_575 = arith.constant 1280 : i32
        %mul3A_576 = arith.muli %select_n3A_425, %mul3A_575 : i32
        %mul3A_577 = arith.constant 320000 : i32
        %mul3A_578 = arith.muli %arg0, %mul3A_577 : i32
        %add3A_579 = arith.addi %mul3A_578, %mul3A_576 : i32
        %dma_start3A_580 = tpu.memref_slice %arg3[%add3A_579] : memref<640000xi32, #tpu.memory_space<hbm>> -> memref<1280xi32, #tpu.memory_space<hbm>>
        %dma_start3A_581 = tpu.memref_slice %arg3[%add3A_579] : memref<640000xi32, #tpu.memory_space<hbm>> -> memref<1280xi32, #tpu.memory_space<hbm>>
        tpu.enqueue_dma source(%dma_start3A_581 : memref<1280xi32, #tpu.memory_space<hbm>>) target(%arg9 : memref<1280xi32, #tpu.memory_space<vmem>>) target_semaphore(%arg21 : memref<!tpu.dma_semaphore, #tpu.memory_space<semaphore_mem>>)
        %sub3A_582 = arith.constant 1 : i32
        %sub3A_583 = arith.subi %sub3A_582, %arg0 : i32
        %mul3A_584 = arith.constant 320000 : i32
        %mul3A_585 = arith.muli %sub3A_583, %mul3A_584 : i32
        %add3A_586 = arith.addi %mul3A_585, %mul3A_576 : i32
        %dma_start3A_587 = tpu.memref_slice %arg3[%add3A_586] : memref<640000xi32, #tpu.memory_space<hbm>> -> memref<1280xi32, #tpu.memory_space<hbm>>
        %dma_start3A_588 = tpu.memref_slice %arg3[%add3A_586] : memref<640000xi32, #tpu.memory_space<hbm>> -> memref<1280xi32, #tpu.memory_space<hbm>>
        tpu.enqueue_dma source(%dma_start3A_588 : memref<1280xi32, #tpu.memory_space<hbm>>) target(%arg10 : memref<1280xi32, #tpu.memory_space<vmem>>) target_semaphore(%arg21 : memref<!tpu.dma_semaphore, #tpu.memory_space<semaphore_mem>>)
        %dma_start3A_589 = tpu.memref_slice %arg4[%mul3A_576] : memref<320000xf32, #tpu.memory_space<hbm>> -> memref<1280xf32, #tpu.memory_space<hbm>>
        %dma_start3A_590 = tpu.memref_slice %arg4[%mul3A_576] : memref<320000xf32, #tpu.memory_space<hbm>> -> memref<1280xf32, #tpu.memory_space<hbm>>
        tpu.enqueue_dma source(%dma_start3A_590 : memref<1280xf32, #tpu.memory_space<hbm>>) target(%arg11 : memref<1280xf32, #tpu.memory_space<vmem>>) target_semaphore(%arg21 : memref<!tpu.dma_semaphore, #tpu.memory_space<semaphore_mem>>)
      } else {
      }
      %lt3A_433 = arith.constant 500 : i32
      %lt3A_434 = arith.cmpi slt, %add3A_399, %lt3A_433 : i32
      %convert_element_type3A_435 = arith.extui %lt3A_434 : i1 to i32
      %cond3A_436 = arith.constant 0 : i32
      %cond3A_437 = arith.cmpi ne, %convert_element_type3A_435, %cond3A_436 : i32
      scf.if %cond3A_437 {
        %jit3A_575 = arith.constant 2 : i32
        %eq3A_576 = arith.constant 0 : i32
        %eq3A_577 = arith.cmpi eq, %jit3A_575, %eq3A_576 : i32
        %jit3A_578 = arith.constant 1 : i32
        %select_n3A_579 = arith.select %eq3A_577, %jit3A_578, %jit3A_575 : i32
        %rem3A_580 = arith.remsi %add3A_399, %select_n3A_579 : i32
        %ne3A_581 = arith.constant 0 : i32
        %ne3A_582 = arith.cmpi ne, %rem3A_580, %ne3A_581 : i32
        %lt3A_583 = arith.constant 0 : i32
        %lt3A_584 = arith.cmpi slt, %rem3A_580, %lt3A_583 : i32
        %lt3A_585 = arith.constant 0 : i32
        %lt3A_586 = arith.cmpi slt, %select_n3A_579, %lt3A_585 : i32
        %ne3A_587 = arith.xori %lt3A_584, %lt3A_586 : i1
        %and3A_588 = arith.andi %ne3A_587, %ne3A_582 : i1
        %add3A_589 = arith.addi %rem3A_580, %select_n3A_579 : i32
        %select_n3A_590 = arith.select %and3A_588, %add3A_589, %rem3A_580 : i32
        %mul3A_591 = arith.constant 640 : i32
        %mul3A_592 = arith.muli %select_n3A_590, %mul3A_591 : i32
        %add3A_593 = arith.constant 0 : i32
        %add3A_594 = arith.addi %mul3A_592, %add3A_593 : i32
        %dma_start3A_595 = arith.constant 0 : i32
        %dma_start3A_596 = arith.constant 0 : i32
        %dma_start3A_597 = tpu.memref_slice %arg16[%dma_start3A_595, %dma_start3A_596] : memref<640x16xf32, #tpu.memory_space<vmem>> -> memref<128x16xf32, #tpu.memory_space<vmem>>
        %dma_start3A_598 = tpu.memref_slice %arg12[%add3A_594] : memref<1280xi32, #tpu.memory_space<vmem>> -> memref<128xi32, #tpu.memory_space<vmem>>
        %dma_start3A_599 = arith.constant 0 : i32
        %dma_start3A_600 = arith.constant 0 : i32
        %dma_start3A_601 = tpu.memref_slice %arg2[%dma_start3A_599, %dma_start3A_600] : memref<80000x16xf32, #tpu.memory_space<hbm>> -> memref<80000x16xf32, #tpu.memory_space<hbm>>
        tpu.enqueue_indirect_dma source(%dma_start3A_601 : memref<80000x16xf32, #tpu.memory_space<hbm>>) target(%dma_start3A_597 : memref<128x16xf32, #tpu.memory_space<vmem>>) offsets(%dma_start3A_598 : memref<128xi32, #tpu.memory_space<vmem>>) semaphore(%arg20 : memref<!tpu.dma_semaphore, #tpu.memory_space<semaphore_mem>>)
        %add3A_602 = arith.constant 128 : i32
        %add3A_603 = arith.addi %mul3A_592, %add3A_602 : i32
        %dma_start3A_604 = arith.constant 128 : i32
        %dma_start3A_605 = arith.constant 0 : i32
        %dma_start3A_606 = tpu.memref_slice %arg16[%dma_start3A_604, %dma_start3A_605] : memref<640x16xf32, #tpu.memory_space<vmem>> -> memref<128x16xf32, #tpu.memory_space<vmem>>
        %dma_start3A_607 = tpu.memref_slice %arg12[%add3A_603] : memref<1280xi32, #tpu.memory_space<vmem>> -> memref<128xi32, #tpu.memory_space<vmem>>
        %dma_start3A_608 = arith.constant 0 : i32
        %dma_start3A_609 = arith.constant 0 : i32
        %dma_start3A_610 = tpu.memref_slice %arg2[%dma_start3A_608, %dma_start3A_609] : memref<80000x16xf32, #tpu.memory_space<hbm>> -> memref<80000x16xf32, #tpu.memory_space<hbm>>
        tpu.enqueue_indirect_dma source(%dma_start3A_610 : memref<80000x16xf32, #tpu.memory_space<hbm>>) target(%dma_start3A_606 : memref<128x16xf32, #tpu.memory_space<vmem>>) offsets(%dma_start3A_607 : memref<128xi32, #tpu.memory_space<vmem>>) semaphore(%arg20 : memref<!tpu.dma_semaphore, #tpu.memory_space<semaphore_mem>>)
        %add3A_611 = arith.constant 256 : i32
        %add3A_612 = arith.addi %mul3A_592, %add3A_611 : i32
        %dma_start3A_613 = arith.constant 256 : i32
        %dma_start3A_614 = arith.constant 0 : i32
        %dma_start3A_615 = tpu.memref_slice %arg16[%dma_start3A_613, %dma_start3A_614] : memref<640x16xf32, #tpu.memory_space<vmem>> -> memref<128x16xf32, #tpu.memory_space<vmem>>
        %dma_start3A_616 = tpu.memref_slice %arg12[%add3A_612] : memref<1280xi32, #tpu.memory_space<vmem>> -> memref<128xi32, #tpu.memory_space<vmem>>
        %dma_start3A_617 = arith.constant 0 : i32
        %dma_start3A_618 = arith.constant 0 : i32
        %dma_start3A_619 = tpu.memref_slice %arg2[%dma_start3A_617, %dma_start3A_618] : memref<80000x16xf32, #tpu.memory_space<hbm>> -> memref<80000x16xf32, #tpu.memory_space<hbm>>
        tpu.enqueue_indirect_dma source(%dma_start3A_619 : memref<80000x16xf32, #tpu.memory_space<hbm>>) target(%dma_start3A_615 : memref<128x16xf32, #tpu.memory_space<vmem>>) offsets(%dma_start3A_616 : memref<128xi32, #tpu.memory_space<vmem>>) semaphore(%arg20 : memref<!tpu.dma_semaphore, #tpu.memory_space<semaphore_mem>>)
        %add3A_620 = arith.constant 384 : i32
        %add3A_621 = arith.addi %mul3A_592, %add3A_620 : i32
        %dma_start3A_622 = arith.constant 384 : i32
        %dma_start3A_623 = arith.constant 0 : i32
        %dma_start3A_624 = tpu.memref_slice %arg16[%dma_start3A_622, %dma_start3A_623] : memref<640x16xf32, #tpu.memory_space<vmem>> -> memref<128x16xf32, #tpu.memory_space<vmem>>
        %dma_start3A_625 = tpu.memref_slice %arg12[%add3A_621] : memref<1280xi32, #tpu.memory_space<vmem>> -> memref<128xi32, #tpu.memory_space<vmem>>
        %dma_start3A_626 = arith.constant 0 : i32
        %dma_start3A_627 = arith.constant 0 : i32
        %dma_start3A_628 = tpu.memref_slice %arg2[%dma_start3A_626, %dma_start3A_627] : memref<80000x16xf32, #tpu.memory_space<hbm>> -> memref<80000x16xf32, #tpu.memory_space<hbm>>
        tpu.enqueue_indirect_dma source(%dma_start3A_628 : memref<80000x16xf32, #tpu.memory_space<hbm>>) target(%dma_start3A_624 : memref<128x16xf32, #tpu.memory_space<vmem>>) offsets(%dma_start3A_625 : memref<128xi32, #tpu.memory_space<vmem>>) semaphore(%arg20 : memref<!tpu.dma_semaphore, #tpu.memory_space<semaphore_mem>>)
        %add3A_629 = arith.constant 512 : i32
        %add3A_630 = arith.addi %mul3A_592, %add3A_629 : i32
        %dma_start3A_631 = arith.constant 512 : i32
        %dma_start3A_632 = arith.constant 0 : i32
        %dma_start3A_633 = tpu.memref_slice %arg16[%dma_start3A_631, %dma_start3A_632] : memref<640x16xf32, #tpu.memory_space<vmem>> -> memref<128x16xf32, #tpu.memory_space<vmem>>
        %dma_start3A_634 = tpu.memref_slice %arg12[%add3A_630] : memref<1280xi32, #tpu.memory_space<vmem>> -> memref<128xi32, #tpu.memory_space<vmem>>
        %dma_start3A_635 = arith.constant 0 : i32
        %dma_start3A_636 = arith.constant 0 : i32
        %dma_start3A_637 = tpu.memref_slice %arg2[%dma_start3A_635, %dma_start3A_636] : memref<80000x16xf32, #tpu.memory_space<hbm>> -> memref<80000x16xf32, #tpu.memory_space<hbm>>
        tpu.enqueue_indirect_dma source(%dma_start3A_637 : memref<80000x16xf32, #tpu.memory_space<hbm>>) target(%dma_start3A_633 : memref<128x16xf32, #tpu.memory_space<vmem>>) offsets(%dma_start3A_634 : memref<128xi32, #tpu.memory_space<vmem>>) semaphore(%arg20 : memref<!tpu.dma_semaphore, #tpu.memory_space<semaphore_mem>>)
      } else {
      }
      %dma_wait3A_438 = arith.constant 0 : i32
      %dma_wait3A_439 = arith.constant 0 : i32
      %dma_wait3A_440 = tpu.memref_slice %arg15[%dma_wait3A_438, %dma_wait3A_439] : memref<640x16xf32, #tpu.memory_space<vmem>> -> memref<128x16xf32, #tpu.memory_space<vmem>>
      %dma_wait3A_441 = arith.constant 0 : i32
      %dma_wait3A_442 = tpu.memref_slice %arg12[%dma_wait3A_441] : memref<1280xi32, #tpu.memory_space<vmem>> -> memref<128xi32, #tpu.memory_space<vmem>>
      %dma_wait3A_443 = arith.constant 0 : i32
      %dma_wait3A_444 = arith.constant 0 : i32
      %dma_wait3A_445 = tpu.memref_slice %arg2[%dma_wait3A_443, %dma_wait3A_444] : memref<80000x16xf32, #tpu.memory_space<hbm>> -> memref<80000x16xf32, #tpu.memory_space<hbm>>
      tpu.wait_indirect_dma semaphore(%arg19 : memref<!tpu.dma_semaphore, #tpu.memory_space<semaphore_mem>>) src(%dma_wait3A_445 : memref<80000x16xf32, #tpu.memory_space<hbm>>) dst(%dma_wait3A_440 : memref<128x16xf32, #tpu.memory_space<vmem>>)
      %dma_wait3A_446 = arith.constant 128 : i32
      %dma_wait3A_447 = arith.constant 0 : i32
      %dma_wait3A_448 = tpu.memref_slice %arg15[%dma_wait3A_446, %dma_wait3A_447] : memref<640x16xf32, #tpu.memory_space<vmem>> -> memref<128x16xf32, #tpu.memory_space<vmem>>
      %dma_wait3A_449 = arith.constant 128 : i32
      %dma_wait3A_450 = tpu.memref_slice %arg12[%dma_wait3A_449] : memref<1280xi32, #tpu.memory_space<vmem>> -> memref<128xi32, #tpu.memory_space<vmem>>
      %dma_wait3A_451 = arith.constant 0 : i32
      %dma_wait3A_452 = arith.constant 0 : i32
      %dma_wait3A_453 = tpu.memref_slice %arg2[%dma_wait3A_451, %dma_wait3A_452] : memref<80000x16xf32, #tpu.memory_space<hbm>> -> memref<80000x16xf32, #tpu.memory_space<hbm>>
      tpu.wait_indirect_dma semaphore(%arg19 : memref<!tpu.dma_semaphore, #tpu.memory_space<semaphore_mem>>) src(%dma_wait3A_453 : memref<80000x16xf32, #tpu.memory_space<hbm>>) dst(%dma_wait3A_448 : memref<128x16xf32, #tpu.memory_space<vmem>>)
      %dma_wait3A_454 = arith.constant 256 : i32
      %dma_wait3A_455 = arith.constant 0 : i32
      %dma_wait3A_456 = tpu.memref_slice %arg15[%dma_wait3A_454, %dma_wait3A_455] : memref<640x16xf32, #tpu.memory_space<vmem>> -> memref<128x16xf32, #tpu.memory_space<vmem>>
      %dma_wait3A_457 = arith.constant 256 : i32
      %dma_wait3A_458 = tpu.memref_slice %arg12[%dma_wait3A_457] : memref<1280xi32, #tpu.memory_space<vmem>> -> memref<128xi32, #tpu.memory_space<vmem>>
      %dma_wait3A_459 = arith.constant 0 : i32
      %dma_wait3A_460 = arith.constant 0 : i32
      %dma_wait3A_461 = tpu.memref_slice %arg2[%dma_wait3A_459, %dma_wait3A_460] : memref<80000x16xf32, #tpu.memory_space<hbm>> -> memref<80000x16xf32, #tpu.memory_space<hbm>>
      tpu.wait_indirect_dma semaphore(%arg19 : memref<!tpu.dma_semaphore, #tpu.memory_space<semaphore_mem>>) src(%dma_wait3A_461 : memref<80000x16xf32, #tpu.memory_space<hbm>>) dst(%dma_wait3A_456 : memref<128x16xf32, #tpu.memory_space<vmem>>)
      %dma_wait3A_462 = arith.constant 384 : i32
      %dma_wait3A_463 = arith.constant 0 : i32
      %dma_wait3A_464 = tpu.memref_slice %arg15[%dma_wait3A_462, %dma_wait3A_463] : memref<640x16xf32, #tpu.memory_space<vmem>> -> memref<128x16xf32, #tpu.memory_space<vmem>>
      %dma_wait3A_465 = arith.constant 384 : i32
      %dma_wait3A_466 = tpu.memref_slice %arg12[%dma_wait3A_465] : memref<1280xi32, #tpu.memory_space<vmem>> -> memref<128xi32, #tpu.memory_space<vmem>>
      %dma_wait3A_467 = arith.constant 0 : i32
      %dma_wait3A_468 = arith.constant 0 : i32
      %dma_wait3A_469 = tpu.memref_slice %arg2[%dma_wait3A_467, %dma_wait3A_468] : memref<80000x16xf32, #tpu.memory_space<hbm>> -> memref<80000x16xf32, #tpu.memory_space<hbm>>
      tpu.wait_indirect_dma semaphore(%arg19 : memref<!tpu.dma_semaphore, #tpu.memory_space<semaphore_mem>>) src(%dma_wait3A_469 : memref<80000x16xf32, #tpu.memory_space<hbm>>) dst(%dma_wait3A_464 : memref<128x16xf32, #tpu.memory_space<vmem>>)
      %dma_wait3A_470 = arith.constant 512 : i32
      %dma_wait3A_471 = arith.constant 0 : i32
      %dma_wait3A_472 = tpu.memref_slice %arg15[%dma_wait3A_470, %dma_wait3A_471] : memref<640x16xf32, #tpu.memory_space<vmem>> -> memref<128x16xf32, #tpu.memory_space<vmem>>
      %dma_wait3A_473 = arith.constant 512 : i32
      %dma_wait3A_474 = tpu.memref_slice %arg12[%dma_wait3A_473] : memref<1280xi32, #tpu.memory_space<vmem>> -> memref<128xi32, #tpu.memory_space<vmem>>
      %dma_wait3A_475 = arith.constant 0 : i32
      %dma_wait3A_476 = arith.constant 0 : i32
      %dma_wait3A_477 = tpu.memref_slice %arg2[%dma_wait3A_475, %dma_wait3A_476] : memref<80000x16xf32, #tpu.memory_space<hbm>> -> memref<80000x16xf32, #tpu.memory_space<hbm>>
      tpu.wait_indirect_dma semaphore(%arg19 : memref<!tpu.dma_semaphore, #tpu.memory_space<semaphore_mem>>) src(%dma_wait3A_477 : memref<80000x16xf32, #tpu.memory_space<hbm>>) dst(%dma_wait3A_472 : memref<128x16xf32, #tpu.memory_space<vmem>>)
      %jit3A_478 = arith.constant 2 : i32
      %eq3A_479 = arith.constant 0 : i32
      %eq3A_480 = arith.cmpi eq, %jit3A_478, %eq3A_479 : i32
      %jit3A_481 = arith.constant 1 : i32
      %select_n3A_482 = arith.select %eq3A_480, %jit3A_481, %jit3A_478 : i32
      %rem3A_483 = arith.remsi %add3A_397, %select_n3A_482 : i32
      %ne3A_484 = arith.constant 0 : i32
      %ne3A_485 = arith.cmpi ne, %rem3A_483, %ne3A_484 : i32
      %lt3A_486 = arith.constant 0 : i32
      %lt3A_487 = arith.cmpi slt, %rem3A_483, %lt3A_486 : i32
      %lt3A_488 = arith.constant 0 : i32
      %lt3A_489 = arith.cmpi slt, %select_n3A_482, %lt3A_488 : i32
      %ne3A_490 = arith.xori %lt3A_487, %lt3A_489 : i1
      %and3A_491 = arith.andi %ne3A_490, %ne3A_485 : i1
      %add3A_492 = arith.addi %rem3A_483, %select_n3A_482 : i32
      %select_n3A_493 = arith.select %and3A_491, %add3A_492, %rem3A_483 : i32
      %mul3A_494 = arith.constant 640 : i32
      %mul3A_495 = arith.muli %select_n3A_493, %mul3A_494 : i32
      %scan3A_496 = arith.constant 0 : i32
      %scan3A_497 = arith.constant 0 : i32
      %scan3A_498 = arith.constant 40 : i32
      %scan3A_499 = arith.addi %scan3A_497, %scan3A_498 : i32
      %scan3A_500 = arith.constant 1 : i32
      scf.for %scan3A_575 = %scan3A_497 to %scan3A_499 step %scan3A_500  : i32 {
        %mul3A_576 = arith.constant 16 : i32
        %mul3A_577 = arith.muli %scan3A_575, %mul3A_576 : i32
        %add3A_578 = arith.addi %mul3A_495, %mul3A_577 : i32
        %get3A = arith.index_cast %add3A_578 : i32 to index
        %get3A_579 = tpu.vector_load %arg13[%get3A] {strides = array<i32>} : memref<1280xi32, #tpu.memory_space<vmem>>, vector<16xi32>,
        %get3A_580 = arith.index_cast %add3A_578 : i32 to index
        %get3A_581 = tpu.vector_load %arg14[%get3A_580] {strides = array<i32>} : memref<1280xf32, #tpu.memory_space<vmem>>, vector<16xf32>,
        %sub3A_582 = vector.broadcast %mul3A_29 : i32 to vector<16xi32>
        %sub3A_583 = arith.subi %get3A_579, %sub3A_582 : vector<16xi32>
        %ge3A = vector.broadcast %mul3A_29 : i32 to vector<16xi32>
        %ge3A_584 = arith.cmpi sge, %get3A_579, %ge3A : vector<16xi32>
        %lt3A_585 = arith.constant 5120 : i32
        %lt3A_586 = vector.broadcast %lt3A_585 : i32 to vector<16xi32>
        %lt3A_587 = arith.cmpi slt, %sub3A_583, %lt3A_586 : vector<16xi32>
        %and3A_588 = arith.andi %ge3A_584, %lt3A_587 : vector<16xi1>
        %mul3A_589 = arith.constant 16 : i32
        %mul3A_590 = arith.muli %scan3A_575, %mul3A_589 : i32
        %add3A_591 = vector.broadcast %mul3A_590 : i32 to vector<16xi32>
        %add3A_592 = arith.addi %iota3A, %add3A_591 : vector<16xi32>
        %gather3A = tpu.vector_load_idx %arg15[%add3A_592, %and3A_37] : memref<640x16xf32, #tpu.memory_space<vmem>>[vector<16xi32>, vector<16xi32>], vector<16xf32>,
        %mul3A_593 = arith.mulf %gather3A, %get3A_581 : vector<16xf32>
        tpu.vector_store_idx %arg17[%sub3A_583, %and3A_37], %mul3A_593 masked %and3A_588 {add = true} : memref<5120x16xf32, #tpu.memory_space<vmem>>[vector<16xi32>, vector<16xi32>], vector<16xf32>, vector<16xi1>
        %gather3A_594 = tpu.vector_load_idx %arg15[%add3A_592, %and3A_43] : memref<640x16xf32, #tpu.memory_space<vmem>>[vector<16xi32>, vector<16xi32>], vector<16xf32>,
        %mul3A_595 = arith.mulf %gather3A_594, %get3A_581 : vector<16xf32>
        tpu.vector_store_idx %arg17[%sub3A_583, %and3A_43], %mul3A_595 masked %and3A_588 {add = true} : memref<5120x16xf32, #tpu.memory_space<vmem>>[vector<16xi32>, vector<16xi32>], vector<16xf32>, vector<16xi1>
        %gather3A_596 = tpu.vector_load_idx %arg15[%add3A_592, %and3A_49] : memref<640x16xf32, #tpu.memory_space<vmem>>[vector<16xi32>, vector<16xi32>], vector<16xf32>,
        %mul3A_597 = arith.mulf %gather3A_596, %get3A_581 : vector<16xf32>
        tpu.vector_store_idx %arg17[%sub3A_583, %and3A_49], %mul3A_597 masked %and3A_588 {add = true} : memref<5120x16xf32, #tpu.memory_space<vmem>>[vector<16xi32>, vector<16xi32>], vector<16xf32>, vector<16xi1>
        %gather3A_598 = tpu.vector_load_idx %arg15[%add3A_592, %and3A_55] : memref<640x16xf32, #tpu.memory_space<vmem>>[vector<16xi32>, vector<16xi32>], vector<16xf32>,
        %mul3A_599 = arith.mulf %gather3A_598, %get3A_581 : vector<16xf32>
        tpu.vector_store_idx %arg17[%sub3A_583, %and3A_55], %mul3A_599 masked %and3A_588 {add = true} : memref<5120x16xf32, #tpu.memory_space<vmem>>[vector<16xi32>, vector<16xi32>], vector<16xf32>, vector<16xi1>
        %gather3A_600 = tpu.vector_load_idx %arg15[%add3A_592, %and3A_61] : memref<640x16xf32, #tpu.memory_space<vmem>>[vector<16xi32>, vector<16xi32>], vector<16xf32>,
        %mul3A_601 = arith.mulf %gather3A_600, %get3A_581 : vector<16xf32>
        tpu.vector_store_idx %arg17[%sub3A_583, %and3A_61], %mul3A_601 masked %and3A_588 {add = true} : memref<5120x16xf32, #tpu.memory_space<vmem>>[vector<16xi32>, vector<16xi32>], vector<16xf32>, vector<16xi1>
        %gather3A_602 = tpu.vector_load_idx %arg15[%add3A_592, %and3A_67] : memref<640x16xf32, #tpu.memory_space<vmem>>[vector<16xi32>, vector<16xi32>], vector<16xf32>,
        %mul3A_603 = arith.mulf %gather3A_602, %get3A_581 : vector<16xf32>
        tpu.vector_store_idx %arg17[%sub3A_583, %and3A_67], %mul3A_603 masked %and3A_588 {add = true} : memref<5120x16xf32, #tpu.memory_space<vmem>>[vector<16xi32>, vector<16xi32>], vector<16xf32>, vector<16xi1>
        %gather3A_604 = tpu.vector_load_idx %arg15[%add3A_592, %and3A_73] : memref<640x16xf32, #tpu.memory_space<vmem>>[vector<16xi32>, vector<16xi32>], vector<16xf32>,
        %mul3A_605 = arith.mulf %gather3A_604, %get3A_581 : vector<16xf32>
        tpu.vector_store_idx %arg17[%sub3A_583, %and3A_73], %mul3A_605 masked %and3A_588 {add = true} : memref<5120x16xf32, #tpu.memory_space<vmem>>[vector<16xi32>, vector<16xi32>], vector<16xf32>, vector<16xi1>
        %gather3A_606 = tpu.vector_load_idx %arg15[%add3A_592, %and3A_79] : memref<640x16xf32, #tpu.memory_space<vmem>>[vector<16xi32>, vector<16xi32>], vector<16xf32>,
        %mul3A_607 = arith.mulf %gather3A_606, %get3A_581 : vector<16xf32>
        tpu.vector_store_idx %arg17[%sub3A_583, %and3A_79], %mul3A_607 masked %and3A_588 {add = true} : memref<5120x16xf32, #tpu.memory_space<vmem>>[vector<16xi32>, vector<16xi32>], vector<16xf32>, vector<16xi1>
        %gather3A_608 = tpu.vector_load_idx %arg15[%add3A_592, %and3A_85] : memref<640x16xf32, #tpu.memory_space<vmem>>[vector<16xi32>, vector<16xi32>], vector<16xf32>,
        %mul3A_609 = arith.mulf %gather3A_608, %get3A_581 : vector<16xf32>
        tpu.vector_store_idx %arg17[%sub3A_583, %and3A_85], %mul3A_609 masked %and3A_588 {add = true} : memref<5120x16xf32, #tpu.memory_space<vmem>>[vector<16xi32>, vector<16xi32>], vector<16xf32>, vector<16xi1>
        %gather3A_610 = tpu.vector_load_idx %arg15[%add3A_592, %and3A_91] : memref<640x16xf32, #tpu.memory_space<vmem>>[vector<16xi32>, vector<16xi32>], vector<16xf32>,
        %mul3A_611 = arith.mulf %gather3A_610, %get3A_581 : vector<16xf32>
        tpu.vector_store_idx %arg17[%sub3A_583, %and3A_91], %mul3A_611 masked %and3A_588 {add = true} : memref<5120x16xf32, #tpu.memory_space<vmem>>[vector<16xi32>, vector<16xi32>], vector<16xf32>, vector<16xi1>
        %gather3A_612 = tpu.vector_load_idx %arg15[%add3A_592, %and3A_97] : memref<640x16xf32, #tpu.memory_space<vmem>>[vector<16xi32>, vector<16xi32>], vector<16xf32>,
        %mul3A_613 = arith.mulf %gather3A_612, %get3A_581 : vector<16xf32>
        tpu.vector_store_idx %arg17[%sub3A_583, %and3A_97], %mul3A_613 masked %and3A_588 {add = true} : memref<5120x16xf32, #tpu.memory_space<vmem>>[vector<16xi32>, vector<16xi32>], vector<16xf32>, vector<16xi1>
        %gather3A_614 = tpu.vector_load_idx %arg15[%add3A_592, %and3A_103] : memref<640x16xf32, #tpu.memory_space<vmem>>[vector<16xi32>, vector<16xi32>], vector<16xf32>,
        %mul3A_615 = arith.mulf %gather3A_614, %get3A_581 : vector<16xf32>
        tpu.vector_store_idx %arg17[%sub3A_583, %and3A_103], %mul3A_615 masked %and3A_588 {add = true} : memref<5120x16xf32, #tpu.memory_space<vmem>>[vector<16xi32>, vector<16xi32>], vector<16xf32>, vector<16xi1>
        %gather3A_616 = tpu.vector_load_idx %arg15[%add3A_592, %and3A_109] : memref<640x16xf32, #tpu.memory_space<vmem>>[vector<16xi32>, vector<16xi32>], vector<16xf32>,
        %mul3A_617 = arith.mulf %gather3A_616, %get3A_581 : vector<16xf32>
        tpu.vector_store_idx %arg17[%sub3A_583, %and3A_109], %mul3A_617 masked %and3A_588 {add = true} : memref<5120x16xf32, #tpu.memory_space<vmem>>[vector<16xi32>, vector<16xi32>], vector<16xf32>, vector<16xi1>
        %gather3A_618 = tpu.vector_load_idx %arg15[%add3A_592, %and3A_115] : memref<640x16xf32, #tpu.memory_space<vmem>>[vector<16xi32>, vector<16xi32>], vector<16xf32>,
        %mul3A_619 = arith.mulf %gather3A_618, %get3A_581 : vector<16xf32>
        tpu.vector_store_idx %arg17[%sub3A_583, %and3A_115], %mul3A_619 masked %and3A_588 {add = true} : memref<5120x16xf32, #tpu.memory_space<vmem>>[vector<16xi32>, vector<16xi32>], vector<16xf32>, vector<16xi1>
        %gather3A_620 = tpu.vector_load_idx %arg15[%add3A_592, %and3A_121] : memref<640x16xf32, #tpu.memory_space<vmem>>[vector<16xi32>, vector<16xi32>], vector<16xf32>,
        %mul3A_621 = arith.mulf %gather3A_620, %get3A_581 : vector<16xf32>
        tpu.vector_store_idx %arg17[%sub3A_583, %and3A_121], %mul3A_621 masked %and3A_588 {add = true} : memref<5120x16xf32, #tpu.memory_space<vmem>>[vector<16xi32>, vector<16xi32>], vector<16xf32>, vector<16xi1>
        %gather3A_622 = tpu.vector_load_idx %arg15[%add3A_592, %and3A_127] : memref<640x16xf32, #tpu.memory_space<vmem>>[vector<16xi32>, vector<16xi32>], vector<16xf32>,
        %mul3A_623 = arith.mulf %gather3A_622, %get3A_581 : vector<16xf32>
        tpu.vector_store_idx %arg17[%sub3A_583, %and3A_127], %mul3A_623 masked %and3A_588 {add = true} : memref<5120x16xf32, #tpu.memory_space<vmem>>[vector<16xi32>, vector<16xi32>], vector<16xf32>, vector<16xi1>
        %eq3A_624 = arith.constant 0 : i32
        %eq3A_625 = arith.cmpi eq, %arg1, %eq3A_624 : i32
        %convert_element_type3A_626 = arith.extui %eq3A_625 : i1 to i32
        %cond3A_627 = arith.constant 0 : i32
        %cond3A_628 = arith.cmpi ne, %convert_element_type3A_626, %cond3A_627 : i32
        scf.if %cond3A_628 {
          %shift_right_arithmetic3A = arith.constant 7 : i32
          %shift_right_arithmetic3A_629 = vector.broadcast %shift_right_arithmetic3A : i32 to vector<16xi32>
          %shift_right_arithmetic3A_630 = arith.shrsi %get3A_579, %shift_right_arithmetic3A_629 : vector<16xi32>
          %and3A_631 = arith.constant 127 : i32
          %and3A_632 = vector.broadcast %and3A_631 : i32 to vector<16xi32>
          %and3A_633 = arith.andi %get3A_579, %and3A_632 : vector<16xi32>
          tpu.vector_store_idx %arg18[%shift_right_arithmetic3A_630, %and3A_633], %get3A_581 {add = true} : memref<80x128xf32, #tpu.memory_space<vmem>>[vector<16xi32>, vector<16xi32>], vector<16xf32>,
        } else {
        }
      }
      %scan3A_501 = arith.constant 40 : i32
      %add3A_502 = arith.constant 3 : i32
      %add3A_503 = arith.addi %mul3A_218, %add3A_502 : i32
      %add3A_504 = arith.constant 1 : i32
      %add3A_505 = arith.addi %add3A_503, %add3A_504 : i32
      %lt3A_506 = arith.constant 500 : i32
      %lt3A_507 = arith.cmpi slt, %add3A_505, %lt3A_506 : i32
      %convert_element_type3A_508 = arith.extui %lt3A_507 : i1 to i32
      %cond3A_509 = arith.constant 0 : i32
      %cond3A_510 = arith.cmpi ne, %convert_element_type3A_508, %cond3A_509 : i32
      scf.if %cond3A_510 {
        %jit3A_575 = arith.constant 2 : i32
        %div3A_576 = arith.divsi %add3A_505, %jit3A_575 : i32
        %sign3A_577 = arith.constant 0 : i32
        %sign3A_578 = arith.cmpi sgt, %add3A_505, %sign3A_577 : i32
        %sign3A_579 = arith.extui %sign3A_578 : i1 to i32
        %sign3A_580 = arith.constant 0 : i32
        %sign3A_581 = arith.cmpi slt, %add3A_505, %sign3A_580 : i32
        %sign3A_582 = arith.extui %sign3A_581 : i1 to i32
        %sign3A_583 = arith.subi %sign3A_579, %sign3A_582 : i32
        %sign3A_584 = arith.constant 0 : i32
        %sign3A_585 = arith.cmpi sgt, %jit3A_575, %sign3A_584 : i32
        %sign3A_586 = arith.extui %sign3A_585 : i1 to i32
        %sign3A_587 = arith.constant 0 : i32
        %sign3A_588 = arith.cmpi slt, %jit3A_575, %sign3A_587 : i32
        %sign3A_589 = arith.extui %sign3A_588 : i1 to i32
        %sign3A_590 = arith.subi %sign3A_586, %sign3A_589 : i32
        %ne3A_591 = arith.cmpi ne, %sign3A_583, %sign3A_590 : i32
        %rem3A_592 = arith.remsi %add3A_505, %jit3A_575 : i32
        %ne3A_593 = arith.constant 0 : i32
        %ne3A_594 = arith.cmpi ne, %rem3A_592, %ne3A_593 : i32
        %and3A_595 = arith.andi %ne3A_591, %ne3A_594 : i1
        %sub3A_596 = arith.constant 1 : i32
        %sub3A_597 = arith.subi %div3A_576, %sub3A_596 : i32
        %select_n3A_598 = arith.select %and3A_595, %sub3A_597, %div3A_576 : i32
        %mul3A_599 = arith.constant 1280 : i32
        %mul3A_600 = arith.muli %select_n3A_598, %mul3A_599 : i32
        %mul3A_601 = arith.constant 320000 : i32
        %mul3A_602 = arith.muli %arg0, %mul3A_601 : i32
        %add3A_603 = arith.addi %mul3A_602, %mul3A_600 : i32
        %dma_wait3A_604 = tpu.memref_slice %arg3[%add3A_603] : memref<640000xi32, #tpu.memory_space<hbm>> -> memref<1280xi32, #tpu.memory_space<hbm>>
        %dma_wait3A_605 = tpu.memref_slice %arg3[%add3A_603] : memref<640000xi32, #tpu.memory_space<hbm>> -> memref<1280xi32, #tpu.memory_space<hbm>>
        tpu.wait_dma2 semaphore(%arg21 : memref<!tpu.dma_semaphore, #tpu.memory_space<semaphore_mem>>) src(%dma_wait3A_605 : memref<1280xi32, #tpu.memory_space<hbm>>) dst(%arg9 : memref<1280xi32, #tpu.memory_space<vmem>>)
        %sub3A_606 = arith.constant 1 : i32
        %sub3A_607 = arith.subi %sub3A_606, %arg0 : i32
        %mul3A_608 = arith.constant 320000 : i32
        %mul3A_609 = arith.muli %sub3A_607, %mul3A_608 : i32
        %add3A_610 = arith.addi %mul3A_609, %mul3A_600 : i32
        %dma_wait3A_611 = tpu.memref_slice %arg3[%add3A_610] : memref<640000xi32, #tpu.memory_space<hbm>> -> memref<1280xi32, #tpu.memory_space<hbm>>
        %dma_wait3A_612 = tpu.memref_slice %arg3[%add3A_610] : memref<640000xi32, #tpu.memory_space<hbm>> -> memref<1280xi32, #tpu.memory_space<hbm>>
        tpu.wait_dma2 semaphore(%arg21 : memref<!tpu.dma_semaphore, #tpu.memory_space<semaphore_mem>>) src(%dma_wait3A_612 : memref<1280xi32, #tpu.memory_space<hbm>>) dst(%arg10 : memref<1280xi32, #tpu.memory_space<vmem>>)
        %dma_wait3A_613 = tpu.memref_slice %arg4[%mul3A_600] : memref<320000xf32, #tpu.memory_space<hbm>> -> memref<1280xf32, #tpu.memory_space<hbm>>
        %dma_wait3A_614 = tpu.memref_slice %arg4[%mul3A_600] : memref<320000xf32, #tpu.memory_space<hbm>> -> memref<1280xf32, #tpu.memory_space<hbm>>
        tpu.wait_dma2 semaphore(%arg21 : memref<!tpu.dma_semaphore, #tpu.memory_space<semaphore_mem>>) src(%dma_wait3A_614 : memref<1280xf32, #tpu.memory_space<hbm>>) dst(%arg11 : memref<1280xf32, #tpu.memory_space<vmem>>)
        %scan3A_615 = arith.constant 0 : i32
        %scan3A_616 = arith.constant 0 : i32
        %scan3A_617 = arith.constant 80 : i32
        %scan3A_618 = arith.addi %scan3A_616, %scan3A_617 : i32
        %scan3A_619 = arith.constant 1 : i32
        scf.for %scan3A_684 = %scan3A_616 to %scan3A_618 step %scan3A_619  : i32 {
          %mul3A_685 = arith.constant 16 : i32
          %mul3A_686 = arith.muli %scan3A_684, %mul3A_685 : i32
          %get3A = arith.index_cast %mul3A_686 : i32 to index
          %get3A_687 = tpu.vector_load %arg9[%get3A] {strides = array<i32>} : memref<1280xi32, #tpu.memory_space<vmem>>, vector<16xi32>,
          %add3A_688 = vector.broadcast %mul3A_31 : i32 to vector<16xi32>
          %add3A_689 = arith.addi %get3A_687, %add3A_688 : vector<16xi32>
          %swap3A = arith.index_cast %mul3A_686 : i32 to index
          %swap3A_690 = tpu.vector_load %arg9[%swap3A] {strides = array<i32>} : memref<1280xi32, #tpu.memory_space<vmem>>, vector<16xi32>,
          tpu.vector_store %arg9[%swap3A], %add3A_689 {strides = array<i32>} : memref<1280xi32, #tpu.memory_space<vmem>>, vector<16xi32>,
        }
        %scan3A_620 = arith.constant 80 : i32
        %jit3A_621 = arith.constant 2 : i32
        %eq3A_622 = arith.constant 0 : i32
        %eq3A_623 = arith.cmpi eq, %jit3A_621, %eq3A_622 : i32
        %jit3A_624 = arith.constant 1 : i32
        %select_n3A_625 = arith.select %eq3A_623, %jit3A_624, %jit3A_621 : i32
        %rem3A_626 = arith.remsi %add3A_505, %select_n3A_625 : i32
        %ne3A_627 = arith.constant 0 : i32
        %ne3A_628 = arith.cmpi ne, %rem3A_626, %ne3A_627 : i32
        %lt3A_629 = arith.constant 0 : i32
        %lt3A_630 = arith.cmpi slt, %rem3A_626, %lt3A_629 : i32
        %lt3A_631 = arith.constant 0 : i32
        %lt3A_632 = arith.cmpi slt, %select_n3A_625, %lt3A_631 : i32
        %ne3A_633 = arith.xori %lt3A_630, %lt3A_632 : i1
        %and3A_634 = arith.andi %ne3A_633, %ne3A_628 : i1
        %add3A_635 = arith.addi %rem3A_626, %select_n3A_625 : i32
        %select_n3A_636 = arith.select %and3A_634, %add3A_635, %rem3A_626 : i32
        %mul3A_637 = arith.constant 640 : i32
        %mul3A_638 = arith.muli %select_n3A_636, %mul3A_637 : i32
        %add3A_639 = arith.constant 0 : i32
        %add3A_640 = arith.addi %mul3A_638, %add3A_639 : i32
        %dma_start3A_641 = arith.constant 0 : i32
        %dma_start3A_642 = arith.constant 0 : i32
        %dma_start3A_643 = tpu.memref_slice %arg15[%dma_start3A_641, %dma_start3A_642] : memref<640x16xf32, #tpu.memory_space<vmem>> -> memref<128x16xf32, #tpu.memory_space<vmem>>
        %dma_start3A_644 = tpu.memref_slice %arg9[%add3A_640] : memref<1280xi32, #tpu.memory_space<vmem>> -> memref<128xi32, #tpu.memory_space<vmem>>
        %dma_start3A_645 = arith.constant 0 : i32
        %dma_start3A_646 = arith.constant 0 : i32
        %dma_start3A_647 = tpu.memref_slice %arg2[%dma_start3A_645, %dma_start3A_646] : memref<80000x16xf32, #tpu.memory_space<hbm>> -> memref<80000x16xf32, #tpu.memory_space<hbm>>
        tpu.enqueue_indirect_dma source(%dma_start3A_647 : memref<80000x16xf32, #tpu.memory_space<hbm>>) target(%dma_start3A_643 : memref<128x16xf32, #tpu.memory_space<vmem>>) offsets(%dma_start3A_644 : memref<128xi32, #tpu.memory_space<vmem>>) semaphore(%arg19 : memref<!tpu.dma_semaphore, #tpu.memory_space<semaphore_mem>>)
        %add3A_648 = arith.constant 128 : i32
        %add3A_649 = arith.addi %mul3A_638, %add3A_648 : i32
        %dma_start3A_650 = arith.constant 128 : i32
        %dma_start3A_651 = arith.constant 0 : i32
        %dma_start3A_652 = tpu.memref_slice %arg15[%dma_start3A_650, %dma_start3A_651] : memref<640x16xf32, #tpu.memory_space<vmem>> -> memref<128x16xf32, #tpu.memory_space<vmem>>
        %dma_start3A_653 = tpu.memref_slice %arg9[%add3A_649] : memref<1280xi32, #tpu.memory_space<vmem>> -> memref<128xi32, #tpu.memory_space<vmem>>
        %dma_start3A_654 = arith.constant 0 : i32
        %dma_start3A_655 = arith.constant 0 : i32
        %dma_start3A_656 = tpu.memref_slice %arg2[%dma_start3A_654, %dma_start3A_655] : memref<80000x16xf32, #tpu.memory_space<hbm>> -> memref<80000x16xf32, #tpu.memory_space<hbm>>
        tpu.enqueue_indirect_dma source(%dma_start3A_656 : memref<80000x16xf32, #tpu.memory_space<hbm>>) target(%dma_start3A_652 : memref<128x16xf32, #tpu.memory_space<vmem>>) offsets(%dma_start3A_653 : memref<128xi32, #tpu.memory_space<vmem>>) semaphore(%arg19 : memref<!tpu.dma_semaphore, #tpu.memory_space<semaphore_mem>>)
        %add3A_657 = arith.constant 256 : i32
        %add3A_658 = arith.addi %mul3A_638, %add3A_657 : i32
        %dma_start3A_659 = arith.constant 256 : i32
        %dma_start3A_660 = arith.constant 0 : i32
        %dma_start3A_661 = tpu.memref_slice %arg15[%dma_start3A_659, %dma_start3A_660] : memref<640x16xf32, #tpu.memory_space<vmem>> -> memref<128x16xf32, #tpu.memory_space<vmem>>
        %dma_start3A_662 = tpu.memref_slice %arg9[%add3A_658] : memref<1280xi32, #tpu.memory_space<vmem>> -> memref<128xi32, #tpu.memory_space<vmem>>
        %dma_start3A_663 = arith.constant 0 : i32
        %dma_start3A_664 = arith.constant 0 : i32
        %dma_start3A_665 = tpu.memref_slice %arg2[%dma_start3A_663, %dma_start3A_664] : memref<80000x16xf32, #tpu.memory_space<hbm>> -> memref<80000x16xf32, #tpu.memory_space<hbm>>
        tpu.enqueue_indirect_dma source(%dma_start3A_665 : memref<80000x16xf32, #tpu.memory_space<hbm>>) target(%dma_start3A_661 : memref<128x16xf32, #tpu.memory_space<vmem>>) offsets(%dma_start3A_662 : memref<128xi32, #tpu.memory_space<vmem>>) semaphore(%arg19 : memref<!tpu.dma_semaphore, #tpu.memory_space<semaphore_mem>>)
        %add3A_666 = arith.constant 384 : i32
        %add3A_667 = arith.addi %mul3A_638, %add3A_666 : i32
        %dma_start3A_668 = arith.constant 384 : i32
        %dma_start3A_669 = arith.constant 0 : i32
        %dma_start3A_670 = tpu.memref_slice %arg15[%dma_start3A_668, %dma_start3A_669] : memref<640x16xf32, #tpu.memory_space<vmem>> -> memref<128x16xf32, #tpu.memory_space<vmem>>
        %dma_start3A_671 = tpu.memref_slice %arg9[%add3A_667] : memref<1280xi32, #tpu.memory_space<vmem>> -> memref<128xi32, #tpu.memory_space<vmem>>
        %dma_start3A_672 = arith.constant 0 : i32
        %dma_start3A_673 = arith.constant 0 : i32
        %dma_start3A_674 = tpu.memref_slice %arg2[%dma_start3A_672, %dma_start3A_673] : memref<80000x16xf32, #tpu.memory_space<hbm>> -> memref<80000x16xf32, #tpu.memory_space<hbm>>
        tpu.enqueue_indirect_dma source(%dma_start3A_674 : memref<80000x16xf32, #tpu.memory_space<hbm>>) target(%dma_start3A_670 : memref<128x16xf32, #tpu.memory_space<vmem>>) offsets(%dma_start3A_671 : memref<128xi32, #tpu.memory_space<vmem>>) semaphore(%arg19 : memref<!tpu.dma_semaphore, #tpu.memory_space<semaphore_mem>>)
        %add3A_675 = arith.constant 512 : i32
        %add3A_676 = arith.addi %mul3A_638, %add3A_675 : i32
        %dma_start3A_677 = arith.constant 512 : i32
        %dma_start3A_678 = arith.constant 0 : i32
        %dma_start3A_679 = tpu.memref_slice %arg15[%dma_start3A_677, %dma_start3A_678] : memref<640x16xf32, #tpu.memory_space<vmem>> -> memref<128x16xf32, #tpu.memory_space<vmem>>
        %dma_start3A_680 = tpu.memref_slice %arg9[%add3A_676] : memref<1280xi32, #tpu.memory_space<vmem>> -> memref<128xi32, #tpu.memory_space<vmem>>
        %dma_start3A_681 = arith.constant 0 : i32
        %dma_start3A_682 = arith.constant 0 : i32
        %dma_start3A_683 = tpu.memref_slice %arg2[%dma_start3A_681, %dma_start3A_682] : memref<80000x16xf32, #tpu.memory_space<hbm>> -> memref<80000x16xf32, #tpu.memory_space<hbm>>
        tpu.enqueue_indirect_dma source(%dma_start3A_683 : memref<80000x16xf32, #tpu.memory_space<hbm>>) target(%dma_start3A_679 : memref<128x16xf32, #tpu.memory_space<vmem>>) offsets(%dma_start3A_680 : memref<128xi32, #tpu.memory_space<vmem>>) semaphore(%arg19 : memref<!tpu.dma_semaphore, #tpu.memory_space<semaphore_mem>>)
      } else {
      }
      %dma_wait3A_511 = arith.constant 0 : i32
      %dma_wait3A_512 = arith.constant 0 : i32
      %dma_wait3A_513 = tpu.memref_slice %arg16[%dma_wait3A_511, %dma_wait3A_512] : memref<640x16xf32, #tpu.memory_space<vmem>> -> memref<128x16xf32, #tpu.memory_space<vmem>>
      %dma_wait3A_514 = arith.constant 0 : i32
      %dma_wait3A_515 = tpu.memref_slice %arg12[%dma_wait3A_514] : memref<1280xi32, #tpu.memory_space<vmem>> -> memref<128xi32, #tpu.memory_space<vmem>>
      %dma_wait3A_516 = arith.constant 0 : i32
      %dma_wait3A_517 = arith.constant 0 : i32
      %dma_wait3A_518 = tpu.memref_slice %arg2[%dma_wait3A_516, %dma_wait3A_517] : memref<80000x16xf32, #tpu.memory_space<hbm>> -> memref<80000x16xf32, #tpu.memory_space<hbm>>
      tpu.wait_indirect_dma semaphore(%arg20 : memref<!tpu.dma_semaphore, #tpu.memory_space<semaphore_mem>>) src(%dma_wait3A_518 : memref<80000x16xf32, #tpu.memory_space<hbm>>) dst(%dma_wait3A_513 : memref<128x16xf32, #tpu.memory_space<vmem>>)
      %dma_wait3A_519 = arith.constant 128 : i32
      %dma_wait3A_520 = arith.constant 0 : i32
      %dma_wait3A_521 = tpu.memref_slice %arg16[%dma_wait3A_519, %dma_wait3A_520] : memref<640x16xf32, #tpu.memory_space<vmem>> -> memref<128x16xf32, #tpu.memory_space<vmem>>
      %dma_wait3A_522 = arith.constant 128 : i32
      %dma_wait3A_523 = tpu.memref_slice %arg12[%dma_wait3A_522] : memref<1280xi32, #tpu.memory_space<vmem>> -> memref<128xi32, #tpu.memory_space<vmem>>
      %dma_wait3A_524 = arith.constant 0 : i32
      %dma_wait3A_525 = arith.constant 0 : i32
      %dma_wait3A_526 = tpu.memref_slice %arg2[%dma_wait3A_524, %dma_wait3A_525] : memref<80000x16xf32, #tpu.memory_space<hbm>> -> memref<80000x16xf32, #tpu.memory_space<hbm>>
      tpu.wait_indirect_dma semaphore(%arg20 : memref<!tpu.dma_semaphore, #tpu.memory_space<semaphore_mem>>) src(%dma_wait3A_526 : memref<80000x16xf32, #tpu.memory_space<hbm>>) dst(%dma_wait3A_521 : memref<128x16xf32, #tpu.memory_space<vmem>>)
      %dma_wait3A_527 = arith.constant 256 : i32
      %dma_wait3A_528 = arith.constant 0 : i32
      %dma_wait3A_529 = tpu.memref_slice %arg16[%dma_wait3A_527, %dma_wait3A_528] : memref<640x16xf32, #tpu.memory_space<vmem>> -> memref<128x16xf32, #tpu.memory_space<vmem>>
      %dma_wait3A_530 = arith.constant 256 : i32
      %dma_wait3A_531 = tpu.memref_slice %arg12[%dma_wait3A_530] : memref<1280xi32, #tpu.memory_space<vmem>> -> memref<128xi32, #tpu.memory_space<vmem>>
      %dma_wait3A_532 = arith.constant 0 : i32
      %dma_wait3A_533 = arith.constant 0 : i32
      %dma_wait3A_534 = tpu.memref_slice %arg2[%dma_wait3A_532, %dma_wait3A_533] : memref<80000x16xf32, #tpu.memory_space<hbm>> -> memref<80000x16xf32, #tpu.memory_space<hbm>>
      tpu.wait_indirect_dma semaphore(%arg20 : memref<!tpu.dma_semaphore, #tpu.memory_space<semaphore_mem>>) src(%dma_wait3A_534 : memref<80000x16xf32, #tpu.memory_space<hbm>>) dst(%dma_wait3A_529 : memref<128x16xf32, #tpu.memory_space<vmem>>)
      %dma_wait3A_535 = arith.constant 384 : i32
      %dma_wait3A_536 = arith.constant 0 : i32
      %dma_wait3A_537 = tpu.memref_slice %arg16[%dma_wait3A_535, %dma_wait3A_536] : memref<640x16xf32, #tpu.memory_space<vmem>> -> memref<128x16xf32, #tpu.memory_space<vmem>>
      %dma_wait3A_538 = arith.constant 384 : i32
      %dma_wait3A_539 = tpu.memref_slice %arg12[%dma_wait3A_538] : memref<1280xi32, #tpu.memory_space<vmem>> -> memref<128xi32, #tpu.memory_space<vmem>>
      %dma_wait3A_540 = arith.constant 0 : i32
      %dma_wait3A_541 = arith.constant 0 : i32
      %dma_wait3A_542 = tpu.memref_slice %arg2[%dma_wait3A_540, %dma_wait3A_541] : memref<80000x16xf32, #tpu.memory_space<hbm>> -> memref<80000x16xf32, #tpu.memory_space<hbm>>
      tpu.wait_indirect_dma semaphore(%arg20 : memref<!tpu.dma_semaphore, #tpu.memory_space<semaphore_mem>>) src(%dma_wait3A_542 : memref<80000x16xf32, #tpu.memory_space<hbm>>) dst(%dma_wait3A_537 : memref<128x16xf32, #tpu.memory_space<vmem>>)
      %dma_wait3A_543 = arith.constant 512 : i32
      %dma_wait3A_544 = arith.constant 0 : i32
      %dma_wait3A_545 = tpu.memref_slice %arg16[%dma_wait3A_543, %dma_wait3A_544] : memref<640x16xf32, #tpu.memory_space<vmem>> -> memref<128x16xf32, #tpu.memory_space<vmem>>
      %dma_wait3A_546 = arith.constant 512 : i32
      %dma_wait3A_547 = tpu.memref_slice %arg12[%dma_wait3A_546] : memref<1280xi32, #tpu.memory_space<vmem>> -> memref<128xi32, #tpu.memory_space<vmem>>
      %dma_wait3A_548 = arith.constant 0 : i32
      %dma_wait3A_549 = arith.constant 0 : i32
      %dma_wait3A_550 = tpu.memref_slice %arg2[%dma_wait3A_548, %dma_wait3A_549] : memref<80000x16xf32, #tpu.memory_space<hbm>> -> memref<80000x16xf32, #tpu.memory_space<hbm>>
      tpu.wait_indirect_dma semaphore(%arg20 : memref<!tpu.dma_semaphore, #tpu.memory_space<semaphore_mem>>) src(%dma_wait3A_550 : memref<80000x16xf32, #tpu.memory_space<hbm>>) dst(%dma_wait3A_545 : memref<128x16xf32, #tpu.memory_space<vmem>>)
      %jit3A_551 = arith.constant 2 : i32
      %eq3A_552 = arith.constant 0 : i32
      %eq3A_553 = arith.cmpi eq, %jit3A_551, %eq3A_552 : i32
      %jit3A_554 = arith.constant 1 : i32
      %select_n3A_555 = arith.select %eq3A_553, %jit3A_554, %jit3A_551 : i32
      %rem3A_556 = arith.remsi %add3A_503, %select_n3A_555 : i32
      %ne3A_557 = arith.constant 0 : i32
      %ne3A_558 = arith.cmpi ne, %rem3A_556, %ne3A_557 : i32
      %lt3A_559 = arith.constant 0 : i32
      %lt3A_560 = arith.cmpi slt, %rem3A_556, %lt3A_559 : i32
      %lt3A_561 = arith.constant 0 : i32
      %lt3A_562 = arith.cmpi slt, %select_n3A_555, %lt3A_561 : i32
      %ne3A_563 = arith.xori %lt3A_560, %lt3A_562 : i1
      %and3A_564 = arith.andi %ne3A_563, %ne3A_558 : i1
      %add3A_565 = arith.addi %rem3A_556, %select_n3A_555 : i32
      %select_n3A_566 = arith.select %and3A_564, %add3A_565, %rem3A_556 : i32
      %mul3A_567 = arith.constant 640 : i32
      %mul3A_568 = arith.muli %select_n3A_566, %mul3A_567 : i32
      %scan3A_569 = arith.constant 0 : i32
      %scan3A_570 = arith.constant 0 : i32
      %scan3A_571 = arith.constant 40 : i32
      %scan3A_572 = arith.addi %scan3A_570, %scan3A_571 : i32
      %scan3A_573 = arith.constant 1 : i32
      scf.for %scan3A_575 = %scan3A_570 to %scan3A_572 step %scan3A_573  : i32 {
        %mul3A_576 = arith.constant 16 : i32
        %mul3A_577 = arith.muli %scan3A_575, %mul3A_576 : i32
        %add3A_578 = arith.addi %mul3A_568, %mul3A_577 : i32
        %get3A = arith.index_cast %add3A_578 : i32 to index
        %get3A_579 = tpu.vector_load %arg13[%get3A] {strides = array<i32>} : memref<1280xi32, #tpu.memory_space<vmem>>, vector<16xi32>,
        %get3A_580 = arith.index_cast %add3A_578 : i32 to index
        %get3A_581 = tpu.vector_load %arg14[%get3A_580] {strides = array<i32>} : memref<1280xf32, #tpu.memory_space<vmem>>, vector<16xf32>,
        %sub3A_582 = vector.broadcast %mul3A_29 : i32 to vector<16xi32>
        %sub3A_583 = arith.subi %get3A_579, %sub3A_582 : vector<16xi32>
        %ge3A = vector.broadcast %mul3A_29 : i32 to vector<16xi32>
        %ge3A_584 = arith.cmpi sge, %get3A_579, %ge3A : vector<16xi32>
        %lt3A_585 = arith.constant 5120 : i32
        %lt3A_586 = vector.broadcast %lt3A_585 : i32 to vector<16xi32>
        %lt3A_587 = arith.cmpi slt, %sub3A_583, %lt3A_586 : vector<16xi32>
        %and3A_588 = arith.andi %ge3A_584, %lt3A_587 : vector<16xi1>
        %mul3A_589 = arith.constant 16 : i32
        %mul3A_590 = arith.muli %scan3A_575, %mul3A_589 : i32
        %add3A_591 = vector.broadcast %mul3A_590 : i32 to vector<16xi32>
        %add3A_592 = arith.addi %iota3A, %add3A_591 : vector<16xi32>
        %gather3A = tpu.vector_load_idx %arg16[%add3A_592, %and3A_37] : memref<640x16xf32, #tpu.memory_space<vmem>>[vector<16xi32>, vector<16xi32>], vector<16xf32>,
        %mul3A_593 = arith.mulf %gather3A, %get3A_581 : vector<16xf32>
        tpu.vector_store_idx %arg17[%sub3A_583, %and3A_37], %mul3A_593 masked %and3A_588 {add = true} : memref<5120x16xf32, #tpu.memory_space<vmem>>[vector<16xi32>, vector<16xi32>], vector<16xf32>, vector<16xi1>
        %gather3A_594 = tpu.vector_load_idx %arg16[%add3A_592, %and3A_43] : memref<640x16xf32, #tpu.memory_space<vmem>>[vector<16xi32>, vector<16xi32>], vector<16xf32>,
        %mul3A_595 = arith.mulf %gather3A_594, %get3A_581 : vector<16xf32>
        tpu.vector_store_idx %arg17[%sub3A_583, %and3A_43], %mul3A_595 masked %and3A_588 {add = true} : memref<5120x16xf32, #tpu.memory_space<vmem>>[vector<16xi32>, vector<16xi32>], vector<16xf32>, vector<16xi1>
        %gather3A_596 = tpu.vector_load_idx %arg16[%add3A_592, %and3A_49] : memref<640x16xf32, #tpu.memory_space<vmem>>[vector<16xi32>, vector<16xi32>], vector<16xf32>,
        %mul3A_597 = arith.mulf %gather3A_596, %get3A_581 : vector<16xf32>
        tpu.vector_store_idx %arg17[%sub3A_583, %and3A_49], %mul3A_597 masked %and3A_588 {add = true} : memref<5120x16xf32, #tpu.memory_space<vmem>>[vector<16xi32>, vector<16xi32>], vector<16xf32>, vector<16xi1>
        %gather3A_598 = tpu.vector_load_idx %arg16[%add3A_592, %and3A_55] : memref<640x16xf32, #tpu.memory_space<vmem>>[vector<16xi32>, vector<16xi32>], vector<16xf32>,
        %mul3A_599 = arith.mulf %gather3A_598, %get3A_581 : vector<16xf32>
        tpu.vector_store_idx %arg17[%sub3A_583, %and3A_55], %mul3A_599 masked %and3A_588 {add = true} : memref<5120x16xf32, #tpu.memory_space<vmem>>[vector<16xi32>, vector<16xi32>], vector<16xf32>, vector<16xi1>
        %gather3A_600 = tpu.vector_load_idx %arg16[%add3A_592, %and3A_61] : memref<640x16xf32, #tpu.memory_space<vmem>>[vector<16xi32>, vector<16xi32>], vector<16xf32>,
        %mul3A_601 = arith.mulf %gather3A_600, %get3A_581 : vector<16xf32>
        tpu.vector_store_idx %arg17[%sub3A_583, %and3A_61], %mul3A_601 masked %and3A_588 {add = true} : memref<5120x16xf32, #tpu.memory_space<vmem>>[vector<16xi32>, vector<16xi32>], vector<16xf32>, vector<16xi1>
        %gather3A_602 = tpu.vector_load_idx %arg16[%add3A_592, %and3A_67] : memref<640x16xf32, #tpu.memory_space<vmem>>[vector<16xi32>, vector<16xi32>], vector<16xf32>,
        %mul3A_603 = arith.mulf %gather3A_602, %get3A_581 : vector<16xf32>
        tpu.vector_store_idx %arg17[%sub3A_583, %and3A_67], %mul3A_603 masked %and3A_588 {add = true} : memref<5120x16xf32, #tpu.memory_space<vmem>>[vector<16xi32>, vector<16xi32>], vector<16xf32>, vector<16xi1>
        %gather3A_604 = tpu.vector_load_idx %arg16[%add3A_592, %and3A_73] : memref<640x16xf32, #tpu.memory_space<vmem>>[vector<16xi32>, vector<16xi32>], vector<16xf32>,
        %mul3A_605 = arith.mulf %gather3A_604, %get3A_581 : vector<16xf32>
        tpu.vector_store_idx %arg17[%sub3A_583, %and3A_73], %mul3A_605 masked %and3A_588 {add = true} : memref<5120x16xf32, #tpu.memory_space<vmem>>[vector<16xi32>, vector<16xi32>], vector<16xf32>, vector<16xi1>
        %gather3A_606 = tpu.vector_load_idx %arg16[%add3A_592, %and3A_79] : memref<640x16xf32, #tpu.memory_space<vmem>>[vector<16xi32>, vector<16xi32>], vector<16xf32>,
        %mul3A_607 = arith.mulf %gather3A_606, %get3A_581 : vector<16xf32>
        tpu.vector_store_idx %arg17[%sub3A_583, %and3A_79], %mul3A_607 masked %and3A_588 {add = true} : memref<5120x16xf32, #tpu.memory_space<vmem>>[vector<16xi32>, vector<16xi32>], vector<16xf32>, vector<16xi1>
        %gather3A_608 = tpu.vector_load_idx %arg16[%add3A_592, %and3A_85] : memref<640x16xf32, #tpu.memory_space<vmem>>[vector<16xi32>, vector<16xi32>], vector<16xf32>,
        %mul3A_609 = arith.mulf %gather3A_608, %get3A_581 : vector<16xf32>
        tpu.vector_store_idx %arg17[%sub3A_583, %and3A_85], %mul3A_609 masked %and3A_588 {add = true} : memref<5120x16xf32, #tpu.memory_space<vmem>>[vector<16xi32>, vector<16xi32>], vector<16xf32>, vector<16xi1>
        %gather3A_610 = tpu.vector_load_idx %arg16[%add3A_592, %and3A_91] : memref<640x16xf32, #tpu.memory_space<vmem>>[vector<16xi32>, vector<16xi32>], vector<16xf32>,
        %mul3A_611 = arith.mulf %gather3A_610, %get3A_581 : vector<16xf32>
        tpu.vector_store_idx %arg17[%sub3A_583, %and3A_91], %mul3A_611 masked %and3A_588 {add = true} : memref<5120x16xf32, #tpu.memory_space<vmem>>[vector<16xi32>, vector<16xi32>], vector<16xf32>, vector<16xi1>
        %gather3A_612 = tpu.vector_load_idx %arg16[%add3A_592, %and3A_97] : memref<640x16xf32, #tpu.memory_space<vmem>>[vector<16xi32>, vector<16xi32>], vector<16xf32>,
        %mul3A_613 = arith.mulf %gather3A_612, %get3A_581 : vector<16xf32>
        tpu.vector_store_idx %arg17[%sub3A_583, %and3A_97], %mul3A_613 masked %and3A_588 {add = true} : memref<5120x16xf32, #tpu.memory_space<vmem>>[vector<16xi32>, vector<16xi32>], vector<16xf32>, vector<16xi1>
        %gather3A_614 = tpu.vector_load_idx %arg16[%add3A_592, %and3A_103] : memref<640x16xf32, #tpu.memory_space<vmem>>[vector<16xi32>, vector<16xi32>], vector<16xf32>,
        %mul3A_615 = arith.mulf %gather3A_614, %get3A_581 : vector<16xf32>
        tpu.vector_store_idx %arg17[%sub3A_583, %and3A_103], %mul3A_615 masked %and3A_588 {add = true} : memref<5120x16xf32, #tpu.memory_space<vmem>>[vector<16xi32>, vector<16xi32>], vector<16xf32>, vector<16xi1>
        %gather3A_616 = tpu.vector_load_idx %arg16[%add3A_592, %and3A_109] : memref<640x16xf32, #tpu.memory_space<vmem>>[vector<16xi32>, vector<16xi32>], vector<16xf32>,
        %mul3A_617 = arith.mulf %gather3A_616, %get3A_581 : vector<16xf32>
        tpu.vector_store_idx %arg17[%sub3A_583, %and3A_109], %mul3A_617 masked %and3A_588 {add = true} : memref<5120x16xf32, #tpu.memory_space<vmem>>[vector<16xi32>, vector<16xi32>], vector<16xf32>, vector<16xi1>
        %gather3A_618 = tpu.vector_load_idx %arg16[%add3A_592, %and3A_115] : memref<640x16xf32, #tpu.memory_space<vmem>>[vector<16xi32>, vector<16xi32>], vector<16xf32>,
        %mul3A_619 = arith.mulf %gather3A_618, %get3A_581 : vector<16xf32>
        tpu.vector_store_idx %arg17[%sub3A_583, %and3A_115], %mul3A_619 masked %and3A_588 {add = true} : memref<5120x16xf32, #tpu.memory_space<vmem>>[vector<16xi32>, vector<16xi32>], vector<16xf32>, vector<16xi1>
        %gather3A_620 = tpu.vector_load_idx %arg16[%add3A_592, %and3A_121] : memref<640x16xf32, #tpu.memory_space<vmem>>[vector<16xi32>, vector<16xi32>], vector<16xf32>,
        %mul3A_621 = arith.mulf %gather3A_620, %get3A_581 : vector<16xf32>
        tpu.vector_store_idx %arg17[%sub3A_583, %and3A_121], %mul3A_621 masked %and3A_588 {add = true} : memref<5120x16xf32, #tpu.memory_space<vmem>>[vector<16xi32>, vector<16xi32>], vector<16xf32>, vector<16xi1>
        %gather3A_622 = tpu.vector_load_idx %arg16[%add3A_592, %and3A_127] : memref<640x16xf32, #tpu.memory_space<vmem>>[vector<16xi32>, vector<16xi32>], vector<16xf32>,
        %mul3A_623 = arith.mulf %gather3A_622, %get3A_581 : vector<16xf32>
        tpu.vector_store_idx %arg17[%sub3A_583, %and3A_127], %mul3A_623 masked %and3A_588 {add = true} : memref<5120x16xf32, #tpu.memory_space<vmem>>[vector<16xi32>, vector<16xi32>], vector<16xf32>, vector<16xi1>
        %eq3A_624 = arith.constant 0 : i32
        %eq3A_625 = arith.cmpi eq, %arg1, %eq3A_624 : i32
        %convert_element_type3A_626 = arith.extui %eq3A_625 : i1 to i32
        %cond3A_627 = arith.constant 0 : i32
        %cond3A_628 = arith.cmpi ne, %convert_element_type3A_626, %cond3A_627 : i32
        scf.if %cond3A_628 {
          %shift_right_arithmetic3A = arith.constant 7 : i32
          %shift_right_arithmetic3A_629 = vector.broadcast %shift_right_arithmetic3A : i32 to vector<16xi32>
          %shift_right_arithmetic3A_630 = arith.shrsi %get3A_579, %shift_right_arithmetic3A_629 : vector<16xi32>
          %and3A_631 = arith.constant 127 : i32
          %and3A_632 = vector.broadcast %and3A_631 : i32 to vector<16xi32>
          %and3A_633 = arith.andi %get3A_579, %and3A_632 : vector<16xi32>
          tpu.vector_store_idx %arg18[%shift_right_arithmetic3A_630, %and3A_633], %get3A_581 {add = true} : memref<80x128xf32, #tpu.memory_space<vmem>>[vector<16xi32>, vector<16xi32>], vector<16xf32>,
        } else {
        }
      }
      %scan3A_574 = arith.constant 40 : i32
    }
    %scan3A_212 = arith.constant 125 : i32
    "tpu.region"() ({
      %run_scoped3A = tpu.sem_alloc : memref<!tpu.dma_semaphore, #tpu.memory_space<semaphore_mem>>
      %dma_start3A_216 = arith.constant 0 : i32
      %dma_start3A_217 = arith.constant 0 : i32
      %dma_start3A_218 = tpu.memref_slice %arg7[%arg0, %arg1, %dma_start3A_216, %dma_start3A_217] : memref<2x16x5120x16xf32, #tpu.memory_space<hbm>> -> memref<1x1x5120x16xf32, #tpu.memory_space<hbm>>
      %dma_start3A_219 = tpu.memref_squeeze %dma_start3A_218 : memref<1x1x5120x16xf32, #tpu.memory_space<hbm>> -> memref<5120x16xf32, #tpu.memory_space<hbm>>
      %dma_start3A_220 = arith.constant 0 : i32
      %dma_start3A_221 = arith.constant 0 : i32
      %dma_start3A_222 = tpu.memref_slice %arg7[%arg0, %arg1, %dma_start3A_220, %dma_start3A_221] : memref<2x16x5120x16xf32, #tpu.memory_space<hbm>> -> memref<1x1x5120x16xf32, #tpu.memory_space<hbm>>
      %dma_start3A_223 = tpu.memref_squeeze %dma_start3A_222 : memref<1x1x5120x16xf32, #tpu.memory_space<hbm>> -> memref<5120x16xf32, #tpu.memory_space<hbm>>
      tpu.enqueue_dma source(%arg17 : memref<5120x16xf32, #tpu.memory_space<vmem>>) target(%dma_start3A_223 : memref<5120x16xf32, #tpu.memory_space<hbm>>) target_semaphore(%run_scoped3A : memref<!tpu.dma_semaphore, #tpu.memory_space<semaphore_mem>>)
      %dma_wait3A_224 = arith.constant 0 : i32
      %dma_wait3A_225 = arith.constant 0 : i32
      %dma_wait3A_226 = tpu.memref_slice %arg7[%arg0, %arg1, %dma_wait3A_224, %dma_wait3A_225] : memref<2x16x5120x16xf32, #tpu.memory_space<hbm>> -> memref<1x1x5120x16xf32, #tpu.memory_space<hbm>>
      %dma_wait3A_227 = tpu.memref_squeeze %dma_wait3A_226 : memref<1x1x5120x16xf32, #tpu.memory_space<hbm>> -> memref<5120x16xf32, #tpu.memory_space<hbm>>
      %dma_wait3A_228 = arith.constant 0 : i32
      %dma_wait3A_229 = arith.constant 0 : i32
      %dma_wait3A_230 = tpu.memref_slice %arg7[%arg0, %arg1, %dma_wait3A_228, %dma_wait3A_229] : memref<2x16x5120x16xf32, #tpu.memory_space<hbm>> -> memref<1x1x5120x16xf32, #tpu.memory_space<hbm>>
      %dma_wait3A_231 = tpu.memref_squeeze %dma_wait3A_230 : memref<1x1x5120x16xf32, #tpu.memory_space<hbm>> -> memref<5120x16xf32, #tpu.memory_space<hbm>>
      tpu.wait_dma2 semaphore(%run_scoped3A : memref<!tpu.dma_semaphore, #tpu.memory_space<semaphore_mem>>) src(%arg17 : memref<5120x16xf32, #tpu.memory_space<vmem>>) dst(%dma_wait3A_231 : memref<5120x16xf32, #tpu.memory_space<hbm>>)
      tpu.yield
    }) : () -> ()
    %eq3A_213 = arith.constant 0 : i32
    %eq3A_214 = arith.cmpi eq, %arg1, %eq3A_213 : i32
    %convert_element_type3A = arith.extui %eq3A_214 : i1 to i32
    %cond3A = arith.constant 0 : i32
    %cond3A_215 = arith.cmpi ne, %convert_element_type3A, %cond3A : i32
    scf.if %cond3A_215 {
      "tpu.region"() ({
        %run_scoped3A = tpu.sem_alloc : memref<!tpu.dma_semaphore, #tpu.memory_space<semaphore_mem>>
        %dma_start3A_216 = arith.constant 0 : i32
        %dma_start3A_217 = arith.constant 0 : i32
        %dma_start3A_218 = tpu.memref_slice %arg8[%arg0, %dma_start3A_216, %dma_start3A_217] : memref<2x80x128xf32, #tpu.memory_space<hbm>> -> memref<1x80x128xf32, #tpu.memory_space<hbm>>
        %dma_start3A_219 = tpu.memref_squeeze %dma_start3A_218 : memref<1x80x128xf32, #tpu.memory_space<hbm>> -> memref<80x128xf32, #tpu.memory_space<hbm>>
        %dma_start3A_220 = arith.constant 0 : i32
        %dma_start3A_221 = arith.constant 0 : i32
        %dma_start3A_222 = tpu.memref_slice %arg8[%arg0, %dma_start3A_220, %dma_start3A_221] : memref<2x80x128xf32, #tpu.memory_space<hbm>> -> memref<1x80x128xf32, #tpu.memory_space<hbm>>
        %dma_start3A_223 = tpu.memref_squeeze %dma_start3A_222 : memref<1x80x128xf32, #tpu.memory_space<hbm>> -> memref<80x128xf32, #tpu.memory_space<hbm>>
        tpu.enqueue_dma source(%arg18 : memref<80x128xf32, #tpu.memory_space<vmem>>) target(%dma_start3A_223 : memref<80x128xf32, #tpu.memory_space<hbm>>) target_semaphore(%run_scoped3A : memref<!tpu.dma_semaphore, #tpu.memory_space<semaphore_mem>>)
        %dma_wait3A_224 = arith.constant 0 : i32
        %dma_wait3A_225 = arith.constant 0 : i32
        %dma_wait3A_226 = tpu.memref_slice %arg8[%arg0, %dma_wait3A_224, %dma_wait3A_225] : memref<2x80x128xf32, #tpu.memory_space<hbm>> -> memref<1x80x128xf32, #tpu.memory_space<hbm>>
        %dma_wait3A_227 = tpu.memref_squeeze %dma_wait3A_226 : memref<1x80x128xf32, #tpu.memory_space<hbm>> -> memref<80x128xf32, #tpu.memory_space<hbm>>
        %dma_wait3A_228 = arith.constant 0 : i32
        %dma_wait3A_229 = arith.constant 0 : i32
        %dma_wait3A_230 = tpu.memref_slice %arg8[%arg0, %dma_wait3A_228, %dma_wait3A_229] : memref<2x80x128xf32, #tpu.memory_space<hbm>> -> memref<1x80x128xf32, #tpu.memory_space<hbm>>
        %dma_wait3A_231 = tpu.memref_squeeze %dma_wait3A_230 : memref<1x80x128xf32, #tpu.memory_space<hbm>> -> memref<80x128xf32, #tpu.memory_space<hbm>>
        tpu.wait_dma2 semaphore(%run_scoped3A : memref<!tpu.dma_semaphore, #tpu.memory_space<semaphore_mem>>) src(%arg18 : memref<80x128xf32, #tpu.memory_space<vmem>>) dst(%dma_wait3A_231 : memref<80x128xf32, #tpu.memory_space<hbm>>)
        tpu.yield
      }) : () -> ()
    } else {
    }
    return
  }
}

module attributes {stable_mosaic.version = 14 : i64} {
  func.func @body(%arg0: i32, %arg1: memref<2000x128xf32, #tpu.memory_space<vmem>>, %arg2: memref<2000x1xf32, #tpu.memory_space<vmem>>, %arg3: memref<2000x128xf32, #tpu.memory_space<vmem>>, %arg4: memref<2000x1xf32, #tpu.memory_space<vmem>>, %arg5: memref<2000x128xf32, #tpu.memory_space<vmem>>, %arg6: memref<128x128xf32, #tpu.memory_space<vmem>>, %arg7: memref<128x128xf32, #tpu.memory_space<vmem>>, %arg8: memref<384x256xf32, #tpu.memory_space<vmem>>, %arg9: memref<384x128xf32, #tpu.memory_space<vmem>>, %arg10: memref<1x384xf32, #tpu.memory_space<vmem>>, %arg11: memref<1x384xf32, #tpu.memory_space<vmem>>, %arg12: memref<2000x128xf32, #tpu.memory_space<vmem>>) attributes {dimension_semantics = [#tpu.dimension_semantics<arbitrary>], iteration_bounds = array<i64: 5>, scalar_prefetch = 0 : i64, scratch_operands = 0 : i64, tpu.core_type = #tpu.core_type<tc>, window_params = [{transform_indices = @transform_0, window_bounds = array<i64: 2000, 128>}, {transform_indices = @transform_1, window_bounds = array<i64: 2000, 1>}, {transform_indices = @transform_2, window_bounds = array<i64: 2000, 128>}, {transform_indices = @transform_3, window_bounds = array<i64: 2000, 1>}, {transform_indices = @transform_4, window_bounds = array<i64: 2000, 128>}, {pipeline_mode = #tpu.pipeline_mode<synchronous>, transform_indices = @transform_5, window_bounds = array<i64: 128, 128>}, {pipeline_mode = #tpu.pipeline_mode<synchronous>, transform_indices = @transform_6, window_bounds = array<i64: 128, 128>}, {pipeline_mode = #tpu.pipeline_mode<synchronous>, transform_indices = @transform_7, window_bounds = array<i64: 384, 256>}, {pipeline_mode = #tpu.pipeline_mode<synchronous>, transform_indices = @transform_8, window_bounds = array<i64: 384, 128>}, {pipeline_mode = #tpu.pipeline_mode<synchronous>, transform_indices = @transform_9, window_bounds = array<i64: 1, 384>}, {pipeline_mode = #tpu.pipeline_mode<synchronous>, transform_indices = @transform_10, window_bounds = array<i64: 1, 384>}, {transform_indices = @transform_11, window_bounds = array<i64: 2000, 128>}]} {
    %get3A = arith.constant 0 : index
    %get3A_0 = arith.constant 0 : index
    %get3A_1 = vector.load %arg2[%get3A, %get3A_0] : memref<2000x1xf32, #tpu.memory_space<vmem>>, vector<2000x1xf32>
    %get3A_2 = arith.constant 0 : index
    %get3A_3 = arith.constant 0 : index
    %get3A_4 = vector.load %arg4[%get3A_2, %get3A_3] : memref<2000x1xf32, #tpu.memory_space<vmem>>, vector<2000x1xf32>
    %gt3A = arith.constant 0.000000e+00 : f32
    %gt3A_5 = vector.broadcast %gt3A : f32 to vector<2000x1xf32>
    %gt3A_6 = arith.cmpf ogt, %get3A_1, %gt3A_5 : vector<2000x1xf32>
    %get3A_7 = arith.constant 0 : index
    %get3A_8 = arith.constant 0 : index
    %get3A_9 = vector.load %arg1[%get3A_7, %get3A_8] : memref<2000x128xf32, #tpu.memory_space<vmem>>, vector<2000x128xf32>
    %max3A = arith.constant 9.99999996E-13 : f32
    %max3A_10 = vector.broadcast %max3A : f32 to vector<2000x1xf32>
    %max3A_11 = arith.maximumf %get3A_1, %max3A_10 : vector<2000x1xf32>
    %div3A = vector.broadcast %max3A_11 : vector<2000x1xf32> to vector<2000x128xf32>
    %div3A_12 = arith.divf %get3A_9, %div3A : vector<2000x128xf32>
    %jit3A = arith.constant 0.000000e+00 : f32
    %broadcast_in_dim3A = vector.shape_cast %gt3A_6 : vector<2000x1xi1> to vector<2000x1xi1>
    %broadcast_in_dim3A_13 = vector.broadcast %broadcast_in_dim3A : vector<2000x1xi1> to vector<2000x128xi1>
    %broadcast_in_dim3A_14 = vector.broadcast %jit3A : f32 to vector<2000x128xf32>
    %select_n3A = arith.select %broadcast_in_dim3A_13, %div3A_12, %broadcast_in_dim3A_14 : vector<2000x128xi1>, vector<2000x128xf32>
    %gt3A_15 = arith.constant 0.000000e+00 : f32
    %gt3A_16 = vector.broadcast %gt3A_15 : f32 to vector<2000x1xf32>
    %gt3A_17 = arith.cmpf ogt, %get3A_4, %gt3A_16 : vector<2000x1xf32>
    %get3A_18 = arith.constant 0 : index
    %get3A_19 = arith.constant 0 : index
    %get3A_20 = vector.load %arg3[%get3A_18, %get3A_19] : memref<2000x128xf32, #tpu.memory_space<vmem>>, vector<2000x128xf32>
    %max3A_21 = arith.constant 9.99999996E-13 : f32
    %max3A_22 = vector.broadcast %max3A_21 : f32 to vector<2000x1xf32>
    %max3A_23 = arith.maximumf %get3A_4, %max3A_22 : vector<2000x1xf32>
    %div3A_24 = vector.broadcast %max3A_23 : vector<2000x1xf32> to vector<2000x128xf32>
    %div3A_25 = arith.divf %get3A_20, %div3A_24 : vector<2000x128xf32>
    %jit3A_26 = arith.constant 0.000000e+00 : f32
    %broadcast_in_dim3A_27 = vector.shape_cast %gt3A_17 : vector<2000x1xi1> to vector<2000x1xi1>
    %broadcast_in_dim3A_28 = vector.broadcast %broadcast_in_dim3A_27 : vector<2000x1xi1> to vector<2000x128xi1>
    %broadcast_in_dim3A_29 = vector.broadcast %jit3A_26 : f32 to vector<2000x128xf32>
    %select_n3A_30 = arith.select %broadcast_in_dim3A_28, %div3A_25, %broadcast_in_dim3A_29 : vector<2000x128xi1>, vector<2000x128xf32>
    %get3A_31 = arith.constant 0 : index
    %get3A_32 = arith.constant 0 : index
    %get3A_33 = vector.load %arg6[%get3A_31, %get3A_32] : memref<128x128xf32, #tpu.memory_space<vmem>>, vector<128x128xf32>
    %dot_general3A = arith.constant dense<0.000000e+00> : vector<2000x128xf32>
    %dot_general3A_34 = tpu.matmul %select_n3A, %get3A_33, %dot_general3A {dimension_numbers = #tpu.dot_dimension_numbers<[1], [1], [0], [0], [0, 0, 1, 0], [], []>, transpose_lhs_hint = false} : vector<2000x128xf32>, vector<128x128xf32>, vector<2000x128xf32> -> vector<2000x128xf32>
    %get3A_35 = arith.constant 0 : index
    %get3A_36 = arith.constant 0 : index
    %get3A_37 = vector.load %arg7[%get3A_35, %get3A_36] : memref<128x128xf32, #tpu.memory_space<vmem>>, vector<128x128xf32>
    %dot_general3A_38 = arith.constant dense<0.000000e+00> : vector<2000x128xf32>
    %dot_general3A_39 = tpu.matmul %select_n3A_30, %get3A_37, %dot_general3A_38 {dimension_numbers = #tpu.dot_dimension_numbers<[1], [1], [0], [0], [0, 0, 1, 0], [], []>, transpose_lhs_hint = false} : vector<2000x128xf32>, vector<128x128xf32>, vector<2000x128xf32> -> vector<2000x128xf32>
    %get3A_40 = arith.constant 0 : index
    %get3A_41 = arith.constant 0 : index
    %get3A_42 = vector.load %arg8[%get3A_40, %get3A_41] : memref<384x256xf32, #tpu.memory_space<vmem>>, vector<384x256xf32>
    %slice3A = vector.extract_strided_slice %get3A_42 {offsets = [0, 0], sizes = [384, 128], strides = [1, 1]} : vector<384x256xf32> to vector<384x128xf32>
    %dot_general3A_43 = arith.constant dense<0.000000e+00> : vector<2000x384xf32>
    %dot_general3A_44 = tpu.matmul %dot_general3A_34, %slice3A, %dot_general3A_43 {dimension_numbers = #tpu.dot_dimension_numbers<[1], [1], [0], [0], [0, 0, 1, 0], [], []>, transpose_lhs_hint = false} : vector<2000x128xf32>, vector<384x128xf32>, vector<2000x384xf32> -> vector<2000x384xf32>
    %slice3A_45 = vector.extract_strided_slice %get3A_42 {offsets = [0, 128], sizes = [384, 128], strides = [1, 1]} : vector<384x256xf32> to vector<384x128xf32>
    %dot_general3A_46 = arith.constant dense<0.000000e+00> : vector<2000x384xf32>
    %dot_general3A_47 = tpu.matmul %dot_general3A_39, %slice3A_45, %dot_general3A_46 {dimension_numbers = #tpu.dot_dimension_numbers<[1], [1], [0], [0], [0, 0, 1, 0], [], []>, transpose_lhs_hint = false} : vector<2000x128xf32>, vector<384x128xf32>, vector<2000x384xf32> -> vector<2000x384xf32>
    %add3A = arith.addf %dot_general3A_44, %dot_general3A_47 : vector<2000x384xf32>
    %get3A_48 = arith.constant 0 : index
    %get3A_49 = arith.constant 0 : index
    %get3A_50 = vector.load %arg10[%get3A_48, %get3A_49] : memref<1x384xf32, #tpu.memory_space<vmem>>, vector<1x384xf32>
    %add3A_51 = vector.broadcast %get3A_50 : vector<1x384xf32> to vector<2000x384xf32>
    %add3A_52 = arith.addf %add3A, %add3A_51 : vector<2000x384xf32>
    %get3A_53 = arith.constant 0 : index
    %get3A_54 = arith.constant 0 : index
    %get3A_55 = vector.load %arg5[%get3A_53, %get3A_54] : memref<2000x128xf32, #tpu.memory_space<vmem>>, vector<2000x128xf32>
    %get3A_56 = arith.constant 0 : index
    %get3A_57 = arith.constant 0 : index
    %get3A_58 = vector.load %arg9[%get3A_56, %get3A_57] : memref<384x128xf32, #tpu.memory_space<vmem>>, vector<384x128xf32>
    %dot_general3A_59 = arith.constant dense<0.000000e+00> : vector<2000x384xf32>
    %dot_general3A_60 = tpu.matmul %get3A_55, %get3A_58, %dot_general3A_59 {dimension_numbers = #tpu.dot_dimension_numbers<[1], [1], [0], [0], [0, 0, 1, 0], [], []>, transpose_lhs_hint = false} : vector<2000x128xf32>, vector<384x128xf32>, vector<2000x384xf32> -> vector<2000x384xf32>
    %get3A_61 = arith.constant 0 : index
    %get3A_62 = arith.constant 0 : index
    %get3A_63 = vector.load %arg11[%get3A_61, %get3A_62] : memref<1x384xf32, #tpu.memory_space<vmem>>, vector<1x384xf32>
    %add3A_64 = vector.broadcast %get3A_63 : vector<1x384xf32> to vector<2000x384xf32>
    %add3A_65 = arith.addf %dot_general3A_60, %add3A_64 : vector<2000x384xf32>
    %slice3A_66 = vector.extract_strided_slice %add3A_52 {offsets = [0, 0], sizes = [2000, 128], strides = [1, 1]} : vector<2000x384xf32> to vector<2000x128xf32>
    %slice3A_67 = vector.extract_strided_slice %add3A_65 {offsets = [0, 0], sizes = [2000, 128], strides = [1, 1]} : vector<2000x384xf32> to vector<2000x128xf32>
    %add3A_68 = arith.addf %slice3A_66, %slice3A_67 : vector<2000x128xf32>
    %logistic3A = arith.negf %add3A_68 : vector<2000x128xf32>
    %logistic3A_69 = math.exp %logistic3A : vector<2000x128xf32>
    %logistic3A_70 = arith.constant 1.000000e+00 : f32
    %logistic3A_71 = vector.broadcast %logistic3A_70 : f32 to vector<2000x128xf32>
    %logistic3A_72 = arith.addf %logistic3A_71, %logistic3A_69 : vector<2000x128xf32>
    %logistic3A_73 = arith.divf %logistic3A_71, %logistic3A_72 : vector<2000x128xf32>
    %slice3A_74 = vector.extract_strided_slice %add3A_52 {offsets = [0, 128], sizes = [2000, 128], strides = [1, 1]} : vector<2000x384xf32> to vector<2000x128xf32>
    %slice3A_75 = vector.extract_strided_slice %add3A_65 {offsets = [0, 128], sizes = [2000, 128], strides = [1, 1]} : vector<2000x384xf32> to vector<2000x128xf32>
    %add3A_76 = arith.addf %slice3A_74, %slice3A_75 : vector<2000x128xf32>
    %logistic3A_77 = arith.negf %add3A_76 : vector<2000x128xf32>
    %logistic3A_78 = math.exp %logistic3A_77 : vector<2000x128xf32>
    %logistic3A_79 = arith.constant 1.000000e+00 : f32
    %logistic3A_80 = vector.broadcast %logistic3A_79 : f32 to vector<2000x128xf32>
    %logistic3A_81 = arith.addf %logistic3A_80, %logistic3A_78 : vector<2000x128xf32>
    %logistic3A_82 = arith.divf %logistic3A_80, %logistic3A_81 : vector<2000x128xf32>
    %slice3A_83 = vector.extract_strided_slice %add3A_52 {offsets = [0, 256], sizes = [2000, 128], strides = [1, 1]} : vector<2000x384xf32> to vector<2000x128xf32>
    %slice3A_84 = vector.extract_strided_slice %add3A_65 {offsets = [0, 256], sizes = [2000, 128], strides = [1, 1]} : vector<2000x384xf32> to vector<2000x128xf32>
    %mul3A = arith.mulf %logistic3A_73, %slice3A_84 : vector<2000x128xf32>
    %add3A_85 = arith.addf %slice3A_83, %mul3A : vector<2000x128xf32>
    %tanh3A = math.tanh %add3A_85 : vector<2000x128xf32>
    %sub3A = arith.constant 1.000000e+00 : f32
    %sub3A_86 = vector.broadcast %sub3A : f32 to vector<2000x128xf32>
    %sub3A_87 = arith.subf %sub3A_86, %logistic3A_82 : vector<2000x128xf32>
    %mul3A_88 = arith.mulf %sub3A_87, %tanh3A : vector<2000x128xf32>
    %mul3A_89 = arith.mulf %logistic3A_82, %get3A_55 : vector<2000x128xf32>
    %add3A_90 = arith.addf %mul3A_88, %mul3A_89 : vector<2000x128xf32>
    %swap3A = arith.constant 0 : index
    %swap3A_91 = arith.constant 0 : index
    %swap3A_92 = vector.load %arg12[%swap3A, %swap3A_91] : memref<2000x128xf32, #tpu.memory_space<vmem>>, vector<2000x128xf32>
    tpu.vector_store %arg12[%swap3A, %swap3A_91], %add3A_90 {strides = array<i32>} : memref<2000x128xf32, #tpu.memory_space<vmem>>, vector<2000x128xf32>,
    return
  }
  func.func @transform_0(%arg0: i32) -> (i32, i32) {
    %c0_i32 = arith.constant 0 : i32
    %c0_i32_0 = arith.constant 0 : i32
    return %arg0, %c0_i32 : i32, i32
  }
  func.func @transform_1(%arg0: i32) -> (i32, i32) {
    %c0_i32 = arith.constant 0 : i32
    %c0_i32_0 = arith.constant 0 : i32
    return %arg0, %c0_i32 : i32, i32
  }
  func.func @transform_2(%arg0: i32) -> (i32, i32) {
    %c0_i32 = arith.constant 0 : i32
    %c0_i32_0 = arith.constant 0 : i32
    return %arg0, %c0_i32 : i32, i32
  }
  func.func @transform_3(%arg0: i32) -> (i32, i32) {
    %c0_i32 = arith.constant 0 : i32
    %c0_i32_0 = arith.constant 0 : i32
    return %arg0, %c0_i32 : i32, i32
  }
  func.func @transform_4(%arg0: i32) -> (i32, i32) {
    %c0_i32 = arith.constant 0 : i32
    %c0_i32_0 = arith.constant 0 : i32
    return %arg0, %c0_i32 : i32, i32
  }
  func.func @transform_5(%arg0: i32) -> (i32, i32) {
    %c0_i32 = arith.constant 0 : i32
    %c0_i32_0 = arith.constant 0 : i32
    %c0_i32_1 = arith.constant 0 : i32
    return %c0_i32, %c0_i32_0 : i32, i32
  }
  func.func @transform_6(%arg0: i32) -> (i32, i32) {
    %c0_i32 = arith.constant 0 : i32
    %c0_i32_0 = arith.constant 0 : i32
    %c0_i32_1 = arith.constant 0 : i32
    return %c0_i32, %c0_i32_0 : i32, i32
  }
  func.func @transform_7(%arg0: i32) -> (i32, i32) {
    %c0_i32 = arith.constant 0 : i32
    %c0_i32_0 = arith.constant 0 : i32
    %c0_i32_1 = arith.constant 0 : i32
    return %c0_i32, %c0_i32_0 : i32, i32
  }
  func.func @transform_8(%arg0: i32) -> (i32, i32) {
    %c0_i32 = arith.constant 0 : i32
    %c0_i32_0 = arith.constant 0 : i32
    %c0_i32_1 = arith.constant 0 : i32
    return %c0_i32, %c0_i32_0 : i32, i32
  }
  func.func @transform_9(%arg0: i32) -> (i32, i32) {
    %c0_i32 = arith.constant 0 : i32
    %c0_i32_0 = arith.constant 0 : i32
    %c0_i32_1 = arith.constant 0 : i32
    return %c0_i32, %c0_i32_0 : i32, i32
  }
  func.func @transform_10(%arg0: i32) -> (i32, i32) {
    %c0_i32 = arith.constant 0 : i32
    %c0_i32_0 = arith.constant 0 : i32
    %c0_i32_1 = arith.constant 0 : i32
    return %c0_i32, %c0_i32_0 : i32, i32
  }
  func.func @transform_11(%arg0: i32) -> (i32, i32) {
    %c0_i32 = arith.constant 0 : i32
    %c0_i32_0 = arith.constant 0 : i32
    return %arg0, %c0_i32 : i32, i32
  }
}

module attributes {stable_mosaic.version = 14 : i64} {
  func.func @body(%arg0: memref<10000x128xf32, #tpu.memory_space<vmem>>, %arg1: memref<10000x1xi32, #tpu.memory_space<vmem>>, %arg2: memref<256x1xi32, #tpu.memory_space<vmem>>, %arg3: memref<128x128xf32, #tpu.memory_space<vmem>>, %arg4: memref<128x128xf32, #tpu.memory_space<vmem>>, %arg5: memref<1x128xf32, #tpu.memory_space<vmem>>, %arg6: memref<1x128xf32, #tpu.memory_space<vmem>>, %arg7: memref<128x256xf32, #tpu.memory_space<vmem>>, %arg8: memref<256x128xf32, #tpu.memory_space<vmem>>) attributes {dimension_semantics = [], scalar_prefetch = 0 : i64, scratch_operands = 0 : i64, tpu.core_type = #tpu.core_type<tc>} {
    %get3A = arith.constant 0 : index
    %get3A_0 = arith.constant 0 : index
    %get3A_1 = vector.load %arg0[%get3A, %get3A_0] : memref<10000x128xf32, #tpu.memory_space<vmem>>, vector<10000x128xf32>
    %get3A_2 = arith.constant 0 : index
    %get3A_3 = arith.constant 0 : index
    %get3A_4 = vector.load %arg1[%get3A_2, %get3A_3] : memref<10000x1xi32, #tpu.memory_space<vmem>>, vector<10000x1xi32>
    %iota3A = tpu.iota {dimensions = array<i32: 1>} : vector<10000x256xi32>
    %eq3A = vector.broadcast %get3A_4 : vector<10000x1xi32> to vector<10000x256xi32>
    %eq3A_5 = arith.cmpi eq, %eq3A, %iota3A : vector<10000x256xi32>
    %convert_element_type3A = arith.extui %eq3A_5 : vector<10000x256xi1> to vector<10000x256xi32>
    %convert_element_type3A_6 = arith.sitofp %convert_element_type3A : vector<10000x256xi32> to vector<10000x256xf32>
    %get3A_7 = arith.constant 0 : index
    %get3A_8 = arith.constant 0 : index
    %get3A_9 = vector.load %arg2[%get3A_7, %get3A_8] : memref<256x1xi32, #tpu.memory_space<vmem>>, vector<256x1xi32>
    %iota3A_10 = tpu.iota {dimensions = array<i32: 1>} : vector<256x10000xi32>
    %eq3A_11 = vector.broadcast %get3A_9 : vector<256x1xi32> to vector<256x10000xi32>
    %eq3A_12 = arith.cmpi eq, %eq3A_11, %iota3A_10 : vector<256x10000xi32>
    %convert_element_type3A_13 = arith.extui %eq3A_12 : vector<256x10000xi1> to vector<256x10000xi32>
    %convert_element_type3A_14 = arith.sitofp %convert_element_type3A_13 : vector<256x10000xi32> to vector<256x10000xf32>
    %dot_general3A = arith.constant dense<0.000000e+00> : vector<256x128xf32>
    %dot_general3A_15 = tpu.matmul %convert_element_type3A_14, %get3A_1, %dot_general3A {dimension_numbers = #tpu.dot_dimension_numbers<[1], [0], [0], [1], [0, 0, 1, 1], [], []>, transpose_lhs_hint = false} : vector<256x10000xf32>, vector<10000x128xf32>, vector<256x128xf32> -> vector<256x128xf32>
    %get3A_16 = arith.constant 0 : index
    %get3A_17 = arith.constant 0 : index
    %get3A_18 = vector.load %arg3[%get3A_16, %get3A_17] : memref<128x128xf32, #tpu.memory_space<vmem>>, vector<128x128xf32>
    %dot_general3A_19 = arith.constant dense<0.000000e+00> : vector<10000x128xf32>
    %dot_general3A_20 = tpu.matmul %get3A_1, %get3A_18, %dot_general3A_19 {dimension_numbers = #tpu.dot_dimension_numbers<[1], [1], [0], [0], [0, 0, 1, 0], [], []>, transpose_lhs_hint = false} : vector<10000x128xf32>, vector<128x128xf32>, vector<10000x128xf32> -> vector<10000x128xf32>
    %get3A_21 = arith.constant 0 : index
    %get3A_22 = arith.constant 0 : index
    %get3A_23 = vector.load %arg4[%get3A_21, %get3A_22] : memref<128x128xf32, #tpu.memory_space<vmem>>, vector<128x128xf32>
    %dot_general3A_24 = arith.constant dense<0.000000e+00> : vector<256x128xf32>
    %dot_general3A_25 = tpu.matmul %dot_general3A_15, %get3A_23, %dot_general3A_24 {dimension_numbers = #tpu.dot_dimension_numbers<[1], [1], [0], [0], [0, 0, 1, 0], [], []>, transpose_lhs_hint = false} : vector<256x128xf32>, vector<128x128xf32>, vector<256x128xf32> -> vector<256x128xf32>
    %get3A_26 = arith.constant 0 : index
    %get3A_27 = arith.constant 0 : index
    %get3A_28 = vector.load %arg5[%get3A_26, %get3A_27] : memref<1x128xf32, #tpu.memory_space<vmem>>, vector<1x128xf32>
    %add3A = vector.broadcast %get3A_28 : vector<1x128xf32> to vector<256x128xf32>
    %add3A_29 = arith.addf %dot_general3A_25, %add3A : vector<256x128xf32>
    %dot_general3A_30 = arith.constant dense<0.000000e+00> : vector<10000x128xf32>
    %dot_general3A_31 = tpu.matmul %convert_element_type3A_6, %add3A_29, %dot_general3A_30 {dimension_numbers = #tpu.dot_dimension_numbers<[1], [0], [0], [1], [0, 0, 1, 1], [], []>, transpose_lhs_hint = false} : vector<10000x256xf32>, vector<256x128xf32>, vector<10000x128xf32> -> vector<10000x128xf32>
    %add3A_32 = arith.addf %dot_general3A_20, %dot_general3A_31 : vector<10000x128xf32>
    %logistic3A = arith.negf %add3A_32 : vector<10000x128xf32>
    %logistic3A_33 = math.exp %logistic3A : vector<10000x128xf32>
    %logistic3A_34 = arith.constant 1.000000e+00 : f32
    %logistic3A_35 = vector.broadcast %logistic3A_34 : f32 to vector<10000x128xf32>
    %logistic3A_36 = arith.addf %logistic3A_35, %logistic3A_33 : vector<10000x128xf32>
    %logistic3A_37 = arith.divf %logistic3A_35, %logistic3A_36 : vector<10000x128xf32>
    %get3A_38 = arith.constant 0 : index
    %get3A_39 = arith.constant 0 : index
    %get3A_40 = vector.load %arg6[%get3A_38, %get3A_39] : memref<1x128xf32, #tpu.memory_space<vmem>>, vector<1x128xf32>
    %dot_general3A_41 = arith.constant dense<0.000000e+00> : vector<10000x1xf32>
    %dot_general3A_42 = tpu.matmul %logistic3A_37, %get3A_40, %dot_general3A_41 {dimension_numbers = #tpu.dot_dimension_numbers<[1], [1], [0], [0], [0, 0, 1, 0], [], []>, transpose_lhs_hint = false} : vector<10000x128xf32>, vector<1x128xf32>, vector<10000x1xf32> -> vector<10000x1xf32>
    %gt3A = arith.constant 0.000000e+00 : f32
    %gt3A_43 = vector.broadcast %gt3A : f32 to vector<10000x256xf32>
    %gt3A_44 = arith.cmpf ogt, %convert_element_type3A_6, %gt3A_43 : vector<10000x256xf32>
    %jit3A = arith.constant -3.000000e+38 : f32
    %broadcast_in_dim3A = vector.shape_cast %dot_general3A_42 : vector<10000x1xf32> to vector<10000x1xf32>
    %broadcast_in_dim3A_45 = vector.broadcast %broadcast_in_dim3A : vector<10000x1xf32> to vector<10000x256xf32>
    %broadcast_in_dim3A_46 = vector.broadcast %jit3A : f32 to vector<10000x256xf32>
    %select_n3A = arith.select %gt3A_44, %broadcast_in_dim3A_45, %broadcast_in_dim3A_46 : vector<10000x256xi1>, vector<10000x256xf32>
    %reduce_max3A = arith.constant dense<0xFF800000> : vector<256xf32>
    %reduce_max3A_47 = vector.multi_reduction <maximumf>, %select_n3A, %reduce_max3A [0] : vector<10000x256xf32> to vector<256xf32>
    %broadcast_in_dim3A_48 = vector.shape_cast %reduce_max3A_47 : vector<256xf32> to vector<1x256xf32>
    %gt3A_49 = arith.constant -1.000000e+30 : f32
    %gt3A_50 = vector.broadcast %gt3A_49 : f32 to vector<1x256xf32>
    %gt3A_51 = arith.cmpf ogt, %broadcast_in_dim3A_48, %gt3A_50 : vector<1x256xf32>
    %jit3A_52 = arith.constant 0.000000e+00 : f32
    %broadcast_in_dim3A_53 = vector.broadcast %jit3A_52 : f32 to vector<1x256xf32>
    %select_n3A_54 = arith.select %gt3A_51, %broadcast_in_dim3A_48, %broadcast_in_dim3A_53 : vector<1x256xi1>, vector<1x256xf32>
    %dot_general3A_55 = arith.constant dense<0.000000e+00> : vector<10000x1xf32>
    %dot_general3A_56 = tpu.matmul %convert_element_type3A_6, %select_n3A_54, %dot_general3A_55 {dimension_numbers = #tpu.dot_dimension_numbers<[1], [1], [0], [0], [0, 0, 1, 0], [], []>, transpose_lhs_hint = false} : vector<10000x256xf32>, vector<1x256xf32>, vector<10000x1xf32> -> vector<10000x1xf32>
    %sub3A = arith.subf %dot_general3A_42, %dot_general3A_56 : vector<10000x1xf32>
    %exp3A = math.exp %sub3A : vector<10000x1xf32>
    %dot_general3A_57 = arith.constant dense<0.000000e+00> : vector<256x1xf32>
    %dot_general3A_58 = tpu.matmul %convert_element_type3A_6, %exp3A, %dot_general3A_57 {dimension_numbers = #tpu.dot_dimension_numbers<[0], [0], [1], [1], [0, 1, 1, 1], [], []>, transpose_lhs_hint = false} : vector<10000x256xf32>, vector<10000x1xf32>, vector<256x1xf32> -> vector<256x1xf32>
    %max3A = arith.constant 9.99999996E-13 : f32
    %max3A_59 = vector.broadcast %max3A : f32 to vector<256x1xf32>
    %max3A_60 = arith.maximumf %dot_general3A_58, %max3A_59 : vector<256x1xf32>
    %div3A = arith.constant 1.000000e+00 : f32
    %div3A_61 = vector.broadcast %div3A : f32 to vector<256x1xf32>
    %div3A_62 = arith.divf %div3A_61, %max3A_60 : vector<256x1xf32>
    %dot_general3A_63 = arith.constant dense<0.000000e+00> : vector<10000x1xf32>
    %dot_general3A_64 = tpu.matmul %convert_element_type3A_6, %div3A_62, %dot_general3A_63 {dimension_numbers = #tpu.dot_dimension_numbers<[1], [0], [0], [1], [0, 0, 1, 1], [], []>, transpose_lhs_hint = false} : vector<10000x256xf32>, vector<256x1xf32>, vector<10000x1xf32> -> vector<10000x1xf32>
    %mul3A = arith.mulf %exp3A, %dot_general3A_64 : vector<10000x1xf32>
    %mul3A_65 = vector.broadcast %mul3A : vector<10000x1xf32> to vector<10000x128xf32>
    %mul3A_66 = arith.mulf %get3A_1, %mul3A_65 : vector<10000x128xf32>
    %dot_general3A_67 = arith.constant dense<0.000000e+00> : vector<256x128xf32>
    %dot_general3A_68 = tpu.matmul %convert_element_type3A_6, %mul3A_66, %dot_general3A_67 {dimension_numbers = #tpu.dot_dimension_numbers<[0], [0], [1], [1], [0, 1, 1, 1], [], []>, transpose_lhs_hint = false} : vector<10000x256xf32>, vector<10000x128xf32>, vector<256x128xf32> -> vector<256x128xf32>
    %get3A_69 = arith.constant 0 : index
    %get3A_70 = arith.constant 0 : index
    %get3A_71 = vector.load %arg7[%get3A_69, %get3A_70] : memref<128x256xf32, #tpu.memory_space<vmem>>, vector<128x256xf32>
    %slice3A = vector.extract_strided_slice %get3A_71 {offsets = [0, 0], sizes = [128, 128], strides = [1, 1]} : vector<128x256xf32> to vector<128x128xf32>
    %dot_general3A_72 = arith.constant dense<0.000000e+00> : vector<256x128xf32>
    %dot_general3A_73 = tpu.matmul %dot_general3A_68, %slice3A, %dot_general3A_72 {dimension_numbers = #tpu.dot_dimension_numbers<[1], [1], [0], [0], [0, 0, 1, 0], [], []>, transpose_lhs_hint = false} : vector<256x128xf32>, vector<128x128xf32>, vector<256x128xf32> -> vector<256x128xf32>
    %slice3A_74 = vector.extract_strided_slice %get3A_71 {offsets = [0, 128], sizes = [128, 128], strides = [1, 1]} : vector<128x256xf32> to vector<128x128xf32>
    %dot_general3A_75 = arith.constant dense<0.000000e+00> : vector<256x128xf32>
    %dot_general3A_76 = tpu.matmul %dot_general3A_15, %slice3A_74, %dot_general3A_75 {dimension_numbers = #tpu.dot_dimension_numbers<[1], [1], [0], [0], [0, 0, 1, 0], [], []>, transpose_lhs_hint = false} : vector<256x128xf32>, vector<128x128xf32>, vector<256x128xf32> -> vector<256x128xf32>
    %add3A_77 = arith.addf %dot_general3A_73, %dot_general3A_76 : vector<256x128xf32>
    %mul3A_78 = arith.mulf %add3A_77, %add3A_77 : vector<256x128xf32>
    %reduce_sum3A = arith.constant dense<0.000000e+00> : vector<256xf32>
    %reduce_sum3A_79 = vector.multi_reduction <add>, %mul3A_78, %reduce_sum3A [1] : vector<256x128xf32> to vector<256xf32>
    %broadcast_in_dim3A_80 = vector.shape_cast %reduce_sum3A_79 : vector<256xf32> to vector<256x1xf32>
    %sqrt3A = math.sqrt %broadcast_in_dim3A_80 : vector<256x1xf32>
    %mul3A_81 = arith.constant 1.200000e+01 : f32
    %mul3A_82 = vector.broadcast %mul3A_81 : f32 to vector<256x128xf32>
    %mul3A_83 = arith.mulf %mul3A_82, %add3A_77 : vector<256x128xf32>
    %max3A_84 = arith.constant 9.99999996E-13 : f32
    %max3A_85 = vector.broadcast %max3A_84 : f32 to vector<256x1xf32>
    %max3A_86 = arith.maximumf %sqrt3A, %max3A_85 : vector<256x1xf32>
    %div3A_87 = vector.broadcast %max3A_86 : vector<256x1xf32> to vector<256x128xf32>
    %div3A_88 = arith.divf %mul3A_83, %div3A_87 : vector<256x128xf32>
    %swap3A = arith.constant 0 : index
    %swap3A_89 = arith.constant 0 : index
    %swap3A_90 = vector.load %arg8[%swap3A, %swap3A_89] : memref<256x128xf32, #tpu.memory_space<vmem>>, vector<256x128xf32>
    tpu.vector_store %arg8[%swap3A, %swap3A_89], %div3A_88 {strides = array<i32>} : memref<256x128xf32, #tpu.memory_space<vmem>>, vector<256x128xf32>,
    return
  }
}

module attributes {stable_mosaic.version = 14 : i64} {
  func.func @body(%arg0: i32, %arg1: memref<256x128xf32, #tpu.memory_space<vmem>>, %arg2: memref<2048x128xf32, #tpu.memory_space<vmem>>, %arg3: memref<256x2048xf32, #tpu.memory_space<vmem>>) attributes {dimension_semantics = [#tpu.dimension_semantics<arbitrary>], iteration_bounds = array<i64: 49>, scalar_prefetch = 0 : i64, scratch_operands = 0 : i64, tpu.core_type = #tpu.core_type<tc>, window_params = [{pipeline_mode = #tpu.pipeline_mode<synchronous>, transform_indices = @transform_0, window_bounds = array<i64: 256, 128>}, {transform_indices = @transform_1, window_bounds = array<i64: 2048, 128>}, {transform_indices = @transform_2, window_bounds = array<i64: 256, 2048>}]} {
    %get3A = arith.constant 0 : index
    %get3A_0 = arith.constant 0 : index
    %get3A_1 = vector.load %arg2[%get3A, %get3A_0] : memref<2048x128xf32, #tpu.memory_space<vmem>>, vector<2048x128xf32>
    %mul3A = arith.mulf %get3A_1, %get3A_1 : vector<2048x128xf32>
    %reduce_sum3A = arith.constant dense<0.000000e+00> : vector<2048xf32>
    %reduce_sum3A_2 = vector.multi_reduction <add>, %mul3A, %reduce_sum3A [1] : vector<2048x128xf32> to vector<2048xf32>
    %broadcast_in_dim3A = vector.shape_cast %reduce_sum3A_2 : vector<2048xf32> to vector<2048x1xf32>
    %sqrt3A = math.sqrt %broadcast_in_dim3A : vector<2048x1xf32>
    %max3A = arith.constant 9.99999996E-13 : f32
    %max3A_3 = vector.broadcast %max3A : f32 to vector<2048x1xf32>
    %max3A_4 = arith.maximumf %sqrt3A, %max3A_3 : vector<2048x1xf32>
    %div3A = arith.constant 1.000000e+00 : f32
    %div3A_5 = vector.broadcast %div3A : f32 to vector<2048x1xf32>
    %div3A_6 = arith.divf %div3A_5, %max3A_4 : vector<2048x1xf32>
    %get3A_7 = arith.constant 0 : index
    %get3A_8 = arith.constant 0 : index
    %get3A_9 = vector.load %arg1[%get3A_7, %get3A_8] : memref<256x128xf32, #tpu.memory_space<vmem>>, vector<256x128xf32>
    %mul3A_10 = vector.broadcast %div3A_6 : vector<2048x1xf32> to vector<2048x128xf32>
    %mul3A_11 = arith.mulf %get3A_1, %mul3A_10 : vector<2048x128xf32>
    %dot_general3A = arith.constant dense<0.000000e+00> : vector<256x2048xf32>
    %dot_general3A_12 = tpu.matmul %get3A_9, %mul3A_11, %dot_general3A {dimension_numbers = #tpu.dot_dimension_numbers<[1], [1], [0], [0], [0, 0, 1, 0], [], []>, transpose_lhs_hint = false} : vector<256x128xf32>, vector<2048x128xf32>, vector<256x2048xf32> -> vector<256x2048xf32>
    %swap3A = arith.constant 0 : index
    %swap3A_13 = arith.constant 0 : index
    %swap3A_14 = vector.load %arg3[%swap3A, %swap3A_13] : memref<256x2048xf32, #tpu.memory_space<vmem>>, vector<256x2048xf32>
    tpu.vector_store %arg3[%swap3A, %swap3A_13], %dot_general3A_12 {strides = array<i32>} : memref<256x2048xf32, #tpu.memory_space<vmem>>, vector<256x2048xf32>,
    return
  }
  func.func @transform_0(%arg0: i32) -> (i32, i32) {
    %c0_i32 = arith.constant 0 : i32
    %c0_i32_0 = arith.constant 0 : i32
    %c0_i32_1 = arith.constant 0 : i32
    return %c0_i32, %c0_i32_0 : i32, i32
  }
  func.func @transform_1(%arg0: i32) -> (i32, i32) {
    %c0_i32 = arith.constant 0 : i32
    %c0_i32_0 = arith.constant 0 : i32
    return %arg0, %c0_i32 : i32, i32
  }
  func.func @transform_2(%arg0: i32) -> (i32, i32) {
    %c0_i32 = arith.constant 0 : i32
    %c0_i32_0 = arith.constant 0 : i32
    return %c0_i32, %arg0 : i32, i32
  }
}

</mosaic_0001>

<sc_bundles>
// kernel: kernel.10.cloned.1.call-start
scs
__scs_entry_jumppad:
0x0: {  	(pc) =	sbr.rel $0x88, $3  }
0x1: {  	(tag) =	ssettag $0x0;
	lr =	simm.s32 $0x1  }
0x2: {  	[smem:$0x3F90] =	sst lr;
	_ =	strace $0xD0000000  }
0x3: {  	_ = 	snop  }
0x4: {  	_ = 	snop  }
0x5: {  	_ = 	snop  }
0x6: {  	_ = 	snop  }
0x7: {  	_ = 	snop  }
__scs_overlays_trampoline_lowered:
0x8: {  	[smem:$0x3F9F] =	sst s0  }
0x9: {  	[smem:$0x3FA0] =	sst s1  }
0xa: {  	[smem:$0x3FA1] =	sst s2  }
0xb: {  	[smem:$0x3FA2] =	sst s3  }
0xc: {  	[smem:$0x3FA3] =	sst s4  }
0xd: {  	[smem:$0x3FA4] =	sst s5  }
0xe: {  	[smem:$0x3FA5] =	sst s6  }
0xf: {  	[smem:$0x3FA6] =	sst s7  }
0x10: {  	[smem:$0x3FA7] =	sst s8  }
0x11: {  	[smem:$0x3FA8] =	sst s9;
	s0 =	simm.s32 @!p0 $0x0  }
0x12: {  	s1 =	sld [smem:$0x3F8E];
	s0 =	simm.s32 @p0 $0x1  }
0x13: {  	[smem:$0x3FA9] =	sst s0;
	s0 =	simm.s32 @!p1 $0x0  }
0x14: {  	s2 =	sld [smem:$0x3F8D];
	s0 =	simm.s32 @p1 $0x1  }
0x15: {  	[smem:$0x3FAA] =	sst s0;
	s0 =	simm.s32 @!p2 $0x0  }
0x16: {  	s3 =	sld [smem:$0x3FDB];
	s0 =	simm.s32 @p2 $0x1  }
0x17: {  	s4 =	simm.s32 $0x1BF5;
	[smem:$0x3FAC] =	sst s0  }
0x18: {  	s0 =	sld [smem:$0x3F8F];
	_ =	swait.ge [sflag:s4], $0x0  }
0x19: {  	s7 =	sld [smem:$0x3F90]  }
0x1a: {  	s8 =	sadd.s32 $0xFFFFE003, lr  }
0x1b: {  	s9 =	sadd.s32 $0xFFFFFEF7, lr;
	s5 =	simm.s32 $0xFFFFFFFF;
	p2 =	slt.u32 s8, $0xFFFFF086  }
0x1c: {  	p1 =	slt.u32 s9, $0xF7A;
	s5 =	simm.s32 @!p2 $0x0  }
0x1d: {  	s5 =	simm.s32 @p1 $0x1;
	p0 =	seq.s32 s7, s2  }
0x1e: {  	s7 =	smul.u32 @!p0 $0xF7A, s2;
	p2 =	seq.s32 @!p0 s5, $0x0  }
0x1f: {  	s9 =	smul.u32 $0xF7A, s1;
	s8 =	simm.s32 @!p0 $0x1BF5;
	p2 =	por !p2, p0  }
0x20: {  	[sflag:s8] =	ssyncset.s32 @!p0 $0xFFFFF086;
	s6 =	sadd.s32 @!p0 s3, s7;
	s7 =	simm.s32 @!p0 $0x108  }
0x21: {  	s3 =	sadd.s32 s3, s9;
	s6 =	sadd.s32 @!p0 $0x88, s6;
	s7 =	simm.s32 @p2 $0x1082  }
0x22: {  	[simem:s7], [sflag:s8] =	dma.local @!p0 [hbm:s6], $0xF7A  }
0x23: {  	s9 =	sor.u32 $0xD0000000, s2;
	s6 =	simm.s32 $0x108;
	_ =	swait.ge @!p0 [sflag:s8], $0x0  }
0x24: {  	s3 =	sadd.s32 $0x88, s3;
	s6 =	simm.s32 @!p1 $0x1082;
	[sflag:s4] =	ssyncset.s32 $0xFFFFF086  }
0x25: {  	[simem:s6], [sflag:s4] =	dma.local [hbm:s3], $0xF7A  }
0x26: {  	[smem:$0x3F90] =	sst s1;
	(tag) =	ssettag s2;
	_ =	strace s9  }
0x27: {  	s1 =	sld [smem:$0x3FA0]  }
0x28: {  	s2 =	sld [smem:$0x3FA1]  }
0x29: {  	s4 =	sld [smem:$0x3FA3]  }
0x2a: {  	p0 =	seq.s32 s5, $0x0;
	s5 =	sld [smem:$0x3FA4]  }
0x2b: {  	s6 =	sld [smem:$0x3FA5]  }
0x2c: {  	s7 =	sld [smem:$0x3FA6]  }
0x2d: {  	s3 =	simm.s32 $0x108;
	s8 =	sld [smem:$0x3FA7]  }
0x2e: {  	s3 =	simm.s32 @!p0 $0x1082;
	s9 =	sld [smem:$0x3FA8]  }
0x2f: {  	lr =	sadd.s32 s0, s3;
	s0 =	sld [smem:$0x3F9F]  }
0x30: {  	s3 =	sld [smem:$0x3FA2]  }
0x31: {  	[smem:$0x3FAB] =	sst s10  }
0x32: {  	s10 =	sld [smem:$0x3FA9];
	_ =	sdelay $0x3  }
0x33: {  	p0 =	seq.s32 s10, $0x1;
	s10 =	sld [smem:$0x3FAB];
	_ =	sdelay $0x3  }
0x34: {  	[smem:$0x3FAB] =	sst s10  }
0x35: {  	s10 =	sld [smem:$0x3FAA];
	_ =	sdelay $0x3  }
0x36: {  	p1 =	seq.s32 s10, $0x1;
	s10 =	sld [smem:$0x3FAB];
	_ =	sdelay $0x3  }
0x37: {  	[smem:$0x3FAB] =	sst s10  }
0x38: {  	s10 =	sld [smem:$0x3FAC]  }
0x39: {  	_ = 	snop;
	(pc) =	sbr.ind lr, $3  }
0x3a: {  	_ = 	snop  }
0x3b: {  	_ = 	snop  }
0x3c: {  	p2 =	seq.s32 s10, $0x1;
	s10 =	sld [smem:$0x3FAB]  }
0x3d: {  	_ =	shalt  }
0x3e: {  	_ =	shalt  }
0x3f: {  	_ =	shalt  }
0x40: {  	_ =	shalt  }
0x41: {  	_ =	shalt  }
0x42: {  	_ =	shalt  }
0x43: {  	_ =	shalt  }
0x44: {  	_ =	shalt  }
0x45: {  	_ =	shalt  }
0x46: {  	_ =	shalt  }
0x47: {  	_ =	shalt  }
0x48: {  	_ =	shalt  }
0x49: {  	_ =	shalt  }
0x4a: {  	_ =	shalt  }
0x4b: {  	_ =	shalt  }
0x4c: {  	_ =	shalt  }
0x4d: {  	_ =	shalt  }
0x4e: {  	_ =	shalt  }
0x4f: {  	_ =	shalt  }
0x50: {  	_ =	shalt  }
0x51: {  	_ =	shalt  }
0x52: {  	_ =	shalt  }
0x53: {  	_ =	shalt  }
0x54: {  	_ =	shalt  }
0x55: {  	_ =	shalt  }
0x56: {  	_ =	shalt  }
0x57: {  	_ =	shalt  }
0x58: {  	_ =	shalt  }
0x59: {  	_ =	shalt  }
0x5a: {  	_ =	shalt  }
0x5b: {  	_ =	shalt  }
0x5c: {  	_ =	shalt  }
0x5d: {  	_ =	shalt  }
0x5e: {  	_ =	shalt  }
0x5f: {  	_ =	shalt  }
0x60: {  	_ =	shalt  }
0x61: {  	_ =	shalt  }
0x62: {  	_ =	shalt  }
0x63: {  	_ =	shalt  }
0x64: {  	_ =	shalt  }
0x65: {  	_ =	shalt  }
0x66: {  	_ =	shalt  }
0x67: {  	_ =	shalt  }
0x68: {  	_ =	shalt  }
0x69: {  	_ =	shalt  }
0x6a: {  	_ =	shalt  }
0x6b: {  	_ =	shalt  }
0x6c: {  	_ =	shalt  }
0x6d: {  	_ =	shalt  }
0x6e: {  	_ =	shalt  }
0x6f: {  	_ =	shalt  }
0x70: {  	_ =	shalt  }
0x71: {  	_ =	shalt  }
0x72: {  	_ =	shalt  }
0x73: {  	_ =	shalt  }
0x74: {  	_ =	shalt  }
0x75: {  	_ =	shalt  }
0x76: {  	_ =	shalt  }
0x77: {  	_ =	shalt  }
0x78: {  	_ =	shalt  }
0x79: {  	_ =	shalt  }
0x7a: {  	_ =	shalt  }
0x7b: {  	_ =	shalt  }
0x7c: {  	_ =	shalt  }
0x7d: {  	_ =	shalt  }
0x7e: {  	_ =	shalt  }
0x7f: {  	_ =	shalt  }
0x80: {  	_ =	shalt  }
0x81: {  	_ =	shalt  }
0x82: {  	_ =	shalt  }
0x83: {  	_ =	shalt  }
0x84: {  	_ =	shalt  }
0x85: {  	_ =	shalt  }
0x86: {  	_ =	shalt  }
0x87: {  	_ =	shalt  }
.Lfunc_end0:
.L_simem_size_0:
called_computation.1_lowered:
.L_overlay_start_0:
0x88: {  	s2 =	sld [smem:$0x3FD9]  }
0x89: {  	s3 =	sld [smem:$0x3FFE];
	_ =	sdelay $0x1  }
0x8a: {  	s1 =	srdreg.scid  }
0x8b: {  	s0 =	sand.u32 $0x1, s1  }
0x8c: {  	s17 =	sshll.u32 s0, $0xA;
	s2 =	sadd.s32 s3, s2  }
0x8d: {  	s2 =	sadd.s32 s2, s17  }
0x8e: {  	[smem:$0x3FB7] =	sst s2  }
0x8f: {  	_ = 	snop  }
0x90: {  	s2 =	sld [smem:$0x3FC7]  }
0x91: {  	s18 =	sld [smem:$0x3FD0];
	(tm) =	ssettm $0x1  }
0x92: {  	s4 =	sld [smem:$0x3FFB];
	_ =	sdelay $0x3  }
0x93: {  	_ =	strace s4  }
0x94: {  	s4 =	sld [smem:$0x3FFC];
	_ =	sdelay $0x3  }
0x95: {  	_ =	strace s4  }
0x96: {  	s4 =	sld [smem:$0x3FFD];
	_ =	sdelay $0x3  }
0x97: {  	_ =	strace s4  }
0x98: {  	_ =	strace $0x8FFFFFFF  }
0x99: {  	s19 =	sld [smem:$0x3FDB];
	_ =	sdelay $0x1  }
0x9a: {  	s5 =	simm.s32 $_scs_section_size  }
0x9b: {  	s6 =	simm.s32 $_size__tile_overlayer_lowered;
	s7 =	simm.s32 $_tile_overlayer_lowered  }
0x9c: {  	s22 =	simm.s32 $0x1BFF;
	s21 =	sshll.u32 s7, $0x1;
	s4 =	sadd.s32 s5, s19  }
0x9d: {  	s8 =	simm.s32 $0x0;
	s20 =	sshll.u32 s6, $0x1;
	s6 =	sadd.s32 s21, s4  }
0x9e: {  	[timem:s8], [sflag:s22] =	dma.local [hbm:s6], s20  }
0x9f: {  	_ =	swait.ge [sflag:s22], s20  }
0xa0: {  	s5 =	ssub.s32 $0x0, s20;
	[sflag:s22] =	ssyncset.done $0x0  }
0xa1: {  	[sflag:s22] =	ssyncadd.s32 s5;
	_ =	sdelay $0x1  }
0xa2: {  	s23 =	simm.s32 $0x1B8B  }
0xa3: {  	_ =	swait.ge [sflag:s23], $0x1  }
0xa4: {  	[sflag:s23] =	ssyncset.done $0x0  }
0xa5: {  	s25 =	simm.s32 $0x1B8E;
	s24 =	sld [smem:$0x3FFE];
	[sflag:s23] =	ssyncadd.s32 $0xFFFFFFFF  }
0xa6: {  	s26 =	simm.s32 $execute0_lowered;
	[smem:$0x3FD2] =	sst s25  }
0xa7: {  	s6 =	sshll.u32 s26, $0x1;
	_ =	strace $0x80000049;
	[dreg:$0x1] =	wrdreg $0xFFFFFFFF  }
0xa8: {  	s28 =	simm.s32 $_size_execute0_lowered;
	s4 =	sadd.s32 s4, s6;
	[dreg:$0x0] =	wrdreg $0x0  }
0xa9: {  	s6 =	sshll.u32 s28, $0x1;
	[dreg:$0x2] =	wrdreg s4  }
0xaa: {  	[dreg:$0x3] =	wrdreg s6  }
0xab: {  	[dreg:$0x4] =	wrdreg $0xC0  }
0xac: {  	_ =	task [dreg:s8], $0x5FFFF  }
0xad: {  	[dreg:$0x1] =	wrdreg $0xFFFFFFFF  }
0xae: {  	[dreg:$0x0] =	wrdreg $0x60  }
0xaf: {  	[dreg:$0x2] =	wrdreg s24  }
0xb0: {  	[dreg:$0x3] =	wrdreg s2  }
0xb1: {  	[dreg:$0x4] =	wrdreg s18  }
0xb2: {  	[dreg:$0x5] =	wrdreg $0x9  }
0xb3: {  	_ =	task.clear_ibuf [dreg:s8], $0x6FFFF;
	_ =	strace $0x90000049  }
0xb4: {  	s29 =	simm.s32 $0x9;
	_ =	strace $0x8000004B  }
0xb5: {  	_ =	swait.ge [sflag:s29], $0x1  }
0xb6: {  	[sflag:s29] =	ssyncadd.s32 $0xFFFFFFFF  }
0xb7: {  	_ =	strace $0x9000004B  }
0xb8: {  	_ =	sfence  }
0xb9: {  	s30 =	sld [smem:$0x0];
	_ =	sdelay $0x2  }
0xba: {  	s31 =	sshll.u32 s1, $0xD;
	s1 =	sshrl.u32 s1, $0x2  }
0xbb: {  	s3 =	sand.u32 $0x4000, s31;
	s1 =	sadd.s32 s1, s30  }
0xbc: {  	s0 =	sor.u32 s3, s0;
	s1 =	sshll.u32 s1, $0x11  }
0xbd: {  	s0 =	sor.u32 s1, s0  }
0xbe: {  	s0 =	sadd.s32 $0x8F2B, s0  }
0xbf: {  	[sflag:s0] =	ssyncadd.remote.s32 $0x1  }
0xc0: {  	_ =	sfence.sel $0xFFFF  }
0xc1: {  	[dreg:$0x0] =	wrdreg $0xFFFFFFFF;
	(pc) =	sbr.abs _section_cstart, $3  }
0xc2: {  	[dreg:$0x1] =	wrdreg $0xFFFFFFFF  }
0xc3: {  	_ =	task.clear_ibuf [dreg:s8], $0x2FFFF;
	_ =	strace $0x9FFFFFFF  }
0xc4: {  	(tm) =	ssettm $0x7FFFFFFF  }
0xc5: {  	_ =	shalt  }
tec
execute0_lowered:
.L_overlay_start_1:
0x0: {  	(tag) =	ssettag $0x1  }
0x1: {  	v2 =	vimm.s32 $0xFEDCBA9  }
0x2: {  	v1 =	vlaneseq.u32;
	v5 =	vimm.s32 $0x87654321;
	v6 =	vimm.s32 $0x98765432  }
0x3: {  	v7 =	vimm.s32 $0x210FEDCB;
	v8 =	vimm.s32 $0xA9876543;
	v18 =	vimm.s32 $0xCBA98765  }
0x4: {  	v20 =	vimm.s32 $0x6543210F;
	v21 =	vimm.s32 $0xEDCBA987;
	v22 =	vimm.s32 $0xFEDCBA98  }
0x5: {  	v23 =	vimm.s32 $0x76543210;
	v4 =	vunpack.c.l.s4.s8 v2;
	v3 =	vmul.u32 $0x10, v1  }
0x6: {  	s1 =	stileid.u32;
	v6 =	vunpack.c.l.s4.s8 v6;
	v7 =	vunpack.c.l.s4.s8 v7;
	v20 =	vunpack.c.l.s4.s8 v20  }
0x7: {  	s6 =	rddreg [dreg:$0x0];
	s0 =	sshrl.u32 s1, $0x1;
	v21 =	vunpack.c.l.s4.s8 v21;
	v22 =	vunpack.c.l.s4.s8 v22;
	v10 =	vunpack.c.0.s8.s32 v4  }
0x8: {  	s19 =	rddreg [dreg:$0x2];
	s2 =	sand.u32 $0x1, s1;
	s0 =	smul.u32 $0x2710, s0;
	v4 =	vunpack.c.l.s4.s8 v5;
	v5 =	vimm.s32 $0x10FEDCBA;
	v13 =	vunpack.c.0.s8.s32 v6  }
0x9: {  	s13 =	simm.s32 $0x0;
	p0 =	seq.s32 s2, $0x1;
	s2 =	simm.s32 $0x1400;
	v14 =	vunpack.c.0.s8.s32 v7;
	v20 =	vunpack.c.0.s8.s32 v20;
	v21 =	vunpack.c.0.s8.s32 v21  }
0xa: {  	s3 =	srdreg.scid;
	s15 =	simm.s32 $0x6E00;
	s2 =	simm.s32 @!p0 $0x0;
	v22 =	vunpack.c.0.s8.s32 v22;
	v0 =	vmov s0;
	v5 =	vunpack.c.l.s4.s8 v5  }
0xb: {  	s28 =	simm.s32 $0x3600;
	s30 =	simm.s32 $0x3E00;
	s31 =	simm.s32 $0xF00;
	v2 =	vmov s2;
	v11 =	vunpack.c.0.s8.s32 v4;
	v4 =	vunpack.c.l.s4.s8 v8  }
0xc: {  	s18 =	simm.s32 $0x4600;
	s14 =	simm.s32 $0x6600;
	s16 =	simm.s32 $0x1;
	v26 =	vcombine.low v21, v20;
	v12 =	vunpack.c.0.s8.s32 v5;
	v5 =	vimm.s32 $0x3210FEDC  }
0xd: {  	s17 =	simm.s32 $0x0;
	s7 =	sand.u32 $0x1, s3;
	s11 =	smul.u32 $0x14000, s1;
	v22 =	vand.u32 $0xF, v22;
	v15 =	vunpack.c.0.s8.s32 v4;
	v4 =	vunpack.c.l.s4.s8 v5  }
0xe: {  	[smem:$0x7FF] =	sst s13;
	s3 =	sadd.s32 $0x3E200, s6;
	s8 =	smul.u32 $0x500, s7;
	v5 =	vimm.s32 $0xBA987654;
	v6 =	vcombine.low v11, v10;
	v63 =	vcombine.low v10, v11  }
0xf: {  	s4 =	sadd.s32 $0x2A800, s6;
	s9 =	sadd.s32 $0x65A00, s6;
	s5 =	smul.u32 $0x4E200, s7;
	v11 =	vand.u32 $0xF, v26;
	v7 =	vcombine.low v13, v12;
	v5 =	vunpack.c.l.s4.s8 v5  }
0x10: {  	s20 =	sadd.s32 $0x65400, s6;
	s21 =	smul.u32 $0x140000, s7;
	s10 =	ssub.s32 $0x2, s7;
	v13 =	vcombine.low v12, v13;
	v8 =	vcombine.low v15, v14;
	v16 =	vunpack.c.0.s8.s32 v4  }
0x11: {  	s7 =	sxor.u32 $0x1, s7;
	s12 =	sshrl.u32 s10, $0x1;
	s0 =	rddreg [dreg:$0x1];
	v4 =	vimm.s32 $0x43210FED;
	v14 =	vcombine.low v14, v15;
	v17 =	vunpack.c.0.s8.s32 v5  }
0x12: {  	p0 =	sne.s32 s1, $0x0;
	_ =	strace $0x8000004A;
	[dreg:$0x4] =	wrdreg s9;
	v9 =	vunpack.c.l.s4.s8 v4;
	v5 =	vand.u32 $0xF, v7;
	v7 =	vunpack.c.l.s4.s8 v18  }
0x13: {  	[dreg:$0x5] =	wrdreg s20;
	s6 =	sadd.s32 s8, s6;
	s8 =	smul.u32 $0x4E200, s7;
	v12 =	vand.u32 $0xF, v63;
	v4 =	vand.u32 $0xF, v6;
	v13 =	vand.u32 $0xF, v13  }
0x14: {  	s22 =	ssub.s32 s10, s12;
	s9 =	sadd.s32 s11, s21;
	s23 =	sshrl.u32 s5, $0x3;
	v6 =	vand.u32 $0xF, v8;
	v18 =	vunpack.c.0.s8.s32 v9;
	v19 =	vunpack.c.0.s8.s32 v7  }
0x15: {  	s20 =	simm.s32 $0x3;
	s21 =	simm.s32 $0x80;
	s12 =	simm.s32 $0x5E00;
	v7 =	vimm.s32 $0x543210FE;
	v9 =	vimm.s32 $0xDCBA9876;
	v15 =	vcombine.low v16, v17  }
0x16: {  	s7 =	simm.s32 $0x1300;
	s11 =	simm.s32 $0x1380;
	s9 =	sshrl.u32 s9, $0x3;
	v14 =	vand.u32 $0xF, v14;
	v7 =	vunpack.c.l.s4.s8 v7;
	v9 =	vunpack.c.l.s4.s8 v9  }
0x17: {  	s10 =	sadd.s32 s4, s23;
	s26 =	sadd.s32 $0x68200, s6;
	s29 =	smax.u32 s22, $0x1;
	v8 =	vcombine.low v17, v16;
	v16 =	vcombine.low v18, v19;
	v15 =	vand.u32 $0xF, v15  }
0x18: {  	s22 =	simm.s32 $0x1E00;
	s23 =	simm.s32 $0x2600;
	[dreg:$0x6] =	wrdreg s10;
	v24 =	vunpack.c.0.s8.s32 v7;
	v25 =	vunpack.c.0.s8.s32 v9;
	v9 =	vunpack.c.l.s4.s8 v23  }
0x19: {  	s6 =	simm.s32 $0x4E00;
	s24 =	sshrl.u32 s8, $0x3;
	[dreg:$0x9] =	wrdreg s26;
	v7 =	vand.u32 $0xF, v8;
	v8 =	vcombine.low v19, v18;
	v18 =	vcombine.low v20, v21  }
0x1a: {  	s2 =	sadd.s32 s19, s9;
	[dreg:$0xa] =	wrdreg s29;
	s19 =	simm.s32 $0x4;
	v9 =	vunpack.c.0.s8.s32 v9;
	v62 =	vcombine.low v25, v24;
	v17 =	vcombine.low v24, v25  }
0x1b: {  	s10 =	simm.s32 $0x5600;
	s25 =	sadd.s32 s4, s24;
	[dreg:$0x8] =	wrdreg s2;
	v16 =	vand.u32 $0xF, v16;
	v8 =	vand.u32 $0xF, v8;
	v18 =	vand.u32 $0xF, v18  }
0x1c: {  	s9 =	simm.s32 $0x2;
	[dreg:$0x7] =	wrdreg s25;
	s25 =	simm.s32 $0x2E00;
	v9 =	vcombine.low v22, v9;
	v10 =	vand.u32 $0xF, v62;
	v17 =	vand.u32 $0xF, v17  }
.LBB2_1:
0x1d: {  	s1 =	rddreg [dreg:$0x4]  }
0x1e: {  	[tilespmem:s15], [sflag:$0x4] =	stream.linear.gather [hbm4b:s1+s13], $0x14000, $0x38;
	[tilespmem:$0x1D600] =	vst v63  }
0x1f: {  	_ =	swait.ge [sflag:s19], $0x14000  }
0x20: {  	[sflag:s19] =	ssyncset.done $0x0  }
0x21: {  	s2 =	simm.s32 $0x1AE00;
	s29 =	rddreg [dreg:$0x5];
	[sflag:s19] =	ssyncadd.s32 $0xFFFEC000  }
0x22: {  	[tilespmem:s2], [sflag:$0x4] =	stream.linear.gather [hbm4b:s29+s13], $0x2800, $0x38;
	[tilespmem:$0x1D600] =	vst v63  }
0x23: {  	_ =	swait.ge [sflag:s19], $0x2800  }
0x24: {  	[sflag:s19] =	ssyncset.done $0x0  }
0x25: {  	[sflag:s19] =	ssyncadd.s32 $0xFFFFD800;
	s19 =	rddreg [dreg:$0x6]  }
0x26: {  	[tilespmem:s13], [sflag:$0x3] =	stream.linear.gather [hbm4b:s19+s13], $0x500, $0x38;
	[tilespmem:$0x1D600] =	vst v63  }
0x27: {  	s26 =	simm.s32 $0x500;
	s24 =	rddreg [dreg:$0x7]  }
0x28: {  	[tilespmem:s26], [sflag:$0x3] =	stream.linear.gather [hbm4b:s24+s13], $0x500, $0x38;
	[tilespmem:$0x1D600] =	vst v63  }
0x29: {  	s29 =	simm.s32 $0xA00  }
0x2a: {  	[tilespmem:s29], [sflag:$0x3] =	stream.linear.gather [hbm4b:s0+s13], $0x500, $0x38;
	[tilespmem:$0x1D600] =	vst v63  }
0x2b: {  	_ =	swait.ge [sflag:s20], $0x500  }
0x2c: {  	[sflag:s20] =	ssyncset.done $0x0  }
0x2d: {  	[sflag:s20] =	ssyncadd.s32 $0xFFFFFB00  }
0x2e: {  	_ =	swait.ge [sflag:s20], $0x500  }
0x2f: {  	[sflag:s20] =	ssyncset.done $0x0  }
0x30: {  	[sflag:s20] =	ssyncadd.s32 $0xFFFFFB00  }
0x31: {  	_ =	swait.ge [sflag:s20], $0x500  }
0x32: {  	[sflag:s20] =	ssyncset.done $0x0  }
0x33: {  	s1 =	simm.s32 $0x0;
	s2 =	simm.s32 $0x40;
	[sflag:s20] =	ssyncadd.s32 $0xFFFFFB00  }
.LBB2_2:
0x34: {  	p1 =	sne.s32 s2, $0x13C0;
	v19 =	vld [tilespmem:s1+$0x0];
	_ =	sdelay $0x1  }
.Ltmp0:
0x35: {  	(pc) =	sbr.rel @p1 .LBB2_2-.Ltmp0, $3  }
0x36: {  	_ =	sdelay $0x1  }
0x37: {  	v19 =	vadd.s32 v0, v19  }
0x38: {  	[tilespmem:s1+$0x0] =	vst v19;
	s1 =	sshra.s32 s2, $0x2;
	s2 =	sadd.s32 $0x40, s2  }
0x39: {  	v19 =	vld [tilespmem:s1+$0x0];
	_ =	sdelay $0x4  }
0x3a: {  	v19 =	vadd.s32 v0, v19  }
0x3b: {  	s13 =	simm.s32 $0x0;
	[tilespmem:s1+$0x0] =	vst v19  }
0x3c: {  	[tilespmem:s22], [sflag:$0x1] =	stream.indirect.gather [hbm4b:s3+s21], $0x10, s13, s21, $0xb8;
	[tilespmem:$0x1D600] =	vst v63  }
0x3d: {  	_ = 	snop  }
0x3e: {  	[tilespmem:s23], [sflag:$0x1] =	stream.indirect.gather [hbm4b:s3+s21], $0x10, s21, s21, $0xb8;
	[tilespmem:$0x1D600] =	vst v63  }
0x3f: {  	s24 =	simm.s32 $0x100  }
0x40: {  	[tilespmem:s25], [sflag:$0x1] =	stream.indirect.gather [hbm4b:s3+s21], $0x10, s24, s21, $0xb8;
	[tilespmem:$0x1D600] =	vst v63  }
0x41: {  	s26 =	simm.s32 $0x180  }
0x42: {  	[tilespmem:s28], [sflag:$0x1] =	stream.indirect.gather [hbm4b:s3+s21], $0x10, s26, s21, $0xb8;
	[tilespmem:$0x1D600] =	vst v63  }
0x43: {  	[dreg:$0xb] =	wrdreg s17;
	s29 =	simm.s32 $0x200;
	s24 =	simm.s32 $0x0  }
0x44: {  	[tilespmem:s30], [sflag:$0x1] =	stream.indirect.gather [hbm4b:s3+s21], $0x10, s29, s21, $0xb8;
	[tilespmem:$0x1D600] =	vst v63  }
.LBB2_4:
0x45: {  	s26 =	smul.u32 $0xA00, s24;
	_ =	sdelay $0x1  }
0x46: {  	s1 =	sadd.s32 $0x500, s26  }
0x47: {  	s2 =	sadd.s32 s5, s1  }
0x48: {  	s2 =	sshrl.u32 s2, $0x3  }
0x49: {  	s17 =	sadd.s32 s8, s1;
	s2 =	sadd.s32 s4, s2  }
0x4a: {  	[tilespmem:s31], [sflag:$0x3] =	stream.linear.gather [hbm4b:s2+s13], $0x500, $0x38;
	[tilespmem:$0x1D600] =	vst v63  }
0x4b: {  	s2 =	sshrl.u32 s17, $0x3  }
0x4c: {  	s1 =	sshrl.u32 s1, $0x3;
	s17 =	simm.s32 $0x1400;
	s2 =	sadd.s32 s4, s2  }
0x4d: {  	[tilespmem:s17], [sflag:$0x3] =	stream.linear.gather [hbm4b:s2+s13], $0x500, $0x38;
	[tilespmem:$0x1D600] =	vst v63  }
0x4e: {  	s19 =	simm.s32 $0x1900;
	s1 =	sadd.s32 s0, s1  }
0x4f: {  	[tilespmem:s19], [sflag:$0x3] =	stream.linear.gather [hbm4b:s1+s13], $0x500, $0x38;
	[tilespmem:$0x1D600] =	vst v63  }
0x50: {  	s2 =	simm.s32 $0x280  }
0x51: {  	[tilespmem:s18], [sflag:$0x2] =	stream.indirect.gather [hbm4b:s3+s21], $0x10, s2, s21, $0xb8;
	[tilespmem:$0x1D600] =	vst v63  }
0x52: {  	s17 =	simm.s32 $0x300  }
0x53: {  	[tilespmem:s6], [sflag:$0x2] =	stream.indirect.gather [hbm4b:s3+s21], $0x10, s17, s21, $0xb8;
	[tilespmem:$0x1D600] =	vst v63  }
0x54: {  	s19 =	simm.s32 $0x380  }
0x55: {  	[tilespmem:s10], [sflag:$0x2] =	stream.indirect.gather [hbm4b:s3+s21], $0x10, s19, s21, $0xb8;
	[tilespmem:$0x1D600] =	vst v63  }
0x56: {  	s2 =	simm.s32 $0x400  }
0x57: {  	[tilespmem:s12], [sflag:$0x2] =	stream.indirect.gather [hbm4b:s3+s21], $0x10, s2, s21, $0xb8;
	[tilespmem:$0x1D600] =	vst v63  }
0x58: {  	s17 =	simm.s32 $0x480  }
0x59: {  	[tilespmem:s14], [sflag:$0x2] =	stream.indirect.gather [hbm4b:s3+s21], $0x10, s17, s21, $0xb8;
	[tilespmem:$0x1D600] =	vst v63  }
0x5a: {  	_ =	swait.ge [sflag:s16], $0x800  }
0x5b: {  	[sflag:s16] =	ssyncset.done $0x0  }
0x5c: {  	[sflag:s16] =	ssyncadd.s32 $0xFFFFF800  }
0x5d: {  	_ =	swait.ge [sflag:s16], $0x800  }
0x5e: {  	[sflag:s16] =	ssyncset.done $0x0  }
0x5f: {  	[sflag:s16] =	ssyncadd.s32 $0xFFFFF800  }
0x60: {  	_ =	swait.ge [sflag:s16], $0x800  }
0x61: {  	[sflag:s16] =	ssyncset.done $0x0  }
0x62: {  	[sflag:s16] =	ssyncadd.s32 $0xFFFFF800  }
0x63: {  	_ =	swait.ge [sflag:s16], $0x800  }
0x64: {  	[sflag:s16] =	ssyncset.done $0x0  }
0x65: {  	[sflag:s16] =	ssyncadd.s32 $0xFFFFF800  }
0x66: {  	v19 =	vmov s13;
	_ =	swait.ge [sflag:s16], $0x800  }
0x67: {  	v19 =	vshll.u32 v19, $0x4;
	[sflag:s16] =	ssyncset.done $0x0  }
0x68: {  	s29 =	simm.s32 $0x500;
	v21 =	vor.u32 v3, v19;
	[sflag:s16] =	ssyncadd.s32 $0xFFFFF800  }
0x69: {  	v20 =	vor.u32 v1, v21;
	v19 =	vld [tilespmem:s29+$0x0];
	_ =	sdelay $0x4  }
0x6a: {  	s2 =	simm.s32 $0xA00;
	v23 =	vld.idx.msk [tilespmem:v20+s22+$0x0], $0xffff;
	v22 =	vsub.s32 v19, v2  }
0x6b: {  	v20 =	vld [tilespmem:s2+$0x0];
	vm0 =	vge.s32 v19, v2;
	vm1 =	vlt.s32 v22, $0x1400  }
0x6c: {  	v22 =	vshll.u32 v22, $0x4;
	vm0 =	vmand vm0, vm1  }
0x6d: {  	v24 =	vor.u32 v1, v22  }
0x6e: {  	v25 =	vor.u32 v4, v21;
	_ =	sdelay $0x1  }
0x6f: {  	v23 =	vmul.f32 v23, v20;
	_ =	sdelay $0x1  }
0x70: {  	[tilespmem:v24+s15+$0x0] =	vst.idx.add.f32.msk vm0, v23  }
0x71: {  	v23 =	vld.idx.msk [tilespmem:v25+s22+$0x0], $0xffff;
	_ =	sdelay $0x1  }
0x72: {  	v37 =	vor.u32 v4, v22  }
0x73: {  	v38 =	vor.u32 v5, v21;
	_ =	sdelay $0x1  }
0x74: {  	v23 =	vmul.f32 v23, v20;
	_ =	sdelay $0x1  }
0x75: {  	[tilespmem:v37+s15+$0x0] =	vst.idx.add.f32.msk vm0, v23  }
0x76: {  	v23 =	vld.idx.msk [tilespmem:v38+s22+$0x0], $0xffff;
	_ =	sdelay $0x1  }
0x77: {  	v39 =	vor.u32 v5, v22  }
0x78: {  	v40 =	vor.u32 v6, v21;
	_ =	sdelay $0x1  }
0x79: {  	v23 =	vmul.f32 v23, v20;
	_ =	sdelay $0x1  }
0x7a: {  	[tilespmem:v39+s15+$0x0] =	vst.idx.add.f32.msk vm0, v23  }
0x7b: {  	v23 =	vld.idx.msk [tilespmem:v40+s22+$0x0], $0xffff;
	_ =	sdelay $0x1  }
0x7c: {  	v41 =	vor.u32 v6, v22  }
0x7d: {  	v42 =	vor.u32 v7, v21;
	_ =	sdelay $0x1  }
0x7e: {  	v23 =	vmul.f32 v23, v20;
	_ =	sdelay $0x1  }
0x7f: {  	[tilespmem:v41+s15+$0x0] =	vst.idx.add.f32.msk vm0, v23  }
0x80: {  	v23 =	vld.idx.msk [tilespmem:v42+s22+$0x0], $0xffff;
	_ =	sdelay $0x1  }
0x81: {  	v43 =	vor.u32 v7, v22  }
0x82: {  	v44 =	vor.u32 v8, v21;
	_ =	sdelay $0x1  }
0x83: {  	v23 =	vmul.f32 v23, v20;
	_ =	sdelay $0x1  }
0x84: {  	[tilespmem:v43+s15+$0x0] =	vst.idx.add.f32.msk vm0, v23  }
0x85: {  	v23 =	vld.idx.msk [tilespmem:v44+s22+$0x0], $0xffff;
	_ =	sdelay $0x1  }
0x86: {  	v45 =	vor.u32 v8, v22  }
0x87: {  	v46 =	vor.u32 v10, v21;
	_ =	sdelay $0x1  }
0x88: {  	v23 =	vmul.f32 v23, v20;
	_ =	sdelay $0x1  }
0x89: {  	[tilespmem:v45+s15+$0x0] =	vst.idx.add.f32.msk vm0, v23  }
0x8a: {  	v23 =	vld.idx.msk [tilespmem:v46+s22+$0x0], $0xffff;
	_ =	sdelay $0x1  }
0x8b: {  	v47 =	vor.u32 v10, v22  }
0x8c: {  	v48 =	vor.u32 v11, v21;
	_ =	sdelay $0x1  }
0x8d: {  	v23 =	vmul.f32 v23, v20;
	_ =	sdelay $0x1  }
0x8e: {  	[tilespmem:v47+s15+$0x0] =	vst.idx.add.f32.msk vm0, v23  }
0x8f: {  	v23 =	vld.idx.msk [tilespmem:v48+s22+$0x0], $0xffff;
	_ =	sdelay $0x1  }
0x90: {  	v49 =	vor.u32 v11, v22  }
0x91: {  	v50 =	vor.u32 v9, v21;
	_ =	sdelay $0x1  }
0x92: {  	v23 =	vmul.f32 v23, v20;
	_ =	sdelay $0x1  }
0x93: {  	[tilespmem:v49+s15+$0x0] =	vst.idx.add.f32.msk vm0, v23  }
0x94: {  	v23 =	vld.idx.msk [tilespmem:v50+s22+$0x0], $0xffff;
	_ =	sdelay $0x1  }
0x95: {  	v51 =	vor.u32 v9, v22  }
0x96: {  	v52 =	vor.u32 v12, v21;
	_ =	sdelay $0x1  }
0x97: {  	v23 =	vmul.f32 v23, v20;
	_ =	sdelay $0x1  }
0x98: {  	[tilespmem:v51+s15+$0x0] =	vst.idx.add.f32.msk vm0, v23  }
0x99: {  	v23 =	vld.idx.msk [tilespmem:v52+s22+$0x0], $0xffff;
	_ =	sdelay $0x1  }
0x9a: {  	v53 =	vor.u32 v12, v22  }
0x9b: {  	v54 =	vor.u32 v13, v21;
	_ =	sdelay $0x1  }
0x9c: {  	v23 =	vmul.f32 v23, v20;
	_ =	sdelay $0x1  }
0x9d: {  	[tilespmem:v53+s15+$0x0] =	vst.idx.add.f32.msk vm0, v23  }
0x9e: {  	v23 =	vld.idx.msk [tilespmem:v54+s22+$0x0], $0xffff;
	_ =	sdelay $0x1  }
0x9f: {  	v55 =	vor.u32 v13, v22  }
0xa0: {  	v56 =	vor.u32 v14, v21;
	_ =	sdelay $0x1  }
0xa1: {  	v23 =	vmul.f32 v23, v20;
	_ =	sdelay $0x1  }
0xa2: {  	[tilespmem:v55+s15+$0x0] =	vst.idx.add.f32.msk vm0, v23  }
0xa3: {  	v23 =	vld.idx.msk [tilespmem:v56+s22+$0x0], $0xffff;
	_ =	sdelay $0x1  }
0xa4: {  	v57 =	vor.u32 v14, v22  }
0xa5: {  	v58 =	vor.u32 v15, v21;
	_ =	sdelay $0x1  }
0xa6: {  	v23 =	vmul.f32 v23, v20;
	_ =	sdelay $0x1  }
0xa7: {  	[tilespmem:v57+s15+$0x0] =	vst.idx.add.f32.msk vm0, v23  }
0xa8: {  	v23 =	vld.idx.msk [tilespmem:v58+s22+$0x0], $0xffff;
	_ =	sdelay $0x1  }
0xa9: {  	v59 =	vor.u32 v15, v22  }
0xaa: {  	v60 =	vor.u32 v16, v21;
	_ =	sdelay $0x1  }
0xab: {  	v23 =	vmul.f32 v23, v20;
	_ =	sdelay $0x1  }
0xac: {  	[tilespmem:v59+s15+$0x0] =	vst.idx.add.f32.msk vm0, v23  }
0xad: {  	v23 =	vld.idx.msk [tilespmem:v60+s22+$0x0], $0xffff;
	_ =	sdelay $0x1  }
0xae: {  	v61 =	vor.u32 v16, v22  }
0xaf: {  	v62 =	vor.u32 v17, v21;
	_ =	sdelay $0x1  }
0xb0: {  	v23 =	vmul.f32 v23, v20;
	_ =	sdelay $0x1  }
0xb1: {  	[tilespmem:v61+s15+$0x0] =	vst.idx.add.f32.msk vm0, v23  }
0xb2: {  	v23 =	vld.idx.msk [tilespmem:v62+s22+$0x0], $0xffff;
	_ =	sdelay $0x1  }
0xb3: {  	v63 =	vor.u32 v17, v22  }
0xb4: {  	v21 =	vor.u32 v18, v21;
	_ =	sdelay $0x1  }
0xb5: {  	v23 =	vmul.f32 v23, v20;
	_ =	sdelay $0x1  }
0xb6: {  	[tilespmem:v63+s15+$0x0] =	vst.idx.add.f32.msk vm0, v23  }
0xb7: {  	v21 =	vld.idx.msk [tilespmem:v21+s22+$0x0], $0xffff;
	_ =	sdelay $0x1  }
0xb8: {  	v22 =	vor.u32 v18, v22;
	_ =	sdelay $0x2  }
0xb9: {  	s19 =	simm.s32 $0x10;
	v23 =	vmul.f32 v21, v20  }
0xba: {  	v21 =	vmov s19  }
0xbb: {  	s1 =	simm.s32 $0x20;
	s17 =	simm.s32 @!p0 $0x1AE00;
	v21 =	vshll.u32 v21, $0x4;
	[tilespmem:v22+s15+$0x0] =	vst.idx.add.f32.msk vm0, v23  }
.LBB2_5:
0xbc: {  	s29 =	sadd.s32 $0x10, s29  }
0xbd: {  	v21 =	vor.u32 v3, v21;
	[tilespmem:v19+s17+$0x0] =	vst.idx.add.f32.msk @!p0 $0xffff, v20;
	s2 =	sadd.s32 $0x10, s2;
	s19 =	smov.u32 s1;
	s1 =	sadd.s32 $0x10, s1  }
0xbe: {  	p1 =	sne.s32 s1, $0x280;
	v19 =	vld [tilespmem:s29+$0x0];
	v20 =	vor.u32 v1, v21;
	_ =	sdelay $0x4  }
0xbf: {  	v22 =	vsub.s32 v19, v2;
	v23 =	vld.idx.msk [tilespmem:v20+s22+$0x0], $0xffff  }
0xc0: {  	vm0 =	vge.s32 v19, v2;
	v20 =	vld [tilespmem:s2+$0x0];
	vm1 =	vlt.s32 v22, $0x1400;
	v22 =	vshll.u32 v22, $0x4  }
0xc1: {  	vm0 =	vmand vm0, vm1  }
0xc2: {  	v24 =	vor.u32 v1, v22  }
0xc3: {  	v25 =	vor.u32 v4, v21;
	_ =	sdelay $0x1  }
0xc4: {  	v23 =	vmul.f32 v23, v20;
	_ =	sdelay $0x1  }
0xc5: {  	[tilespmem:v24+s15+$0x0] =	vst.idx.add.f32.msk vm0, v23  }
0xc6: {  	v23 =	vld.idx.msk [tilespmem:v25+s22+$0x0], $0xffff;
	_ =	sdelay $0x2  }
0xc7: {  	v24 =	vor.u32 v4, v22  }
0xc8: {  	v25 =	vor.u32 v5, v21;
	_ =	sdelay $0x1  }
0xc9: {  	v23 =	vmul.f32 v23, v20;
	_ =	sdelay $0x1  }
0xca: {  	[tilespmem:v24+s15+$0x0] =	vst.idx.add.f32.msk vm0, v23  }
0xcb: {  	v23 =	vld.idx.msk [tilespmem:v25+s22+$0x0], $0xffff;
	_ =	sdelay $0x2  }
0xcc: {  	v24 =	vor.u32 v5, v22  }
0xcd: {  	v25 =	vor.u32 v6, v21;
	_ =	sdelay $0x1  }
0xce: {  	v23 =	vmul.f32 v23, v20;
	_ =	sdelay $0x1  }
0xcf: {  	[tilespmem:v24+s15+$0x0] =	vst.idx.add.f32.msk vm0, v23  }
0xd0: {  	v23 =	vld.idx.msk [tilespmem:v25+s22+$0x0], $0xffff;
	_ =	sdelay $0x2  }
0xd1: {  	v24 =	vor.u32 v6, v22  }
0xd2: {  	v25 =	vor.u32 v7, v21;
	_ =	sdelay $0x1  }
0xd3: {  	v23 =	vmul.f32 v23, v20;
	_ =	sdelay $0x1  }
0xd4: {  	[tilespmem:v24+s15+$0x0] =	vst.idx.add.f32.msk vm0, v23  }
0xd5: {  	v23 =	vld.idx.msk [tilespmem:v25+s22+$0x0], $0xffff;
	_ =	sdelay $0x2  }
0xd6: {  	v24 =	vor.u32 v7, v22  }
0xd7: {  	v25 =	vor.u32 v8, v21;
	_ =	sdelay $0x1  }
0xd8: {  	v23 =	vmul.f32 v23, v20;
	_ =	sdelay $0x1  }
0xd9: {  	[tilespmem:v24+s15+$0x0] =	vst.idx.add.f32.msk vm0, v23  }
0xda: {  	v23 =	vld.idx.msk [tilespmem:v25+s22+$0x0], $0xffff;
	_ =	sdelay $0x2  }
0xdb: {  	v24 =	vor.u32 v8, v22  }
0xdc: {  	v25 =	vor.u32 v10, v21;
	_ =	sdelay $0x1  }
0xdd: {  	v23 =	vmul.f32 v23, v20;
	_ =	sdelay $0x1  }
0xde: {  	[tilespmem:v24+s15+$0x0] =	vst.idx.add.f32.msk vm0, v23  }
0xdf: {  	v23 =	vld.idx.msk [tilespmem:v25+s22+$0x0], $0xffff;
	_ =	sdelay $0x2  }
0xe0: {  	v24 =	vor.u32 v10, v22  }
0xe1: {  	v25 =	vor.u32 v11, v21;
	_ =	sdelay $0x1  }
0xe2: {  	v23 =	vmul.f32 v23, v20;
	_ =	sdelay $0x1  }
0xe3: {  	[tilespmem:v24+s15+$0x0] =	vst.idx.add.f32.msk vm0, v23  }
0xe4: {  	v23 =	vld.idx.msk [tilespmem:v25+s22+$0x0], $0xffff;
	_ =	sdelay $0x2  }
0xe5: {  	v24 =	vor.u32 v11, v22  }
0xe6: {  	v25 =	vor.u32 v9, v21;
	_ =	sdelay $0x1  }
0xe7: {  	v23 =	vmul.f32 v23, v20;
	_ =	sdelay $0x1  }
0xe8: {  	[tilespmem:v24+s15+$0x0] =	vst.idx.add.f32.msk vm0, v23  }
0xe9: {  	v23 =	vld.idx.msk [tilespmem:v25+s22+$0x0], $0xffff;
	_ =	sdelay $0x2  }
0xea: {  	v24 =	vor.u32 v9, v22  }
0xeb: {  	v25 =	vor.u32 v12, v21;
	_ =	sdelay $0x1  }
0xec: {  	v23 =	vmul.f32 v23, v20;
	_ =	sdelay $0x1  }
0xed: {  	[tilespmem:v24+s15+$0x0] =	vst.idx.add.f32.msk vm0, v23  }
0xee: {  	v23 =	vld.idx.msk [tilespmem:v25+s22+$0x0], $0xffff;
	_ =	sdelay $0x2  }
0xef: {  	v24 =	vor.u32 v12, v22  }
0xf0: {  	v25 =	vor.u32 v13, v21;
	_ =	sdelay $0x1  }
0xf1: {  	v23 =	vmul.f32 v23, v20;
	_ =	sdelay $0x1  }
0xf2: {  	[tilespmem:v24+s15+$0x0] =	vst.idx.add.f32.msk vm0, v23  }
0xf3: {  	v23 =	vld.idx.msk [tilespmem:v25+s22+$0x0], $0xffff;
	_ =	sdelay $0x2  }
0xf4: {  	v24 =	vor.u32 v13, v22  }
0xf5: {  	v25 =	vor.u32 v14, v21;
	_ =	sdelay $0x1  }
0xf6: {  	v23 =	vmul.f32 v23, v20;
	_ =	sdelay $0x1  }
0xf7: {  	[tilespmem:v24+s15+$0x0] =	vst.idx.add.f32.msk vm0, v23  }
0xf8: {  	v23 =	vld.idx.msk [tilespmem:v25+s22+$0x0], $0xffff;
	_ =	sdelay $0x2  }
0xf9: {  	v24 =	vor.u32 v14, v22  }
0xfa: {  	v25 =	vor.u32 v15, v21;
	_ =	sdelay $0x1  }
0xfb: {  	v23 =	vmul.f32 v23, v20;
	_ =	sdelay $0x1  }
0xfc: {  	[tilespmem:v24+s15+$0x0] =	vst.idx.add.f32.msk vm0, v23  }
0xfd: {  	v23 =	vld.idx.msk [tilespmem:v25+s22+$0x0], $0xffff;
	_ =	sdelay $0x2  }
0xfe: {  	v24 =	vor.u32 v15, v22  }
0xff: {  	v25 =	vor.u32 v16, v21;
	_ =	sdelay $0x1  }
0x100: {  	v23 =	vmul.f32 v23, v20;
	_ =	sdelay $0x1  }
0x101: {  	[tilespmem:v24+s15+$0x0] =	vst.idx.add.f32.msk vm0, v23  }
0x102: {  	v23 =	vld.idx.msk [tilespmem:v25+s22+$0x0], $0xffff;
	_ =	sdelay $0x2  }
0x103: {  	v24 =	vor.u32 v16, v22  }
0x104: {  	v25 =	vor.u32 v17, v21;
	_ =	sdelay $0x1  }
0x105: {  	v23 =	vmul.f32 v23, v20;
	_ =	sdelay $0x1  }
0x106: {  	[tilespmem:v24+s15+$0x0] =	vst.idx.add.f32.msk vm0, v23  }
0x107: {  	v23 =	vld.idx.msk [tilespmem:v25+s22+$0x0], $0xffff;
	_ =	sdelay $0x2  }
0x108: {  	v24 =	vor.u32 v17, v22  }
0x109: {  	v21 =	vor.u32 v18, v21;
	_ =	sdelay $0x1  }
0x10a: {  	v23 =	vmul.f32 v23, v20;
	_ =	sdelay $0x1  }
0x10b: {  	[tilespmem:v24+s15+$0x0] =	vst.idx.add.f32.msk vm0, v23  }
0x10c: {  	v21 =	vld.idx.msk [tilespmem:v21+s22+$0x0], $0xffff;
	_ =	sdelay $0x2  }
0x10d: {  	v22 =	vor.u32 v18, v22  }
.Ltmp1:
0x10e: {  	(pc) =	sbr.rel @p1 .LBB2_5-.Ltmp1, $4  }
0x10f: {  	_ = 	snop  }
0x110: {  	v23 =	vmul.f32 v21, v20  }
0x111: {  	v21 =	vmov s19  }
0x112: {  	v21 =	vshll.u32 v21, $0x4;
	[tilespmem:v22+s15+$0x0] =	vst.idx.add.f32.msk vm0, v23  }
0x113: {  	_ =	sdelay $0x3  }
0x114: {  	[tilespmem:v19+s17+$0x0] =	vst.idx.add.f32.msk @!p0 $0xffff, v20;
	s1 =	sadd.s32 $0x10, s29  }
0x115: {  	v21 =	vor.u32 v3, v21;
	v19 =	vld [tilespmem:s1+$0x0]  }
0x116: {  	v20 =	vor.u32 v1, v21;
	_ =	sdelay $0x2  }
0x117: {  	s29 =	sadd.s32 $0x10, s2  }
0x118: {  	v23 =	vld [tilespmem:s29+$0x0];
	v22 =	vsub.s32 v19, v2  }
0x119: {  	v20 =	vld.idx.msk [tilespmem:v20+s22+$0x0], $0xffff;
	vm0 =	vge.s32 v19, v2;
	vm1 =	vlt.s32 v22, $0x1400  }
0x11a: {  	v22 =	vshll.u32 v22, $0x4;
	vm0 =	vmand vm0, vm1  }
0x11b: {  	v24 =	vor.u32 v1, v22  }
0x11c: {  	v25 =	vor.u32 v4, v21;
	_ =	sdelay $0x1  }
0x11d: {  	v20 =	vmul.f32 v20, v23;
	_ =	sdelay $0x1  }
0x11e: {  	[tilespmem:v24+s15+$0x0] =	vst.idx.add.f32.msk vm0, v20  }
0x11f: {  	v20 =	vld.idx.msk [tilespmem:v25+s22+$0x0], $0xffff;
	_ =	sdelay $0x1  }
0x120: {  	v36 =	vor.u32 v4, v22  }
0x121: {  	v37 =	vor.u32 v5, v21;
	_ =	sdelay $0x1  }
0x122: {  	v20 =	vmul.f32 v20, v23;
	_ =	sdelay $0x1  }
0x123: {  	[tilespmem:v36+s15+$0x0] =	vst.idx.add.f32.msk vm0, v20  }
0x124: {  	v20 =	vld.idx.msk [tilespmem:v37+s22+$0x0], $0xffff;
	_ =	sdelay $0x1  }
0x125: {  	v38 =	vor.u32 v5, v22  }
0x126: {  	v39 =	vor.u32 v6, v21;
	_ =	sdelay $0x1  }
0x127: {  	v20 =	vmul.f32 v20, v23;
	_ =	sdelay $0x1  }
0x128: {  	[tilespmem:v38+s15+$0x0] =	vst.idx.add.f32.msk vm0, v20  }
0x129: {  	v20 =	vld.idx.msk [tilespmem:v39+s22+$0x0], $0xffff;
	_ =	sdelay $0x1  }
0x12a: {  	v40 =	vor.u32 v6, v22  }
0x12b: {  	v41 =	vor.u32 v7, v21;
	_ =	sdelay $0x1  }
0x12c: {  	v20 =	vmul.f32 v20, v23;
	_ =	sdelay $0x1  }
0x12d: {  	[tilespmem:v40+s15+$0x0] =	vst.idx.add.f32.msk vm0, v20  }
0x12e: {  	v20 =	vld.idx.msk [tilespmem:v41+s22+$0x0], $0xffff;
	_ =	sdelay $0x1  }
0x12f: {  	v42 =	vor.u32 v7, v22  }
0x130: {  	v43 =	vor.u32 v8, v21;
	_ =	sdelay $0x1  }
0x131: {  	v20 =	vmul.f32 v20, v23;
	_ =	sdelay $0x1  }
0x132: {  	[tilespmem:v42+s15+$0x0] =	vst.idx.add.f32.msk vm0, v20  }
0x133: {  	v20 =	vld.idx.msk [tilespmem:v43+s22+$0x0], $0xffff;
	_ =	sdelay $0x1  }
0x134: {  	v44 =	vor.u32 v8, v22  }
0x135: {  	v45 =	vor.u32 v10, v21;
	_ =	sdelay $0x1  }
0x136: {  	v20 =	vmul.f32 v20, v23;
	_ =	sdelay $0x1  }
0x137: {  	[tilespmem:v44+s15+$0x0] =	vst.idx.add.f32.msk vm0, v20  }
0x138: {  	v20 =	vld.idx.msk [tilespmem:v45+s22+$0x0], $0xffff;
	_ =	sdelay $0x1  }
0x139: {  	v46 =	vor.u32 v10, v22  }
0x13a: {  	v47 =	vor.u32 v11, v21;
	_ =	sdelay $0x1  }
0x13b: {  	v20 =	vmul.f32 v20, v23;
	_ =	sdelay $0x1  }
0x13c: {  	[tilespmem:v46+s15+$0x0] =	vst.idx.add.f32.msk vm0, v20  }
0x13d: {  	v20 =	vld.idx.msk [tilespmem:v47+s22+$0x0], $0xffff;
	_ =	sdelay $0x1  }
0x13e: {  	v48 =	vor.u32 v11, v22  }
0x13f: {  	v49 =	vor.u32 v9, v21;
	_ =	sdelay $0x1  }
0x140: {  	v20 =	vmul.f32 v20, v23;
	_ =	sdelay $0x1  }
0x141: {  	[tilespmem:v48+s15+$0x0] =	vst.idx.add.f32.msk vm0, v20  }
0x142: {  	v20 =	vld.idx.msk [tilespmem:v49+s22+$0x0], $0xffff;
	_ =	sdelay $0x1  }
0x143: {  	v50 =	vor.u32 v9, v22  }
0x144: {  	v51 =	vor.u32 v12, v21;
	_ =	sdelay $0x1  }
0x145: {  	v20 =	vmul.f32 v20, v23;
	_ =	sdelay $0x1  }
0x146: {  	[tilespmem:v50+s15+$0x0] =	vst.idx.add.f32.msk vm0, v20  }
0x147: {  	v20 =	vld.idx.msk [tilespmem:v51+s22+$0x0], $0xffff;
	_ =	sdelay $0x1  }
0x148: {  	v52 =	vor.u32 v12, v22  }
0x149: {  	v53 =	vor.u32 v13, v21;
	_ =	sdelay $0x1  }
0x14a: {  	v20 =	vmul.f32 v20, v23;
	_ =	sdelay $0x1  }
0x14b: {  	[tilespmem:v52+s15+$0x0] =	vst.idx.add.f32.msk vm0, v20  }
0x14c: {  	v20 =	vld.idx.msk [tilespmem:v53+s22+$0x0], $0xffff;
	_ =	sdelay $0x1  }
0x14d: {  	v54 =	vor.u32 v13, v22  }
0x14e: {  	v55 =	vor.u32 v14, v21;
	_ =	sdelay $0x1  }
0x14f: {  	v20 =	vmul.f32 v20, v23;
	_ =	sdelay $0x1  }
0x150: {  	[tilespmem:v54+s15+$0x0] =	vst.idx.add.f32.msk vm0, v20  }
0x151: {  	v20 =	vld.idx.msk [tilespmem:v55+s22+$0x0], $0xffff;
	_ =	sdelay $0x1  }
0x152: {  	v56 =	vor.u32 v14, v22  }
0x153: {  	v57 =	vor.u32 v15, v21;
	_ =	sdelay $0x1  }
0x154: {  	v20 =	vmul.f32 v20, v23;
	_ =	sdelay $0x1  }
0x155: {  	[tilespmem:v56+s15+$0x0] =	vst.idx.add.f32.msk vm0, v20  }
0x156: {  	v20 =	vld.idx.msk [tilespmem:v57+s22+$0x0], $0xffff;
	_ =	sdelay $0x1  }
0x157: {  	v58 =	vor.u32 v15, v22  }
0x158: {  	v59 =	vor.u32 v16, v21;
	_ =	sdelay $0x1  }
0x159: {  	v20 =	vmul.f32 v20, v23;
	_ =	sdelay $0x1  }
0x15a: {  	[tilespmem:v58+s15+$0x0] =	vst.idx.add.f32.msk vm0, v20  }
0x15b: {  	v20 =	vld.idx.msk [tilespmem:v59+s22+$0x0], $0xffff;
	_ =	sdelay $0x1  }
0x15c: {  	v60 =	vor.u32 v16, v22  }
0x15d: {  	v61 =	vor.u32 v17, v21;
	_ =	sdelay $0x1  }
0x15e: {  	v20 =	vmul.f32 v20, v23;
	_ =	sdelay $0x1  }
0x15f: {  	[tilespmem:v60+s15+$0x0] =	vst.idx.add.f32.msk vm0, v20  }
0x160: {  	v20 =	vld.idx.msk [tilespmem:v61+s22+$0x0], $0xffff;
	_ =	sdelay $0x1  }
0x161: {  	v62 =	vor.u32 v17, v22  }
0x162: {  	v21 =	vor.u32 v18, v21;
	_ =	sdelay $0x1  }
0x163: {  	v20 =	vmul.f32 v20, v23;
	_ =	sdelay $0x1  }
0x164: {  	[tilespmem:v62+s15+$0x0] =	vst.idx.add.f32.msk vm0, v20  }
0x165: {  	v20 =	vld.idx.msk [tilespmem:v21+s22+$0x0], $0xffff;
	_ =	sdelay $0x1  }
0x166: {  	v63 =	vor.u32 v18, v22;
	_ =	sdelay $0x2  }
0x167: {  	v20 =	vmul.f32 v20, v23;
	_ =	sdelay $0x1  }
0x168: {  	s1 =	simm.s32 @!p0 $0x1AE00;
	[tilespmem:v63+s15+$0x0] =	vst.idx.add.f32.msk vm0, v20  }
0x169: {  	[tilespmem:v19+s1+$0x0] =	vst.idx.add.f32.msk @!p0 $0xffff, v23  }
0x16a: {  	_ =	swait.ge [sflag:s20], $0x500  }
0x16b: {  	[sflag:s20] =	ssyncset.done $0x0  }
0x16c: {  	[sflag:s20] =	ssyncadd.s32 $0xFFFFFB00  }
0x16d: {  	_ =	swait.ge [sflag:s20], $0x500  }
0x16e: {  	[sflag:s20] =	ssyncset.done $0x0  }
0x16f: {  	[sflag:s20] =	ssyncadd.s32 $0xFFFFFB00  }
0x170: {  	_ =	swait.ge [sflag:s20], $0x500  }
0x171: {  	[sflag:s20] =	ssyncset.done $0x0  }
0x172: {  	s2 =	simm.s32 $0x40;
	s1 =	simm.s32 $0x0;
	[sflag:s20] =	ssyncadd.s32 $0xFFFFFB00  }
.LBB2_7:
0x173: {  	p1 =	sne.s32 s2, $0x13C0;
	v19 =	vld [tilespmem:s1+$0xF00];
	_ =	sdelay $0x1  }
.Ltmp2:
0x174: {  	(pc) =	sbr.rel @p1 .LBB2_7-.Ltmp2, $3  }
0x175: {  	_ =	sdelay $0x1  }
0x176: {  	v19 =	vadd.s32 v0, v19  }
0x177: {  	[tilespmem:s1+$0xF00] =	vst v19;
	s1 =	sshra.s32 s2, $0x2;
	s2 =	sadd.s32 $0x40, s2  }
0x178: {  	v19 =	vld [tilespmem:s1+$0xF00];
	_ =	sdelay $0x4  }
0x179: {  	v19 =	vadd.s32 v0, v19  }
0x17a: {  	[tilespmem:s1+$0xF00] =	vst v19  }
0x17b: {  	[tilespmem:s22], [sflag:$0x1] =	stream.indirect.gather [hbm4b:s3+s21], $0x10, s31, s21, $0xb8;
	[tilespmem:$0x1D600] =	vst v63  }
0x17c: {  	s2 =	simm.s32 $0xF80  }
0x17d: {  	[tilespmem:s23], [sflag:$0x1] =	stream.indirect.gather [hbm4b:s3+s21], $0x10, s2, s21, $0xb8;
	[tilespmem:$0x1D600] =	vst v63  }
0x17e: {  	s17 =	simm.s32 $0x1000  }
0x17f: {  	[tilespmem:s25], [sflag:$0x1] =	stream.indirect.gather [hbm4b:s3+s21], $0x10, s17, s21, $0xb8;
	[tilespmem:$0x1D600] =	vst v63  }
0x180: {  	s19 =	simm.s32 $0x1080  }
0x181: {  	[tilespmem:s28], [sflag:$0x1] =	stream.indirect.gather [hbm4b:s3+s21], $0x10, s19, s21, $0xb8;
	[tilespmem:$0x1D600] =	vst v63  }
0x182: {  	s2 =	simm.s32 $0x1100  }
0x183: {  	[tilespmem:s30], [sflag:$0x1] =	stream.indirect.gather [hbm4b:s3+s21], $0x10, s2, s21, $0xb8;
	[tilespmem:$0x1D600] =	vst v63  }
0x184: {  	_ =	swait.ge [sflag:s9], $0x800  }
0x185: {  	[sflag:s9] =	ssyncset.done $0x0  }
0x186: {  	[sflag:s9] =	ssyncadd.s32 $0xFFFFF800  }
0x187: {  	_ =	swait.ge [sflag:s9], $0x800  }
0x188: {  	[sflag:s9] =	ssyncset.done $0x0  }
0x189: {  	[sflag:s9] =	ssyncadd.s32 $0xFFFFF800  }
0x18a: {  	_ =	swait.ge [sflag:s9], $0x800  }
0x18b: {  	[sflag:s9] =	ssyncset.done $0x0  }
0x18c: {  	[sflag:s9] =	ssyncadd.s32 $0xFFFFF800  }
0x18d: {  	_ =	swait.ge [sflag:s9], $0x800  }
0x18e: {  	[sflag:s9] =	ssyncset.done $0x0  }
0x18f: {  	s17 =	simm.s32 $0x0;
	[sflag:s9] =	ssyncadd.s32 $0xFFFFF800  }
0x190: {  	v19 =	vmov s17;
	_ =	swait.ge [sflag:s9], $0x800  }
0x191: {  	v19 =	vshll.u32 v19, $0x4;
	[sflag:s9] =	ssyncset.done $0x0  }
0x192: {  	s29 =	simm.s32 $0x780;
	v21 =	vor.u32 v3, v19;
	[sflag:s9] =	ssyncadd.s32 $0xFFFFF800  }
0x193: {  	v20 =	vor.u32 v1, v21;
	v19 =	vld [tilespmem:s29+$0x0];
	_ =	sdelay $0x4  }
0x194: {  	s2 =	simm.s32 $0xC80;
	v23 =	vld.idx.msk [tilespmem:v20+s18+$0x0], $0xffff;
	v22 =	vsub.s32 v19, v2  }
0x195: {  	v20 =	vld [tilespmem:s2+$0x0];
	vm0 =	vge.s32 v19, v2;
	vm1 =	vlt.s32 v22, $0x1400  }
0x196: {  	v22 =	vshll.u32 v22, $0x4;
	vm0 =	vmand vm0, vm1  }
0x197: {  	v24 =	vor.u32 v1, v22  }
0x198: {  	v25 =	vor.u32 v4, v21;
	_ =	sdelay $0x1  }
0x199: {  	v23 =	vmul.f32 v23, v20;
	_ =	sdelay $0x1  }
0x19a: {  	[tilespmem:v24+s15+$0x0] =	vst.idx.add.f32.msk vm0, v23  }
0x19b: {  	v23 =	vld.idx.msk [tilespmem:v25+s18+$0x0], $0xffff;
	_ =	sdelay $0x1  }
0x19c: {  	v37 =	vor.u32 v4, v22  }
0x19d: {  	v38 =	vor.u32 v5, v21;
	_ =	sdelay $0x1  }
0x19e: {  	v23 =	vmul.f32 v23, v20;
	_ =	sdelay $0x1  }
0x19f: {  	[tilespmem:v37+s15+$0x0] =	vst.idx.add.f32.msk vm0, v23  }
0x1a0: {  	v23 =	vld.idx.msk [tilespmem:v38+s18+$0x0], $0xffff;
	_ =	sdelay $0x1  }
0x1a1: {  	v39 =	vor.u32 v5, v22  }
0x1a2: {  	v40 =	vor.u32 v6, v21;
	_ =	sdelay $0x1  }
0x1a3: {  	v23 =	vmul.f32 v23, v20;
	_ =	sdelay $0x1  }
0x1a4: {  	[tilespmem:v39+s15+$0x0] =	vst.idx.add.f32.msk vm0, v23  }
0x1a5: {  	v23 =	vld.idx.msk [tilespmem:v40+s18+$0x0], $0xffff;
	_ =	sdelay $0x1  }
0x1a6: {  	v41 =	vor.u32 v6, v22  }
0x1a7: {  	v42 =	vor.u32 v7, v21;
	_ =	sdelay $0x1  }
0x1a8: {  	v23 =	vmul.f32 v23, v20;
	_ =	sdelay $0x1  }
0x1a9: {  	[tilespmem:v41+s15+$0x0] =	vst.idx.add.f32.msk vm0, v23  }
0x1aa: {  	v23 =	vld.idx.msk [tilespmem:v42+s18+$0x0], $0xffff;
	_ =	sdelay $0x1  }
0x1ab: {  	v43 =	vor.u32 v7, v22  }
0x1ac: {  	v44 =	vor.u32 v8, v21;
	_ =	sdelay $0x1  }
0x1ad: {  	v23 =	vmul.f32 v23, v20;
	_ =	sdelay $0x1  }
0x1ae: {  	[tilespmem:v43+s15+$0x0] =	vst.idx.add.f32.msk vm0, v23  }
0x1af: {  	v23 =	vld.idx.msk [tilespmem:v44+s18+$0x0], $0xffff;
	_ =	sdelay $0x1  }
0x1b0: {  	v45 =	vor.u32 v8, v22  }
0x1b1: {  	v46 =	vor.u32 v10, v21;
	_ =	sdelay $0x1  }
0x1b2: {  	v23 =	vmul.f32 v23, v20;
	_ =	sdelay $0x1  }
0x1b3: {  	[tilespmem:v45+s15+$0x0] =	vst.idx.add.f32.msk vm0, v23  }
0x1b4: {  	v23 =	vld.idx.msk [tilespmem:v46+s18+$0x0], $0xffff;
	_ =	sdelay $0x1  }
0x1b5: {  	v47 =	vor.u32 v10, v22  }
0x1b6: {  	v48 =	vor.u32 v11, v21;
	_ =	sdelay $0x1  }
0x1b7: {  	v23 =	vmul.f32 v23, v20;
	_ =	sdelay $0x1  }
0x1b8: {  	[tilespmem:v47+s15+$0x0] =	vst.idx.add.f32.msk vm0, v23  }
0x1b9: {  	v23 =	vld.idx.msk [tilespmem:v48+s18+$0x0], $0xffff;
	_ =	sdelay $0x1  }
0x1ba: {  	v49 =	vor.u32 v11, v22  }
0x1bb: {  	v50 =	vor.u32 v9, v21;
	_ =	sdelay $0x1  }
0x1bc: {  	v23 =	vmul.f32 v23, v20;
	_ =	sdelay $0x1  }
0x1bd: {  	[tilespmem:v49+s15+$0x0] =	vst.idx.add.f32.msk vm0, v23  }
0x1be: {  	v23 =	vld.idx.msk [tilespmem:v50+s18+$0x0], $0xffff;
	_ =	sdelay $0x1  }
0x1bf: {  	v51 =	vor.u32 v9, v22  }
0x1c0: {  	v52 =	vor.u32 v12, v21;
	_ =	sdelay $0x1  }
0x1c1: {  	v23 =	vmul.f32 v23, v20;
	_ =	sdelay $0x1  }
0x1c2: {  	[tilespmem:v51+s15+$0x0] =	vst.idx.add.f32.msk vm0, v23  }
0x1c3: {  	v23 =	vld.idx.msk [tilespmem:v52+s18+$0x0], $0xffff;
	_ =	sdelay $0x1  }
0x1c4: {  	v53 =	vor.u32 v12, v22  }
0x1c5: {  	v54 =	vor.u32 v13, v21;
	_ =	sdelay $0x1  }
0x1c6: {  	v23 =	vmul.f32 v23, v20;
	_ =	sdelay $0x1  }
0x1c7: {  	[tilespmem:v53+s15+$0x0] =	vst.idx.add.f32.msk vm0, v23  }
0x1c8: {  	v23 =	vld.idx.msk [tilespmem:v54+s18+$0x0], $0xffff;
	_ =	sdelay $0x1  }
0x1c9: {  	v55 =	vor.u32 v13, v22  }
0x1ca: {  	v56 =	vor.u32 v14, v21;
	_ =	sdelay $0x1  }
0x1cb: {  	v23 =	vmul.f32 v23, v20;
	_ =	sdelay $0x1  }
0x1cc: {  	[tilespmem:v55+s15+$0x0] =	vst.idx.add.f32.msk vm0, v23  }
0x1cd: {  	v23 =	vld.idx.msk [tilespmem:v56+s18+$0x0], $0xffff;
	_ =	sdelay $0x1  }
0x1ce: {  	v57 =	vor.u32 v14, v22  }
0x1cf: {  	v58 =	vor.u32 v15, v21;
	_ =	sdelay $0x1  }
0x1d0: {  	v23 =	vmul.f32 v23, v20;
	_ =	sdelay $0x1  }
0x1d1: {  	[tilespmem:v57+s15+$0x0] =	vst.idx.add.f32.msk vm0, v23  }
0x1d2: {  	v23 =	vld.idx.msk [tilespmem:v58+s18+$0x0], $0xffff;
	_ =	sdelay $0x1  }
0x1d3: {  	v59 =	vor.u32 v15, v22  }
0x1d4: {  	v60 =	vor.u32 v16, v21;
	_ =	sdelay $0x1  }
0x1d5: {  	v23 =	vmul.f32 v23, v20;
	_ =	sdelay $0x1  }
0x1d6: {  	[tilespmem:v59+s15+$0x0] =	vst.idx.add.f32.msk vm0, v23  }
0x1d7: {  	v23 =	vld.idx.msk [tilespmem:v60+s18+$0x0], $0xffff;
	_ =	sdelay $0x1  }
0x1d8: {  	v61 =	vor.u32 v16, v22  }
0x1d9: {  	v62 =	vor.u32 v17, v21;
	_ =	sdelay $0x1  }
0x1da: {  	v23 =	vmul.f32 v23, v20;
	_ =	sdelay $0x1  }
0x1db: {  	[tilespmem:v61+s15+$0x0] =	vst.idx.add.f32.msk vm0, v23  }
0x1dc: {  	v23 =	vld.idx.msk [tilespmem:v62+s18+$0x0], $0xffff;
	_ =	sdelay $0x1  }
0x1dd: {  	v63 =	vor.u32 v17, v22  }
0x1de: {  	v21 =	vor.u32 v18, v21;
	_ =	sdelay $0x1  }
0x1df: {  	v23 =	vmul.f32 v23, v20;
	_ =	sdelay $0x1  }
0x1e0: {  	[tilespmem:v63+s15+$0x0] =	vst.idx.add.f32.msk vm0, v23  }
0x1e1: {  	v21 =	vld.idx.msk [tilespmem:v21+s18+$0x0], $0xffff;
	_ =	sdelay $0x1  }
0x1e2: {  	v22 =	vor.u32 v18, v22;
	_ =	sdelay $0x2  }
0x1e3: {  	s19 =	simm.s32 $0x10;
	v23 =	vmul.f32 v21, v20  }
0x1e4: {  	v21 =	vmov s19  }
0x1e5: {  	s1 =	simm.s32 $0x20;
	s17 =	simm.s32 @!p0 $0x1AE00;
	v21 =	vshll.u32 v21, $0x4;
	[tilespmem:v22+s15+$0x0] =	vst.idx.add.f32.msk vm0, v23  }
.LBB2_9:
0x1e6: {  	s29 =	sadd.s32 $0x10, s29  }
0x1e7: {  	v21 =	vor.u32 v3, v21;
	[tilespmem:v19+s17+$0x0] =	vst.idx.add.f32.msk @!p0 $0xffff, v20;
	s2 =	sadd.s32 $0x10, s2;
	s19 =	smov.u32 s1;
	s1 =	sadd.s32 $0x10, s1  }
0x1e8: {  	p1 =	sne.s32 s1, $0x280;
	v19 =	vld [tilespmem:s29+$0x0];
	v20 =	vor.u32 v1, v21;
	_ =	sdelay $0x4  }
0x1e9: {  	v22 =	vsub.s32 v19, v2;
	v23 =	vld.idx.msk [tilespmem:v20+s18+$0x0], $0xffff  }
0x1ea: {  	vm0 =	vge.s32 v19, v2;
	v20 =	vld [tilespmem:s2+$0x0];
	vm1 =	vlt.s32 v22, $0x1400;
	v22 =	vshll.u32 v22, $0x4  }
0x1eb: {  	vm0 =	vmand vm0, vm1  }
0x1ec: {  	v24 =	vor.u32 v1, v22  }
0x1ed: {  	v25 =	vor.u32 v4, v21;
	_ =	sdelay $0x1  }
0x1ee: {  	v23 =	vmul.f32 v23, v20;
	_ =	sdelay $0x1  }
0x1ef: {  	[tilespmem:v24+s15+$0x0] =	vst.idx.add.f32.msk vm0, v23  }
0x1f0: {  	v23 =	vld.idx.msk [tilespmem:v25+s18+$0x0], $0xffff;
	_ =	sdelay $0x2  }
0x1f1: {  	v24 =	vor.u32 v4, v22  }
0x1f2: {  	v25 =	vor.u32 v5, v21;
	_ =	sdelay $0x1  }
0x1f3: {  	v23 =	vmul.f32 v23, v20;
	_ =	sdelay $0x1  }
0x1f4: {  	[tilespmem:v24+s15+$0x0] =	vst.idx.add.f32.msk vm0, v23  }
0x1f5: {  	v23 =	vld.idx.msk [tilespmem:v25+s18+$0x0], $0xffff;
	_ =	sdelay $0x2  }
0x1f6: {  	v24 =	vor.u32 v5, v22  }
0x1f7: {  	v25 =	vor.u32 v6, v21;
	_ =	sdelay $0x1  }
0x1f8: {  	v23 =	vmul.f32 v23, v20;
	_ =	sdelay $0x1  }
0x1f9: {  	[tilespmem:v24+s15+$0x0] =	vst.idx.add.f32.msk vm0, v23  }
0x1fa: {  	v23 =	vld.idx.msk [tilespmem:v25+s18+$0x0], $0xffff;
	_ =	sdelay $0x2  }
0x1fb: {  	v24 =	vor.u32 v6, v22  }
0x1fc: {  	v25 =	vor.u32 v7, v21;
	_ =	sdelay $0x1  }
0x1fd: {  	v23 =	vmul.f32 v23, v20;
	_ =	sdelay $0x1  }
0x1fe: {  	[tilespmem:v24+s15+$0x0] =	vst.idx.add.f32.msk vm0, v23  }
0x1ff: {  	v23 =	vld.idx.msk [tilespmem:v25+s18+$0x0], $0xffff;
	_ =	sdelay $0x2  }
0x200: {  	v24 =	vor.u32 v7, v22  }
0x201: {  	v25 =	vor.u32 v8, v21;
	_ =	sdelay $0x1  }
0x202: {  	v23 =	vmul.f32 v23, v20;
	_ =	sdelay $0x1  }
0x203: {  	[tilespmem:v24+s15+$0x0] =	vst.idx.add.f32.msk vm0, v23  }
0x204: {  	v23 =	vld.idx.msk [tilespmem:v25+s18+$0x0], $0xffff;
	_ =	sdelay $0x2  }
0x205: {  	v24 =	vor.u32 v8, v22  }
0x206: {  	v25 =	vor.u32 v10, v21;
	_ =	sdelay $0x1  }
0x207: {  	v23 =	vmul.f32 v23, v20;
	_ =	sdelay $0x1  }
0x208: {  	[tilespmem:v24+s15+$0x0] =	vst.idx.add.f32.msk vm0, v23  }
0x209: {  	v23 =	vld.idx.msk [tilespmem:v25+s18+$0x0], $0xffff;
	_ =	sdelay $0x2  }
0x20a: {  	v24 =	vor.u32 v10, v22  }
0x20b: {  	v25 =	vor.u32 v11, v21;
	_ =	sdelay $0x1  }
0x20c: {  	v23 =	vmul.f32 v23, v20;
	_ =	sdelay $0x1  }
0x20d: {  	[tilespmem:v24+s15+$0x0] =	vst.idx.add.f32.msk vm0, v23  }
0x20e: {  	v23 =	vld.idx.msk [tilespmem:v25+s18+$0x0], $0xffff;
	_ =	sdelay $0x2  }
0x20f: {  	v24 =	vor.u32 v11, v22  }
0x210: {  	v25 =	vor.u32 v9, v21;
	_ =	sdelay $0x1  }
0x211: {  	v23 =	vmul.f32 v23, v20;
	_ =	sdelay $0x1  }
0x212: {  	[tilespmem:v24+s15+$0x0] =	vst.idx.add.f32.msk vm0, v23  }
0x213: {  	v23 =	vld.idx.msk [tilespmem:v25+s18+$0x0], $0xffff;
	_ =	sdelay $0x2  }
0x214: {  	v24 =	vor.u32 v9, v22  }
0x215: {  	v25 =	vor.u32 v12, v21;
	_ =	sdelay $0x1  }
0x216: {  	v23 =	vmul.f32 v23, v20;
	_ =	sdelay $0x1  }
0x217: {  	[tilespmem:v24+s15+$0x0] =	vst.idx.add.f32.msk vm0, v23  }
0x218: {  	v23 =	vld.idx.msk [tilespmem:v25+s18+$0x0], $0xffff;
	_ =	sdelay $0x2  }
0x219: {  	v24 =	vor.u32 v12, v22  }
0x21a: {  	v25 =	vor.u32 v13, v21;
	_ =	sdelay $0x1  }
0x21b: {  	v23 =	vmul.f32 v23, v20;
	_ =	sdelay $0x1  }
0x21c: {  	[tilespmem:v24+s15+$0x0] =	vst.idx.add.f32.msk vm0, v23  }
0x21d: {  	v23 =	vld.idx.msk [tilespmem:v25+s18+$0x0], $0xffff;
	_ =	sdelay $0x2  }
0x21e: {  	v24 =	vor.u32 v13, v22  }
0x21f: {  	v25 =	vor.u32 v14, v21;
	_ =	sdelay $0x1  }
0x220: {  	v23 =	vmul.f32 v23, v20;
	_ =	sdelay $0x1  }
0x221: {  	[tilespmem:v24+s15+$0x0] =	vst.idx.add.f32.msk vm0, v23  }
0x222: {  	v23 =	vld.idx.msk [tilespmem:v25+s18+$0x0], $0xffff;
	_ =	sdelay $0x2  }
0x223: {  	v24 =	vor.u32 v14, v22  }
0x224: {  	v25 =	vor.u32 v15, v21;
	_ =	sdelay $0x1  }
0x225: {  	v23 =	vmul.f32 v23, v20;
	_ =	sdelay $0x1  }
0x226: {  	[tilespmem:v24+s15+$0x0] =	vst.idx.add.f32.msk vm0, v23  }
0x227: {  	v23 =	vld.idx.msk [tilespmem:v25+s18+$0x0], $0xffff;
	_ =	sdelay $0x2  }
0x228: {  	v24 =	vor.u32 v15, v22  }
0x229: {  	v25 =	vor.u32 v16, v21;
	_ =	sdelay $0x1  }
0x22a: {  	v23 =	vmul.f32 v23, v20;
	_ =	sdelay $0x1  }
0x22b: {  	[tilespmem:v24+s15+$0x0] =	vst.idx.add.f32.msk vm0, v23  }
0x22c: {  	v23 =	vld.idx.msk [tilespmem:v25+s18+$0x0], $0xffff;
	_ =	sdelay $0x2  }
0x22d: {  	v24 =	vor.u32 v16, v22  }
0x22e: {  	v25 =	vor.u32 v17, v21;
	_ =	sdelay $0x1  }
0x22f: {  	v23 =	vmul.f32 v23, v20;
	_ =	sdelay $0x1  }
0x230: {  	[tilespmem:v24+s15+$0x0] =	vst.idx.add.f32.msk vm0, v23  }
0x231: {  	v23 =	vld.idx.msk [tilespmem:v25+s18+$0x0], $0xffff;
	_ =	sdelay $0x2  }
0x232: {  	v24 =	vor.u32 v17, v22  }
0x233: {  	v21 =	vor.u32 v18, v21;
	_ =	sdelay $0x1  }
0x234: {  	v23 =	vmul.f32 v23, v20;
	_ =	sdelay $0x1  }
0x235: {  	[tilespmem:v24+s15+$0x0] =	vst.idx.add.f32.msk vm0, v23  }
0x236: {  	v21 =	vld.idx.msk [tilespmem:v21+s18+$0x0], $0xffff;
	_ =	sdelay $0x2  }
0x237: {  	v22 =	vor.u32 v18, v22  }
.Ltmp3:
0x238: {  	(pc) =	sbr.rel @p1 .LBB2_9-.Ltmp3, $4  }
0x239: {  	_ = 	snop  }
0x23a: {  	v23 =	vmul.f32 v21, v20  }
0x23b: {  	v21 =	vmov s19  }
0x23c: {  	v21 =	vshll.u32 v21, $0x4;
	[tilespmem:v22+s15+$0x0] =	vst.idx.add.f32.msk vm0, v23  }
0x23d: {  	_ =	sdelay $0x3  }
0x23e: {  	[tilespmem:v19+s17+$0x0] =	vst.idx.add.f32.msk @!p0 $0xffff, v20;
	s1 =	sadd.s32 $0x10, s29  }
0x23f: {  	v21 =	vor.u32 v3, v21;
	v19 =	vld [tilespmem:s1+$0x0]  }
0x240: {  	v20 =	vor.u32 v1, v21;
	_ =	sdelay $0x2  }
0x241: {  	s2 =	sadd.s32 $0x10, s2  }
0x242: {  	v23 =	vld [tilespmem:s2+$0x0];
	v22 =	vsub.s32 v19, v2  }
0x243: {  	v20 =	vld.idx.msk [tilespmem:v20+s18+$0x0], $0xffff;
	vm0 =	vge.s32 v19, v2;
	vm1 =	vlt.s32 v22, $0x1400  }
0x244: {  	v22 =	vshll.u32 v22, $0x4;
	vm0 =	vmand vm0, vm1  }
0x245: {  	v24 =	vor.u32 v1, v22  }
0x246: {  	v25 =	vor.u32 v4, v21;
	_ =	sdelay $0x1  }
0x247: {  	v20 =	vmul.f32 v20, v23;
	_ =	sdelay $0x1  }
0x248: {  	[tilespmem:v24+s15+$0x0] =	vst.idx.add.f32.msk vm0, v20  }
0x249: {  	v20 =	vld.idx.msk [tilespmem:v25+s18+$0x0], $0xffff;
	_ =	sdelay $0x1  }
0x24a: {  	v44 =	vor.u32 v4, v22  }
0x24b: {  	v45 =	vor.u32 v5, v21;
	_ =	sdelay $0x1  }
0x24c: {  	v20 =	vmul.f32 v20, v23;
	_ =	sdelay $0x1  }
0x24d: {  	[tilespmem:v44+s15+$0x0] =	vst.idx.add.f32.msk vm0, v20  }
0x24e: {  	v20 =	vld.idx.msk [tilespmem:v45+s18+$0x0], $0xffff;
	_ =	sdelay $0x1  }
0x24f: {  	v46 =	vor.u32 v5, v22  }
0x250: {  	v47 =	vor.u32 v6, v21;
	_ =	sdelay $0x1  }
0x251: {  	v20 =	vmul.f32 v20, v23;
	_ =	sdelay $0x1  }
0x252: {  	[tilespmem:v46+s15+$0x0] =	vst.idx.add.f32.msk vm0, v20  }
0x253: {  	v20 =	vld.idx.msk [tilespmem:v47+s18+$0x0], $0xffff;
	_ =	sdelay $0x1  }
0x254: {  	v48 =	vor.u32 v6, v22  }
0x255: {  	v49 =	vor.u32 v7, v21;
	_ =	sdelay $0x1  }
0x256: {  	v20 =	vmul.f32 v20, v23;
	_ =	sdelay $0x1  }
0x257: {  	[tilespmem:v48+s15+$0x0] =	vst.idx.add.f32.msk vm0, v20  }
0x258: {  	v20 =	vld.idx.msk [tilespmem:v49+s18+$0x0], $0xffff;
	_ =	sdelay $0x1  }
0x259: {  	v50 =	vor.u32 v7, v22  }
0x25a: {  	v51 =	vor.u32 v8, v21;
	_ =	sdelay $0x1  }
0x25b: {  	v20 =	vmul.f32 v20, v23;
	_ =	sdelay $0x1  }
0x25c: {  	[tilespmem:v50+s15+$0x0] =	vst.idx.add.f32.msk vm0, v20  }
0x25d: {  	v20 =	vld.idx.msk [tilespmem:v51+s18+$0x0], $0xffff;
	_ =	sdelay $0x1  }
0x25e: {  	v52 =	vor.u32 v8, v22  }
0x25f: {  	v53 =	vor.u32 v10, v21;
	_ =	sdelay $0x1  }
0x260: {  	v20 =	vmul.f32 v20, v23;
	_ =	sdelay $0x1  }
0x261: {  	[tilespmem:v52+s15+$0x0] =	vst.idx.add.f32.msk vm0, v20  }
0x262: {  	v20 =	vld.idx.msk [tilespmem:v53+s18+$0x0], $0xffff;
	_ =	sdelay $0x1  }
0x263: {  	v54 =	vor.u32 v10, v22  }
0x264: {  	v55 =	vor.u32 v11, v21;
	_ =	sdelay $0x1  }
0x265: {  	v20 =	vmul.f32 v20, v23;
	_ =	sdelay $0x1  }
0x266: {  	[tilespmem:v54+s15+$0x0] =	vst.idx.add.f32.msk vm0, v20  }
0x267: {  	v20 =	vld.idx.msk [tilespmem:v55+s18+$0x0], $0xffff;
	_ =	sdelay $0x1  }
0x268: {  	v56 =	vor.u32 v11, v22  }
0x269: {  	v57 =	vor.u32 v9, v21;
	_ =	sdelay $0x1  }
0x26a: {  	v20 =	vmul.f32 v20, v23;
	_ =	sdelay $0x1  }
0x26b: {  	[tilespmem:v56+s15+$0x0] =	vst.idx.add.f32.msk vm0, v20  }
0x26c: {  	v20 =	vld.idx.msk [tilespmem:v57+s18+$0x0], $0xffff;
	_ =	sdelay $0x1  }
0x26d: {  	v58 =	vor.u32 v9, v22  }
0x26e: {  	v59 =	vor.u32 v12, v21;
	_ =	sdelay $0x1  }
0x26f: {  	v20 =	vmul.f32 v20, v23;
	_ =	sdelay $0x1  }
0x270: {  	[tilespmem:v58+s15+$0x0] =	vst.idx.add.f32.msk vm0, v20  }
0x271: {  	v20 =	vld.idx.msk [tilespmem:v59+s18+$0x0], $0xffff;
	_ =	sdelay $0x1  }
0x272: {  	v60 =	vor.u32 v12, v22  }
0x273: {  	v61 =	vor.u32 v13, v21;
	_ =	sdelay $0x1  }
0x274: {  	v20 =	vmul.f32 v20, v23;
	_ =	sdelay $0x1  }
0x275: {  	[tilespmem:v60+s15+$0x0] =	vst.idx.add.f32.msk vm0, v20  }
0x276: {  	v20 =	vld.idx.msk [tilespmem:v61+s18+$0x0], $0xffff;
	_ =	sdelay $0x1  }
0x277: {  	v62 =	vor.u32 v13, v22  }
0x278: {  	v63 =	vor.u32 v14, v21;
	_ =	sdelay $0x1  }
0x279: {  	v20 =	vmul.f32 v20, v23;
	_ =	sdelay $0x1  }
0x27a: {  	[tilespmem:v62+s15+$0x0] =	vst.idx.add.f32.msk vm0, v20  }
0x27b: {  	v20 =	vld.idx.msk [tilespmem:v63+s18+$0x0], $0xffff;
	_ =	sdelay $0x1  }
0x27c: {  	v28 =	vor.u32 v14, v22  }
0x27d: {  	v29 =	vor.u32 v15, v21;
	_ =	sdelay $0x1  }
0x27e: {  	v20 =	vmul.f32 v20, v23;
	_ =	sdelay $0x1  }
0x27f: {  	[tilespmem:v28+s15+$0x0] =	vst.idx.add.f32.msk vm0, v20  }
0x280: {  	v20 =	vld.idx.msk [tilespmem:v29+s18+$0x0], $0xffff;
	_ =	sdelay $0x1  }
0x281: {  	v30 =	vor.u32 v15, v22  }
0x282: {  	v31 =	vor.u32 v16, v21;
	_ =	sdelay $0x1  }
0x283: {  	v20 =	vmul.f32 v20, v23;
	_ =	sdelay $0x1  }
0x284: {  	[tilespmem:v30+s15+$0x0] =	vst.idx.add.f32.msk vm0, v20  }
0x285: {  	v20 =	vld.idx.msk [tilespmem:v31+s18+$0x0], $0xffff;
	_ =	sdelay $0x1  }
0x286: {  	v32 =	vor.u32 v16, v22  }
0x287: {  	v33 =	vor.u32 v17, v21;
	_ =	sdelay $0x1  }
0x288: {  	v20 =	vmul.f32 v20, v23;
	_ =	sdelay $0x1  }
0x289: {  	[tilespmem:v32+s15+$0x0] =	vst.idx.add.f32.msk vm0, v20  }
0x28a: {  	v20 =	vld.idx.msk [tilespmem:v33+s18+$0x0], $0xffff;
	_ =	sdelay $0x1  }
0x28b: {  	v34 =	vor.u32 v17, v22  }
0x28c: {  	v21 =	vor.u32 v18, v21;
	_ =	sdelay $0x1  }
0x28d: {  	v20 =	vmul.f32 v20, v23;
	_ =	sdelay $0x1  }
0x28e: {  	[tilespmem:v34+s15+$0x0] =	vst.idx.add.f32.msk vm0, v20  }
0x28f: {  	v20 =	vld.idx.msk [tilespmem:v21+s18+$0x0], $0xffff;
	_ =	sdelay $0x1  }
0x290: {  	v21 =	vor.u32 v18, v22;
	_ =	sdelay $0x1  }
0x291: {  	p1 =	seq.s32 s24, $0x7C  }
0x292: {  	s1 =	sadd.s32 @!p1 $0xA00, s26;
	v20 =	vmul.f32 v20, v23  }
0x293: {  	s2 =	sadd.s32 @!p1 s5, s1  }
0x294: {  	s26 =	simm.s32 @!p0 $0x1AE00;
	s2 =	sshrl.u32 @!p1 s2, $0x3;
	[tilespmem:v21+s15+$0x0] =	vst.idx.add.f32.msk vm0, v20  }
0x295: {  	s17 =	simm.s32 @!p1 $0x0;
	s2 =	sadd.s32 @!p1 s4, s2;
	[tilespmem:v19+s26+$0x0] =	vst.idx.add.f32.msk @!p0 $0xffff, v23  }
0x296: {  	[tilespmem:s17], [sflag:$0x3] =	stream.linear.gather @!p1 [hbm4b:s2+s17], $0x500, $0x38;
	[tilespmem:$0x1D600] =	vst v63  }
0x297: {  	s2 =	sadd.s32 @!p1 s8, s1  }
0x298: {  	s2 =	sshrl.u32 @!p1 s2, $0x3  }
0x299: {  	s19 =	simm.s32 @!p1 $0x500;
	s1 =	sshrl.u32 @!p1 s1, $0x3;
	s2 =	sadd.s32 @!p1 s4, s2  }
0x29a: {  	[tilespmem:s19], [sflag:$0x3] =	stream.linear.gather @!p1 [hbm4b:s2+s17], $0x500, $0x38;
	[tilespmem:$0x1D600] =	vst v63  }
0x29b: {  	s1 =	sadd.s32 @!p1 s0, s1;
	s2 =	simm.s32 @!p1 $0xA00  }
0x29c: {  	[tilespmem:s2], [sflag:$0x3] =	stream.linear.gather @!p1 [hbm4b:s1+s17], $0x500, $0x38;
	[tilespmem:$0x1D600] =	vst v63  }
0x29d: {  	s17 =	simm.s32 $0x1180  }
0x29e: {  	[tilespmem:s18], [sflag:$0x2] =	stream.indirect.gather [hbm4b:s3+s21], $0x10, s17, s21, $0xb8;
	[tilespmem:$0x1D600] =	vst v63  }
0x29f: {  	s19 =	simm.s32 $0x1200  }
0x2a0: {  	[tilespmem:s6], [sflag:$0x2] =	stream.indirect.gather [hbm4b:s3+s21], $0x10, s19, s21, $0xb8;
	[tilespmem:$0x1D600] =	vst v63  }
0x2a1: {  	s2 =	simm.s32 $0x1280  }
0x2a2: {  	[tilespmem:s10], [sflag:$0x2] =	stream.indirect.gather [hbm4b:s3+s21], $0x10, s2, s21, $0xb8;
	[tilespmem:$0x1D600] =	vst v63  }
0x2a3: {  	_ = 	snop  }
0x2a4: {  	[tilespmem:s12], [sflag:$0x2] =	stream.indirect.gather [hbm4b:s3+s21], $0x10, s7, s21, $0xb8;
	[tilespmem:$0x1D600] =	vst v63  }
0x2a5: {  	_ = 	snop  }
0x2a6: {  	[tilespmem:s14], [sflag:$0x2] =	stream.indirect.gather [hbm4b:s3+s21], $0x10, s11, s21, $0xb8;
	[tilespmem:$0x1D600] =	vst v63  }
0x2a7: {  	_ =	swait.ge [sflag:s16], $0x800  }
0x2a8: {  	[sflag:s16] =	ssyncset.done $0x0  }
0x2a9: {  	[sflag:s16] =	ssyncadd.s32 $0xFFFFF800  }
0x2aa: {  	_ =	swait.ge [sflag:s16], $0x800  }
0x2ab: {  	[sflag:s16] =	ssyncset.done $0x0  }
0x2ac: {  	[sflag:s16] =	ssyncadd.s32 $0xFFFFF800  }
0x2ad: {  	_ =	swait.ge [sflag:s16], $0x800  }
0x2ae: {  	[sflag:s16] =	ssyncset.done $0x0  }
0x2af: {  	[sflag:s16] =	ssyncadd.s32 $0xFFFFF800  }
0x2b0: {  	_ =	swait.ge [sflag:s16], $0x800  }
0x2b1: {  	[sflag:s16] =	ssyncset.done $0x0  }
0x2b2: {  	s17 =	simm.s32 $0x0;
	[sflag:s16] =	ssyncadd.s32 $0xFFFFF800  }
0x2b3: {  	v19 =	vmov s17;
	_ =	swait.ge [sflag:s16], $0x800  }
0x2b4: {  	v19 =	vshll.u32 v19, $0x4;
	[sflag:s16] =	ssyncset.done $0x0  }
0x2b5: {  	v21 =	vor.u32 v3, v19;
	s2 =	simm.s32 $0x1400;
	[sflag:s16] =	ssyncadd.s32 $0xFFFFF800  }
0x2b6: {  	v20 =	vor.u32 v1, v21;
	v19 =	vld [tilespmem:s2+$0x0];
	_ =	sdelay $0x4  }
0x2b7: {  	s29 =	simm.s32 $0x1900;
	v23 =	vld.idx.msk [tilespmem:v20+s22+$0x0], $0xffff;
	v22 =	vsub.s32 v19, v2  }
0x2b8: {  	v20 =	vld [tilespmem:s29+$0x0];
	vm14 =	vge.s32 v19, v2;
	vm15 =	vlt.s32 v22, $0x1400  }
0x2b9: {  	v22 =	vshll.u32 v22, $0x4;
	vm0 =	vmand vm14, vm15  }
0x2ba: {  	v35 =	vor.u32 v1, v22  }
0x2bb: {  	v36 =	vor.u32 v4, v21;
	_ =	sdelay $0x1  }
0x2bc: {  	v23 =	vmul.f32 v23, v20;
	_ =	sdelay $0x1  }
0x2bd: {  	[tilespmem:v35+s15+$0x0] =	vst.idx.add.f32.msk vm0, v23  }
0x2be: {  	v23 =	vld.idx.msk [tilespmem:v36+s22+$0x0], $0xffff;
	_ =	sdelay $0x1  }
0x2bf: {  	v37 =	vor.u32 v4, v22  }
0x2c0: {  	v38 =	vor.u32 v5, v21;
	_ =	sdelay $0x1  }
0x2c1: {  	v23 =	vmul.f32 v23, v20;
	_ =	sdelay $0x1  }
0x2c2: {  	[tilespmem:v37+s15+$0x0] =	vst.idx.add.f32.msk vm0, v23  }
0x2c3: {  	v23 =	vld.idx.msk [tilespmem:v38+s22+$0x0], $0xffff;
	_ =	sdelay $0x1  }
0x2c4: {  	v39 =	vor.u32 v5, v22  }
0x2c5: {  	v40 =	vor.u32 v6, v21;
	_ =	sdelay $0x1  }
0x2c6: {  	v23 =	vmul.f32 v23, v20;
	_ =	sdelay $0x1  }
0x2c7: {  	[tilespmem:v39+s15+$0x0] =	vst.idx.add.f32.msk vm0, v23  }
0x2c8: {  	v23 =	vld.idx.msk [tilespmem:v40+s22+$0x0], $0xffff;
	_ =	sdelay $0x1  }
0x2c9: {  	v41 =	vor.u32 v6, v22  }
0x2ca: {  	v42 =	vor.u32 v7, v21;
	_ =	sdelay $0x1  }
0x2cb: {  	v23 =	vmul.f32 v23, v20;
	_ =	sdelay $0x1  }
0x2cc: {  	[tilespmem:v41+s15+$0x0] =	vst.idx.add.f32.msk vm0, v23  }
0x2cd: {  	v23 =	vld.idx.msk [tilespmem:v42+s22+$0x0], $0xffff;
	_ =	sdelay $0x1  }
0x2ce: {  	v43 =	vor.u32 v7, v22  }
0x2cf: {  	v44 =	vor.u32 v8, v21;
	_ =	sdelay $0x1  }
0x2d0: {  	v23 =	vmul.f32 v23, v20;
	_ =	sdelay $0x1  }
0x2d1: {  	[tilespmem:v43+s15+$0x0] =	vst.idx.add.f32.msk vm0, v23  }
0x2d2: {  	v23 =	vld.idx.msk [tilespmem:v44+s22+$0x0], $0xffff;
	_ =	sdelay $0x1  }
0x2d3: {  	v45 =	vor.u32 v8, v22  }
0x2d4: {  	v46 =	vor.u32 v10, v21;
	_ =	sdelay $0x1  }
0x2d5: {  	v23 =	vmul.f32 v23, v20;
	_ =	sdelay $0x1  }
0x2d6: {  	[tilespmem:v45+s15+$0x0] =	vst.idx.add.f32.msk vm0, v23  }
0x2d7: {  	v23 =	vld.idx.msk [tilespmem:v46+s22+$0x0], $0xffff;
	_ =	sdelay $0x1  }
0x2d8: {  	v47 =	vor.u32 v10, v22  }
0x2d9: {  	v48 =	vor.u32 v11, v21;
	_ =	sdelay $0x1  }
0x2da: {  	v23 =	vmul.f32 v23, v20;
	_ =	sdelay $0x1  }
0x2db: {  	[tilespmem:v47+s15+$0x0] =	vst.idx.add.f32.msk vm0, v23  }
0x2dc: {  	v23 =	vld.idx.msk [tilespmem:v48+s22+$0x0], $0xffff;
	_ =	sdelay $0x1  }
0x2dd: {  	v49 =	vor.u32 v11, v22  }
0x2de: {  	v50 =	vor.u32 v9, v21;
	_ =	sdelay $0x1  }
0x2df: {  	v23 =	vmul.f32 v23, v20;
	_ =	sdelay $0x1  }
0x2e0: {  	[tilespmem:v49+s15+$0x0] =	vst.idx.add.f32.msk vm0, v23  }
0x2e1: {  	v23 =	vld.idx.msk [tilespmem:v50+s22+$0x0], $0xffff;
	_ =	sdelay $0x1  }
0x2e2: {  	v51 =	vor.u32 v9, v22  }
0x2e3: {  	v52 =	vor.u32 v12, v21;
	_ =	sdelay $0x1  }
0x2e4: {  	v23 =	vmul.f32 v23, v20;
	_ =	sdelay $0x1  }
0x2e5: {  	[tilespmem:v51+s15+$0x0] =	vst.idx.add.f32.msk vm0, v23  }
0x2e6: {  	v23 =	vld.idx.msk [tilespmem:v52+s22+$0x0], $0xffff;
	_ =	sdelay $0x1  }
0x2e7: {  	v53 =	vor.u32 v12, v22  }
0x2e8: {  	v54 =	vor.u32 v13, v21;
	_ =	sdelay $0x1  }
0x2e9: {  	v23 =	vmul.f32 v23, v20;
	_ =	sdelay $0x1  }
0x2ea: {  	[tilespmem:v53+s15+$0x0] =	vst.idx.add.f32.msk vm0, v23  }
0x2eb: {  	v23 =	vld.idx.msk [tilespmem:v54+s22+$0x0], $0xffff;
	_ =	sdelay $0x1  }
0x2ec: {  	v55 =	vor.u32 v13, v22  }
0x2ed: {  	v56 =	vor.u32 v14, v21;
	_ =	sdelay $0x1  }
0x2ee: {  	v23 =	vmul.f32 v23, v20;
	_ =	sdelay $0x1  }
0x2ef: {  	[tilespmem:v55+s15+$0x0] =	vst.idx.add.f32.msk vm0, v23  }
0x2f0: {  	v23 =	vld.idx.msk [tilespmem:v56+s22+$0x0], $0xffff;
	_ =	sdelay $0x1  }
0x2f1: {  	v57 =	vor.u32 v14, v22  }
0x2f2: {  	v58 =	vor.u32 v15, v21;
	_ =	sdelay $0x1  }
0x2f3: {  	v23 =	vmul.f32 v23, v20;
	_ =	sdelay $0x1  }
0x2f4: {  	[tilespmem:v57+s15+$0x0] =	vst.idx.add.f32.msk vm0, v23  }
0x2f5: {  	v23 =	vld.idx.msk [tilespmem:v58+s22+$0x0], $0xffff;
	_ =	sdelay $0x1  }
0x2f6: {  	v59 =	vor.u32 v15, v22  }
0x2f7: {  	v60 =	vor.u32 v16, v21;
	_ =	sdelay $0x1  }
0x2f8: {  	v23 =	vmul.f32 v23, v20;
	_ =	sdelay $0x1  }
0x2f9: {  	[tilespmem:v59+s15+$0x0] =	vst.idx.add.f32.msk vm0, v23  }
0x2fa: {  	v23 =	vld.idx.msk [tilespmem:v60+s22+$0x0], $0xffff;
	_ =	sdelay $0x1  }
0x2fb: {  	v61 =	vor.u32 v16, v22  }
0x2fc: {  	v62 =	vor.u32 v17, v21;
	_ =	sdelay $0x1  }
0x2fd: {  	v23 =	vmul.f32 v23, v20;
	_ =	sdelay $0x1  }
0x2fe: {  	[tilespmem:v61+s15+$0x0] =	vst.idx.add.f32.msk vm0, v23  }
0x2ff: {  	v23 =	vld.idx.msk [tilespmem:v62+s22+$0x0], $0xffff;
	_ =	sdelay $0x1  }
0x300: {  	v63 =	vor.u32 v17, v22  }
0x301: {  	v21 =	vor.u32 v18, v21;
	_ =	sdelay $0x1  }
0x302: {  	v23 =	vmul.f32 v23, v20;
	_ =	sdelay $0x1  }
0x303: {  	[tilespmem:v63+s15+$0x0] =	vst.idx.add.f32.msk vm0, v23  }
0x304: {  	v21 =	vld.idx.msk [tilespmem:v21+s22+$0x0], $0xffff;
	_ =	sdelay $0x1  }
0x305: {  	v22 =	vor.u32 v18, v22;
	_ =	sdelay $0x2  }
0x306: {  	s19 =	simm.s32 $0x10;
	v23 =	vmul.f32 v21, v20  }
0x307: {  	v21 =	vmov s19  }
0x308: {  	s1 =	simm.s32 $0x20;
	v21 =	vshll.u32 v21, $0x4;
	[tilespmem:v22+s15+$0x0] =	vst.idx.add.f32.msk vm0, v23  }
.LBB2_11:
0x309: {  	s2 =	sadd.s32 $0x10, s2  }
0x30a: {  	v21 =	vor.u32 v3, v21;
	[tilespmem:v19+s26+$0x0] =	vst.idx.add.f32.msk @!p0 $0xffff, v20;
	s29 =	sadd.s32 $0x10, s29;
	s17 =	smov.u32 s1;
	s1 =	sadd.s32 $0x10, s1  }
0x30b: {  	p2 =	sne.s32 s1, $0x280;
	v19 =	vld [tilespmem:s2+$0x0];
	v20 =	vor.u32 v1, v21;
	_ =	sdelay $0x4  }
0x30c: {  	v22 =	vsub.s32 v19, v2;
	v23 =	vld.idx.msk [tilespmem:v20+s22+$0x0], $0xffff  }
0x30d: {  	vm0 =	vge.s32 v19, v2;
	v20 =	vld [tilespmem:s29+$0x0];
	vm1 =	vlt.s32 v22, $0x1400;
	v22 =	vshll.u32 v22, $0x4  }
0x30e: {  	vm0 =	vmand vm0, vm1  }
0x30f: {  	v24 =	vor.u32 v1, v22  }
0x310: {  	v25 =	vor.u32 v4, v21;
	_ =	sdelay $0x1  }
0x311: {  	v23 =	vmul.f32 v23, v20;
	_ =	sdelay $0x1  }
0x312: {  	[tilespmem:v24+s15+$0x0] =	vst.idx.add.f32.msk vm0, v23  }
0x313: {  	v23 =	vld.idx.msk [tilespmem:v25+s22+$0x0], $0xffff;
	_ =	sdelay $0x2  }
0x314: {  	v24 =	vor.u32 v4, v22  }
0x315: {  	v25 =	vor.u32 v5, v21;
	_ =	sdelay $0x1  }
0x316: {  	v23 =	vmul.f32 v23, v20;
	_ =	sdelay $0x1  }
0x317: {  	[tilespmem:v24+s15+$0x0] =	vst.idx.add.f32.msk vm0, v23  }
0x318: {  	v23 =	vld.idx.msk [tilespmem:v25+s22+$0x0], $0xffff;
	_ =	sdelay $0x2  }
0x319: {  	v24 =	vor.u32 v5, v22  }
0x31a: {  	v25 =	vor.u32 v6, v21;
	_ =	sdelay $0x1  }
0x31b: {  	v23 =	vmul.f32 v23, v20;
	_ =	sdelay $0x1  }
0x31c: {  	[tilespmem:v24+s15+$0x0] =	vst.idx.add.f32.msk vm0, v23  }
0x31d: {  	v23 =	vld.idx.msk [tilespmem:v25+s22+$0x0], $0xffff;
	_ =	sdelay $0x2  }
0x31e: {  	v24 =	vor.u32 v6, v22  }
0x31f: {  	v25 =	vor.u32 v7, v21;
	_ =	sdelay $0x1  }
0x320: {  	v23 =	vmul.f32 v23, v20;
	_ =	sdelay $0x1  }
0x321: {  	[tilespmem:v24+s15+$0x0] =	vst.idx.add.f32.msk vm0, v23  }
0x322: {  	v23 =	vld.idx.msk [tilespmem:v25+s22+$0x0], $0xffff;
	_ =	sdelay $0x2  }
0x323: {  	v24 =	vor.u32 v7, v22  }
0x324: {  	v25 =	vor.u32 v8, v21;
	_ =	sdelay $0x1  }
0x325: {  	v23 =	vmul.f32 v23, v20;
	_ =	sdelay $0x1  }
0x326: {  	[tilespmem:v24+s15+$0x0] =	vst.idx.add.f32.msk vm0, v23  }
0x327: {  	v23 =	vld.idx.msk [tilespmem:v25+s22+$0x0], $0xffff;
	_ =	sdelay $0x2  }
0x328: {  	v24 =	vor.u32 v8, v22  }
0x329: {  	v25 =	vor.u32 v10, v21;
	_ =	sdelay $0x1  }
0x32a: {  	v23 =	vmul.f32 v23, v20;
	_ =	sdelay $0x1  }
0x32b: {  	[tilespmem:v24+s15+$0x0] =	vst.idx.add.f32.msk vm0, v23  }
0x32c: {  	v23 =	vld.idx.msk [tilespmem:v25+s22+$0x0], $0xffff;
	_ =	sdelay $0x2  }
0x32d: {  	v24 =	vor.u32 v10, v22  }
0x32e: {  	v25 =	vor.u32 v11, v21;
	_ =	sdelay $0x1  }
0x32f: {  	v23 =	vmul.f32 v23, v20;
	_ =	sdelay $0x1  }
0x330: {  	[tilespmem:v24+s15+$0x0] =	vst.idx.add.f32.msk vm0, v23  }
0x331: {  	v23 =	vld.idx.msk [tilespmem:v25+s22+$0x0], $0xffff;
	_ =	sdelay $0x2  }
0x332: {  	v24 =	vor.u32 v11, v22  }
0x333: {  	v25 =	vor.u32 v9, v21;
	_ =	sdelay $0x1  }
0x334: {  	v23 =	vmul.f32 v23, v20;
	_ =	sdelay $0x1  }
0x335: {  	[tilespmem:v24+s15+$0x0] =	vst.idx.add.f32.msk vm0, v23  }
0x336: {  	v23 =	vld.idx.msk [tilespmem:v25+s22+$0x0], $0xffff;
	_ =	sdelay $0x2  }
0x337: {  	v24 =	vor.u32 v9, v22  }
0x338: {  	v25 =	vor.u32 v12, v21;
	_ =	sdelay $0x1  }
0x339: {  	v23 =	vmul.f32 v23, v20;
	_ =	sdelay $0x1  }
0x33a: {  	[tilespmem:v24+s15+$0x0] =	vst.idx.add.f32.msk vm0, v23  }
0x33b: {  	v23 =	vld.idx.msk [tilespmem:v25+s22+$0x0], $0xffff;
	_ =	sdelay $0x2  }
0x33c: {  	v24 =	vor.u32 v12, v22  }
0x33d: {  	v25 =	vor.u32 v13, v21;
	_ =	sdelay $0x1  }
0x33e: {  	v23 =	vmul.f32 v23, v20;
	_ =	sdelay $0x1  }
0x33f: {  	[tilespmem:v24+s15+$0x0] =	vst.idx.add.f32.msk vm0, v23  }
0x340: {  	v23 =	vld.idx.msk [tilespmem:v25+s22+$0x0], $0xffff;
	_ =	sdelay $0x2  }
0x341: {  	v24 =	vor.u32 v13, v22  }
0x342: {  	v25 =	vor.u32 v14, v21;
	_ =	sdelay $0x1  }
0x343: {  	v23 =	vmul.f32 v23, v20;
	_ =	sdelay $0x1  }
0x344: {  	[tilespmem:v24+s15+$0x0] =	vst.idx.add.f32.msk vm0, v23  }
0x345: {  	v23 =	vld.idx.msk [tilespmem:v25+s22+$0x0], $0xffff;
	_ =	sdelay $0x2  }
0x346: {  	v24 =	vor.u32 v14, v22  }
0x347: {  	v25 =	vor.u32 v15, v21;
	_ =	sdelay $0x1  }
0x348: {  	v23 =	vmul.f32 v23, v20;
	_ =	sdelay $0x1  }
0x349: {  	[tilespmem:v24+s15+$0x0] =	vst.idx.add.f32.msk vm0, v23  }
0x34a: {  	v23 =	vld.idx.msk [tilespmem:v25+s22+$0x0], $0xffff;
	_ =	sdelay $0x2  }
0x34b: {  	v24 =	vor.u32 v15, v22  }
0x34c: {  	v25 =	vor.u32 v16, v21;
	_ =	sdelay $0x1  }
0x34d: {  	v23 =	vmul.f32 v23, v20;
	_ =	sdelay $0x1  }
0x34e: {  	[tilespmem:v24+s15+$0x0] =	vst.idx.add.f32.msk vm0, v23  }
0x34f: {  	v23 =	vld.idx.msk [tilespmem:v25+s22+$0x0], $0xffff;
	_ =	sdelay $0x2  }
0x350: {  	v24 =	vor.u32 v16, v22  }
0x351: {  	v25 =	vor.u32 v17, v21;
	_ =	sdelay $0x1  }
0x352: {  	v23 =	vmul.f32 v23, v20;
	_ =	sdelay $0x1  }
0x353: {  	[tilespmem:v24+s15+$0x0] =	vst.idx.add.f32.msk vm0, v23  }
0x354: {  	v23 =	vld.idx.msk [tilespmem:v25+s22+$0x0], $0xffff;
	_ =	sdelay $0x2  }
0x355: {  	v24 =	vor.u32 v17, v22  }
0x356: {  	v21 =	vor.u32 v18, v21;
	_ =	sdelay $0x1  }
0x357: {  	v23 =	vmul.f32 v23, v20;
	_ =	sdelay $0x1  }
0x358: {  	[tilespmem:v24+s15+$0x0] =	vst.idx.add.f32.msk vm0, v23  }
0x359: {  	v21 =	vld.idx.msk [tilespmem:v21+s22+$0x0], $0xffff;
	_ =	sdelay $0x2  }
0x35a: {  	v22 =	vor.u32 v18, v22  }
.Ltmp4:
0x35b: {  	(pc) =	sbr.rel @p2 .LBB2_11-.Ltmp4, $4  }
0x35c: {  	_ = 	snop  }
0x35d: {  	v23 =	vmul.f32 v21, v20  }
0x35e: {  	v21 =	vmov s17  }
0x35f: {  	v21 =	vshll.u32 v21, $0x4;
	[tilespmem:v22+s15+$0x0] =	vst.idx.add.f32.msk vm0, v23  }
0x360: {  	_ =	sdelay $0x3  }
0x361: {  	[tilespmem:v19+s26+$0x0] =	vst.idx.add.f32.msk @!p0 $0xffff, v20;
	s1 =	sadd.s32 $0x10, s2  }
0x362: {  	v21 =	vor.u32 v3, v21;
	v19 =	vld [tilespmem:s1+$0x0]  }
0x363: {  	v20 =	vor.u32 v1, v21;
	_ =	sdelay $0x2  }
0x364: {  	s26 =	sadd.s32 $0x10, s29  }
0x365: {  	v23 =	vld [tilespmem:s26+$0x0];
	v22 =	vsub.s32 v19, v2  }
0x366: {  	v20 =	vld.idx.msk [tilespmem:v20+s22+$0x0], $0xffff;
	vm0 =	vge.s32 v19, v2;
	vm1 =	vlt.s32 v22, $0x1400  }
0x367: {  	v22 =	vshll.u32 v22, $0x4;
	vm0 =	vmand vm0, vm1  }
0x368: {  	v24 =	vor.u32 v1, v22  }
0x369: {  	v25 =	vor.u32 v4, v21;
	_ =	sdelay $0x1  }
0x36a: {  	v20 =	vmul.f32 v20, v23;
	_ =	sdelay $0x1  }
0x36b: {  	[tilespmem:v24+s15+$0x0] =	vst.idx.add.f32.msk vm0, v20  }
0x36c: {  	v20 =	vld.idx.msk [tilespmem:v25+s22+$0x0], $0xffff;
	_ =	sdelay $0x1  }
0x36d: {  	v36 =	vor.u32 v4, v22  }
0x36e: {  	v37 =	vor.u32 v5, v21;
	_ =	sdelay $0x1  }
0x36f: {  	v20 =	vmul.f32 v20, v23;
	_ =	sdelay $0x1  }
0x370: {  	[tilespmem:v36+s15+$0x0] =	vst.idx.add.f32.msk vm0, v20  }
0x371: {  	v20 =	vld.idx.msk [tilespmem:v37+s22+$0x0], $0xffff;
	_ =	sdelay $0x1  }
0x372: {  	v38 =	vor.u32 v5, v22  }
0x373: {  	v39 =	vor.u32 v6, v21;
	_ =	sdelay $0x1  }
0x374: {  	v20 =	vmul.f32 v20, v23;
	_ =	sdelay $0x1  }
0x375: {  	[tilespmem:v38+s15+$0x0] =	vst.idx.add.f32.msk vm0, v20  }
0x376: {  	v20 =	vld.idx.msk [tilespmem:v39+s22+$0x0], $0xffff;
	_ =	sdelay $0x1  }
0x377: {  	v40 =	vor.u32 v6, v22  }
0x378: {  	v41 =	vor.u32 v7, v21;
	_ =	sdelay $0x1  }
0x379: {  	v20 =	vmul.f32 v20, v23;
	_ =	sdelay $0x1  }
0x37a: {  	[tilespmem:v40+s15+$0x0] =	vst.idx.add.f32.msk vm0, v20  }
0x37b: {  	v20 =	vld.idx.msk [tilespmem:v41+s22+$0x0], $0xffff;
	_ =	sdelay $0x1  }
0x37c: {  	v42 =	vor.u32 v7, v22  }
0x37d: {  	v43 =	vor.u32 v8, v21;
	_ =	sdelay $0x1  }
0x37e: {  	v20 =	vmul.f32 v20, v23;
	_ =	sdelay $0x1  }
0x37f: {  	[tilespmem:v42+s15+$0x0] =	vst.idx.add.f32.msk vm0, v20  }
0x380: {  	v20 =	vld.idx.msk [tilespmem:v43+s22+$0x0], $0xffff;
	_ =	sdelay $0x1  }
0x381: {  	v44 =	vor.u32 v8, v22  }
0x382: {  	v45 =	vor.u32 v10, v21;
	_ =	sdelay $0x1  }
0x383: {  	v20 =	vmul.f32 v20, v23;
	_ =	sdelay $0x1  }
0x384: {  	[tilespmem:v44+s15+$0x0] =	vst.idx.add.f32.msk vm0, v20  }
0x385: {  	v20 =	vld.idx.msk [tilespmem:v45+s22+$0x0], $0xffff;
	_ =	sdelay $0x1  }
0x386: {  	v46 =	vor.u32 v10, v22  }
0x387: {  	v47 =	vor.u32 v11, v21;
	_ =	sdelay $0x1  }
0x388: {  	v20 =	vmul.f32 v20, v23;
	_ =	sdelay $0x1  }
0x389: {  	[tilespmem:v46+s15+$0x0] =	vst.idx.add.f32.msk vm0, v20  }
0x38a: {  	v20 =	vld.idx.msk [tilespmem:v47+s22+$0x0], $0xffff;
	_ =	sdelay $0x1  }
0x38b: {  	v48 =	vor.u32 v11, v22  }
0x38c: {  	v49 =	vor.u32 v9, v21;
	_ =	sdelay $0x1  }
0x38d: {  	v20 =	vmul.f32 v20, v23;
	_ =	sdelay $0x1  }
0x38e: {  	[tilespmem:v48+s15+$0x0] =	vst.idx.add.f32.msk vm0, v20  }
0x38f: {  	v20 =	vld.idx.msk [tilespmem:v49+s22+$0x0], $0xffff;
	_ =	sdelay $0x1  }
0x390: {  	v50 =	vor.u32 v9, v22  }
0x391: {  	v51 =	vor.u32 v12, v21;
	_ =	sdelay $0x1  }
0x392: {  	v20 =	vmul.f32 v20, v23;
	_ =	sdelay $0x1  }
0x393: {  	[tilespmem:v50+s15+$0x0] =	vst.idx.add.f32.msk vm0, v20  }
0x394: {  	v20 =	vld.idx.msk [tilespmem:v51+s22+$0x0], $0xffff;
	_ =	sdelay $0x1  }
0x395: {  	v52 =	vor.u32 v12, v22  }
0x396: {  	v53 =	vor.u32 v13, v21;
	_ =	sdelay $0x1  }
0x397: {  	v20 =	vmul.f32 v20, v23;
	_ =	sdelay $0x1  }
0x398: {  	[tilespmem:v52+s15+$0x0] =	vst.idx.add.f32.msk vm0, v20  }
0x399: {  	v20 =	vld.idx.msk [tilespmem:v53+s22+$0x0], $0xffff;
	_ =	sdelay $0x1  }
0x39a: {  	v54 =	vor.u32 v13, v22  }
0x39b: {  	v55 =	vor.u32 v14, v21;
	_ =	sdelay $0x1  }
0x39c: {  	v20 =	vmul.f32 v20, v23;
	_ =	sdelay $0x1  }
0x39d: {  	[tilespmem:v54+s15+$0x0] =	vst.idx.add.f32.msk vm0, v20  }
0x39e: {  	v20 =	vld.idx.msk [tilespmem:v55+s22+$0x0], $0xffff;
	_ =	sdelay $0x1  }
0x39f: {  	v56 =	vor.u32 v14, v22  }
0x3a0: {  	v57 =	vor.u32 v15, v21;
	_ =	sdelay $0x1  }
0x3a1: {  	v20 =	vmul.f32 v20, v23;
	_ =	sdelay $0x1  }
0x3a2: {  	[tilespmem:v56+s15+$0x0] =	vst.idx.add.f32.msk vm0, v20  }
0x3a3: {  	v20 =	vld.idx.msk [tilespmem:v57+s22+$0x0], $0xffff;
	_ =	sdelay $0x1  }
0x3a4: {  	v58 =	vor.u32 v15, v22  }
0x3a5: {  	v59 =	vor.u32 v16, v21;
	_ =	sdelay $0x1  }
0x3a6: {  	v20 =	vmul.f32 v20, v23;
	_ =	sdelay $0x1  }
0x3a7: {  	[tilespmem:v58+s15+$0x0] =	vst.idx.add.f32.msk vm0, v20  }
0x3a8: {  	v20 =	vld.idx.msk [tilespmem:v59+s22+$0x0], $0xffff;
	_ =	sdelay $0x1  }
0x3a9: {  	v60 =	vor.u32 v16, v22  }
0x3aa: {  	v61 =	vor.u32 v17, v21;
	_ =	sdelay $0x1  }
0x3ab: {  	v20 =	vmul.f32 v20, v23;
	_ =	sdelay $0x1  }
0x3ac: {  	[tilespmem:v60+s15+$0x0] =	vst.idx.add.f32.msk vm0, v20  }
0x3ad: {  	v20 =	vld.idx.msk [tilespmem:v61+s22+$0x0], $0xffff;
	_ =	sdelay $0x1  }
0x3ae: {  	v62 =	vor.u32 v17, v22  }
0x3af: {  	v21 =	vor.u32 v18, v21;
	_ =	sdelay $0x1  }
0x3b0: {  	v20 =	vmul.f32 v20, v23;
	_ =	sdelay $0x1  }
0x3b1: {  	[tilespmem:v62+s15+$0x0] =	vst.idx.add.f32.msk vm0, v20  }
0x3b2: {  	v20 =	vld.idx.msk [tilespmem:v21+s22+$0x0], $0xffff;
	_ =	sdelay $0x1  }
0x3b3: {  	v63 =	vor.u32 v18, v22;
	_ =	sdelay $0x1  }
.Ltmp5:
0x3b4: {  	_ = 	snop;
	(pc) =	sbr.rel @p1 .LBB2_16-.Ltmp5, $3  }
0x3b5: {  	v20 =	vmul.f32 v20, v23;
	_ =	sdelay $0x1  }
0x3b6: {  	s29 =	simm.s32 @!p0 $0x1AE00;
	[tilespmem:v63+s15+$0x0] =	vst.idx.add.f32.msk vm0, v20  }
0x3b7: {  	[tilespmem:v19+s29+$0x0] =	vst.idx.add.f32.msk @!p0 $0xffff, v23  }
0x3b8: {  	_ =	swait.ge [sflag:s20], $0x500  }
0x3b9: {  	[sflag:s20] =	ssyncset.done $0x0  }
0x3ba: {  	[sflag:s20] =	ssyncadd.s32 $0xFFFFFB00  }
0x3bb: {  	_ =	swait.ge [sflag:s20], $0x500  }
0x3bc: {  	[sflag:s20] =	ssyncset.done $0x0  }
0x3bd: {  	[sflag:s20] =	ssyncadd.s32 $0xFFFFFB00  }
0x3be: {  	_ =	swait.ge [sflag:s20], $0x500  }
0x3bf: {  	[sflag:s20] =	ssyncset.done $0x0  }
0x3c0: {  	s1 =	simm.s32 $0x0;
	s2 =	simm.s32 $0x40;
	[sflag:s20] =	ssyncadd.s32 $0xFFFFFB00  }
.LBB2_14:
0x3c1: {  	p1 =	sne.s32 s2, $0x13C0;
	v19 =	vld [tilespmem:s1+$0x0];
	_ =	sdelay $0x1  }
.Ltmp6:
0x3c2: {  	(pc) =	sbr.rel @p1 .LBB2_14-.Ltmp6, $3  }
0x3c3: {  	_ =	sdelay $0x1  }
0x3c4: {  	v19 =	vadd.s32 v0, v19  }
0x3c5: {  	[tilespmem:s1+$0x0] =	vst v19;
	s1 =	sshra.s32 s2, $0x2;
	s2 =	sadd.s32 $0x40, s2  }
0x3c6: {  	v19 =	vld [tilespmem:s1+$0x0];
	_ =	sdelay $0x4  }
0x3c7: {  	v19 =	vadd.s32 v0, v19  }
0x3c8: {  	s2 =	simm.s32 $0x0;
	[tilespmem:s1+$0x0] =	vst v19  }
0x3c9: {  	[tilespmem:s22], [sflag:$0x1] =	stream.indirect.gather [hbm4b:s3+s21], $0x10, s2, s21, $0xb8;
	[tilespmem:$0x1D600] =	vst v63  }
0x3ca: {  	_ = 	snop  }
0x3cb: {  	[tilespmem:s23], [sflag:$0x1] =	stream.indirect.gather [hbm4b:s3+s21], $0x10, s21, s21, $0xb8;
	[tilespmem:$0x1D600] =	vst v63  }
0x3cc: {  	s17 =	simm.s32 $0x100  }
0x3cd: {  	[tilespmem:s25], [sflag:$0x1] =	stream.indirect.gather [hbm4b:s3+s21], $0x10, s17, s21, $0xb8;
	[tilespmem:$0x1D600] =	vst v63  }
0x3ce: {  	s19 =	simm.s32 $0x180  }
0x3cf: {  	[tilespmem:s28], [sflag:$0x1] =	stream.indirect.gather [hbm4b:s3+s21], $0x10, s19, s21, $0xb8;
	[tilespmem:$0x1D600] =	vst v63  }
0x3d0: {  	s26 =	simm.s32 $0x200  }
0x3d1: {  	[tilespmem:s30], [sflag:$0x1] =	stream.indirect.gather [hbm4b:s3+s21], $0x10, s26, s21, $0xb8;
	[tilespmem:$0x1D600] =	vst v63  }
.LBB2_16:
0x3d2: {  	_ =	swait.ge [sflag:s9], $0x800  }
0x3d3: {  	[sflag:s9] =	ssyncset.done $0x0  }
0x3d4: {  	[sflag:s9] =	ssyncadd.s32 $0xFFFFF800  }
0x3d5: {  	_ =	swait.ge [sflag:s9], $0x800  }
0x3d6: {  	[sflag:s9] =	ssyncset.done $0x0  }
0x3d7: {  	[sflag:s9] =	ssyncadd.s32 $0xFFFFF800  }
0x3d8: {  	_ =	swait.ge [sflag:s9], $0x800  }
0x3d9: {  	[sflag:s9] =	ssyncset.done $0x0  }
0x3da: {  	[sflag:s9] =	ssyncadd.s32 $0xFFFFF800  }
0x3db: {  	_ =	swait.ge [sflag:s9], $0x800  }
0x3dc: {  	[sflag:s9] =	ssyncset.done $0x0  }
0x3dd: {  	s1 =	simm.s32 $0x0;
	[sflag:s9] =	ssyncadd.s32 $0xFFFFF800  }
0x3de: {  	v19 =	vmov s1;
	_ =	swait.ge [sflag:s9], $0x800  }
0x3df: {  	v19 =	vshll.u32 v19, $0x4;
	[sflag:s9] =	ssyncset.done $0x0  }
0x3e0: {  	s26 =	simm.s32 $0x1680;
	v21 =	vor.u32 v3, v19;
	[sflag:s9] =	ssyncadd.s32 $0xFFFFF800  }
0x3e1: {  	v20 =	vor.u32 v1, v21;
	v19 =	vld [tilespmem:s26+$0x0];
	_ =	sdelay $0x4  }
0x3e2: {  	s2 =	simm.s32 $0x1B80;
	v23 =	vld.idx.msk [tilespmem:v20+s18+$0x0], $0xffff;
	v22 =	vsub.s32 v19, v2  }
0x3e3: {  	v20 =	vld [tilespmem:s2+$0x0];
	vm0 =	vge.s32 v19, v2;
	vm1 =	vlt.s32 v22, $0x1400  }
0x3e4: {  	v22 =	vshll.u32 v22, $0x4;
	vm0 =	vmand vm0, vm1  }
0x3e5: {  	v24 =	vor.u32 v1, v22  }
0x3e6: {  	v25 =	vor.u32 v4, v21;
	_ =	sdelay $0x1  }
0x3e7: {  	v23 =	vmul.f32 v23, v20;
	_ =	sdelay $0x1  }
0x3e8: {  	[tilespmem:v24+s15+$0x0] =	vst.idx.add.f32.msk vm0, v23  }
0x3e9: {  	v23 =	vld.idx.msk [tilespmem:v25+s18+$0x0], $0xffff;
	_ =	sdelay $0x1  }
0x3ea: {  	v37 =	vor.u32 v4, v22  }
0x3eb: {  	v38 =	vor.u32 v5, v21;
	_ =	sdelay $0x1  }
0x3ec: {  	v23 =	vmul.f32 v23, v20;
	_ =	sdelay $0x1  }
0x3ed: {  	[tilespmem:v37+s15+$0x0] =	vst.idx.add.f32.msk vm0, v23  }
0x3ee: {  	v23 =	vld.idx.msk [tilespmem:v38+s18+$0x0], $0xffff;
	_ =	sdelay $0x1  }
0x3ef: {  	v39 =	vor.u32 v5, v22  }
0x3f0: {  	v40 =	vor.u32 v6, v21;
	_ =	sdelay $0x1  }
0x3f1: {  	v23 =	vmul.f32 v23, v20;
	_ =	sdelay $0x1  }
0x3f2: {  	[tilespmem:v39+s15+$0x0] =	vst.idx.add.f32.msk vm0, v23  }
0x3f3: {  	v23 =	vld.idx.msk [tilespmem:v40+s18+$0x0], $0xffff;
	_ =	sdelay $0x1  }
0x3f4: {  	v41 =	vor.u32 v6, v22  }
0x3f5: {  	v42 =	vor.u32 v7, v21;
	_ =	sdelay $0x1  }
0x3f6: {  	v23 =	vmul.f32 v23, v20;
	_ =	sdelay $0x1  }
0x3f7: {  	[tilespmem:v41+s15+$0x0] =	vst.idx.add.f32.msk vm0, v23  }
0x3f8: {  	v23 =	vld.idx.msk [tilespmem:v42+s18+$0x0], $0xffff;
	_ =	sdelay $0x1  }
0x3f9: {  	v43 =	vor.u32 v7, v22  }
0x3fa: {  	v44 =	vor.u32 v8, v21;
	_ =	sdelay $0x1  }
0x3fb: {  	v23 =	vmul.f32 v23, v20;
	_ =	sdelay $0x1  }
0x3fc: {  	[tilespmem:v43+s15+$0x0] =	vst.idx.add.f32.msk vm0, v23  }
0x3fd: {  	v23 =	vld.idx.msk [tilespmem:v44+s18+$0x0], $0xffff;
	_ =	sdelay $0x1  }
0x3fe: {  	v45 =	vor.u32 v8, v22  }
0x3ff: {  	v46 =	vor.u32 v10, v21;
	_ =	sdelay $0x1  }
0x400: {  	v23 =	vmul.f32 v23, v20;
	_ =	sdelay $0x1  }
0x401: {  	[tilespmem:v45+s15+$0x0] =	vst.idx.add.f32.msk vm0, v23  }
0x402: {  	v23 =	vld.idx.msk [tilespmem:v46+s18+$0x0], $0xffff;
	_ =	sdelay $0x1  }
0x403: {  	v47 =	vor.u32 v10, v22  }
0x404: {  	v48 =	vor.u32 v11, v21;
	_ =	sdelay $0x1  }
0x405: {  	v23 =	vmul.f32 v23, v20;
	_ =	sdelay $0x1  }
0x406: {  	[tilespmem:v47+s15+$0x0] =	vst.idx.add.f32.msk vm0, v23  }
0x407: {  	v23 =	vld.idx.msk [tilespmem:v48+s18+$0x0], $0xffff;
	_ =	sdelay $0x1  }
0x408: {  	v49 =	vor.u32 v11, v22  }
0x409: {  	v50 =	vor.u32 v9, v21;
	_ =	sdelay $0x1  }
0x40a: {  	v23 =	vmul.f32 v23, v20;
	_ =	sdelay $0x1  }
0x40b: {  	[tilespmem:v49+s15+$0x0] =	vst.idx.add.f32.msk vm0, v23  }
0x40c: {  	v23 =	vld.idx.msk [tilespmem:v50+s18+$0x0], $0xffff;
	_ =	sdelay $0x1  }
0x40d: {  	v51 =	vor.u32 v9, v22  }
0x40e: {  	v52 =	vor.u32 v12, v21;
	_ =	sdelay $0x1  }
0x40f: {  	v23 =	vmul.f32 v23, v20;
	_ =	sdelay $0x1  }
0x410: {  	[tilespmem:v51+s15+$0x0] =	vst.idx.add.f32.msk vm0, v23  }
0x411: {  	v23 =	vld.idx.msk [tilespmem:v52+s18+$0x0], $0xffff;
	_ =	sdelay $0x1  }
0x412: {  	v53 =	vor.u32 v12, v22  }
0x413: {  	v54 =	vor.u32 v13, v21;
	_ =	sdelay $0x1  }
0x414: {  	v23 =	vmul.f32 v23, v20;
	_ =	sdelay $0x1  }
0x415: {  	[tilespmem:v53+s15+$0x0] =	vst.idx.add.f32.msk vm0, v23  }
0x416: {  	v23 =	vld.idx.msk [tilespmem:v54+s18+$0x0], $0xffff;
	_ =	sdelay $0x1  }
0x417: {  	v55 =	vor.u32 v13, v22  }
0x418: {  	v56 =	vor.u32 v14, v21;
	_ =	sdelay $0x1  }
0x419: {  	v23 =	vmul.f32 v23, v20;
	_ =	sdelay $0x1  }
0x41a: {  	[tilespmem:v55+s15+$0x0] =	vst.idx.add.f32.msk vm0, v23  }
0x41b: {  	v23 =	vld.idx.msk [tilespmem:v56+s18+$0x0], $0xffff;
	_ =	sdelay $0x1  }
0x41c: {  	v57 =	vor.u32 v14, v22  }
0x41d: {  	v58 =	vor.u32 v15, v21;
	_ =	sdelay $0x1  }
0x41e: {  	v23 =	vmul.f32 v23, v20;
	_ =	sdelay $0x1  }
0x41f: {  	[tilespmem:v57+s15+$0x0] =	vst.idx.add.f32.msk vm0, v23  }
0x420: {  	v23 =	vld.idx.msk [tilespmem:v58+s18+$0x0], $0xffff;
	_ =	sdelay $0x1  }
0x421: {  	v59 =	vor.u32 v15, v22  }
0x422: {  	v60 =	vor.u32 v16, v21;
	_ =	sdelay $0x1  }
0x423: {  	v23 =	vmul.f32 v23, v20;
	_ =	sdelay $0x1  }
0x424: {  	[tilespmem:v59+s15+$0x0] =	vst.idx.add.f32.msk vm0, v23  }
0x425: {  	v23 =	vld.idx.msk [tilespmem:v60+s18+$0x0], $0xffff;
	_ =	sdelay $0x1  }
0x426: {  	v61 =	vor.u32 v16, v22  }
0x427: {  	v62 =	vor.u32 v17, v21;
	_ =	sdelay $0x1  }
0x428: {  	v23 =	vmul.f32 v23, v20;
	_ =	sdelay $0x1  }
0x429: {  	[tilespmem:v61+s15+$0x0] =	vst.idx.add.f32.msk vm0, v23  }
0x42a: {  	v23 =	vld.idx.msk [tilespmem:v62+s18+$0x0], $0xffff;
	_ =	sdelay $0x1  }
0x42b: {  	v63 =	vor.u32 v17, v22  }
0x42c: {  	v21 =	vor.u32 v18, v21;
	_ =	sdelay $0x1  }
0x42d: {  	v23 =	vmul.f32 v23, v20;
	_ =	sdelay $0x1  }
0x42e: {  	[tilespmem:v63+s15+$0x0] =	vst.idx.add.f32.msk vm0, v23  }
0x42f: {  	v21 =	vld.idx.msk [tilespmem:v21+s18+$0x0], $0xffff;
	_ =	sdelay $0x1  }
0x430: {  	v22 =	vor.u32 v18, v22;
	_ =	sdelay $0x2  }
0x431: {  	s19 =	simm.s32 $0x10;
	v23 =	vmul.f32 v21, v20  }
0x432: {  	v21 =	vmov s19  }
0x433: {  	s1 =	simm.s32 $0x20;
	v21 =	vshll.u32 v21, $0x4;
	[tilespmem:v22+s15+$0x0] =	vst.idx.add.f32.msk vm0, v23  }
.LBB2_17:
0x434: {  	s26 =	sadd.s32 $0x10, s26  }
0x435: {  	v21 =	vor.u32 v3, v21;
	[tilespmem:v19+s29+$0x0] =	vst.idx.add.f32.msk @!p0 $0xffff, v20;
	s2 =	sadd.s32 $0x10, s2;
	s17 =	smov.u32 s1;
	s1 =	sadd.s32 $0x10, s1  }
0x436: {  	p1 =	sne.s32 s1, $0x280;
	v19 =	vld [tilespmem:s26+$0x0];
	v20 =	vor.u32 v1, v21;
	_ =	sdelay $0x4  }
0x437: {  	v22 =	vsub.s32 v19, v2;
	v23 =	vld.idx.msk [tilespmem:v20+s18+$0x0], $0xffff  }
0x438: {  	vm0 =	vge.s32 v19, v2;
	v20 =	vld [tilespmem:s2+$0x0];
	vm1 =	vlt.s32 v22, $0x1400;
	v22 =	vshll.u32 v22, $0x4  }
0x439: {  	vm0 =	vmand vm0, vm1  }
0x43a: {  	v24 =	vor.u32 v1, v22  }
0x43b: {  	v25 =	vor.u32 v4, v21;
	_ =	sdelay $0x1  }
0x43c: {  	v23 =	vmul.f32 v23, v20;
	_ =	sdelay $0x1  }
0x43d: {  	[tilespmem:v24+s15+$0x0] =	vst.idx.add.f32.msk vm0, v23  }
0x43e: {  	v23 =	vld.idx.msk [tilespmem:v25+s18+$0x0], $0xffff;
	_ =	sdelay $0x2  }
0x43f: {  	v24 =	vor.u32 v4, v22  }
0x440: {  	v25 =	vor.u32 v5, v21;
	_ =	sdelay $0x1  }
0x441: {  	v23 =	vmul.f32 v23, v20;
	_ =	sdelay $0x1  }
0x442: {  	[tilespmem:v24+s15+$0x0] =	vst.idx.add.f32.msk vm0, v23  }
0x443: {  	v23 =	vld.idx.msk [tilespmem:v25+s18+$0x0], $0xffff;
	_ =	sdelay $0x2  }
0x444: {  	v24 =	vor.u32 v5, v22  }
0x445: {  	v25 =	vor.u32 v6, v21;
	_ =	sdelay $0x1  }
0x446: {  	v23 =	vmul.f32 v23, v20;
	_ =	sdelay $0x1  }
0x447: {  	[tilespmem:v24+s15+$0x0] =	vst.idx.add.f32.msk vm0, v23  }
0x448: {  	v23 =	vld.idx.msk [tilespmem:v25+s18+$0x0], $0xffff;
	_ =	sdelay $0x2  }
0x449: {  	v24 =	vor.u32 v6, v22  }
0x44a: {  	v25 =	vor.u32 v7, v21;
	_ =	sdelay $0x1  }
0x44b: {  	v23 =	vmul.f32 v23, v20;
	_ =	sdelay $0x1  }
0x44c: {  	[tilespmem:v24+s15+$0x0] =	vst.idx.add.f32.msk vm0, v23  }
0x44d: {  	v23 =	vld.idx.msk [tilespmem:v25+s18+$0x0], $0xffff;
	_ =	sdelay $0x2  }
0x44e: {  	v24 =	vor.u32 v7, v22  }
0x44f: {  	v25 =	vor.u32 v8, v21;
	_ =	sdelay $0x1  }
0x450: {  	v23 =	vmul.f32 v23, v20;
	_ =	sdelay $0x1  }
0x451: {  	[tilespmem:v24+s15+$0x0] =	vst.idx.add.f32.msk vm0, v23  }
0x452: {  	v23 =	vld.idx.msk [tilespmem:v25+s18+$0x0], $0xffff;
	_ =	sdelay $0x2  }
0x453: {  	v24 =	vor.u32 v8, v22  }
0x454: {  	v25 =	vor.u32 v10, v21;
	_ =	sdelay $0x1  }
0x455: {  	v23 =	vmul.f32 v23, v20;
	_ =	sdelay $0x1  }
0x456: {  	[tilespmem:v24+s15+$0x0] =	vst.idx.add.f32.msk vm0, v23  }
0x457: {  	v23 =	vld.idx.msk [tilespmem:v25+s18+$0x0], $0xffff;
	_ =	sdelay $0x2  }
0x458: {  	v24 =	vor.u32 v10, v22  }
0x459: {  	v25 =	vor.u32 v11, v21;
	_ =	sdelay $0x1  }
0x45a: {  	v23 =	vmul.f32 v23, v20;
	_ =	sdelay $0x1  }
0x45b: {  	[tilespmem:v24+s15+$0x0] =	vst.idx.add.f32.msk vm0, v23  }
0x45c: {  	v23 =	vld.idx.msk [tilespmem:v25+s18+$0x0], $0xffff;
	_ =	sdelay $0x2  }
0x45d: {  	v24 =	vor.u32 v11, v22  }
0x45e: {  	v25 =	vor.u32 v9, v21;
	_ =	sdelay $0x1  }
0x45f: {  	v23 =	vmul.f32 v23, v20;
	_ =	sdelay $0x1  }
0x460: {  	[tilespmem:v24+s15+$0x0] =	vst.idx.add.f32.msk vm0, v23  }
0x461: {  	v23 =	vld.idx.msk [tilespmem:v25+s18+$0x0], $0xffff;
	_ =	sdelay $0x2  }
0x462: {  	v24 =	vor.u32 v9, v22  }
0x463: {  	v25 =	vor.u32 v12, v21;
	_ =	sdelay $0x1  }
0x464: {  	v23 =	vmul.f32 v23, v20;
	_ =	sdelay $0x1  }
0x465: {  	[tilespmem:v24+s15+$0x0] =	vst.idx.add.f32.msk vm0, v23  }
0x466: {  	v23 =	vld.idx.msk [tilespmem:v25+s18+$0x0], $0xffff;
	_ =	sdelay $0x2  }
0x467: {  	v24 =	vor.u32 v12, v22  }
0x468: {  	v25 =	vor.u32 v13, v21;
	_ =	sdelay $0x1  }
0x469: {  	v23 =	vmul.f32 v23, v20;
	_ =	sdelay $0x1  }
0x46a: {  	[tilespmem:v24+s15+$0x0] =	vst.idx.add.f32.msk vm0, v23  }
0x46b: {  	v23 =	vld.idx.msk [tilespmem:v25+s18+$0x0], $0xffff;
	_ =	sdelay $0x2  }
0x46c: {  	v24 =	vor.u32 v13, v22  }
0x46d: {  	v25 =	vor.u32 v14, v21;
	_ =	sdelay $0x1  }
0x46e: {  	v23 =	vmul.f32 v23, v20;
	_ =	sdelay $0x1  }
0x46f: {  	[tilespmem:v24+s15+$0x0] =	vst.idx.add.f32.msk vm0, v23  }
0x470: {  	v23 =	vld.idx.msk [tilespmem:v25+s18+$0x0], $0xffff;
	_ =	sdelay $0x2  }
0x471: {  	v24 =	vor.u32 v14, v22  }
0x472: {  	v25 =	vor.u32 v15, v21;
	_ =	sdelay $0x1  }
0x473: {  	v23 =	vmul.f32 v23, v20;
	_ =	sdelay $0x1  }
0x474: {  	[tilespmem:v24+s15+$0x0] =	vst.idx.add.f32.msk vm0, v23  }
0x475: {  	v23 =	vld.idx.msk [tilespmem:v25+s18+$0x0], $0xffff;
	_ =	sdelay $0x2  }
0x476: {  	v24 =	vor.u32 v15, v22  }
0x477: {  	v25 =	vor.u32 v16, v21;
	_ =	sdelay $0x1  }
0x478: {  	v23 =	vmul.f32 v23, v20;
	_ =	sdelay $0x1  }
0x479: {  	[tilespmem:v24+s15+$0x0] =	vst.idx.add.f32.msk vm0, v23  }
0x47a: {  	v23 =	vld.idx.msk [tilespmem:v25+s18+$0x0], $0xffff;
	_ =	sdelay $0x2  }
0x47b: {  	v24 =	vor.u32 v16, v22  }
0x47c: {  	v25 =	vor.u32 v17, v21;
	_ =	sdelay $0x1  }
0x47d: {  	v23 =	vmul.f32 v23, v20;
	_ =	sdelay $0x1  }
0x47e: {  	[tilespmem:v24+s15+$0x0] =	vst.idx.add.f32.msk vm0, v23  }
0x47f: {  	v23 =	vld.idx.msk [tilespmem:v25+s18+$0x0], $0xffff;
	_ =	sdelay $0x2  }
0x480: {  	v24 =	vor.u32 v17, v22  }
0x481: {  	v21 =	vor.u32 v18, v21;
	_ =	sdelay $0x1  }
0x482: {  	v23 =	vmul.f32 v23, v20;
	_ =	sdelay $0x1  }
0x483: {  	[tilespmem:v24+s15+$0x0] =	vst.idx.add.f32.msk vm0, v23  }
0x484: {  	v21 =	vld.idx.msk [tilespmem:v21+s18+$0x0], $0xffff;
	_ =	sdelay $0x2  }
0x485: {  	v22 =	vor.u32 v18, v22  }
.Ltmp7:
0x486: {  	(pc) =	sbr.rel @p1 .LBB2_17-.Ltmp7, $4  }
0x487: {  	_ = 	snop  }
0x488: {  	v23 =	vmul.f32 v21, v20  }
0x489: {  	v21 =	vmov s17  }
0x48a: {  	s29 =	simm.s32 @!p0 $0x1AE00;
	v21 =	vshll.u32 v21, $0x4;
	[tilespmem:v22+s15+$0x0] =	vst.idx.add.f32.msk vm0, v23  }
0x48b: {  	_ =	sdelay $0x3  }
0x48c: {  	[tilespmem:v19+s29+$0x0] =	vst.idx.add.f32.msk @!p0 $0xffff, v20;
	s1 =	sadd.s32 $0x10, s26  }
0x48d: {  	v21 =	vor.u32 v3, v21;
	v19 =	vld [tilespmem:s1+$0x0]  }
0x48e: {  	v20 =	vor.u32 v1, v21;
	_ =	sdelay $0x2  }
0x48f: {  	s26 =	sadd.s32 $0x10, s2  }
0x490: {  	v23 =	vld [tilespmem:s26+$0x0];
	v22 =	vsub.s32 v19, v2  }
0x491: {  	v20 =	vld.idx.msk [tilespmem:v20+s18+$0x0], $0xffff;
	vm0 =	vge.s32 v19, v2;
	vm1 =	vlt.s32 v22, $0x1400  }
0x492: {  	v22 =	vshll.u32 v22, $0x4;
	vm0 =	vmand vm0, vm1  }
0x493: {  	v24 =	vor.u32 v1, v22  }
0x494: {  	v25 =	vor.u32 v4, v21;
	_ =	sdelay $0x1  }
0x495: {  	v20 =	vmul.f32 v20, v23;
	_ =	sdelay $0x1  }
0x496: {  	[tilespmem:v24+s15+$0x0] =	vst.idx.add.f32.msk vm0, v20  }
0x497: {  	v20 =	vld.idx.msk [tilespmem:v25+s18+$0x0], $0xffff;
	_ =	sdelay $0x1  }
0x498: {  	v36 =	vor.u32 v4, v22  }
0x499: {  	v37 =	vor.u32 v5, v21;
	_ =	sdelay $0x1  }
0x49a: {  	v20 =	vmul.f32 v20, v23;
	_ =	sdelay $0x1  }
0x49b: {  	[tilespmem:v36+s15+$0x0] =	vst.idx.add.f32.msk vm0, v20  }
0x49c: {  	v20 =	vld.idx.msk [tilespmem:v37+s18+$0x0], $0xffff;
	_ =	sdelay $0x1  }
0x49d: {  	v38 =	vor.u32 v5, v22  }
0x49e: {  	v39 =	vor.u32 v6, v21;
	_ =	sdelay $0x1  }
0x49f: {  	v20 =	vmul.f32 v20, v23;
	_ =	sdelay $0x1  }
0x4a0: {  	[tilespmem:v38+s15+$0x0] =	vst.idx.add.f32.msk vm0, v20  }
0x4a1: {  	v20 =	vld.idx.msk [tilespmem:v39+s18+$0x0], $0xffff;
	_ =	sdelay $0x1  }
0x4a2: {  	v40 =	vor.u32 v6, v22  }
0x4a3: {  	v41 =	vor.u32 v7, v21;
	_ =	sdelay $0x1  }
0x4a4: {  	v20 =	vmul.f32 v20, v23;
	_ =	sdelay $0x1  }
0x4a5: {  	[tilespmem:v40+s15+$0x0] =	vst.idx.add.f32.msk vm0, v20  }
0x4a6: {  	v20 =	vld.idx.msk [tilespmem:v41+s18+$0x0], $0xffff;
	_ =	sdelay $0x1  }
0x4a7: {  	v42 =	vor.u32 v7, v22  }
0x4a8: {  	v43 =	vor.u32 v8, v21;
	_ =	sdelay $0x1  }
0x4a9: {  	v20 =	vmul.f32 v20, v23;
	_ =	sdelay $0x1  }
0x4aa: {  	[tilespmem:v42+s15+$0x0] =	vst.idx.add.f32.msk vm0, v20  }
0x4ab: {  	v20 =	vld.idx.msk [tilespmem:v43+s18+$0x0], $0xffff;
	_ =	sdelay $0x1  }
0x4ac: {  	v44 =	vor.u32 v8, v22  }
0x4ad: {  	v45 =	vor.u32 v10, v21;
	_ =	sdelay $0x1  }
0x4ae: {  	v20 =	vmul.f32 v20, v23;
	_ =	sdelay $0x1  }
0x4af: {  	[tilespmem:v44+s15+$0x0] =	vst.idx.add.f32.msk vm0, v20  }
0x4b0: {  	v20 =	vld.idx.msk [tilespmem:v45+s18+$0x0], $0xffff;
	_ =	sdelay $0x1  }
0x4b1: {  	v46 =	vor.u32 v10, v22  }
0x4b2: {  	v47 =	vor.u32 v11, v21;
	_ =	sdelay $0x1  }
0x4b3: {  	v20 =	vmul.f32 v20, v23;
	_ =	sdelay $0x1  }
0x4b4: {  	[tilespmem:v46+s15+$0x0] =	vst.idx.add.f32.msk vm0, v20  }
0x4b5: {  	v20 =	vld.idx.msk [tilespmem:v47+s18+$0x0], $0xffff;
	_ =	sdelay $0x1  }
0x4b6: {  	v48 =	vor.u32 v11, v22  }
0x4b7: {  	v49 =	vor.u32 v9, v21;
	_ =	sdelay $0x1  }
0x4b8: {  	v20 =	vmul.f32 v20, v23;
	_ =	sdelay $0x1  }
0x4b9: {  	[tilespmem:v48+s15+$0x0] =	vst.idx.add.f32.msk vm0, v20  }
0x4ba: {  	v20 =	vld.idx.msk [tilespmem:v49+s18+$0x0], $0xffff;
	_ =	sdelay $0x1  }
0x4bb: {  	v50 =	vor.u32 v9, v22  }
0x4bc: {  	v51 =	vor.u32 v12, v21;
	_ =	sdelay $0x1  }
0x4bd: {  	v20 =	vmul.f32 v20, v23;
	_ =	sdelay $0x1  }
0x4be: {  	[tilespmem:v50+s15+$0x0] =	vst.idx.add.f32.msk vm0, v20  }
0x4bf: {  	v20 =	vld.idx.msk [tilespmem:v51+s18+$0x0], $0xffff;
	_ =	sdelay $0x1  }
0x4c0: {  	v52 =	vor.u32 v12, v22  }
0x4c1: {  	v53 =	vor.u32 v13, v21;
	_ =	sdelay $0x1  }
0x4c2: {  	v20 =	vmul.f32 v20, v23;
	_ =	sdelay $0x1  }
0x4c3: {  	[tilespmem:v52+s15+$0x0] =	vst.idx.add.f32.msk vm0, v20  }
0x4c4: {  	v20 =	vld.idx.msk [tilespmem:v53+s18+$0x0], $0xffff;
	_ =	sdelay $0x1  }
0x4c5: {  	v54 =	vor.u32 v13, v22  }
0x4c6: {  	v55 =	vor.u32 v14, v21;
	_ =	sdelay $0x1  }
0x4c7: {  	v20 =	vmul.f32 v20, v23;
	_ =	sdelay $0x1  }
0x4c8: {  	[tilespmem:v54+s15+$0x0] =	vst.idx.add.f32.msk vm0, v20  }
0x4c9: {  	v20 =	vld.idx.msk [tilespmem:v55+s18+$0x0], $0xffff;
	_ =	sdelay $0x1  }
0x4ca: {  	v56 =	vor.u32 v14, v22  }
0x4cb: {  	v57 =	vor.u32 v15, v21;
	_ =	sdelay $0x1  }
0x4cc: {  	v20 =	vmul.f32 v20, v23;
	_ =	sdelay $0x1  }
0x4cd: {  	[tilespmem:v56+s15+$0x0] =	vst.idx.add.f32.msk vm0, v20  }
0x4ce: {  	v20 =	vld.idx.msk [tilespmem:v57+s18+$0x0], $0xffff;
	_ =	sdelay $0x1  }
0x4cf: {  	v58 =	vor.u32 v15, v22  }
0x4d0: {  	v59 =	vor.u32 v16, v21;
	_ =	sdelay $0x1  }
0x4d1: {  	v20 =	vmul.f32 v20, v23;
	_ =	sdelay $0x1  }
0x4d2: {  	[tilespmem:v58+s15+$0x0] =	vst.idx.add.f32.msk vm0, v20  }
0x4d3: {  	v20 =	vld.idx.msk [tilespmem:v59+s18+$0x0], $0xffff;
	_ =	sdelay $0x1  }
0x4d4: {  	v60 =	vor.u32 v16, v22  }
0x4d5: {  	v61 =	vor.u32 v17, v21;
	_ =	sdelay $0x1  }
0x4d6: {  	v20 =	vmul.f32 v20, v23;
	_ =	sdelay $0x1  }
0x4d7: {  	[tilespmem:v60+s15+$0x0] =	vst.idx.add.f32.msk vm0, v20  }
0x4d8: {  	v20 =	vld.idx.msk [tilespmem:v61+s18+$0x0], $0xffff;
	_ =	sdelay $0x1  }
0x4d9: {  	v62 =	vor.u32 v17, v22  }
0x4da: {  	v21 =	vor.u32 v18, v21;
	_ =	sdelay $0x1  }
0x4db: {  	v20 =	vmul.f32 v20, v23;
	_ =	sdelay $0x1  }
0x4dc: {  	[tilespmem:v62+s15+$0x0] =	vst.idx.add.f32.msk vm0, v20  }
0x4dd: {  	v20 =	vld.idx.msk [tilespmem:v21+s18+$0x0], $0xffff;
	_ =	sdelay $0x1  }
0x4de: {  	s24 =	sadd.s32 $0x1, s24;
	v63 =	vor.u32 v18, v22  }
0x4df: {  	p1 =	sne.s32 s24, $0x7D  }
.Ltmp8:
0x4e0: {  	_ = 	snop;
	(pc) =	sbr.rel @p1 .LBB2_4-.Ltmp8, $3  }
0x4e1: {  	v20 =	vmul.f32 v20, v23;
	_ =	sdelay $0x1  }
0x4e2: {  	[tilespmem:v63+s15+$0x0] =	vst.idx.add.f32.msk vm0, v20  }
0x4e3: {  	[tilespmem:v19+s29+$0x0] =	vst.idx.add.f32.msk @!p0 $0xffff, v23  }
0x4e4: {  	s13 =	simm.s32 $0x0;
	s1 =	rddreg [dreg:$0x8];
	s19 =	simm.s32 $0x4  }
0x4e5: {  	[hbm4b:s1+s13] =	stream.linear.scatter [tilespmem:s15], [sflag:$0x4], $0x14000, $0x38;
	[tilespmem:$0x1D600] =	vst v63  }
0x4e6: {  	_ =	swait.ge [sflag:s19], $0x14000  }
0x4e7: {  	s2 =	simm.s32 @!p0 $0x1AE00;
	[sflag:s19] =	ssyncset.done $0x0  }
0x4e8: {  	s1 =	simm.s32 @!p0 $0x0;
	s17 =	rddreg [dreg:$0x9];
	[sflag:s19] =	ssyncadd.s32 $0xFFFEC000  }
0x4e9: {  	[hbm4b:s17+s1] =	stream.linear.scatter @!p0 [tilespmem:s2], [sflag:$0x4], $0x2800, $0x38;
	[tilespmem:$0x1D600] =	vst v63  }
0x4ea: {  	s1 =	simm.s32 @!p0 $0x4  }
0x4eb: {  	_ =	swait.ge @!p0 [sflag:s1], $0x2800  }
0x4ec: {  	s26 =	rddreg [dreg:$0xb]  }
0x4ed: {  	s29 =	rddreg [dreg:$0xa];
	s17 =	sadd.s32 $0x1, s26  }
0x4ee: {  	p1 =	sne.s32 s17, s29  }
.Ltmp9:
0x4ef: {  	_ = 	snop;
	(pc) =	sbr.rel @p1 .LBB2_1-.Ltmp9, $3  }
0x4f0: {  	_ =	sdelay $0x1  }
0x4f1: {  	[sflag:s1] =	ssyncset.done @!p0 $0x0  }
0x4f2: {  	[sflag:s1] =	ssyncadd.s32 @!p0 $0xFFFFD800  }
0x4f3: {  	_ =	sfence.sel $0x180000  }
0x4f4: {  	[bflag:$0x0] =	sbarrier.arrive $0xFFFF  }
0x4f5: {  	_ =	strace $0x9000004A  }
0x4f6: {  	[bflag:$0x2] =	sbarrier.arrive $0xFFFF  }
0x4f7: {  	s0 =	rddreg [dreg:$0x3]  }
0x4f8: {  	s0 =	sadd.s32 @!p0 $0x100000, s0  }
0x4f9: {  	[sflag:s0] =	ssyncadd.tile.s32 @!p0 $0x1;
	_ =	shalt  }
.Lfunc_end2:
_tile_overlayer_lowered:
.L_overlay_start_2:
0x4fa: {  	(tag) =	ssettag $0x2  }
0x4fb: {  	s0 =	rddreg [dreg:$0x0];
	s2 =	stileid.u32  }
0x4fc: {  	s1 =	rddreg [dreg:$0x1];
	p0 =	sne.s32 s2, $0x0  }
0x4fd: {  	s3 =	rddreg [dreg:$0x2];
	[bflag:$0x3] =	sbarrier.arrive $0xFFFF;
	s2 =	simm.s32 @!p0 $0x1C04  }
0x4fe: {  	[timem:s3], [sflag:s2] =	dma.local @!p0 [hbm:s0], s1  }
0x4ff: {  	s0 =	simm.s32 @!p0 $0x4  }
0x500: {  	_ =	swait.ge @!p0 [sflag:s0], s1  }
0x501: {  	s1 =	ssub.s32 @!p0 $0x0, s1;
	[sflag:s0] =	ssyncset.done @!p0 $0x0  }
0x502: {  	[sflag:s0] =	ssyncadd.s32 @!p0 s1  }
0x503: {  	[bflag:$0x3] =	sbarrier.arrive $0xFFFF  }
0x504: {  	_ =	shalt  }

// kernel: kernel.7.cloned.1.call-start
scs
__scs_entry_jumppad:
0x0: {  	(pc) =	sbr.rel $0x88, $3  }
0x1: {  	(tag) =	ssettag $0x0;
	lr =	simm.s32 $0x1  }
0x2: {  	[smem:$0x3F90] =	sst lr;
	_ =	strace $0xD0000000  }
0x3: {  	_ = 	snop  }
0x4: {  	_ = 	snop  }
0x5: {  	_ = 	snop  }
0x6: {  	_ = 	snop  }
0x7: {  	_ = 	snop  }
__scs_overlays_trampoline_lowered:
0x8: {  	[smem:$0x3F9F] =	sst s0  }
0x9: {  	[smem:$0x3FA0] =	sst s1  }
0xa: {  	[smem:$0x3FA1] =	sst s2  }
0xb: {  	[smem:$0x3FA2] =	sst s3  }
0xc: {  	[smem:$0x3FA3] =	sst s4  }
0xd: {  	[smem:$0x3FA4] =	sst s5  }
0xe: {  	[smem:$0x3FA5] =	sst s6  }
0xf: {  	[smem:$0x3FA6] =	sst s7  }
0x10: {  	[smem:$0x3FA7] =	sst s8  }
0x11: {  	[smem:$0x3FA8] =	sst s9;
	s0 =	simm.s32 @!p0 $0x0  }
0x12: {  	s1 =	sld [smem:$0x3F8E];
	s0 =	simm.s32 @p0 $0x1  }
0x13: {  	[smem:$0x3FA9] =	sst s0;
	s0 =	simm.s32 @!p1 $0x0  }
0x14: {  	s2 =	sld [smem:$0x3F8D];
	s0 =	simm.s32 @p1 $0x1  }
0x15: {  	[smem:$0x3FAA] =	sst s0;
	s0 =	simm.s32 @!p2 $0x0  }
0x16: {  	s3 =	sld [smem:$0x3FDB];
	s0 =	simm.s32 @p2 $0x1  }
0x17: {  	s4 =	simm.s32 $0x1BF5;
	[smem:$0x3FAC] =	sst s0  }
0x18: {  	s0 =	sld [smem:$0x3F8F];
	_ =	swait.ge [sflag:s4], $0x0  }
0x19: {  	s7 =	sld [smem:$0x3F90]  }
0x1a: {  	s8 =	sadd.s32 $0xFFFFE003, lr  }
0x1b: {  	s9 =	sadd.s32 $0xFFFFFEF7, lr;
	s5 =	simm.s32 $0xFFFFFFFF;
	p2 =	slt.u32 s8, $0xFFFFF086  }
0x1c: {  	p1 =	slt.u32 s9, $0xF7A;
	s5 =	simm.s32 @!p2 $0x0  }
0x1d: {  	s5 =	simm.s32 @p1 $0x1;
	p0 =	seq.s32 s7, s2  }
0x1e: {  	s7 =	smul.u32 @!p0 $0xF7A, s2;
	p2 =	seq.s32 @!p0 s5, $0x0  }
0x1f: {  	s9 =	smul.u32 $0xF7A, s1;
	s8 =	simm.s32 @!p0 $0x1BF5;
	p2 =	por !p2, p0  }
0x20: {  	[sflag:s8] =	ssyncset.s32 @!p0 $0xFFFFF086;
	s6 =	sadd.s32 @!p0 s3, s7;
	s7 =	simm.s32 @!p0 $0x108  }
0x21: {  	s3 =	sadd.s32 s3, s9;
	s6 =	sadd.s32 @!p0 $0x88, s6;
	s7 =	simm.s32 @p2 $0x1082  }
0x22: {  	[simem:s7], [sflag:s8] =	dma.local @!p0 [hbm:s6], $0xF7A  }
0x23: {  	s9 =	sor.u32 $0xD0000000, s2;
	s6 =	simm.s32 $0x108;
	_ =	swait.ge @!p0 [sflag:s8], $0x0  }
0x24: {  	s3 =	sadd.s32 $0x88, s3;
	s6 =	simm.s32 @!p1 $0x1082;
	[sflag:s4] =	ssyncset.s32 $0xFFFFF086  }
0x25: {  	[simem:s6], [sflag:s4] =	dma.local [hbm:s3], $0xF7A  }
0x26: {  	[smem:$0x3F90] =	sst s1;
	(tag) =	ssettag s2;
	_ =	strace s9  }
0x27: {  	s1 =	sld [smem:$0x3FA0]  }
0x28: {  	s2 =	sld [smem:$0x3FA1]  }
0x29: {  	s4 =	sld [smem:$0x3FA3]  }
0x2a: {  	p0 =	seq.s32 s5, $0x0;
	s5 =	sld [smem:$0x3FA4]  }
0x2b: {  	s6 =	sld [smem:$0x3FA5]  }
0x2c: {  	s7 =	sld [smem:$0x3FA6]  }
0x2d: {  	s3 =	simm.s32 $0x108;
	s8 =	sld [smem:$0x3FA7]  }
0x2e: {  	s3 =	simm.s32 @!p0 $0x1082;
	s9 =	sld [smem:$0x3FA8]  }
0x2f: {  	lr =	sadd.s32 s0, s3;
	s0 =	sld [smem:$0x3F9F]  }
0x30: {  	s3 =	sld [smem:$0x3FA2]  }
0x31: {  	[smem:$0x3FAB] =	sst s10  }
0x32: {  	s10 =	sld [smem:$0x3FA9];
	_ =	sdelay $0x3  }
0x33: {  	p0 =	seq.s32 s10, $0x1;
	s10 =	sld [smem:$0x3FAB];
	_ =	sdelay $0x3  }
0x34: {  	[smem:$0x3FAB] =	sst s10  }
0x35: {  	s10 =	sld [smem:$0x3FAA];
	_ =	sdelay $0x3  }
0x36: {  	p1 =	seq.s32 s10, $0x1;
	s10 =	sld [smem:$0x3FAB];
	_ =	sdelay $0x3  }
0x37: {  	[smem:$0x3FAB] =	sst s10  }
0x38: {  	s10 =	sld [smem:$0x3FAC]  }
0x39: {  	_ = 	snop;
	(pc) =	sbr.ind lr, $3  }
0x3a: {  	_ = 	snop  }
0x3b: {  	_ = 	snop  }
0x3c: {  	p2 =	seq.s32 s10, $0x1;
	s10 =	sld [smem:$0x3FAB]  }
0x3d: {  	_ =	shalt  }
0x3e: {  	_ =	shalt  }
0x3f: {  	_ =	shalt  }
0x40: {  	_ =	shalt  }
0x41: {  	_ =	shalt  }
0x42: {  	_ =	shalt  }
0x43: {  	_ =	shalt  }
0x44: {  	_ =	shalt  }
0x45: {  	_ =	shalt  }
0x46: {  	_ =	shalt  }
0x47: {  	_ =	shalt  }
0x48: {  	_ =	shalt  }
0x49: {  	_ =	shalt  }
0x4a: {  	_ =	shalt  }
0x4b: {  	_ =	shalt  }
0x4c: {  	_ =	shalt  }
0x4d: {  	_ =	shalt  }
0x4e: {  	_ =	shalt  }
0x4f: {  	_ =	shalt  }
0x50: {  	_ =	shalt  }
0x51: {  	_ =	shalt  }
0x52: {  	_ =	shalt  }
0x53: {  	_ =	shalt  }
0x54: {  	_ =	shalt  }
0x55: {  	_ =	shalt  }
0x56: {  	_ =	shalt  }
0x57: {  	_ =	shalt  }
0x58: {  	_ =	shalt  }
0x59: {  	_ =	shalt  }
0x5a: {  	_ =	shalt  }
0x5b: {  	_ =	shalt  }
0x5c: {  	_ =	shalt  }
0x5d: {  	_ =	shalt  }
0x5e: {  	_ =	shalt  }
0x5f: {  	_ =	shalt  }
0x60: {  	_ =	shalt  }
0x61: {  	_ =	shalt  }
0x62: {  	_ =	shalt  }
0x63: {  	_ =	shalt  }
0x64: {  	_ =	shalt  }
0x65: {  	_ =	shalt  }
0x66: {  	_ =	shalt  }
0x67: {  	_ =	shalt  }
0x68: {  	_ =	shalt  }
0x69: {  	_ =	shalt  }
0x6a: {  	_ =	shalt  }
0x6b: {  	_ =	shalt  }
0x6c: {  	_ =	shalt  }
0x6d: {  	_ =	shalt  }
0x6e: {  	_ =	shalt  }
0x6f: {  	_ =	shalt  }
0x70: {  	_ =	shalt  }
0x71: {  	_ =	shalt  }
0x72: {  	_ =	shalt  }
0x73: {  	_ =	shalt  }
0x74: {  	_ =	shalt  }
0x75: {  	_ =	shalt  }
0x76: {  	_ =	shalt  }
0x77: {  	_ =	shalt  }
0x78: {  	_ =	shalt  }
0x79: {  	_ =	shalt  }
0x7a: {  	_ =	shalt  }
0x7b: {  	_ =	shalt  }
0x7c: {  	_ =	shalt  }
0x7d: {  	_ =	shalt  }
0x7e: {  	_ =	shalt  }
0x7f: {  	_ =	shalt  }
0x80: {  	_ =	shalt  }
0x81: {  	_ =	shalt  }
0x82: {  	_ =	shalt  }
0x83: {  	_ =	shalt  }
0x84: {  	_ =	shalt  }
0x85: {  	_ =	shalt  }
0x86: {  	_ =	shalt  }
0x87: {  	_ =	shalt  }
.Lfunc_end0:
.L_simem_size_0:
called_computation_lowered:
.L_overlay_start_0:
0x88: {  	s2 =	sld [smem:$0x3FD9]  }
0x89: {  	s3 =	sld [smem:$0x3FFE];
	_ =	sdelay $0x1  }
0x8a: {  	s1 =	srdreg.scid  }
0x8b: {  	s0 =	sand.u32 $0x1, s1  }
0x8c: {  	s17 =	sshll.u32 s0, $0xA;
	s2 =	sadd.s32 s3, s2  }
0x8d: {  	s2 =	sadd.s32 s2, s17  }
0x8e: {  	[smem:$0x3FB7] =	sst s2  }
0x8f: {  	_ = 	snop  }
0x90: {  	s2 =	sld [smem:$0x3FC9]  }
0x91: {  	s18 =	sld [smem:$0x3FC4];
	(tm) =	ssettm $0x1  }
0x92: {  	s4 =	sld [smem:$0x3FFB];
	_ =	sdelay $0x3  }
0x93: {  	_ =	strace s4  }
0x94: {  	s4 =	sld [smem:$0x3FFC];
	_ =	sdelay $0x3  }
0x95: {  	_ =	strace s4  }
0x96: {  	s4 =	sld [smem:$0x3FFD];
	_ =	sdelay $0x3  }
0x97: {  	_ =	strace s4  }
0x98: {  	_ =	strace $0x8FFFFFFF  }
0x99: {  	s19 =	sld [smem:$0x3FDB];
	_ =	sdelay $0x1  }
0x9a: {  	s5 =	simm.s32 $_scs_section_size  }
0x9b: {  	s6 =	simm.s32 $_size__tile_overlayer_lowered;
	s7 =	simm.s32 $_tile_overlayer_lowered  }
0x9c: {  	s22 =	simm.s32 $0x1BFF;
	s21 =	sshll.u32 s7, $0x1;
	s4 =	sadd.s32 s5, s19  }
0x9d: {  	s8 =	simm.s32 $0x0;
	s20 =	sshll.u32 s6, $0x1;
	s6 =	sadd.s32 s21, s4  }
0x9e: {  	[timem:s8], [sflag:s22] =	dma.local [hbm:s6], s20  }
0x9f: {  	_ =	swait.ge [sflag:s22], s20  }
0xa0: {  	s5 =	ssub.s32 $0x0, s20;
	[sflag:s22] =	ssyncset.done $0x0  }
0xa1: {  	[sflag:s22] =	ssyncadd.s32 s5;
	_ =	sdelay $0x1  }
0xa2: {  	s23 =	simm.s32 $0x1B8B  }
0xa3: {  	_ =	swait.ge [sflag:s23], $0x1  }
0xa4: {  	[sflag:s23] =	ssyncset.done $0x0  }
0xa5: {  	s25 =	simm.s32 $0x1B8E;
	s24 =	sld [smem:$0x3FFE];
	[sflag:s23] =	ssyncadd.s32 $0xFFFFFFFF  }
0xa6: {  	s26 =	simm.s32 $execute0_lowered;
	[smem:$0x3FD2] =	sst s25  }
0xa7: {  	s6 =	sshll.u32 s26, $0x1;
	_ =	strace $0x80000046;
	[dreg:$0x1] =	wrdreg $0xFFFFFFFF  }
0xa8: {  	s28 =	simm.s32 $_size_execute0_lowered;
	s4 =	sadd.s32 s4, s6;
	[dreg:$0x0] =	wrdreg $0x0  }
0xa9: {  	s6 =	sshll.u32 s28, $0x1;
	[dreg:$0x2] =	wrdreg s4  }
0xaa: {  	[dreg:$0x3] =	wrdreg s6  }
0xab: {  	[dreg:$0x4] =	wrdreg $0xC0  }
0xac: {  	_ =	task [dreg:s8], $0x5FFFF  }
0xad: {  	[dreg:$0x1] =	wrdreg $0xFFFFFFFF  }
0xae: {  	[dreg:$0x0] =	wrdreg $0x60  }
0xaf: {  	[dreg:$0x2] =	wrdreg s2  }
0xb0: {  	[dreg:$0x3] =	wrdreg s18  }
0xb1: {  	[dreg:$0x4] =	wrdreg s24  }
0xb2: {  	[dreg:$0x5] =	wrdreg $0x9  }
0xb3: {  	_ =	task.clear_ibuf [dreg:s8], $0x6FFFF;
	_ =	strace $0x90000046  }
0xb4: {  	s29 =	simm.s32 $0x9;
	_ =	strace $0x80000048  }
0xb5: {  	_ =	swait.ge [sflag:s29], $0x1  }
0xb6: {  	[sflag:s29] =	ssyncadd.s32 $0xFFFFFFFF  }
0xb7: {  	_ =	strace $0x90000048  }
0xb8: {  	_ =	sfence  }
0xb9: {  	s30 =	sld [smem:$0x0];
	_ =	sdelay $0x2  }
0xba: {  	s31 =	sshll.u32 s1, $0xD;
	s1 =	sshrl.u32 s1, $0x2  }
0xbb: {  	s3 =	sand.u32 $0x4000, s31;
	s1 =	sadd.s32 s1, s30  }
0xbc: {  	s0 =	sor.u32 s3, s0;
	s1 =	sshll.u32 s1, $0x11  }
0xbd: {  	s0 =	sor.u32 s1, s0  }
0xbe: {  	s0 =	sadd.s32 $0x8F2B, s0  }
0xbf: {  	[sflag:s0] =	ssyncadd.remote.s32 $0x1  }
0xc0: {  	_ =	sfence.sel $0xFFFF  }
0xc1: {  	[dreg:$0x0] =	wrdreg $0xFFFFFFFF;
	(pc) =	sbr.abs _section_cstart, $3  }
0xc2: {  	[dreg:$0x1] =	wrdreg $0xFFFFFFFF  }
0xc3: {  	_ =	task.clear_ibuf [dreg:s8], $0x2FFFF;
	_ =	strace $0x9FFFFFFF  }
0xc4: {  	(tm) =	ssettm $0x7FFFFFFF  }
0xc5: {  	_ =	shalt  }
tec
execute0_lowered:
.L_overlay_start_1:
0x0: {  	(tag) =	ssettag $0x1  }
0x1: {  	s1 =	srdreg.scid;
	s0 =	stileid.u32  }
0x2: {  	s15 =	sand.u32 $0x1, s1;
	s26 =	sshll.u32 s0, $0x1  }
0x3: {  	s14 =	rddreg [dreg:$0x0];
	s1 =	sor.u32 s15, s26  }
0x4: {  	s2 =	rddreg [dreg:$0x1];
	s4 =	smul.u32 $0x140, s1  }
0x5: {  	s9 =	rddreg [dreg:$0x2];
	s3 =	simm.s32 $0x0  }
0x6: {  	[smem:$0x7FF] =	sst s3;
	s16 =	smin.u32 s4, $0x25D0  }
0x7: {  	s1 =	rddreg [dreg:$0x3];
	s4 =	sshrl.u32 s16, $0x3  }
0x8: {  	_ =	strace $0x80000047;
	s5 =	sadd.s32 s14, s4;
	s4 =	simm.s32 $0x2  }
0x9: {  	[tilespmem:s3], [sflag:$0x2] =	stream.linear.gather [hbm4b:s5+s3], $0x50, $0x38;
	[tilespmem:$0x2880] =	vst v63  }
0xa: {  	_ =	swait.ge [sflag:s4], $0x50  }
0xb: {  	s6 =	simm.s32 $0x50;
	[sflag:s4] =	ssyncset.done $0x0  }
0xc: {  	s7 =	simm.s32 $0x80;
	s8 =	simm.s32 $0x1;
	[sflag:s4] =	ssyncadd.s32 $0xFFFFFFB0  }
0xd: {  	[tilespmem:s7], [sflag:$0x1] =	stream.indirect.gather [hbm4b:s2+s6], $0x80, s3, s6, $0xb8;
	[tilespmem:$0x2880] =	vst v63  }
0xe: {  	_ =	swait.ge [sflag:s8], $0x2800  }
0xf: {  	s17 =	sadd.s32 $0x3600, s9;
	s28 =	sshll.u32 s16, $0x4;
	[sflag:s8] =	ssyncset.done $0x0  }
0x10: {  	s9 =	sadd.s32 s17, s28;
	[sflag:s8] =	ssyncadd.s32 $0xFFFFD800  }
0x11: {  	[hbm4b:s9+s3] =	stream.linear.scatter [tilespmem:s7], [sflag:$0x2], $0x2800, $0x38;
	[tilespmem:$0x2880] =	vst v63  }
0x12: {  	s11 =	sadd.s32 $0x50, s16;
	_ =	swait.ge [sflag:s4], $0x2800  }
0x13: {  	s10 =	sshrl.u32 s11, $0x3;
	[sflag:s4] =	ssyncset.done $0x0  }
0x14: {  	s10 =	sadd.s32 s14, s10;
	[sflag:s4] =	ssyncadd.s32 $0xFFFFD800  }
0x15: {  	[tilespmem:s3], [sflag:$0x2] =	stream.linear.gather [hbm4b:s10+s3], $0x50, $0x38;
	[tilespmem:$0x2880] =	vst v63  }
0x16: {  	_ =	swait.ge [sflag:s4], $0x50  }
0x17: {  	[sflag:s4] =	ssyncset.done $0x0  }
0x18: {  	[sflag:s4] =	ssyncadd.s32 $0xFFFFFFB0  }
0x19: {  	[tilespmem:s7], [sflag:$0x1] =	stream.indirect.gather [hbm4b:s2+s6], $0x80, s3, s6, $0xb8;
	[tilespmem:$0x2880] =	vst v63  }
0x1a: {  	_ =	swait.ge [sflag:s8], $0x2800  }
0x1b: {  	s11 =	sshll.u32 s11, $0x4;
	[sflag:s8] =	ssyncset.done $0x0  }
0x1c: {  	s11 =	sadd.s32 s17, s11;
	[sflag:s8] =	ssyncadd.s32 $0xFFFFD800  }
0x1d: {  	[hbm4b:s11+s3] =	stream.linear.scatter [tilespmem:s7], [sflag:$0x2], $0x2800, $0x38;
	[tilespmem:$0x2880] =	vst v63  }
0x1e: {  	s13 =	sadd.s32 $0xA0, s16;
	_ =	swait.ge [sflag:s4], $0x2800  }
0x1f: {  	s12 =	sshrl.u32 s13, $0x3;
	[sflag:s4] =	ssyncset.done $0x0  }
0x20: {  	s12 =	sadd.s32 s14, s12;
	[sflag:s4] =	ssyncadd.s32 $0xFFFFD800  }
0x21: {  	[tilespmem:s3], [sflag:$0x2] =	stream.linear.gather [hbm4b:s12+s3], $0x50, $0x38;
	[tilespmem:$0x2880] =	vst v63  }
0x22: {  	_ =	swait.ge [sflag:s4], $0x50  }
0x23: {  	[sflag:s4] =	ssyncset.done $0x0  }
0x24: {  	[sflag:s4] =	ssyncadd.s32 $0xFFFFFFB0  }
0x25: {  	[tilespmem:s7], [sflag:$0x1] =	stream.indirect.gather [hbm4b:s2+s6], $0x80, s3, s6, $0xb8;
	[tilespmem:$0x2880] =	vst v63  }
0x26: {  	_ =	swait.ge [sflag:s8], $0x2800  }
0x27: {  	s13 =	sshll.u32 s13, $0x4;
	[sflag:s8] =	ssyncset.done $0x0  }
0x28: {  	s13 =	sadd.s32 s17, s13;
	[sflag:s8] =	ssyncadd.s32 $0xFFFFD800  }
0x29: {  	[hbm4b:s13+s3] =	stream.linear.scatter [tilespmem:s7], [sflag:$0x2], $0x2800, $0x38;
	[tilespmem:$0x2880] =	vst v63  }
0x2a: {  	s16 =	sadd.s32 $0xF0, s16;
	_ =	swait.ge [sflag:s4], $0x2800  }
0x2b: {  	s18 =	sshrl.u32 s16, $0x3;
	[sflag:s4] =	ssyncset.done $0x0  }
0x2c: {  	s15 =	ssub.s32 $0x2, s15;
	s14 =	sadd.s32 s14, s18;
	[sflag:s4] =	ssyncadd.s32 $0xFFFFD800  }
0x2d: {  	[tilespmem:s3], [sflag:$0x2] =	stream.linear.gather [hbm4b:s14+s3], $0x50, $0x38;
	[tilespmem:$0x2880] =	vst v63  }
0x2e: {  	s29 =	sshrl.u32 s15, $0x1;
	_ =	swait.ge [sflag:s4], $0x50  }
0x2f: {  	s18 =	ssub.s32 s15, s29;
	[sflag:s4] =	ssyncset.done $0x0  }
0x30: {  	s31 =	smax.u32 s18, $0x1;
	[sflag:s4] =	ssyncadd.s32 $0xFFFFFFB0  }
0x31: {  	[tilespmem:s7], [sflag:$0x1] =	stream.indirect.gather [hbm4b:s2+s6], $0x80, s3, s6, $0xb8;
	[tilespmem:$0x2880] =	vst v63  }
0x32: {  	p0 =	sne.s32 s31, $0x1;
	_ =	swait.ge [sflag:s8], $0x2800  }
.Ltmp0:
0x33: {  	s30 =	sshll.u32 s16, $0x4;
	[sflag:s8] =	ssyncset.done $0x0;
	(pc) =	sbr.rel @!p0 .LBB2_2-.Ltmp0, $4  }
0x34: {  	s15 =	sadd.s32 s17, s30;
	[sflag:s8] =	ssyncadd.s32 $0xFFFFD800  }
0x35: {  	[hbm4b:s15+s3] =	stream.linear.scatter [tilespmem:s7], [sflag:$0x2], $0x2800, $0x38;
	[tilespmem:$0x2880] =	vst v63  }
0x36: {  	_ =	swait.ge [sflag:s4], $0x2800  }
0x37: {  	s16 =	sadd.s32 $0xFFFFFFFF, s31;
	[sflag:s4] =	ssyncset.done $0x0  }
.LBB2_1:
0x38: {  	p0 =	sne.s32 s16, $0x1;
	s16 =	sadd.s32 $0xFFFFFFFF, s16;
	[sflag:s4] =	ssyncadd.s32 $0xFFFFD800  }
0x39: {  	[tilespmem:s3], [sflag:$0x2] =	stream.linear.gather [hbm4b:s5+s3], $0x50, $0x38;
	[tilespmem:$0x2880] =	vst v63  }
0x3a: {  	_ =	swait.ge [sflag:s4], $0x50  }
0x3b: {  	[sflag:s4] =	ssyncset.done $0x0  }
0x3c: {  	[sflag:s4] =	ssyncadd.s32 $0xFFFFFFB0  }
0x3d: {  	[tilespmem:s7], [sflag:$0x1] =	stream.indirect.gather [hbm4b:s2+s6], $0x80, s3, s6, $0xb8;
	[tilespmem:$0x2880] =	vst v63  }
0x3e: {  	_ =	swait.ge [sflag:s8], $0x2800  }
0x3f: {  	[sflag:s8] =	ssyncset.done $0x0  }
0x40: {  	[sflag:s8] =	ssyncadd.s32 $0xFFFFD800  }
0x41: {  	[hbm4b:s9+s3] =	stream.linear.scatter [tilespmem:s7], [sflag:$0x2], $0x2800, $0x38;
	[tilespmem:$0x2880] =	vst v63  }
0x42: {  	_ =	swait.ge [sflag:s4], $0x2800  }
0x43: {  	[sflag:s4] =	ssyncset.done $0x0  }
0x44: {  	[sflag:s4] =	ssyncadd.s32 $0xFFFFD800  }
0x45: {  	[tilespmem:s3], [sflag:$0x2] =	stream.linear.gather [hbm4b:s10+s3], $0x50, $0x38;
	[tilespmem:$0x2880] =	vst v63  }
0x46: {  	_ =	swait.ge [sflag:s4], $0x50  }
0x47: {  	[sflag:s4] =	ssyncset.done $0x0  }
0x48: {  	[sflag:s4] =	ssyncadd.s32 $0xFFFFFFB0  }
0x49: {  	[tilespmem:s7], [sflag:$0x1] =	stream.indirect.gather [hbm4b:s2+s6], $0x80, s3, s6, $0xb8;
	[tilespmem:$0x2880] =	vst v63  }
0x4a: {  	_ =	swait.ge [sflag:s8], $0x2800  }
0x4b: {  	[sflag:s8] =	ssyncset.done $0x0  }
0x4c: {  	[sflag:s8] =	ssyncadd.s32 $0xFFFFD800  }
0x4d: {  	[hbm4b:s11+s3] =	stream.linear.scatter [tilespmem:s7], [sflag:$0x2], $0x2800, $0x38;
	[tilespmem:$0x2880] =	vst v63  }
0x4e: {  	_ =	swait.ge [sflag:s4], $0x2800  }
0x4f: {  	[sflag:s4] =	ssyncset.done $0x0  }
0x50: {  	[sflag:s4] =	ssyncadd.s32 $0xFFFFD800  }
0x51: {  	[tilespmem:s3], [sflag:$0x2] =	stream.linear.gather [hbm4b:s12+s3], $0x50, $0x38;
	[tilespmem:$0x2880] =	vst v63  }
0x52: {  	_ =	swait.ge [sflag:s4], $0x50  }
0x53: {  	[sflag:s4] =	ssyncset.done $0x0  }
0x54: {  	[sflag:s4] =	ssyncadd.s32 $0xFFFFFFB0  }
0x55: {  	[tilespmem:s7], [sflag:$0x1] =	stream.indirect.gather [hbm4b:s2+s6], $0x80, s3, s6, $0xb8;
	[tilespmem:$0x2880] =	vst v63  }
0x56: {  	_ =	swait.ge [sflag:s8], $0x2800  }
0x57: {  	[sflag:s8] =	ssyncset.done $0x0  }
0x58: {  	[sflag:s8] =	ssyncadd.s32 $0xFFFFD800  }
0x59: {  	[hbm4b:s13+s3] =	stream.linear.scatter [tilespmem:s7], [sflag:$0x2], $0x2800, $0x38;
	[tilespmem:$0x2880] =	vst v63  }
0x5a: {  	_ =	swait.ge [sflag:s4], $0x2800  }
0x5b: {  	[sflag:s4] =	ssyncset.done $0x0  }
0x5c: {  	[sflag:s4] =	ssyncadd.s32 $0xFFFFD800  }
0x5d: {  	[tilespmem:s3], [sflag:$0x2] =	stream.linear.gather [hbm4b:s14+s3], $0x50, $0x38;
	[tilespmem:$0x2880] =	vst v63  }
0x5e: {  	_ =	swait.ge [sflag:s4], $0x50  }
0x5f: {  	[sflag:s4] =	ssyncset.done $0x0  }
0x60: {  	[sflag:s4] =	ssyncadd.s32 $0xFFFFFFB0  }
0x61: {  	[tilespmem:s7], [sflag:$0x1] =	stream.indirect.gather [hbm4b:s2+s6], $0x80, s3, s6, $0xb8;
	[tilespmem:$0x2880] =	vst v63  }
0x62: {  	_ =	swait.ge [sflag:s8], $0x2800  }
.Ltmp1:
0x63: {  	[sflag:s8] =	ssyncset.done $0x0;
	(pc) =	sbr.rel @p0 .LBB2_1-.Ltmp1, $4  }
0x64: {  	[sflag:s8] =	ssyncadd.s32 $0xFFFFD800  }
0x65: {  	[hbm4b:s15+s3] =	stream.linear.scatter [tilespmem:s7], [sflag:$0x2], $0x2800, $0x38;
	[tilespmem:$0x2880] =	vst v63  }
0x66: {  	_ =	swait.ge [sflag:s4], $0x2800  }
0x67: {  	[sflag:s4] =	ssyncset.done $0x0  }
.LBB2_2:
0x68: {  	[sflag:s4] =	ssyncadd.s32 $0xFFFFD800  }
0x69: {  	_ =	sfence.sel $0x180000  }
0x6a: {  	[bflag:$0x0] =	sbarrier.arrive $0xFFFF  }
0x6b: {  	p0 =	sne.s32 s0, $0x0;
	_ =	strace $0x90000047  }
0x6c: {  	s0 =	sadd.s32 @!p0 $0x100000, s1;
	[bflag:$0x2] =	sbarrier.arrive $0xFFFF  }
0x6d: {  	[sflag:s0] =	ssyncadd.tile.s32 @!p0 $0x1;
	_ =	shalt  }
.Lfunc_end2:
_tile_overlayer_lowered:
.L_overlay_start_2:
0x6e: {  	(tag) =	ssettag $0x2  }
0x6f: {  	s0 =	rddreg [dreg:$0x0];
	s2 =	stileid.u32  }
0x70: {  	s1 =	rddreg [dreg:$0x1];
	p0 =	sne.s32 s2, $0x0  }
0x71: {  	s3 =	rddreg [dreg:$0x2];
	[bflag:$0x3] =	sbarrier.arrive $0xFFFF;
	s2 =	simm.s32 @!p0 $0x1C02  }
0x72: {  	[timem:s3], [sflag:s2] =	dma.local @!p0 [hbm:s0], s1  }
0x73: {  	s0 =	simm.s32 @!p0 $0x2  }
0x74: {  	_ =	swait.ge @!p0 [sflag:s0], s1  }
0x75: {  	s1 =	ssub.s32 @!p0 $0x0, s1;
	[sflag:s0] =	ssyncset.done @!p0 $0x0  }
0x76: {  	[sflag:s0] =	ssyncadd.s32 @!p0 s1  }
0x77: {  	[bflag:$0x3] =	sbarrier.arrive $0xFFFF  }
0x78: {  	_ =	shalt  }

</sc_bundles>
